<compile_context>
chip_gen: v7x
topology: tpu7x:2x2x1
jax: 0.10.2.dev20260603
libtpu: 0.0.44.dev20260713+nightly
codegen_flags: <defaults>
</compile_context>

<pallas_src>
import functools

import jax
import jax.numpy as jnp
from jax import lax
from jax.experimental import pallas as pl
from jax.experimental.pallas import tpu as pltpu
from jax.experimental.pallas import tpu_sc as plsc

N = 10000
NP = 10240
E = 160000
F = 256
HALF = 128
NT = 16
EPT = E // NT
CH = 80
NCH = EPT // CH
SL = NP // NT
ALPHA = 1000000.0
BLK = 1000
GRID = N // BLK

_mesh = plsc.VectorSubcoreMesh(core_axis_name="c", subcore_axis_name="s")


def _stats_body(src3, dst3, nidx_h, ones_h, dout_h, din_h, cnt_h, lastp_h,
                srcp_h, srcl, dstl, wvs, ones_v, nv, lastv_s, srcv_s, vbuf,
                hist_sp, cnt_sp, sem_h, sem_w):
    c = lax.axis_index("c")
    s = lax.axis_index("s")
    for j in range(SL // 16):
        vbuf[pl.ds(16 * j, 16)] = jnp.zeros((16,), jnp.float32)
    pltpu.sync_copy(vbuf, hist_sp.at[pl.ds(s * SL, SL)])
    pltpu.sync_copy(src3.at[s], srcl)
    pltpu.sync_copy(ones_h, ones_v)

    @pl.when(c == 1)
    def _():
        pltpu.sync_copy(vbuf, cnt_sp.at[pl.ds(s * SL, SL)])
        pltpu.sync_copy(dst3.at[s], dstl)
        pltpu.sync_copy(nidx_h, nv)

    plsc.subcore_barrier()

    @pl.when(c == 0)
    def _():
        def bk(k, _):
            pltpu.async_copy(ones_v, hist_sp.at[srcl.at[k]], sem_h, add=True)

            @pl.when(k >= 4)
            def _():
                pltpu.make_async_copy(ones_v, hist_sp.at[srcl.at[0]],
                                      sem_h).wait()
            return 0

        lax.fori_loop(0, NCH, bk, 0)
        for _ in range(4):
            pltpu.make_async_copy(ones_v, hist_sp.at[srcl.at[0]], sem_h).wait()

    @pl.when(c == 1)
    def _():
        nvec = nv[...]
        lanes = lax.iota(jnp.int32, 16)
        base = s * EPT

        def bk(k, carry):
            lastv, srcv = carry
            for j in range(CH // 16):
                s16 = srcl[k, pl.ds(16 * j, 16)]
                d16 = dstl[k, pl.ds(16 * j, 16)]
                m = d16 == nvec
                w = jnp.where(m & (s16 < N - 1), 1.0, 0.0).astype(jnp.float32)
                wvs[k, pl.ds(16 * j, 16)] = w
                eid = base + k * CH + 16 * j + lanes
                upd = m & (eid > lastv)
                lastv = jnp.where(upd, eid, lastv)
                srcv = jnp.where(upd, s16, srcv)
            pltpu.async_copy(ones_v, hist_sp.at[dstl.at[k]], sem_h, add=True)
            pltpu.async_copy(wvs.at[k], cnt_sp.at[srcl.at[k]], sem_w, add=True)

            @pl.when(k >= 4)
            def _():
                pltpu.make_async_copy(ones_v, hist_sp.at[dstl.at[0]],
                                      sem_h).wait()
                pltpu.make_async_copy(wvs.at[0], cnt_sp.at[srcl.at[0]],
                                      sem_w).wait()
            return (lastv, srcv)

        init = (jnp.full((16,), -1, jnp.int32), jnp.full((16,), -1, jnp.int32))
        lastv, srcv = lax.fori_loop(0, NCH, bk, init)
        for _ in range(4):
            pltpu.make_async_copy(ones_v, hist_sp.at[dstl.at[0]], sem_h).wait()
            pltpu.make_async_copy(wvs.at[0], cnt_sp.at[srcl.at[0]],
                                  sem_w).wait()
        lastv_s[...] = lastv
        srcv_s[...] = srcv
        pltpu.sync_copy(lastv_s, lastp_h.at[s])
        pltpu.sync_copy(srcv_s, srcp_h.at[s])

    plsc.subcore_barrier()

    @pl.when(c == 0)
    def _():
        pltpu.sync_copy(hist_sp.at[pl.ds(s * SL, SL)], vbuf)
        pltpu.sync_copy(vbuf, dout_h.at[pl.ds(s * SL, SL)])

    @pl.when(c == 1)
    def _():
        pltpu.sync_copy(hist_sp.at[pl.ds(s * SL, SL)], vbuf)
        pltpu.sync_copy(vbuf, din_h.at[pl.ds(s * SL, SL)])
        pltpu.sync_copy(cnt_sp.at[pl.ds(s * SL, SL)], vbuf)
        pltpu.sync_copy(vbuf, cnt_h.at[pl.ds(s * SL, SL)])


_sc_params = pltpu.CompilerParams(use_tc_tiling_on_sc=False)

_stats_call = functools.partial(
    pl.kernel, _stats_body, mesh=_mesh, compiler_params=_sc_params,
    out_type=(
        jax.ShapeDtypeStruct((NP,), jnp.float32),
        jax.ShapeDtypeStruct((NP,), jnp.float32),
        jax.ShapeDtypeStruct((NP,), jnp.float32),
        jax.ShapeDtypeStruct((NT, 16), jnp.int32),
        jax.ShapeDtypeStruct((NT, 16), jnp.int32),
    ),
    scratch_types=[
        pltpu.VMEM((NCH, CH), jnp.int32),
        pltpu.VMEM((NCH, CH), jnp.int32),
        pltpu.VMEM((NCH, CH), jnp.float32),
        pltpu.VMEM((CH,), jnp.float32),
        pltpu.VMEM((16,), jnp.int32),
        pltpu.VMEM((16,), jnp.int32),
        pltpu.VMEM((16,), jnp.int32),
        pltpu.VMEM((SL,), jnp.float32),
        pltpu.VMEM_SHARED((NP,), jnp.float32),
        pltpu.VMEM_SHARED((NP,), jnp.float32),
        pltpu.SemaphoreType.DMA,
        pltpu.SemaphoreType.DMA,
    ],
)


SLAB = 64
CHS = 125
NCHS = EPT // CHS


NBUF = 8


def _spmm_body(feat_h, src3, dst3, z640_h, agg_h, srcl, dstl, *rest):
    rows = rest[:NBUF]
    agg_sp, sem_g, sem_s = rest[NBUF:]
    c = lax.axis_index("c")
    s = lax.axis_index("s")
    pltpu.sync_copy(src3.at[s], srcl)
    pltpu.sync_copy(dst3.at[s], dstl)

    def make_ops(slab):
        fview = feat_h.at[slab]

        def g_start(k, rbuf):
            pltpu.async_copy(fview.at[srcl.at[k]], rbuf, sem_g)

        def g_wait(rbuf):
            pltpu.make_async_copy(fview.at[srcl.at[0]], rbuf, sem_g).wait()

        def s_start(k, rbuf):
            pltpu.async_copy(rbuf, agg_sp.at[dstl.at[k]], sem_s, add=True)

        def s_wait(rbuf):
            pltpu.make_async_copy(rbuf, agg_sp.at[dstl.at[0]], sem_s).wait()

        return g_start, g_wait, s_start, s_wait

    for p in range(2):
        slab = c * 2 + p
        g_start, g_wait, s_start, s_wait = make_ops(slab)
        pltpu.sync_copy(z640_h, agg_sp.at[pl.ds(s * SL, SL)])
        plsc.subcore_barrier()
        for b in range(6):
            g_start(b, rows[b])

        def body_k(i, _):
            kk = NBUF * i
            for b in range(NBUF):
                k = kk + b
                g_wait(rows[b])
                s_start(k, rows[b])

                @pl.when(k >= 2)
                def _():
                    s_wait(rows[(b + 6) % NBUF])

                @pl.when(k + 6 < NCHS)
                def _():
                    g_start(k + 6, rows[(b + 6) % NBUF])
            return 0

        lax.fori_loop(0, NCHS // NBUF, body_k, 0)
        for k in range(NCHS - 2, NCHS):
            s_wait(rows[k % NBUF])
        plsc.subcore_barrier()
        pltpu.sync_copy(agg_sp.at[pl.ds(s * SL, SL)],
                        agg_h.at[slab, pl.ds(s * SL, SL)])
        plsc.subcore_barrier()


_spmm_call = functools.partial(
    pl.kernel, _spmm_body, mesh=_mesh, compiler_params=_sc_params,
    out_type=jax.ShapeDtypeStruct((4, NP, SLAB), jnp.float32),
    scratch_types=[
        pltpu.VMEM((NCHS, CHS), jnp.int32),
        pltpu.VMEM((NCHS, CHS), jnp.int32),
    ] + [pltpu.VMEM((CHS, SLAB), jnp.float32) for _ in range(NBUF)] + [
        pltpu.VMEM_SHARED((NP, SLAB), jnp.float32),
        pltpu.SemaphoreType.DMA,
        pltpu.SemaphoreType.DMA,
    ],
)


BLK2 = 2048
GRID2 = NP // BLK2


def _prep_body(x_ref, dop_ref, dip_ref, feat_ref, doutr_ref, dinr_ref):
    dor = lax.rsqrt(jnp.maximum(dop_ref[...], 1.0))
    dir_ = lax.rsqrt(jnp.maximum(dip_ref[...], 1.0))
    x3 = x_ref[...].reshape(16, HALF, F)
    xf = x3 * dor[:, :, None]
    for j in range(4):
        feat_ref[j] = xf[:, :, SLAB * j:SLAB * (j + 1)].reshape(BLK2, SLAB)
    doutr_ref[...] = dor
    dinr_ref[...] = dir_


def _prep(x, dout, din):
    return pl.pallas_call(
        _prep_body,
        grid=(GRID2,),
        in_specs=[
            pl.BlockSpec((BLK2, F), lambda i: (i, 0)),
            pl.BlockSpec((16, HALF), lambda i: (i, 0)),
            pl.BlockSpec((16, HALF), lambda i: (i, 0)),
        ],
        out_specs=[
            pl.BlockSpec((4, BLK2, SLAB), lambda i: (0, i, 0)),
            pl.BlockSpec((16, HALF), lambda i: (i, 0)),
            pl.BlockSpec((16, HALF), lambda i: (i, 0)),
        ],
        out_shape=[
            jax.ShapeDtypeStruct((4, NP, SLAB), jnp.float32),
            jax.ShapeDtypeStruct((80, HALF), jnp.float32),
            jax.ShapeDtypeStruct((80, HALF), jnp.float32),
        ],
    )(x, dout, din)


def _dense1_body(agg_ref, dinr_ref, doutr_ref, w_ref, b_ref, out_ref):
    dinc = dinr_ref[...][:, :, None]
    z = b_ref[...]
    for j in range(4):
        a = (agg_ref[j].reshape(16, HALF, SLAB) * dinc).reshape(BLK2, SLAB)
        z = z + jnp.dot(a, w_ref[j], preferred_element_type=jnp.float32)
    h = jnp.where(z >= 0, z, 0.01 * z).reshape(16, HALF, F)
    h = h * doutr_ref[...][:, :, None]
    for j in range(4):
        out_ref[j] = h[:, :, SLAB * j:SLAB * (j + 1)].reshape(BLK2, SLAB)


def _dense1(agg, dinr, doutr, w, b):
    return pl.pallas_call(
        _dense1_body,
        grid=(GRID2,),
        in_specs=[
            pl.BlockSpec((4, BLK2, SLAB), lambda i: (0, i, 0)),
            pl.BlockSpec((16, HALF), lambda i: (i, 0)),
            pl.BlockSpec((16, HALF), lambda i: (i, 0)),
            pl.BlockSpec((4, SLAB, F), lambda i: (0, 0, 0)),
            pl.BlockSpec((1, F), lambda i: (0, 0)),
        ],
        out_specs=pl.BlockSpec((4, BLK2, SLAB), lambda i: (0, i, 0)),
        out_shape=jax.ShapeDtypeStruct((4, NP, SLAB), jnp.float32),
    )(agg, dinr, doutr, w, b)


ROWS = 80
PAD = ROWS * HALF


def _score_body(agg_ref, dinr_ref, w_ref, b_ref, wr_ref, g_ref, cnt_ref,
                lastp_ref, srcp_ref, nidx_ref, xlast_ref, wrb_ref, br_ref,
                oh_ref, lp_ref, s_sc, q_sc):
    i = pl.program_id(0)
    dinc = dinr_ref[...][:, :, None]
    z = b_ref[...]
    for j in range(4):
        a = (agg_ref[j].reshape(16, HALF, SLAB) * dinc).reshape(BLK2, SLAB)
        z = z + jnp.dot(a, w_ref[j], preferred_element_type=jnp.float32)
    h = jnp.where(z >= 0, z, 0.01 * z)
    sq = jnp.dot(h, wr_ref[...], preferred_element_type=jnp.float32)
    s_sc[pl.ds(16 * i, 16), :] = sq[:, 0].reshape(16, HALF)
    q_sc[pl.ds(16 * i, 16), :] = sq[:, 1].reshape(16, HALF)

    @pl.when(i == GRID2 - 1)
    def _():
        r = lax.broadcasted_iota(jnp.int32, (ROWS, HALF), 0)
        col = lax.broadcasted_iota(jnp.int32, (ROWS, HALF), 1)
        i2 = r * HALF + col
        valid = (i2 >= 8) & (i2 <= N - 2)
        lastm = jnp.max(lastp_ref[...])
        srcl = jnp.sum(jnp.where(lastp_ref[...] == lastm, srcp_ref[...], 0))
        srcl = jnp.where(lastm < 0, -1, srcl)
        cnt = cnt_ref[...] - jnp.where(i2 == srcl, 1.0, 0.0)
        nm = jnp.where(cnt > 0.5, ALPHA, 0.0)
        nidx = jnp.sum(nidx_ref[...])
        csc = (jnp.sum(jnp.where(i2 == nidx, q_sc[...], 0.0))
               + jnp.sum(xlast_ref[...] * wrb_ref[...]) + jnp.sum(br_ref[...]))
        fd = jnp.where(valid, s_sc[...] + csc + nm, -1e30)
        mx = jnp.max(fd)
        e = jnp.where(valid, jnp.exp(fd - mx), 0.0)
        p = e / jnp.sum(e)
        lp = jnp.log(p)
        t = lp + g_ref[...]
        tm = jnp.max(t)
        idxn = jnp.min(jnp.where(t == tm, i2, jnp.int32(2**30)))
        sel = i2 == idxn
        oh_ref[...] = jnp.where(sel, 1.0, 0.0)
        lpv = jnp.sum(jnp.where(sel, jnp.where(valid, lp, 0.0), 0.0))
        lp_ref[...] = jnp.reshape(lpv, (1, 1))


def _score(agg, dinr, w, b, wr, g_node, cnt, lastp, srcp, nidx, xlast, wrb,
           br2):
    return pl.pallas_call(
        _score_body,
        grid=(GRID2,),
        in_specs=[
            pl.BlockSpec((4, BLK2, SLAB), lambda i: (0, i, 0)),
            pl.BlockSpec((16, HALF), lambda i: (i, 0)),
            pl.BlockSpec((4, SLAB, F), lambda i: (0, 0, 0)),
            pl.BlockSpec((1, F), lambda i: (0, 0)),
            pl.BlockSpec((F, 2), lambda i: (0, 0)),
            pl.BlockSpec((ROWS, HALF), lambda i: (0, 0)),
            pl.BlockSpec((ROWS, HALF), lambda i: (0, 0)),
            pl.BlockSpec((NT, 16), lambda i: (0, 0)),
            pl.BlockSpec((NT, 16), lambda i: (0, 0)),
            pl.BlockSpec((1, 1), lambda i: (0, 0)),
            pl.BlockSpec((2, HALF), lambda i: (0, 0)),
            pl.BlockSpec((2, HALF), lambda i: (0, 0)),
            pl.BlockSpec((1, 1), lambda i: (0, 0)),
        ],
        out_specs=[
            pl.BlockSpec((ROWS, HALF), lambda i: (0, 0)),
            pl.BlockSpec((1, 1), lambda i: (0, 0)),
        ],
        out_shape=[
            jax.ShapeDtypeStruct((ROWS, HALF), jnp.float32),
            jax.ShapeDtypeStruct((1, 1), jnp.float32),
        ],
        scratch_shapes=[
            pltpu.VMEM((ROWS, HALF), jnp.float32),
            pltpu.VMEM((ROWS, HALF), jnp.float32),
        ],
    )(agg, dinr, w, b, wr, g_node, cnt, lastp, srcp, nidx, xlast, wrb, br2)


def kernel(x, edge_index, node_index, edge_set, W1, b1, W2, b2, Wr, br):
    f32 = jnp.float32
    src = edge_index[0].astype(jnp.int32)
    dst = edge_index[1].astype(jnp.int32)
    src3 = src.reshape(NT, NCH, CH)
    dst3 = dst.reshape(NT, NCH, CH)
    src3s = src.reshape(NT, NCHS, CHS)
    dst3s = dst.reshape(NT, NCHS, CHS)
    nidx16 = jnp.full((16,), node_index, jnp.int32)
    ones80 = jnp.ones((CH,), f32)

    dout_h, din_h, cnt_h, lastp, srcp = _stats_call()(
        src3, dst3, nidx16, ones80)

    feat, doutr, dinr = _prep(x, dout_h.reshape(ROWS, HALF),
                              din_h.reshape(ROWS, HALF))
    w1r = W1.reshape(4, SLAB, F)
    w2r = W2.reshape(4, SLAB, F)
    z640 = jnp.zeros((SL, SLAB), f32)
    agg1 = _spmm_call()(feat, src3s, dst3s, z640)
    feat2 = _dense1(agg1, dinr, doutr, w1r, b1.reshape(1, F))
    agg2 = _spmm_call()(feat2, src3s, dst3s, z640)
    wr_ac = jnp.concatenate([Wr[0:F], Wr[2 * F:3 * F]], axis=1)
    cnt_pad = cnt_h.reshape(ROWS, HALF)
    g = jax.random.gumbel(jax.random.key(42), (N - 1 - 8,), f32)
    g_node = jnp.concatenate(
        [jnp.zeros((8,), f32), g, jnp.zeros((PAD - (N - 1),), f32)]
    ).reshape(ROWS, HALF)
    nidx11 = jnp.asarray(node_index, jnp.int32).reshape(1, 1)
    xlast = x[-1].reshape(2, HALF)
    wrb = Wr[F:2 * F, 0].reshape(2, HALF)
    br2 = br.reshape(1, 1)

    oh, lp = _score(agg2, dinr, w2r, b2.reshape(1, F), wr_ac, g_node,
                    cnt_pad, lastp, srcp, nidx11, xlast, wrb, br2)
    sample_full = oh.reshape(PAD)[:N - 1]
    log_prob = lp.reshape(())
    return (sample_full, log_prob)

# --- scband reference (transcript-rebuilt; emitter-appended) ---
"""Pipeline reference for scband-edge-sampler-29008209117365 (READ-ONLY COPY).

The authoritative reference and input builder live on the scoring server;
editing this copy changes nothing except your own understanding.
"""

import jax, jax.numpy as jnp
import numpy as np

N = 10000
E = 160000
IN_FEATS = 256
H_FEATS = 256
ALPHA_N = 1000000.0
NODE_INDEX = 5


def _leaky_relu(v):
    return jnp.where(v >= 0, v, 0.01 * v)


def _graph_conv_both(x, src, dst, W, b, n):
    # DGL GraphConv with norm='both': D_out^{-1/2} A^T D_in^{-1/2} X W + b
    deg_out = jnp.clip(jnp.zeros(n, jnp.float32).at[src].add(1.0), 1.0)
    deg_in = jnp.clip(jnp.zeros(n, jnp.float32).at[dst].add(1.0), 1.0)
    feat = x * (deg_out ** -0.5)[:, None]
    msg = feat[src]
    agg = jnp.zeros((n, x.shape[1]), jnp.float32).at[dst].add(msg)
    agg = agg * (deg_in ** -0.5)[:, None]
    return agg @ W + b


def setup_inputs(seed: int = 0):
    key = jax.random.key(seed)
    ks = jax.random.split(key, 10)
    x = jax.random.normal(ks[0], (N, IN_FEATS), dtype=jnp.float32)
    edge_index = jax.random.randint(ks[1], (2, E), 0, N)
    node_index = NODE_INDEX
    edge_set = jnp.arange(8)
    W1 = jax.random.normal(ks[2], (IN_FEATS, H_FEATS), dtype=jnp.float32) * (1.0 / np.sqrt(IN_FEATS))
    b1 = jnp.zeros((H_FEATS,), jnp.float32)
    W2 = jax.random.normal(ks[3], (H_FEATS, H_FEATS), dtype=jnp.float32) * (1.0 / np.sqrt(H_FEATS))
    b2 = jnp.zeros((H_FEATS,), jnp.float32)
    Wr = jax.random.normal(ks[4], (IN_FEATS + 2 * H_FEATS, 1), dtype=jnp.float32) * (1.0 / np.sqrt(IN_FEATS + 2 * H_FEATS))
    br = jnp.zeros((1,), jnp.float32)
    return {"x": x, "edge_index": edge_index, "node_index": node_index, "edge_set": edge_set,
            "W1": W1, "b1": b1, "W2": W2, "b2": b2, "Wr": Wr, "br": br}


def reference(x, edge_index, node_index, edge_set, W1, b1, W2, b2, Wr, br):
    n = x.shape[0]
    src = edge_index[0]
    dst = edge_index[1]
    # candidate set: all nodes in [0, n-1) not in edge_set; edge_set is always
    # arange(k) with k = edge_set.shape[0], so candidates are [k, n-1)
    k = edge_set.shape[0]
    num_candidate_dst = n - 1 - k
    mask_j = jnp.arange(num_candidate_dst) + (jnp.max(edge_set) + 1)
    # predecessors of node_index (drop last, as in g.predecessors(...)[:-1])
    pred_mask = dst == node_index
    last = pred_mask.shape[0] - 1 - jnp.argmax(pred_mask[::-1])
    pred_mask = pred_mask.at[last].set(False)
    pred_mask = pred_mask & (src < n - 1)
    scatter_idx = jnp.where(pred_mask, src, n - 1)
    nmask_full = jnp.zeros(n - 1, jnp.float32).at[scatter_idx].set(ALPHA_N, mode='drop')
    node_neighbors_mask = nmask_full[mask_j]
    # two GraphConv layers with LeakyReLU
    h = _leaky_relu(_graph_conv_both(x, src, dst, W1, b1, n))
    h = _leaky_relu(_graph_conv_both(h, src, dst, W2, b2, n))
    sampled_feature = jnp.broadcast_to(x[-1], (num_candidate_dst, x.shape[1]))
    target_node_embedding = jnp.broadcast_to(h[node_index], (num_candidate_dst, h.shape[1]))
    candidate_dst_h = h[mask_j]
    hc = jnp.concatenate([candidate_dst_h, sampled_feature, target_node_embedding], axis=1)
    feature_dist = (hc @ Wr + br).squeeze() + node_neighbors_mask
    probs = jax.nn.softmax(feature_dist, axis=0)
    # OneHotCategorical sample + log_prob
    idx = jax.random.categorical(jax.random.key(42), jnp.log(probs))
    sample = jax.nn.one_hot(idx, num_candidate_dst, dtype=jnp.float32)
    log_prob = jnp.log(probs[idx])
    sample_full = jnp.zeros(n - 1, jnp.float32).at[mask_j].set(sample)
    return (sample_full, log_prob)

if __name__ == "__main__":
    import jax
    _d = setup_inputs()
    print(jax.jit(kernel)(*tuple(_d.values())))

</pallas_src>

<mosaic_0001>
#map = affine_map<(d0, d1) -> (0, 0, 0)>
#map1 = affine_map<(d0, d1) -> (0, 0)>
module attributes {stable_mosaic.version = 14 : i64} {
  func.func @_spmm_body(%arg0: i32, %arg1: i32, %arg2: memref<4x10240x64xf32, #tpu.memory_space<hbm>>, %arg3: memref<16x80x125xi32, #tpu.memory_space<hbm>>, %arg4: memref<16x80x125xi32, #tpu.memory_space<hbm>>, %arg5: memref<640x64xf32, #tpu.memory_space<hbm>>, %arg6: memref<4x10240x64xf32, #tpu.memory_space<hbm>>, %arg7: memref<80x125xi32, #tpu.memory_space<vmem>>, %arg8: memref<80x125xi32, #tpu.memory_space<vmem>>, %arg9: memref<125x64xf32, #tpu.memory_space<vmem>>, %arg10: memref<125x64xf32, #tpu.memory_space<vmem>>, %arg11: memref<125x64xf32, #tpu.memory_space<vmem>>, %arg12: memref<125x64xf32, #tpu.memory_space<vmem>>, %arg13: memref<125x64xf32, #tpu.memory_space<vmem>>, %arg14: memref<125x64xf32, #tpu.memory_space<vmem>>, %arg15: memref<125x64xf32, #tpu.memory_space<vmem>>, %arg16: memref<125x64xf32, #tpu.memory_space<vmem>>, %arg17: memref<10240x64xf32, #tpu.memory_space<vmem_shared>>, %arg18: memref<!tpu.dma_semaphore, #tpu.memory_space<semaphore_mem>>, %arg19: memref<!tpu.dma_semaphore, #tpu.memory_space<semaphore_mem>>) attributes {dimension_semantics = [#tpu.dimension_semantics<core_parallel>, #tpu.dimension_semantics<subcore_parallel>], iteration_bounds = array<i64: 2, 16>, scalar_prefetch = 0 : i64, scratch_operands = 13 : i64, tpu.core_type = #tpu.core_type<sc_vector_subcore>, window_params = [{transform_indices = #map}, {transform_indices = #map}, {transform_indices = #map}, {transform_indices = #map1}, {transform_indices = #map}]} {
    "tpu.region"() ({
      %run_scoped3A = tpu.sem_alloc : memref<!tpu.dma_semaphore, #tpu.memory_space<semaphore_mem>>
      %dma_start3A_194 = arith.constant 0 : i32
      %dma_start3A_195 = arith.constant 0 : i32
      %dma_start3A_196 = tpu.memref_slice %arg3[%arg1, %dma_start3A_194, %dma_start3A_195] : memref<16x80x125xi32, #tpu.memory_space<hbm>> -> memref<1x80x125xi32, #tpu.memory_space<hbm>>
      %dma_start3A_197 = tpu.memref_squeeze %dma_start3A_196 : memref<1x80x125xi32, #tpu.memory_space<hbm>> -> memref<80x125xi32, #tpu.memory_space<hbm>>
      %dma_start3A_198 = arith.constant 0 : i32
      %dma_start3A_199 = arith.constant 0 : i32
      %dma_start3A_200 = tpu.memref_slice %arg3[%arg1, %dma_start3A_198, %dma_start3A_199] : memref<16x80x125xi32, #tpu.memory_space<hbm>> -> memref<1x80x125xi32, #tpu.memory_space<hbm>>
      %dma_start3A_201 = tpu.memref_squeeze %dma_start3A_200 : memref<1x80x125xi32, #tpu.memory_space<hbm>> -> memref<80x125xi32, #tpu.memory_space<hbm>>
      tpu.enqueue_dma source(%dma_start3A_201 : memref<80x125xi32, #tpu.memory_space<hbm>>) target(%arg7 : memref<80x125xi32, #tpu.memory_space<vmem>>) target_semaphore(%run_scoped3A : memref<!tpu.dma_semaphore, #tpu.memory_space<semaphore_mem>>)
      %dma_wait3A_202 = arith.constant 0 : i32
      %dma_wait3A_203 = arith.constant 0 : i32
      %dma_wait3A_204 = tpu.memref_slice %arg3[%arg1, %dma_wait3A_202, %dma_wait3A_203] : memref<16x80x125xi32, #tpu.memory_space<hbm>> -> memref<1x80x125xi32, #tpu.memory_space<hbm>>
      %dma_wait3A_205 = tpu.memref_squeeze %dma_wait3A_204 : memref<1x80x125xi32, #tpu.memory_space<hbm>> -> memref<80x125xi32, #tpu.memory_space<hbm>>
      %dma_wait3A_206 = arith.constant 0 : i32
      %dma_wait3A_207 = arith.constant 0 : i32
      %dma_wait3A_208 = tpu.memref_slice %arg3[%arg1, %dma_wait3A_206, %dma_wait3A_207] : memref<16x80x125xi32, #tpu.memory_space<hbm>> -> memref<1x80x125xi32, #tpu.memory_space<hbm>>
      %dma_wait3A_209 = tpu.memref_squeeze %dma_wait3A_208 : memref<1x80x125xi32, #tpu.memory_space<hbm>> -> memref<80x125xi32, #tpu.memory_space<hbm>>
      tpu.wait_dma2 semaphore(%run_scoped3A : memref<!tpu.dma_semaphore, #tpu.memory_space<semaphore_mem>>) src(%dma_wait3A_209 : memref<80x125xi32, #tpu.memory_space<hbm>>) dst(%arg7 : memref<80x125xi32, #tpu.memory_space<vmem>>)
      tpu.yield
    }) : () -> ()
    "tpu.region"() ({
      %run_scoped3A = tpu.sem_alloc : memref<!tpu.dma_semaphore, #tpu.memory_space<semaphore_mem>>
      %dma_start3A_194 = arith.constant 0 : i32
      %dma_start3A_195 = arith.constant 0 : i32
      %dma_start3A_196 = tpu.memref_slice %arg4[%arg1, %dma_start3A_194, %dma_start3A_195] : memref<16x80x125xi32, #tpu.memory_space<hbm>> -> memref<1x80x125xi32, #tpu.memory_space<hbm>>
      %dma_start3A_197 = tpu.memref_squeeze %dma_start3A_196 : memref<1x80x125xi32, #tpu.memory_space<hbm>> -> memref<80x125xi32, #tpu.memory_space<hbm>>
      %dma_start3A_198 = arith.constant 0 : i32
      %dma_start3A_199 = arith.constant 0 : i32
      %dma_start3A_200 = tpu.memref_slice %arg4[%arg1, %dma_start3A_198, %dma_start3A_199] : memref<16x80x125xi32, #tpu.memory_space<hbm>> -> memref<1x80x125xi32, #tpu.memory_space<hbm>>
      %dma_start3A_201 = tpu.memref_squeeze %dma_start3A_200 : memref<1x80x125xi32, #tpu.memory_space<hbm>> -> memref<80x125xi32, #tpu.memory_space<hbm>>
      tpu.enqueue_dma source(%dma_start3A_201 : memref<80x125xi32, #tpu.memory_space<hbm>>) target(%arg8 : memref<80x125xi32, #tpu.memory_space<vmem>>) target_semaphore(%run_scoped3A : memref<!tpu.dma_semaphore, #tpu.memory_space<semaphore_mem>>)
      %dma_wait3A_202 = arith.constant 0 : i32
      %dma_wait3A_203 = arith.constant 0 : i32
      %dma_wait3A_204 = tpu.memref_slice %arg4[%arg1, %dma_wait3A_202, %dma_wait3A_203] : memref<16x80x125xi32, #tpu.memory_space<hbm>> -> memref<1x80x125xi32, #tpu.memory_space<hbm>>
      %dma_wait3A_205 = tpu.memref_squeeze %dma_wait3A_204 : memref<1x80x125xi32, #tpu.memory_space<hbm>> -> memref<80x125xi32, #tpu.memory_space<hbm>>
      %dma_wait3A_206 = arith.constant 0 : i32
      %dma_wait3A_207 = arith.constant 0 : i32
      %dma_wait3A_208 = tpu.memref_slice %arg4[%arg1, %dma_wait3A_206, %dma_wait3A_207] : memref<16x80x125xi32, #tpu.memory_space<hbm>> -> memref<1x80x125xi32, #tpu.memory_space<hbm>>
      %dma_wait3A_209 = tpu.memref_squeeze %dma_wait3A_208 : memref<1x80x125xi32, #tpu.memory_space<hbm>> -> memref<80x125xi32, #tpu.memory_space<hbm>>
      tpu.wait_dma2 semaphore(%run_scoped3A : memref<!tpu.dma_semaphore, #tpu.memory_space<semaphore_mem>>) src(%dma_wait3A_209 : memref<80x125xi32, #tpu.memory_space<hbm>>) dst(%arg8 : memref<80x125xi32, #tpu.memory_space<vmem>>)
      tpu.yield
    }) : () -> ()
    %mul3A = arith.constant 2 : i32
    %mul3A_0 = arith.muli %arg0, %mul3A : i32
    %add3A = arith.constant 0 : i32
    %add3A_1 = arith.addi %mul3A_0, %add3A : i32
    %mul3A_2 = arith.constant 640 : i32
    %mul3A_3 = arith.muli %arg1, %mul3A_2 : i32
    "tpu.region"() ({
      %run_scoped3A = tpu.sem_alloc : memref<!tpu.dma_semaphore, #tpu.memory_space<semaphore_mem>>
      %dma_start3A_194 = arith.constant 0 : i32
      %dma_start3A_195 = tpu.memref_slice %arg17[%mul3A_3, %dma_start3A_194] : memref<10240x64xf32, #tpu.memory_space<vmem_shared>> -> memref<640x64xf32, #tpu.memory_space<vmem_shared>>
      tpu.enqueue_dma source(%arg5 : memref<640x64xf32, #tpu.memory_space<hbm>>) target(%dma_start3A_195 : memref<640x64xf32, #tpu.memory_space<vmem_shared>>) target_semaphore(%run_scoped3A : memref<!tpu.dma_semaphore, #tpu.memory_space<semaphore_mem>>)
      %dma_wait3A_196 = arith.constant 0 : i32
      %dma_wait3A_197 = tpu.memref_slice %arg17[%mul3A_3, %dma_wait3A_196] : memref<10240x64xf32, #tpu.memory_space<vmem_shared>> -> memref<640x64xf32, #tpu.memory_space<vmem_shared>>
      tpu.wait_dma2 semaphore(%run_scoped3A : memref<!tpu.dma_semaphore, #tpu.memory_space<semaphore_mem>>) src(%arg5 : memref<640x64xf32, #tpu.memory_space<hbm>>) dst(%dma_wait3A_197 : memref<640x64xf32, #tpu.memory_space<vmem_shared>>)
      tpu.yield
    }) : () -> ()
    %barrier3A = arith.constant 0 : index
    tpu.barrier barrier_id(%barrier3A)
    %dma_start3A = arith.constant 0 : i32
    %dma_start3A_4 = arith.constant 0 : i32
    %dma_start3A_5 = tpu.memref_slice %arg7[%dma_start3A, %dma_start3A_4] : memref<80x125xi32, #tpu.memory_space<vmem>> -> memref<1x125xi32, #tpu.memory_space<vmem>>
    %dma_start3A_6 = tpu.memref_squeeze %dma_start3A_5 : memref<1x125xi32, #tpu.memory_space<vmem>> -> memref<125xi32, #tpu.memory_space<vmem>>
    %dma_start3A_7 = arith.constant 0 : i32
    %dma_start3A_8 = arith.constant 0 : i32
    %dma_start3A_9 = tpu.memref_slice %arg2[%add3A_1, %dma_start3A_7, %dma_start3A_8] : memref<4x10240x64xf32, #tpu.memory_space<hbm>> -> memref<1x10240x64xf32, #tpu.memory_space<hbm>>
    %dma_start3A_10 = tpu.memref_squeeze %dma_start3A_9 : memref<1x10240x64xf32, #tpu.memory_space<hbm>> -> memref<10240x64xf32, #tpu.memory_space<hbm>>
    %dma_start3A_11 = arith.constant 0 : i32
    %dma_start3A_12 = arith.constant 0 : i32
    %dma_start3A_13 = tpu.memref_slice %dma_start3A_10[%dma_start3A_11, %dma_start3A_12] : memref<10240x64xf32, #tpu.memory_space<hbm>> -> memref<10240x64xf32, #tpu.memory_space<hbm>>
    tpu.enqueue_indirect_dma source(%dma_start3A_13 : memref<10240x64xf32, #tpu.memory_space<hbm>>) target(%arg9 : memref<125x64xf32, #tpu.memory_space<vmem>>) offsets(%dma_start3A_6 : memref<125xi32, #tpu.memory_space<vmem>>) semaphore(%arg18 : memref<!tpu.dma_semaphore, #tpu.memory_space<semaphore_mem>>)
    %dma_start3A_14 = arith.constant 1 : i32
    %dma_start3A_15 = arith.constant 0 : i32
    %dma_start3A_16 = tpu.memref_slice %arg7[%dma_start3A_14, %dma_start3A_15] : memref<80x125xi32, #tpu.memory_space<vmem>> -> memref<1x125xi32, #tpu.memory_space<vmem>>
    %dma_start3A_17 = tpu.memref_squeeze %dma_start3A_16 : memref<1x125xi32, #tpu.memory_space<vmem>> -> memref<125xi32, #tpu.memory_space<vmem>>
    %dma_start3A_18 = arith.constant 0 : i32
    %dma_start3A_19 = arith.constant 0 : i32
    %dma_start3A_20 = tpu.memref_slice %arg2[%add3A_1, %dma_start3A_18, %dma_start3A_19] : memref<4x10240x64xf32, #tpu.memory_space<hbm>> -> memref<1x10240x64xf32, #tpu.memory_space<hbm>>
    %dma_start3A_21 = tpu.memref_squeeze %dma_start3A_20 : memref<1x10240x64xf32, #tpu.memory_space<hbm>> -> memref<10240x64xf32, #tpu.memory_space<hbm>>
    %dma_start3A_22 = arith.constant 0 : i32
    %dma_start3A_23 = arith.constant 0 : i32
    %dma_start3A_24 = tpu.memref_slice %dma_start3A_21[%dma_start3A_22, %dma_start3A_23] : memref<10240x64xf32, #tpu.memory_space<hbm>> -> memref<10240x64xf32, #tpu.memory_space<hbm>>
    tpu.enqueue_indirect_dma source(%dma_start3A_24 : memref<10240x64xf32, #tpu.memory_space<hbm>>) target(%arg10 : memref<125x64xf32, #tpu.memory_space<vmem>>) offsets(%dma_start3A_17 : memref<125xi32, #tpu.memory_space<vmem>>) semaphore(%arg18 : memref<!tpu.dma_semaphore, #tpu.memory_space<semaphore_mem>>)
    %dma_start3A_25 = arith.constant 2 : i32
    %dma_start3A_26 = arith.constant 0 : i32
    %dma_start3A_27 = tpu.memref_slice %arg7[%dma_start3A_25, %dma_start3A_26] : memref<80x125xi32, #tpu.memory_space<vmem>> -> memref<1x125xi32, #tpu.memory_space<vmem>>
    %dma_start3A_28 = tpu.memref_squeeze %dma_start3A_27 : memref<1x125xi32, #tpu.memory_space<vmem>> -> memref<125xi32, #tpu.memory_space<vmem>>
    %dma_start3A_29 = arith.constant 0 : i32
    %dma_start3A_30 = arith.constant 0 : i32
    %dma_start3A_31 = tpu.memref_slice %arg2[%add3A_1, %dma_start3A_29, %dma_start3A_30] : memref<4x10240x64xf32, #tpu.memory_space<hbm>> -> memref<1x10240x64xf32, #tpu.memory_space<hbm>>
    %dma_start3A_32 = tpu.memref_squeeze %dma_start3A_31 : memref<1x10240x64xf32, #tpu.memory_space<hbm>> -> memref<10240x64xf32, #tpu.memory_space<hbm>>
    %dma_start3A_33 = arith.constant 0 : i32
    %dma_start3A_34 = arith.constant 0 : i32
    %dma_start3A_35 = tpu.memref_slice %dma_start3A_32[%dma_start3A_33, %dma_start3A_34] : memref<10240x64xf32, #tpu.memory_space<hbm>> -> memref<10240x64xf32, #tpu.memory_space<hbm>>
    tpu.enqueue_indirect_dma source(%dma_start3A_35 : memref<10240x64xf32, #tpu.memory_space<hbm>>) target(%arg11 : memref<125x64xf32, #tpu.memory_space<vmem>>) offsets(%dma_start3A_28 : memref<125xi32, #tpu.memory_space<vmem>>) semaphore(%arg18 : memref<!tpu.dma_semaphore, #tpu.memory_space<semaphore_mem>>)
    %dma_start3A_36 = arith.constant 3 : i32
    %dma_start3A_37 = arith.constant 0 : i32
    %dma_start3A_38 = tpu.memref_slice %arg7[%dma_start3A_36, %dma_start3A_37] : memref<80x125xi32, #tpu.memory_space<vmem>> -> memref<1x125xi32, #tpu.memory_space<vmem>>
    %dma_start3A_39 = tpu.memref_squeeze %dma_start3A_38 : memref<1x125xi32, #tpu.memory_space<vmem>> -> memref<125xi32, #tpu.memory_space<vmem>>
    %dma_start3A_40 = arith.constant 0 : i32
    %dma_start3A_41 = arith.constant 0 : i32
    %dma_start3A_42 = tpu.memref_slice %arg2[%add3A_1, %dma_start3A_40, %dma_start3A_41] : memref<4x10240x64xf32, #tpu.memory_space<hbm>> -> memref<1x10240x64xf32, #tpu.memory_space<hbm>>
    %dma_start3A_43 = tpu.memref_squeeze %dma_start3A_42 : memref<1x10240x64xf32, #tpu.memory_space<hbm>> -> memref<10240x64xf32, #tpu.memory_space<hbm>>
    %dma_start3A_44 = arith.constant 0 : i32
    %dma_start3A_45 = arith.constant 0 : i32
    %dma_start3A_46 = tpu.memref_slice %dma_start3A_43[%dma_start3A_44, %dma_start3A_45] : memref<10240x64xf32, #tpu.memory_space<hbm>> -> memref<10240x64xf32, #tpu.memory_space<hbm>>
    tpu.enqueue_indirect_dma source(%dma_start3A_46 : memref<10240x64xf32, #tpu.memory_space<hbm>>) target(%arg12 : memref<125x64xf32, #tpu.memory_space<vmem>>) offsets(%dma_start3A_39 : memref<125xi32, #tpu.memory_space<vmem>>) semaphore(%arg18 : memref<!tpu.dma_semaphore, #tpu.memory_space<semaphore_mem>>)
    %dma_start3A_47 = arith.constant 4 : i32
    %dma_start3A_48 = arith.constant 0 : i32
    %dma_start3A_49 = tpu.memref_slice %arg7[%dma_start3A_47, %dma_start3A_48] : memref<80x125xi32, #tpu.memory_space<vmem>> -> memref<1x125xi32, #tpu.memory_space<vmem>>
    %dma_start3A_50 = tpu.memref_squeeze %dma_start3A_49 : memref<1x125xi32, #tpu.memory_space<vmem>> -> memref<125xi32, #tpu.memory_space<vmem>>
    %dma_start3A_51 = arith.constant 0 : i32
    %dma_start3A_52 = arith.constant 0 : i32
    %dma_start3A_53 = tpu.memref_slice %arg2[%add3A_1, %dma_start3A_51, %dma_start3A_52] : memref<4x10240x64xf32, #tpu.memory_space<hbm>> -> memref<1x10240x64xf32, #tpu.memory_space<hbm>>
    %dma_start3A_54 = tpu.memref_squeeze %dma_start3A_53 : memref<1x10240x64xf32, #tpu.memory_space<hbm>> -> memref<10240x64xf32, #tpu.memory_space<hbm>>
    %dma_start3A_55 = arith.constant 0 : i32
    %dma_start3A_56 = arith.constant 0 : i32
    %dma_start3A_57 = tpu.memref_slice %dma_start3A_54[%dma_start3A_55, %dma_start3A_56] : memref<10240x64xf32, #tpu.memory_space<hbm>> -> memref<10240x64xf32, #tpu.memory_space<hbm>>
    tpu.enqueue_indirect_dma source(%dma_start3A_57 : memref<10240x64xf32, #tpu.memory_space<hbm>>) target(%arg13 : memref<125x64xf32, #tpu.memory_space<vmem>>) offsets(%dma_start3A_50 : memref<125xi32, #tpu.memory_space<vmem>>) semaphore(%arg18 : memref<!tpu.dma_semaphore, #tpu.memory_space<semaphore_mem>>)
    %dma_start3A_58 = arith.constant 5 : i32
    %dma_start3A_59 = arith.constant 0 : i32
    %dma_start3A_60 = tpu.memref_slice %arg7[%dma_start3A_58, %dma_start3A_59] : memref<80x125xi32, #tpu.memory_space<vmem>> -> memref<1x125xi32, #tpu.memory_space<vmem>>
    %dma_start3A_61 = tpu.memref_squeeze %dma_start3A_60 : memref<1x125xi32, #tpu.memory_space<vmem>> -> memref<125xi32, #tpu.memory_space<vmem>>
    %dma_start3A_62 = arith.constant 0 : i32
    %dma_start3A_63 = arith.constant 0 : i32
    %dma_start3A_64 = tpu.memref_slice %arg2[%add3A_1, %dma_start3A_62, %dma_start3A_63] : memref<4x10240x64xf32, #tpu.memory_space<hbm>> -> memref<1x10240x64xf32, #tpu.memory_space<hbm>>
    %dma_start3A_65 = tpu.memref_squeeze %dma_start3A_64 : memref<1x10240x64xf32, #tpu.memory_space<hbm>> -> memref<10240x64xf32, #tpu.memory_space<hbm>>
    %dma_start3A_66 = arith.constant 0 : i32
    %dma_start3A_67 = arith.constant 0 : i32
    %dma_start3A_68 = tpu.memref_slice %dma_start3A_65[%dma_start3A_66, %dma_start3A_67] : memref<10240x64xf32, #tpu.memory_space<hbm>> -> memref<10240x64xf32, #tpu.memory_space<hbm>>
    tpu.enqueue_indirect_dma source(%dma_start3A_68 : memref<10240x64xf32, #tpu.memory_space<hbm>>) target(%arg14 : memref<125x64xf32, #tpu.memory_space<vmem>>) offsets(%dma_start3A_61 : memref<125xi32, #tpu.memory_space<vmem>>) semaphore(%arg18 : memref<!tpu.dma_semaphore, #tpu.memory_space<semaphore_mem>>)
    %scan3A = arith.constant 0 : i32
    %scan3A_69 = arith.constant 0 : i32
    %scan3A_70 = arith.constant 10 : i32
    %scan3A_71 = arith.addi %scan3A_69, %scan3A_70 : i32
    %scan3A_72 = arith.constant 1 : i32
    %scan3A_73 = scf.for %scan3A_194 = %scan3A_69 to %scan3A_71 step %scan3A_72 iter_args(%scan3A_195 = %scan3A) -> (i32)  : i32 {
      %mul3A_196 = arith.constant 8 : i32
      %mul3A_197 = arith.muli %mul3A_196, %scan3A_194 : i32
      %add3A_198 = arith.constant 0 : i32
      %add3A_199 = arith.addi %mul3A_197, %add3A_198 : i32
      %dma_wait3A_200 = arith.constant 0 : i32
      %dma_wait3A_201 = arith.constant 0 : i32
      %dma_wait3A_202 = tpu.memref_slice %arg7[%dma_wait3A_200, %dma_wait3A_201] : memref<80x125xi32, #tpu.memory_space<vmem>> -> memref<1x125xi32, #tpu.memory_space<vmem>>
      %dma_wait3A_203 = tpu.memref_squeeze %dma_wait3A_202 : memref<1x125xi32, #tpu.memory_space<vmem>> -> memref<125xi32, #tpu.memory_space<vmem>>
      %dma_wait3A_204 = arith.constant 0 : i32
      %dma_wait3A_205 = arith.constant 0 : i32
      %dma_wait3A_206 = tpu.memref_slice %arg2[%add3A_1, %dma_wait3A_204, %dma_wait3A_205] : memref<4x10240x64xf32, #tpu.memory_space<hbm>> -> memref<1x10240x64xf32, #tpu.memory_space<hbm>>
      %dma_wait3A_207 = tpu.memref_squeeze %dma_wait3A_206 : memref<1x10240x64xf32, #tpu.memory_space<hbm>> -> memref<10240x64xf32, #tpu.memory_space<hbm>>
      %dma_wait3A_208 = arith.constant 0 : i32
      %dma_wait3A_209 = arith.constant 0 : i32
      %dma_wait3A_210 = tpu.memref_slice %dma_wait3A_207[%dma_wait3A_208, %dma_wait3A_209] : memref<10240x64xf32, #tpu.memory_space<hbm>> -> memref<10240x64xf32, #tpu.memory_space<hbm>>
      tpu.wait_indirect_dma semaphore(%arg18 : memref<!tpu.dma_semaphore, #tpu.memory_space<semaphore_mem>>) src(%dma_wait3A_210 : memref<10240x64xf32, #tpu.memory_space<hbm>>) dst(%arg9 : memref<125x64xf32, #tpu.memory_space<vmem>>)
      %dma_start3A_211 = arith.constant 0 : i32
      %dma_start3A_212 = tpu.memref_slice %arg8[%add3A_199, %dma_start3A_211] : memref<80x125xi32, #tpu.memory_space<vmem>> -> memref<1x125xi32, #tpu.memory_space<vmem>>
      %dma_start3A_213 = tpu.memref_squeeze %dma_start3A_212 : memref<1x125xi32, #tpu.memory_space<vmem>> -> memref<125xi32, #tpu.memory_space<vmem>>
      %dma_start3A_214 = arith.constant 0 : i32
      %dma_start3A_215 = arith.constant 0 : i32
      %dma_start3A_216 = tpu.memref_slice %arg17[%dma_start3A_214, %dma_start3A_215] : memref<10240x64xf32, #tpu.memory_space<vmem_shared>> -> memref<10240x64xf32, #tpu.memory_space<vmem_shared>>
      tpu.enqueue_indirect_dma source(%arg9 : memref<125x64xf32, #tpu.memory_space<vmem>>) target(%dma_start3A_216 : memref<10240x64xf32, #tpu.memory_space<vmem_shared>>) offsets(%dma_start3A_213 : memref<125xi32, #tpu.memory_space<vmem>>) semaphore(%arg19 : memref<!tpu.dma_semaphore, #tpu.memory_space<semaphore_mem>>) {add = true}
      %ge3A = arith.constant 2 : i32
      %ge3A_217 = arith.cmpi sge, %add3A_199, %ge3A : i32
      %convert_element_type3A = arith.extui %ge3A_217 : i1 to i32
      %cond3A = arith.constant 0 : i32
      %cond3A_218 = arith.cmpi ne, %convert_element_type3A, %cond3A : i32
      scf.if %cond3A_218 {
        %dma_wait3A_443 = arith.constant 0 : i32
        %dma_wait3A_444 = arith.constant 0 : i32
        %dma_wait3A_445 = tpu.memref_slice %arg8[%dma_wait3A_443, %dma_wait3A_444] : memref<80x125xi32, #tpu.memory_space<vmem>> -> memref<1x125xi32, #tpu.memory_space<vmem>>
        %dma_wait3A_446 = tpu.memref_squeeze %dma_wait3A_445 : memref<1x125xi32, #tpu.memory_space<vmem>> -> memref<125xi32, #tpu.memory_space<vmem>>
        %dma_wait3A_447 = arith.constant 0 : i32
        %dma_wait3A_448 = arith.constant 0 : i32
        %dma_wait3A_449 = tpu.memref_slice %arg17[%dma_wait3A_447, %dma_wait3A_448] : memref<10240x64xf32, #tpu.memory_space<vmem_shared>> -> memref<10240x64xf32, #tpu.memory_space<vmem_shared>>
        tpu.wait_indirect_dma semaphore(%arg19 : memref<!tpu.dma_semaphore, #tpu.memory_space<semaphore_mem>>) src(%arg15 : memref<125x64xf32, #tpu.memory_space<vmem>>) dst(%dma_wait3A_449 : memref<10240x64xf32, #tpu.memory_space<vmem_shared>>)
      } else {
      }
      %add3A_219 = arith.constant 6 : i32
      %add3A_220 = arith.addi %add3A_199, %add3A_219 : i32
      %lt3A = arith.constant 80 : i32
      %lt3A_221 = arith.cmpi slt, %add3A_220, %lt3A : i32
      %convert_element_type3A_222 = arith.extui %lt3A_221 : i1 to i32
      %cond3A_223 = arith.constant 0 : i32
      %cond3A_224 = arith.cmpi ne, %convert_element_type3A_222, %cond3A_223 : i32
      scf.if %cond3A_224 {
        %add3A_443 = arith.constant 6 : i32
        %add3A_444 = arith.addi %add3A_199, %add3A_443 : i32
        %dma_start3A_445 = arith.constant 0 : i32
        %dma_start3A_446 = tpu.memref_slice %arg7[%add3A_444, %dma_start3A_445] : memref<80x125xi32, #tpu.memory_space<vmem>> -> memref<1x125xi32, #tpu.memory_space<vmem>>
        %dma_start3A_447 = tpu.memref_squeeze %dma_start3A_446 : memref<1x125xi32, #tpu.memory_space<vmem>> -> memref<125xi32, #tpu.memory_space<vmem>>
        %dma_start3A_448 = arith.constant 0 : i32
        %dma_start3A_449 = arith.constant 0 : i32
        %dma_start3A_450 = tpu.memref_slice %arg2[%add3A_1, %dma_start3A_448, %dma_start3A_449] : memref<4x10240x64xf32, #tpu.memory_space<hbm>> -> memref<1x10240x64xf32, #tpu.memory_space<hbm>>
        %dma_start3A_451 = tpu.memref_squeeze %dma_start3A_450 : memref<1x10240x64xf32, #tpu.memory_space<hbm>> -> memref<10240x64xf32, #tpu.memory_space<hbm>>
        %dma_start3A_452 = arith.constant 0 : i32
        %dma_start3A_453 = arith.constant 0 : i32
        %dma_start3A_454 = tpu.memref_slice %dma_start3A_451[%dma_start3A_452, %dma_start3A_453] : memref<10240x64xf32, #tpu.memory_space<hbm>> -> memref<10240x64xf32, #tpu.memory_space<hbm>>
        tpu.enqueue_indirect_dma source(%dma_start3A_454 : memref<10240x64xf32, #tpu.memory_space<hbm>>) target(%arg15 : memref<125x64xf32, #tpu.memory_space<vmem>>) offsets(%dma_start3A_447 : memref<125xi32, #tpu.memory_space<vmem>>) semaphore(%arg18 : memref<!tpu.dma_semaphore, #tpu.memory_space<semaphore_mem>>)
      } else {
      }
      %add3A_225 = arith.constant 1 : i32
      %add3A_226 = arith.addi %mul3A_197, %add3A_225 : i32
      %dma_wait3A_227 = arith.constant 0 : i32
      %dma_wait3A_228 = arith.constant 0 : i32
      %dma_wait3A_229 = tpu.memref_slice %arg7[%dma_wait3A_227, %dma_wait3A_228] : memref<80x125xi32, #tpu.memory_space<vmem>> -> memref<1x125xi32, #tpu.memory_space<vmem>>
      %dma_wait3A_230 = tpu.memref_squeeze %dma_wait3A_229 : memref<1x125xi32, #tpu.memory_space<vmem>> -> memref<125xi32, #tpu.memory_space<vmem>>
      %dma_wait3A_231 = arith.constant 0 : i32
      %dma_wait3A_232 = arith.constant 0 : i32
      %dma_wait3A_233 = tpu.memref_slice %arg2[%add3A_1, %dma_wait3A_231, %dma_wait3A_232] : memref<4x10240x64xf32, #tpu.memory_space<hbm>> -> memref<1x10240x64xf32, #tpu.memory_space<hbm>>
      %dma_wait3A_234 = tpu.memref_squeeze %dma_wait3A_233 : memref<1x10240x64xf32, #tpu.memory_space<hbm>> -> memref<10240x64xf32, #tpu.memory_space<hbm>>
      %dma_wait3A_235 = arith.constant 0 : i32
      %dma_wait3A_236 = arith.constant 0 : i32
      %dma_wait3A_237 = tpu.memref_slice %dma_wait3A_234[%dma_wait3A_235, %dma_wait3A_236] : memref<10240x64xf32, #tpu.memory_space<hbm>> -> memref<10240x64xf32, #tpu.memory_space<hbm>>
      tpu.wait_indirect_dma semaphore(%arg18 : memref<!tpu.dma_semaphore, #tpu.memory_space<semaphore_mem>>) src(%dma_wait3A_237 : memref<10240x64xf32, #tpu.memory_space<hbm>>) dst(%arg10 : memref<125x64xf32, #tpu.memory_space<vmem>>)
      %dma_start3A_238 = arith.constant 0 : i32
      %dma_start3A_239 = tpu.memref_slice %arg8[%add3A_226, %dma_start3A_238] : memref<80x125xi32, #tpu.memory_space<vmem>> -> memref<1x125xi32, #tpu.memory_space<vmem>>
      %dma_start3A_240 = tpu.memref_squeeze %dma_start3A_239 : memref<1x125xi32, #tpu.memory_space<vmem>> -> memref<125xi32, #tpu.memory_space<vmem>>
      %dma_start3A_241 = arith.constant 0 : i32
      %dma_start3A_242 = arith.constant 0 : i32
      %dma_start3A_243 = tpu.memref_slice %arg17[%dma_start3A_241, %dma_start3A_242] : memref<10240x64xf32, #tpu.memory_space<vmem_shared>> -> memref<10240x64xf32, #tpu.memory_space<vmem_shared>>
      tpu.enqueue_indirect_dma source(%arg10 : memref<125x64xf32, #tpu.memory_space<vmem>>) target(%dma_start3A_243 : memref<10240x64xf32, #tpu.memory_space<vmem_shared>>) offsets(%dma_start3A_240 : memref<125xi32, #tpu.memory_space<vmem>>) semaphore(%arg19 : memref<!tpu.dma_semaphore, #tpu.memory_space<semaphore_mem>>) {add = true}
      %ge3A_244 = arith.constant 2 : i32
      %ge3A_245 = arith.cmpi sge, %add3A_226, %ge3A_244 : i32
      %convert_element_type3A_246 = arith.extui %ge3A_245 : i1 to i32
      %cond3A_247 = arith.constant 0 : i32
      %cond3A_248 = arith.cmpi ne, %convert_element_type3A_246, %cond3A_247 : i32
      scf.if %cond3A_248 {
        %dma_wait3A_443 = arith.constant 0 : i32
        %dma_wait3A_444 = arith.constant 0 : i32
        %dma_wait3A_445 = tpu.memref_slice %arg8[%dma_wait3A_443, %dma_wait3A_444] : memref<80x125xi32, #tpu.memory_space<vmem>> -> memref<1x125xi32, #tpu.memory_space<vmem>>
        %dma_wait3A_446 = tpu.memref_squeeze %dma_wait3A_445 : memref<1x125xi32, #tpu.memory_space<vmem>> -> memref<125xi32, #tpu.memory_space<vmem>>
        %dma_wait3A_447 = arith.constant 0 : i32
        %dma_wait3A_448 = arith.constant 0 : i32
        %dma_wait3A_449 = tpu.memref_slice %arg17[%dma_wait3A_447, %dma_wait3A_448] : memref<10240x64xf32, #tpu.memory_space<vmem_shared>> -> memref<10240x64xf32, #tpu.memory_space<vmem_shared>>
        tpu.wait_indirect_dma semaphore(%arg19 : memref<!tpu.dma_semaphore, #tpu.memory_space<semaphore_mem>>) src(%arg16 : memref<125x64xf32, #tpu.memory_space<vmem>>) dst(%dma_wait3A_449 : memref<10240x64xf32, #tpu.memory_space<vmem_shared>>)
      } else {
      }
      %add3A_249 = arith.constant 6 : i32
      %add3A_250 = arith.addi %add3A_226, %add3A_249 : i32
      %lt3A_251 = arith.constant 80 : i32
      %lt3A_252 = arith.cmpi slt, %add3A_250, %lt3A_251 : i32
      %convert_element_type3A_253 = arith.extui %lt3A_252 : i1 to i32
      %cond3A_254 = arith.constant 0 : i32
      %cond3A_255 = arith.cmpi ne, %convert_element_type3A_253, %cond3A_254 : i32
      scf.if %cond3A_255 {
        %add3A_443 = arith.constant 6 : i32
        %add3A_444 = arith.addi %add3A_226, %add3A_443 : i32
        %dma_start3A_445 = arith.constant 0 : i32
        %dma_start3A_446 = tpu.memref_slice %arg7[%add3A_444, %dma_start3A_445] : memref<80x125xi32, #tpu.memory_space<vmem>> -> memref<1x125xi32, #tpu.memory_space<vmem>>
        %dma_start3A_447 = tpu.memref_squeeze %dma_start3A_446 : memref<1x125xi32, #tpu.memory_space<vmem>> -> memref<125xi32, #tpu.memory_space<vmem>>
        %dma_start3A_448 = arith.constant 0 : i32
        %dma_start3A_449 = arith.constant 0 : i32
        %dma_start3A_450 = tpu.memref_slice %arg2[%add3A_1, %dma_start3A_448, %dma_start3A_449] : memref<4x10240x64xf32, #tpu.memory_space<hbm>> -> memref<1x10240x64xf32, #tpu.memory_space<hbm>>
        %dma_start3A_451 = tpu.memref_squeeze %dma_start3A_450 : memref<1x10240x64xf32, #tpu.memory_space<hbm>> -> memref<10240x64xf32, #tpu.memory_space<hbm>>
        %dma_start3A_452 = arith.constant 0 : i32
        %dma_start3A_453 = arith.constant 0 : i32
        %dma_start3A_454 = tpu.memref_slice %dma_start3A_451[%dma_start3A_452, %dma_start3A_453] : memref<10240x64xf32, #tpu.memory_space<hbm>> -> memref<10240x64xf32, #tpu.memory_space<hbm>>
        tpu.enqueue_indirect_dma source(%dma_start3A_454 : memref<10240x64xf32, #tpu.memory_space<hbm>>) target(%arg16 : memref<125x64xf32, #tpu.memory_space<vmem>>) offsets(%dma_start3A_447 : memref<125xi32, #tpu.memory_space<vmem>>) semaphore(%arg18 : memref<!tpu.dma_semaphore, #tpu.memory_space<semaphore_mem>>)
      } else {
      }
      %add3A_256 = arith.constant 2 : i32
      %add3A_257 = arith.addi %mul3A_197, %add3A_256 : i32
      %dma_wait3A_258 = arith.constant 0 : i32
      %dma_wait3A_259 = arith.constant 0 : i32
      %dma_wait3A_260 = tpu.memref_slice %arg7[%dma_wait3A_258, %dma_wait3A_259] : memref<80x125xi32, #tpu.memory_space<vmem>> -> memref<1x125xi32, #tpu.memory_space<vmem>>
      %dma_wait3A_261 = tpu.memref_squeeze %dma_wait3A_260 : memref<1x125xi32, #tpu.memory_space<vmem>> -> memref<125xi32, #tpu.memory_space<vmem>>
      %dma_wait3A_262 = arith.constant 0 : i32
      %dma_wait3A_263 = arith.constant 0 : i32
      %dma_wait3A_264 = tpu.memref_slice %arg2[%add3A_1, %dma_wait3A_262, %dma_wait3A_263] : memref<4x10240x64xf32, #tpu.memory_space<hbm>> -> memref<1x10240x64xf32, #tpu.memory_space<hbm>>
      %dma_wait3A_265 = tpu.memref_squeeze %dma_wait3A_264 : memref<1x10240x64xf32, #tpu.memory_space<hbm>> -> memref<10240x64xf32, #tpu.memory_space<hbm>>
      %dma_wait3A_266 = arith.constant 0 : i32
      %dma_wait3A_267 = arith.constant 0 : i32
      %dma_wait3A_268 = tpu.memref_slice %dma_wait3A_265[%dma_wait3A_266, %dma_wait3A_267] : memref<10240x64xf32, #tpu.memory_space<hbm>> -> memref<10240x64xf32, #tpu.memory_space<hbm>>
      tpu.wait_indirect_dma semaphore(%arg18 : memref<!tpu.dma_semaphore, #tpu.memory_space<semaphore_mem>>) src(%dma_wait3A_268 : memref<10240x64xf32, #tpu.memory_space<hbm>>) dst(%arg11 : memref<125x64xf32, #tpu.memory_space<vmem>>)
      %dma_start3A_269 = arith.constant 0 : i32
      %dma_start3A_270 = tpu.memref_slice %arg8[%add3A_257, %dma_start3A_269] : memref<80x125xi32, #tpu.memory_space<vmem>> -> memref<1x125xi32, #tpu.memory_space<vmem>>
      %dma_start3A_271 = tpu.memref_squeeze %dma_start3A_270 : memref<1x125xi32, #tpu.memory_space<vmem>> -> memref<125xi32, #tpu.memory_space<vmem>>
      %dma_start3A_272 = arith.constant 0 : i32
      %dma_start3A_273 = arith.constant 0 : i32
      %dma_start3A_274 = tpu.memref_slice %arg17[%dma_start3A_272, %dma_start3A_273] : memref<10240x64xf32, #tpu.memory_space<vmem_shared>> -> memref<10240x64xf32, #tpu.memory_space<vmem_shared>>
      tpu.enqueue_indirect_dma source(%arg11 : memref<125x64xf32, #tpu.memory_space<vmem>>) target(%dma_start3A_274 : memref<10240x64xf32, #tpu.memory_space<vmem_shared>>) offsets(%dma_start3A_271 : memref<125xi32, #tpu.memory_space<vmem>>) semaphore(%arg19 : memref<!tpu.dma_semaphore, #tpu.memory_space<semaphore_mem>>) {add = true}
      %ge3A_275 = arith.constant 2 : i32
      %ge3A_276 = arith.cmpi sge, %add3A_257, %ge3A_275 : i32
      %convert_element_type3A_277 = arith.extui %ge3A_276 : i1 to i32
      %cond3A_278 = arith.constant 0 : i32
      %cond3A_279 = arith.cmpi ne, %convert_element_type3A_277, %cond3A_278 : i32
      scf.if %cond3A_279 {
        %dma_wait3A_443 = arith.constant 0 : i32
        %dma_wait3A_444 = arith.constant 0 : i32
        %dma_wait3A_445 = tpu.memref_slice %arg8[%dma_wait3A_443, %dma_wait3A_444] : memref<80x125xi32, #tpu.memory_space<vmem>> -> memref<1x125xi32, #tpu.memory_space<vmem>>
        %dma_wait3A_446 = tpu.memref_squeeze %dma_wait3A_445 : memref<1x125xi32, #tpu.memory_space<vmem>> -> memref<125xi32, #tpu.memory_space<vmem>>
        %dma_wait3A_447 = arith.constant 0 : i32
        %dma_wait3A_448 = arith.constant 0 : i32
        %dma_wait3A_449 = tpu.memref_slice %arg17[%dma_wait3A_447, %dma_wait3A_448] : memref<10240x64xf32, #tpu.memory_space<vmem_shared>> -> memref<10240x64xf32, #tpu.memory_space<vmem_shared>>
        tpu.wait_indirect_dma semaphore(%arg19 : memref<!tpu.dma_semaphore, #tpu.memory_space<semaphore_mem>>) src(%arg9 : memref<125x64xf32, #tpu.memory_space<vmem>>) dst(%dma_wait3A_449 : memref<10240x64xf32, #tpu.memory_space<vmem_shared>>)
      } else {
      }
      %add3A_280 = arith.constant 6 : i32
      %add3A_281 = arith.addi %add3A_257, %add3A_280 : i32
      %lt3A_282 = arith.constant 80 : i32
      %lt3A_283 = arith.cmpi slt, %add3A_281, %lt3A_282 : i32
      %convert_element_type3A_284 = arith.extui %lt3A_283 : i1 to i32
      %cond3A_285 = arith.constant 0 : i32
      %cond3A_286 = arith.cmpi ne, %convert_element_type3A_284, %cond3A_285 : i32
      scf.if %cond3A_286 {
        %add3A_443 = arith.constant 6 : i32
        %add3A_444 = arith.addi %add3A_257, %add3A_443 : i32
        %dma_start3A_445 = arith.constant 0 : i32
        %dma_start3A_446 = tpu.memref_slice %arg7[%add3A_444, %dma_start3A_445] : memref<80x125xi32, #tpu.memory_space<vmem>> -> memref<1x125xi32, #tpu.memory_space<vmem>>
        %dma_start3A_447 = tpu.memref_squeeze %dma_start3A_446 : memref<1x125xi32, #tpu.memory_space<vmem>> -> memref<125xi32, #tpu.memory_space<vmem>>
        %dma_start3A_448 = arith.constant 0 : i32
        %dma_start3A_449 = arith.constant 0 : i32
        %dma_start3A_450 = tpu.memref_slice %arg2[%add3A_1, %dma_start3A_448, %dma_start3A_449] : memref<4x10240x64xf32, #tpu.memory_space<hbm>> -> memref<1x10240x64xf32, #tpu.memory_space<hbm>>
        %dma_start3A_451 = tpu.memref_squeeze %dma_start3A_450 : memref<1x10240x64xf32, #tpu.memory_space<hbm>> -> memref<10240x64xf32, #tpu.memory_space<hbm>>
        %dma_start3A_452 = arith.constant 0 : i32
        %dma_start3A_453 = arith.constant 0 : i32
        %dma_start3A_454 = tpu.memref_slice %dma_start3A_451[%dma_start3A_452, %dma_start3A_453] : memref<10240x64xf32, #tpu.memory_space<hbm>> -> memref<10240x64xf32, #tpu.memory_space<hbm>>
        tpu.enqueue_indirect_dma source(%dma_start3A_454 : memref<10240x64xf32, #tpu.memory_space<hbm>>) target(%arg9 : memref<125x64xf32, #tpu.memory_space<vmem>>) offsets(%dma_start3A_447 : memref<125xi32, #tpu.memory_space<vmem>>) semaphore(%arg18 : memref<!tpu.dma_semaphore, #tpu.memory_space<semaphore_mem>>)
      } else {
      }
      %add3A_287 = arith.constant 3 : i32
      %add3A_288 = arith.addi %mul3A_197, %add3A_287 : i32
      %dma_wait3A_289 = arith.constant 0 : i32
      %dma_wait3A_290 = arith.constant 0 : i32
      %dma_wait3A_291 = tpu.memref_slice %arg7[%dma_wait3A_289, %dma_wait3A_290] : memref<80x125xi32, #tpu.memory_space<vmem>> -> memref<1x125xi32, #tpu.memory_space<vmem>>
      %dma_wait3A_292 = tpu.memref_squeeze %dma_wait3A_291 : memref<1x125xi32, #tpu.memory_space<vmem>> -> memref<125xi32, #tpu.memory_space<vmem>>
      %dma_wait3A_293 = arith.constant 0 : i32
      %dma_wait3A_294 = arith.constant 0 : i32
      %dma_wait3A_295 = tpu.memref_slice %arg2[%add3A_1, %dma_wait3A_293, %dma_wait3A_294] : memref<4x10240x64xf32, #tpu.memory_space<hbm>> -> memref<1x10240x64xf32, #tpu.memory_space<hbm>>
      %dma_wait3A_296 = tpu.memref_squeeze %dma_wait3A_295 : memref<1x10240x64xf32, #tpu.memory_space<hbm>> -> memref<10240x64xf32, #tpu.memory_space<hbm>>
      %dma_wait3A_297 = arith.constant 0 : i32
      %dma_wait3A_298 = arith.constant 0 : i32
      %dma_wait3A_299 = tpu.memref_slice %dma_wait3A_296[%dma_wait3A_297, %dma_wait3A_298] : memref<10240x64xf32, #tpu.memory_space<hbm>> -> memref<10240x64xf32, #tpu.memory_space<hbm>>
      tpu.wait_indirect_dma semaphore(%arg18 : memref<!tpu.dma_semaphore, #tpu.memory_space<semaphore_mem>>) src(%dma_wait3A_299 : memref<10240x64xf32, #tpu.memory_space<hbm>>) dst(%arg12 : memref<125x64xf32, #tpu.memory_space<vmem>>)
      %dma_start3A_300 = arith.constant 0 : i32
      %dma_start3A_301 = tpu.memref_slice %arg8[%add3A_288, %dma_start3A_300] : memref<80x125xi32, #tpu.memory_space<vmem>> -> memref<1x125xi32, #tpu.memory_space<vmem>>
      %dma_start3A_302 = tpu.memref_squeeze %dma_start3A_301 : memref<1x125xi32, #tpu.memory_space<vmem>> -> memref<125xi32, #tpu.memory_space<vmem>>
      %dma_start3A_303 = arith.constant 0 : i32
      %dma_start3A_304 = arith.constant 0 : i32
      %dma_start3A_305 = tpu.memref_slice %arg17[%dma_start3A_303, %dma_start3A_304] : memref<10240x64xf32, #tpu.memory_space<vmem_shared>> -> memref<10240x64xf32, #tpu.memory_space<vmem_shared>>
      tpu.enqueue_indirect_dma source(%arg12 : memref<125x64xf32, #tpu.memory_space<vmem>>) target(%dma_start3A_305 : memref<10240x64xf32, #tpu.memory_space<vmem_shared>>) offsets(%dma_start3A_302 : memref<125xi32, #tpu.memory_space<vmem>>) semaphore(%arg19 : memref<!tpu.dma_semaphore, #tpu.memory_space<semaphore_mem>>) {add = true}
      %ge3A_306 = arith.constant 2 : i32
      %ge3A_307 = arith.cmpi sge, %add3A_288, %ge3A_306 : i32
      %convert_element_type3A_308 = arith.extui %ge3A_307 : i1 to i32
      %cond3A_309 = arith.constant 0 : i32
      %cond3A_310 = arith.cmpi ne, %convert_element_type3A_308, %cond3A_309 : i32
      scf.if %cond3A_310 {
        %dma_wait3A_443 = arith.constant 0 : i32
        %dma_wait3A_444 = arith.constant 0 : i32
        %dma_wait3A_445 = tpu.memref_slice %arg8[%dma_wait3A_443, %dma_wait3A_444] : memref<80x125xi32, #tpu.memory_space<vmem>> -> memref<1x125xi32, #tpu.memory_space<vmem>>
        %dma_wait3A_446 = tpu.memref_squeeze %dma_wait3A_445 : memref<1x125xi32, #tpu.memory_space<vmem>> -> memref<125xi32, #tpu.memory_space<vmem>>
        %dma_wait3A_447 = arith.constant 0 : i32
        %dma_wait3A_448 = arith.constant 0 : i32
        %dma_wait3A_449 = tpu.memref_slice %arg17[%dma_wait3A_447, %dma_wait3A_448] : memref<10240x64xf32, #tpu.memory_space<vmem_shared>> -> memref<10240x64xf32, #tpu.memory_space<vmem_shared>>
        tpu.wait_indirect_dma semaphore(%arg19 : memref<!tpu.dma_semaphore, #tpu.memory_space<semaphore_mem>>) src(%arg10 : memref<125x64xf32, #tpu.memory_space<vmem>>) dst(%dma_wait3A_449 : memref<10240x64xf32, #tpu.memory_space<vmem_shared>>)
      } else {
      }
      %add3A_311 = arith.constant 6 : i32
      %add3A_312 = arith.addi %add3A_288, %add3A_311 : i32
      %lt3A_313 = arith.constant 80 : i32
      %lt3A_314 = arith.cmpi slt, %add3A_312, %lt3A_313 : i32
      %convert_element_type3A_315 = arith.extui %lt3A_314 : i1 to i32
      %cond3A_316 = arith.constant 0 : i32
      %cond3A_317 = arith.cmpi ne, %convert_element_type3A_315, %cond3A_316 : i32
      scf.if %cond3A_317 {
        %add3A_443 = arith.constant 6 : i32
        %add3A_444 = arith.addi %add3A_288, %add3A_443 : i32
        %dma_start3A_445 = arith.constant 0 : i32
        %dma_start3A_446 = tpu.memref_slice %arg7[%add3A_444, %dma_start3A_445] : memref<80x125xi32, #tpu.memory_space<vmem>> -> memref<1x125xi32, #tpu.memory_space<vmem>>
        %dma_start3A_447 = tpu.memref_squeeze %dma_start3A_446 : memref<1x125xi32, #tpu.memory_space<vmem>> -> memref<125xi32, #tpu.memory_space<vmem>>
        %dma_start3A_448 = arith.constant 0 : i32
        %dma_start3A_449 = arith.constant 0 : i32
        %dma_start3A_450 = tpu.memref_slice %arg2[%add3A_1, %dma_start3A_448, %dma_start3A_449] : memref<4x10240x64xf32, #tpu.memory_space<hbm>> -> memref<1x10240x64xf32, #tpu.memory_space<hbm>>
        %dma_start3A_451 = tpu.memref_squeeze %dma_start3A_450 : memref<1x10240x64xf32, #tpu.memory_space<hbm>> -> memref<10240x64xf32, #tpu.memory_space<hbm>>
        %dma_start3A_452 = arith.constant 0 : i32
        %dma_start3A_453 = arith.constant 0 : i32
        %dma_start3A_454 = tpu.memref_slice %dma_start3A_451[%dma_start3A_452, %dma_start3A_453] : memref<10240x64xf32, #tpu.memory_space<hbm>> -> memref<10240x64xf32, #tpu.memory_space<hbm>>
        tpu.enqueue_indirect_dma source(%dma_start3A_454 : memref<10240x64xf32, #tpu.memory_space<hbm>>) target(%arg10 : memref<125x64xf32, #tpu.memory_space<vmem>>) offsets(%dma_start3A_447 : memref<125xi32, #tpu.memory_space<vmem>>) semaphore(%arg18 : memref<!tpu.dma_semaphore, #tpu.memory_space<semaphore_mem>>)
      } else {
      }
      %add3A_318 = arith.constant 4 : i32
      %add3A_319 = arith.addi %mul3A_197, %add3A_318 : i32
      %dma_wait3A_320 = arith.constant 0 : i32
      %dma_wait3A_321 = arith.constant 0 : i32
      %dma_wait3A_322 = tpu.memref_slice %arg7[%dma_wait3A_320, %dma_wait3A_321] : memref<80x125xi32, #tpu.memory_space<vmem>> -> memref<1x125xi32, #tpu.memory_space<vmem>>
      %dma_wait3A_323 = tpu.memref_squeeze %dma_wait3A_322 : memref<1x125xi32, #tpu.memory_space<vmem>> -> memref<125xi32, #tpu.memory_space<vmem>>
      %dma_wait3A_324 = arith.constant 0 : i32
      %dma_wait3A_325 = arith.constant 0 : i32
      %dma_wait3A_326 = tpu.memref_slice %arg2[%add3A_1, %dma_wait3A_324, %dma_wait3A_325] : memref<4x10240x64xf32, #tpu.memory_space<hbm>> -> memref<1x10240x64xf32, #tpu.memory_space<hbm>>
      %dma_wait3A_327 = tpu.memref_squeeze %dma_wait3A_326 : memref<1x10240x64xf32, #tpu.memory_space<hbm>> -> memref<10240x64xf32, #tpu.memory_space<hbm>>
      %dma_wait3A_328 = arith.constant 0 : i32
      %dma_wait3A_329 = arith.constant 0 : i32
      %dma_wait3A_330 = tpu.memref_slice %dma_wait3A_327[%dma_wait3A_328, %dma_wait3A_329] : memref<10240x64xf32, #tpu.memory_space<hbm>> -> memref<10240x64xf32, #tpu.memory_space<hbm>>
      tpu.wait_indirect_dma semaphore(%arg18 : memref<!tpu.dma_semaphore, #tpu.memory_space<semaphore_mem>>) src(%dma_wait3A_330 : memref<10240x64xf32, #tpu.memory_space<hbm>>) dst(%arg13 : memref<125x64xf32, #tpu.memory_space<vmem>>)
      %dma_start3A_331 = arith.constant 0 : i32
      %dma_start3A_332 = tpu.memref_slice %arg8[%add3A_319, %dma_start3A_331] : memref<80x125xi32, #tpu.memory_space<vmem>> -> memref<1x125xi32, #tpu.memory_space<vmem>>
      %dma_start3A_333 = tpu.memref_squeeze %dma_start3A_332 : memref<1x125xi32, #tpu.memory_space<vmem>> -> memref<125xi32, #tpu.memory_space<vmem>>
      %dma_start3A_334 = arith.constant 0 : i32
      %dma_start3A_335 = arith.constant 0 : i32
      %dma_start3A_336 = tpu.memref_slice %arg17[%dma_start3A_334, %dma_start3A_335] : memref<10240x64xf32, #tpu.memory_space<vmem_shared>> -> memref<10240x64xf32, #tpu.memory_space<vmem_shared>>
      tpu.enqueue_indirect_dma source(%arg13 : memref<125x64xf32, #tpu.memory_space<vmem>>) target(%dma_start3A_336 : memref<10240x64xf32, #tpu.memory_space<vmem_shared>>) offsets(%dma_start3A_333 : memref<125xi32, #tpu.memory_space<vmem>>) semaphore(%arg19 : memref<!tpu.dma_semaphore, #tpu.memory_space<semaphore_mem>>) {add = true}
      %ge3A_337 = arith.constant 2 : i32
      %ge3A_338 = arith.cmpi sge, %add3A_319, %ge3A_337 : i32
      %convert_element_type3A_339 = arith.extui %ge3A_338 : i1 to i32
      %cond3A_340 = arith.constant 0 : i32
      %cond3A_341 = arith.cmpi ne, %convert_element_type3A_339, %cond3A_340 : i32
      scf.if %cond3A_341 {
        %dma_wait3A_443 = arith.constant 0 : i32
        %dma_wait3A_444 = arith.constant 0 : i32
        %dma_wait3A_445 = tpu.memref_slice %arg8[%dma_wait3A_443, %dma_wait3A_444] : memref<80x125xi32, #tpu.memory_space<vmem>> -> memref<1x125xi32, #tpu.memory_space<vmem>>
        %dma_wait3A_446 = tpu.memref_squeeze %dma_wait3A_445 : memref<1x125xi32, #tpu.memory_space<vmem>> -> memref<125xi32, #tpu.memory_space<vmem>>
        %dma_wait3A_447 = arith.constant 0 : i32
        %dma_wait3A_448 = arith.constant 0 : i32
        %dma_wait3A_449 = tpu.memref_slice %arg17[%dma_wait3A_447, %dma_wait3A_448] : memref<10240x64xf32, #tpu.memory_space<vmem_shared>> -> memref<10240x64xf32, #tpu.memory_space<vmem_shared>>
        tpu.wait_indirect_dma semaphore(%arg19 : memref<!tpu.dma_semaphore, #tpu.memory_space<semaphore_mem>>) src(%arg11 : memref<125x64xf32, #tpu.memory_space<vmem>>) dst(%dma_wait3A_449 : memref<10240x64xf32, #tpu.memory_space<vmem_shared>>)
      } else {
      }
      %add3A_342 = arith.constant 6 : i32
      %add3A_343 = arith.addi %add3A_319, %add3A_342 : i32
      %lt3A_344 = arith.constant 80 : i32
      %lt3A_345 = arith.cmpi slt, %add3A_343, %lt3A_344 : i32
      %convert_element_type3A_346 = arith.extui %lt3A_345 : i1 to i32
      %cond3A_347 = arith.constant 0 : i32
      %cond3A_348 = arith.cmpi ne, %convert_element_type3A_346, %cond3A_347 : i32
      scf.if %cond3A_348 {
        %add3A_443 = arith.constant 6 : i32
        %add3A_444 = arith.addi %add3A_319, %add3A_443 : i32
        %dma_start3A_445 = arith.constant 0 : i32
        %dma_start3A_446 = tpu.memref_slice %arg7[%add3A_444, %dma_start3A_445] : memref<80x125xi32, #tpu.memory_space<vmem>> -> memref<1x125xi32, #tpu.memory_space<vmem>>
        %dma_start3A_447 = tpu.memref_squeeze %dma_start3A_446 : memref<1x125xi32, #tpu.memory_space<vmem>> -> memref<125xi32, #tpu.memory_space<vmem>>
        %dma_start3A_448 = arith.constant 0 : i32
        %dma_start3A_449 = arith.constant 0 : i32
        %dma_start3A_450 = tpu.memref_slice %arg2[%add3A_1, %dma_start3A_448, %dma_start3A_449] : memref<4x10240x64xf32, #tpu.memory_space<hbm>> -> memref<1x10240x64xf32, #tpu.memory_space<hbm>>
        %dma_start3A_451 = tpu.memref_squeeze %dma_start3A_450 : memref<1x10240x64xf32, #tpu.memory_space<hbm>> -> memref<10240x64xf32, #tpu.memory_space<hbm>>
        %dma_start3A_452 = arith.constant 0 : i32
        %dma_start3A_453 = arith.constant 0 : i32
        %dma_start3A_454 = tpu.memref_slice %dma_start3A_451[%dma_start3A_452, %dma_start3A_453] : memref<10240x64xf32, #tpu.memory_space<hbm>> -> memref<10240x64xf32, #tpu.memory_space<hbm>>
        tpu.enqueue_indirect_dma source(%dma_start3A_454 : memref<10240x64xf32, #tpu.memory_space<hbm>>) target(%arg11 : memref<125x64xf32, #tpu.memory_space<vmem>>) offsets(%dma_start3A_447 : memref<125xi32, #tpu.memory_space<vmem>>) semaphore(%arg18 : memref<!tpu.dma_semaphore, #tpu.memory_space<semaphore_mem>>)
      } else {
      }
      %add3A_349 = arith.constant 5 : i32
      %add3A_350 = arith.addi %mul3A_197, %add3A_349 : i32
      %dma_wait3A_351 = arith.constant 0 : i32
      %dma_wait3A_352 = arith.constant 0 : i32
      %dma_wait3A_353 = tpu.memref_slice %arg7[%dma_wait3A_351, %dma_wait3A_352] : memref<80x125xi32, #tpu.memory_space<vmem>> -> memref<1x125xi32, #tpu.memory_space<vmem>>
      %dma_wait3A_354 = tpu.memref_squeeze %dma_wait3A_353 : memref<1x125xi32, #tpu.memory_space<vmem>> -> memref<125xi32, #tpu.memory_space<vmem>>
      %dma_wait3A_355 = arith.constant 0 : i32
      %dma_wait3A_356 = arith.constant 0 : i32
      %dma_wait3A_357 = tpu.memref_slice %arg2[%add3A_1, %dma_wait3A_355, %dma_wait3A_356] : memref<4x10240x64xf32, #tpu.memory_space<hbm>> -> memref<1x10240x64xf32, #tpu.memory_space<hbm>>
      %dma_wait3A_358 = tpu.memref_squeeze %dma_wait3A_357 : memref<1x10240x64xf32, #tpu.memory_space<hbm>> -> memref<10240x64xf32, #tpu.memory_space<hbm>>
      %dma_wait3A_359 = arith.constant 0 : i32
      %dma_wait3A_360 = arith.constant 0 : i32
      %dma_wait3A_361 = tpu.memref_slice %dma_wait3A_358[%dma_wait3A_359, %dma_wait3A_360] : memref<10240x64xf32, #tpu.memory_space<hbm>> -> memref<10240x64xf32, #tpu.memory_space<hbm>>
      tpu.wait_indirect_dma semaphore(%arg18 : memref<!tpu.dma_semaphore, #tpu.memory_space<semaphore_mem>>) src(%dma_wait3A_361 : memref<10240x64xf32, #tpu.memory_space<hbm>>) dst(%arg14 : memref<125x64xf32, #tpu.memory_space<vmem>>)
      %dma_start3A_362 = arith.constant 0 : i32
      %dma_start3A_363 = tpu.memref_slice %arg8[%add3A_350, %dma_start3A_362] : memref<80x125xi32, #tpu.memory_space<vmem>> -> memref<1x125xi32, #tpu.memory_space<vmem>>
      %dma_start3A_364 = tpu.memref_squeeze %dma_start3A_363 : memref<1x125xi32, #tpu.memory_space<vmem>> -> memref<125xi32, #tpu.memory_space<vmem>>
      %dma_start3A_365 = arith.constant 0 : i32
      %dma_start3A_366 = arith.constant 0 : i32
      %dma_start3A_367 = tpu.memref_slice %arg17[%dma_start3A_365, %dma_start3A_366] : memref<10240x64xf32, #tpu.memory_space<vmem_shared>> -> memref<10240x64xf32, #tpu.memory_space<vmem_shared>>
      tpu.enqueue_indirect_dma source(%arg14 : memref<125x64xf32, #tpu.memory_space<vmem>>) target(%dma_start3A_367 : memref<10240x64xf32, #tpu.memory_space<vmem_shared>>) offsets(%dma_start3A_364 : memref<125xi32, #tpu.memory_space<vmem>>) semaphore(%arg19 : memref<!tpu.dma_semaphore, #tpu.memory_space<semaphore_mem>>) {add = true}
      %ge3A_368 = arith.constant 2 : i32
      %ge3A_369 = arith.cmpi sge, %add3A_350, %ge3A_368 : i32
      %convert_element_type3A_370 = arith.extui %ge3A_369 : i1 to i32
      %cond3A_371 = arith.constant 0 : i32
      %cond3A_372 = arith.cmpi ne, %convert_element_type3A_370, %cond3A_371 : i32
      scf.if %cond3A_372 {
        %dma_wait3A_443 = arith.constant 0 : i32
        %dma_wait3A_444 = arith.constant 0 : i32
        %dma_wait3A_445 = tpu.memref_slice %arg8[%dma_wait3A_443, %dma_wait3A_444] : memref<80x125xi32, #tpu.memory_space<vmem>> -> memref<1x125xi32, #tpu.memory_space<vmem>>
        %dma_wait3A_446 = tpu.memref_squeeze %dma_wait3A_445 : memref<1x125xi32, #tpu.memory_space<vmem>> -> memref<125xi32, #tpu.memory_space<vmem>>
        %dma_wait3A_447 = arith.constant 0 : i32
        %dma_wait3A_448 = arith.constant 0 : i32
        %dma_wait3A_449 = tpu.memref_slice %arg17[%dma_wait3A_447, %dma_wait3A_448] : memref<10240x64xf32, #tpu.memory_space<vmem_shared>> -> memref<10240x64xf32, #tpu.memory_space<vmem_shared>>
        tpu.wait_indirect_dma semaphore(%arg19 : memref<!tpu.dma_semaphore, #tpu.memory_space<semaphore_mem>>) src(%arg12 : memref<125x64xf32, #tpu.memory_space<vmem>>) dst(%dma_wait3A_449 : memref<10240x64xf32, #tpu.memory_space<vmem_shared>>)
      } else {
      }
      %add3A_373 = arith.constant 6 : i32
      %add3A_374 = arith.addi %add3A_350, %add3A_373 : i32
      %lt3A_375 = arith.constant 80 : i32
      %lt3A_376 = arith.cmpi slt, %add3A_374, %lt3A_375 : i32
      %convert_element_type3A_377 = arith.extui %lt3A_376 : i1 to i32
      %cond3A_378 = arith.constant 0 : i32
      %cond3A_379 = arith.cmpi ne, %convert_element_type3A_377, %cond3A_378 : i32
      scf.if %cond3A_379 {
        %add3A_443 = arith.constant 6 : i32
        %add3A_444 = arith.addi %add3A_350, %add3A_443 : i32
        %dma_start3A_445 = arith.constant 0 : i32
        %dma_start3A_446 = tpu.memref_slice %arg7[%add3A_444, %dma_start3A_445] : memref<80x125xi32, #tpu.memory_space<vmem>> -> memref<1x125xi32, #tpu.memory_space<vmem>>
        %dma_start3A_447 = tpu.memref_squeeze %dma_start3A_446 : memref<1x125xi32, #tpu.memory_space<vmem>> -> memref<125xi32, #tpu.memory_space<vmem>>
        %dma_start3A_448 = arith.constant 0 : i32
        %dma_start3A_449 = arith.constant 0 : i32
        %dma_start3A_450 = tpu.memref_slice %arg2[%add3A_1, %dma_start3A_448, %dma_start3A_449] : memref<4x10240x64xf32, #tpu.memory_space<hbm>> -> memref<1x10240x64xf32, #tpu.memory_space<hbm>>
        %dma_start3A_451 = tpu.memref_squeeze %dma_start3A_450 : memref<1x10240x64xf32, #tpu.memory_space<hbm>> -> memref<10240x64xf32, #tpu.memory_space<hbm>>
        %dma_start3A_452 = arith.constant 0 : i32
        %dma_start3A_453 = arith.constant 0 : i32
        %dma_start3A_454 = tpu.memref_slice %dma_start3A_451[%dma_start3A_452, %dma_start3A_453] : memref<10240x64xf32, #tpu.memory_space<hbm>> -> memref<10240x64xf32, #tpu.memory_space<hbm>>
        tpu.enqueue_indirect_dma source(%dma_start3A_454 : memref<10240x64xf32, #tpu.memory_space<hbm>>) target(%arg12 : memref<125x64xf32, #tpu.memory_space<vmem>>) offsets(%dma_start3A_447 : memref<125xi32, #tpu.memory_space<vmem>>) semaphore(%arg18 : memref<!tpu.dma_semaphore, #tpu.memory_space<semaphore_mem>>)
      } else {
      }
      %add3A_380 = arith.constant 6 : i32
      %add3A_381 = arith.addi %mul3A_197, %add3A_380 : i32
      %dma_wait3A_382 = arith.constant 0 : i32
      %dma_wait3A_383 = arith.constant 0 : i32
      %dma_wait3A_384 = tpu.memref_slice %arg7[%dma_wait3A_382, %dma_wait3A_383] : memref<80x125xi32, #tpu.memory_space<vmem>> -> memref<1x125xi32, #tpu.memory_space<vmem>>
      %dma_wait3A_385 = tpu.memref_squeeze %dma_wait3A_384 : memref<1x125xi32, #tpu.memory_space<vmem>> -> memref<125xi32, #tpu.memory_space<vmem>>
      %dma_wait3A_386 = arith.constant 0 : i32
      %dma_wait3A_387 = arith.constant 0 : i32
      %dma_wait3A_388 = tpu.memref_slice %arg2[%add3A_1, %dma_wait3A_386, %dma_wait3A_387] : memref<4x10240x64xf32, #tpu.memory_space<hbm>> -> memref<1x10240x64xf32, #tpu.memory_space<hbm>>
      %dma_wait3A_389 = tpu.memref_squeeze %dma_wait3A_388 : memref<1x10240x64xf32, #tpu.memory_space<hbm>> -> memref<10240x64xf32, #tpu.memory_space<hbm>>
      %dma_wait3A_390 = arith.constant 0 : i32
      %dma_wait3A_391 = arith.constant 0 : i32
      %dma_wait3A_392 = tpu.memref_slice %dma_wait3A_389[%dma_wait3A_390, %dma_wait3A_391] : memref<10240x64xf32, #tpu.memory_space<hbm>> -> memref<10240x64xf32, #tpu.memory_space<hbm>>
      tpu.wait_indirect_dma semaphore(%arg18 : memref<!tpu.dma_semaphore, #tpu.memory_space<semaphore_mem>>) src(%dma_wait3A_392 : memref<10240x64xf32, #tpu.memory_space<hbm>>) dst(%arg15 : memref<125x64xf32, #tpu.memory_space<vmem>>)
      %dma_start3A_393 = arith.constant 0 : i32
      %dma_start3A_394 = tpu.memref_slice %arg8[%add3A_381, %dma_start3A_393] : memref<80x125xi32, #tpu.memory_space<vmem>> -> memref<1x125xi32, #tpu.memory_space<vmem>>
      %dma_start3A_395 = tpu.memref_squeeze %dma_start3A_394 : memref<1x125xi32, #tpu.memory_space<vmem>> -> memref<125xi32, #tpu.memory_space<vmem>>
      %dma_start3A_396 = arith.constant 0 : i32
      %dma_start3A_397 = arith.constant 0 : i32
      %dma_start3A_398 = tpu.memref_slice %arg17[%dma_start3A_396, %dma_start3A_397] : memref<10240x64xf32, #tpu.memory_space<vmem_shared>> -> memref<10240x64xf32, #tpu.memory_space<vmem_shared>>
      tpu.enqueue_indirect_dma source(%arg15 : memref<125x64xf32, #tpu.memory_space<vmem>>) target(%dma_start3A_398 : memref<10240x64xf32, #tpu.memory_space<vmem_shared>>) offsets(%dma_start3A_395 : memref<125xi32, #tpu.memory_space<vmem>>) semaphore(%arg19 : memref<!tpu.dma_semaphore, #tpu.memory_space<semaphore_mem>>) {add = true}
      %ge3A_399 = arith.constant 2 : i32
      %ge3A_400 = arith.cmpi sge, %add3A_381, %ge3A_399 : i32
      %convert_element_type3A_401 = arith.extui %ge3A_400 : i1 to i32
      %cond3A_402 = arith.constant 0 : i32
      %cond3A_403 = arith.cmpi ne, %convert_element_type3A_401, %cond3A_402 : i32
      scf.if %cond3A_403 {
        %dma_wait3A_443 = arith.constant 0 : i32
        %dma_wait3A_444 = arith.constant 0 : i32
        %dma_wait3A_445 = tpu.memref_slice %arg8[%dma_wait3A_443, %dma_wait3A_444] : memref<80x125xi32, #tpu.memory_space<vmem>> -> memref<1x125xi32, #tpu.memory_space<vmem>>
        %dma_wait3A_446 = tpu.memref_squeeze %dma_wait3A_445 : memref<1x125xi32, #tpu.memory_space<vmem>> -> memref<125xi32, #tpu.memory_space<vmem>>
        %dma_wait3A_447 = arith.constant 0 : i32
        %dma_wait3A_448 = arith.constant 0 : i32
        %dma_wait3A_449 = tpu.memref_slice %arg17[%dma_wait3A_447, %dma_wait3A_448] : memref<10240x64xf32, #tpu.memory_space<vmem_shared>> -> memref<10240x64xf32, #tpu.memory_space<vmem_shared>>
        tpu.wait_indirect_dma semaphore(%arg19 : memref<!tpu.dma_semaphore, #tpu.memory_space<semaphore_mem>>) src(%arg13 : memref<125x64xf32, #tpu.memory_space<vmem>>) dst(%dma_wait3A_449 : memref<10240x64xf32, #tpu.memory_space<vmem_shared>>)
      } else {
      }
      %add3A_404 = arith.constant 6 : i32
      %add3A_405 = arith.addi %add3A_381, %add3A_404 : i32
      %lt3A_406 = arith.constant 80 : i32
      %lt3A_407 = arith.cmpi slt, %add3A_405, %lt3A_406 : i32
      %convert_element_type3A_408 = arith.extui %lt3A_407 : i1 to i32
      %cond3A_409 = arith.constant 0 : i32
      %cond3A_410 = arith.cmpi ne, %convert_element_type3A_408, %cond3A_409 : i32
      scf.if %cond3A_410 {
        %add3A_443 = arith.constant 6 : i32
        %add3A_444 = arith.addi %add3A_381, %add3A_443 : i32
        %dma_start3A_445 = arith.constant 0 : i32
        %dma_start3A_446 = tpu.memref_slice %arg7[%add3A_444, %dma_start3A_445] : memref<80x125xi32, #tpu.memory_space<vmem>> -> memref<1x125xi32, #tpu.memory_space<vmem>>
        %dma_start3A_447 = tpu.memref_squeeze %dma_start3A_446 : memref<1x125xi32, #tpu.memory_space<vmem>> -> memref<125xi32, #tpu.memory_space<vmem>>
        %dma_start3A_448 = arith.constant 0 : i32
        %dma_start3A_449 = arith.constant 0 : i32
        %dma_start3A_450 = tpu.memref_slice %arg2[%add3A_1, %dma_start3A_448, %dma_start3A_449] : memref<4x10240x64xf32, #tpu.memory_space<hbm>> -> memref<1x10240x64xf32, #tpu.memory_space<hbm>>
        %dma_start3A_451 = tpu.memref_squeeze %dma_start3A_450 : memref<1x10240x64xf32, #tpu.memory_space<hbm>> -> memref<10240x64xf32, #tpu.memory_space<hbm>>
        %dma_start3A_452 = arith.constant 0 : i32
        %dma_start3A_453 = arith.constant 0 : i32
        %dma_start3A_454 = tpu.memref_slice %dma_start3A_451[%dma_start3A_452, %dma_start3A_453] : memref<10240x64xf32, #tpu.memory_space<hbm>> -> memref<10240x64xf32, #tpu.memory_space<hbm>>
        tpu.enqueue_indirect_dma source(%dma_start3A_454 : memref<10240x64xf32, #tpu.memory_space<hbm>>) target(%arg13 : memref<125x64xf32, #tpu.memory_space<vmem>>) offsets(%dma_start3A_447 : memref<125xi32, #tpu.memory_space<vmem>>) semaphore(%arg18 : memref<!tpu.dma_semaphore, #tpu.memory_space<semaphore_mem>>)
      } else {
      }
      %add3A_411 = arith.constant 7 : i32
      %add3A_412 = arith.addi %mul3A_197, %add3A_411 : i32
      %dma_wait3A_413 = arith.constant 0 : i32
      %dma_wait3A_414 = arith.constant 0 : i32
      %dma_wait3A_415 = tpu.memref_slice %arg7[%dma_wait3A_413, %dma_wait3A_414] : memref<80x125xi32, #tpu.memory_space<vmem>> -> memref<1x125xi32, #tpu.memory_space<vmem>>
      %dma_wait3A_416 = tpu.memref_squeeze %dma_wait3A_415 : memref<1x125xi32, #tpu.memory_space<vmem>> -> memref<125xi32, #tpu.memory_space<vmem>>
      %dma_wait3A_417 = arith.constant 0 : i32
      %dma_wait3A_418 = arith.constant 0 : i32
      %dma_wait3A_419 = tpu.memref_slice %arg2[%add3A_1, %dma_wait3A_417, %dma_wait3A_418] : memref<4x10240x64xf32, #tpu.memory_space<hbm>> -> memref<1x10240x64xf32, #tpu.memory_space<hbm>>
      %dma_wait3A_420 = tpu.memref_squeeze %dma_wait3A_419 : memref<1x10240x64xf32, #tpu.memory_space<hbm>> -> memref<10240x64xf32, #tpu.memory_space<hbm>>
      %dma_wait3A_421 = arith.constant 0 : i32
      %dma_wait3A_422 = arith.constant 0 : i32
      %dma_wait3A_423 = tpu.memref_slice %dma_wait3A_420[%dma_wait3A_421, %dma_wait3A_422] : memref<10240x64xf32, #tpu.memory_space<hbm>> -> memref<10240x64xf32, #tpu.memory_space<hbm>>
      tpu.wait_indirect_dma semaphore(%arg18 : memref<!tpu.dma_semaphore, #tpu.memory_space<semaphore_mem>>) src(%dma_wait3A_423 : memref<10240x64xf32, #tpu.memory_space<hbm>>) dst(%arg16 : memref<125x64xf32, #tpu.memory_space<vmem>>)
      %dma_start3A_424 = arith.constant 0 : i32
      %dma_start3A_425 = tpu.memref_slice %arg8[%add3A_412, %dma_start3A_424] : memref<80x125xi32, #tpu.memory_space<vmem>> -> memref<1x125xi32, #tpu.memory_space<vmem>>
      %dma_start3A_426 = tpu.memref_squeeze %dma_start3A_425 : memref<1x125xi32, #tpu.memory_space<vmem>> -> memref<125xi32, #tpu.memory_space<vmem>>
      %dma_start3A_427 = arith.constant 0 : i32
      %dma_start3A_428 = arith.constant 0 : i32
      %dma_start3A_429 = tpu.memref_slice %arg17[%dma_start3A_427, %dma_start3A_428] : memref<10240x64xf32, #tpu.memory_space<vmem_shared>> -> memref<10240x64xf32, #tpu.memory_space<vmem_shared>>
      tpu.enqueue_indirect_dma source(%arg16 : memref<125x64xf32, #tpu.memory_space<vmem>>) target(%dma_start3A_429 : memref<10240x64xf32, #tpu.memory_space<vmem_shared>>) offsets(%dma_start3A_426 : memref<125xi32, #tpu.memory_space<vmem>>) semaphore(%arg19 : memref<!tpu.dma_semaphore, #tpu.memory_space<semaphore_mem>>) {add = true}
      %ge3A_430 = arith.constant 2 : i32
      %ge3A_431 = arith.cmpi sge, %add3A_412, %ge3A_430 : i32
      %convert_element_type3A_432 = arith.extui %ge3A_431 : i1 to i32
      %cond3A_433 = arith.constant 0 : i32
      %cond3A_434 = arith.cmpi ne, %convert_element_type3A_432, %cond3A_433 : i32
      scf.if %cond3A_434 {
        %dma_wait3A_443 = arith.constant 0 : i32
        %dma_wait3A_444 = arith.constant 0 : i32
        %dma_wait3A_445 = tpu.memref_slice %arg8[%dma_wait3A_443, %dma_wait3A_444] : memref<80x125xi32, #tpu.memory_space<vmem>> -> memref<1x125xi32, #tpu.memory_space<vmem>>
        %dma_wait3A_446 = tpu.memref_squeeze %dma_wait3A_445 : memref<1x125xi32, #tpu.memory_space<vmem>> -> memref<125xi32, #tpu.memory_space<vmem>>
        %dma_wait3A_447 = arith.constant 0 : i32
        %dma_wait3A_448 = arith.constant 0 : i32
        %dma_wait3A_449 = tpu.memref_slice %arg17[%dma_wait3A_447, %dma_wait3A_448] : memref<10240x64xf32, #tpu.memory_space<vmem_shared>> -> memref<10240x64xf32, #tpu.memory_space<vmem_shared>>
        tpu.wait_indirect_dma semaphore(%arg19 : memref<!tpu.dma_semaphore, #tpu.memory_space<semaphore_mem>>) src(%arg14 : memref<125x64xf32, #tpu.memory_space<vmem>>) dst(%dma_wait3A_449 : memref<10240x64xf32, #tpu.memory_space<vmem_shared>>)
      } else {
      }
      %add3A_435 = arith.constant 6 : i32
      %add3A_436 = arith.addi %add3A_412, %add3A_435 : i32
      %lt3A_437 = arith.constant 80 : i32
      %lt3A_438 = arith.cmpi slt, %add3A_436, %lt3A_437 : i32
      %convert_element_type3A_439 = arith.extui %lt3A_438 : i1 to i32
      %cond3A_440 = arith.constant 0 : i32
      %cond3A_441 = arith.cmpi ne, %convert_element_type3A_439, %cond3A_440 : i32
      scf.if %cond3A_441 {
        %add3A_443 = arith.constant 6 : i32
        %add3A_444 = arith.addi %add3A_412, %add3A_443 : i32
        %dma_start3A_445 = arith.constant 0 : i32
        %dma_start3A_446 = tpu.memref_slice %arg7[%add3A_444, %dma_start3A_445] : memref<80x125xi32, #tpu.memory_space<vmem>> -> memref<1x125xi32, #tpu.memory_space<vmem>>
        %dma_start3A_447 = tpu.memref_squeeze %dma_start3A_446 : memref<1x125xi32, #tpu.memory_space<vmem>> -> memref<125xi32, #tpu.memory_space<vmem>>
        %dma_start3A_448 = arith.constant 0 : i32
        %dma_start3A_449 = arith.constant 0 : i32
        %dma_start3A_450 = tpu.memref_slice %arg2[%add3A_1, %dma_start3A_448, %dma_start3A_449] : memref<4x10240x64xf32, #tpu.memory_space<hbm>> -> memref<1x10240x64xf32, #tpu.memory_space<hbm>>
        %dma_start3A_451 = tpu.memref_squeeze %dma_start3A_450 : memref<1x10240x64xf32, #tpu.memory_space<hbm>> -> memref<10240x64xf32, #tpu.memory_space<hbm>>
        %dma_start3A_452 = arith.constant 0 : i32
        %dma_start3A_453 = arith.constant 0 : i32
        %dma_start3A_454 = tpu.memref_slice %dma_start3A_451[%dma_start3A_452, %dma_start3A_453] : memref<10240x64xf32, #tpu.memory_space<hbm>> -> memref<10240x64xf32, #tpu.memory_space<hbm>>
        tpu.enqueue_indirect_dma source(%dma_start3A_454 : memref<10240x64xf32, #tpu.memory_space<hbm>>) target(%arg14 : memref<125x64xf32, #tpu.memory_space<vmem>>) offsets(%dma_start3A_447 : memref<125xi32, #tpu.memory_space<vmem>>) semaphore(%arg18 : memref<!tpu.dma_semaphore, #tpu.memory_space<semaphore_mem>>)
      } else {
      }
      %scan3A_442 = arith.constant 0 : i32
      scf.yield %scan3A_442 : i32
    }
    %scan3A_74 = arith.constant 10 : i32
    %dma_wait3A = arith.constant 0 : i32
    %dma_wait3A_75 = arith.constant 0 : i32
    %dma_wait3A_76 = tpu.memref_slice %arg8[%dma_wait3A, %dma_wait3A_75] : memref<80x125xi32, #tpu.memory_space<vmem>> -> memref<1x125xi32, #tpu.memory_space<vmem>>
    %dma_wait3A_77 = tpu.memref_squeeze %dma_wait3A_76 : memref<1x125xi32, #tpu.memory_space<vmem>> -> memref<125xi32, #tpu.memory_space<vmem>>
    %dma_wait3A_78 = arith.constant 0 : i32
    %dma_wait3A_79 = arith.constant 0 : i32
    %dma_wait3A_80 = tpu.memref_slice %arg17[%dma_wait3A_78, %dma_wait3A_79] : memref<10240x64xf32, #tpu.memory_space<vmem_shared>> -> memref<10240x64xf32, #tpu.memory_space<vmem_shared>>
    tpu.wait_indirect_dma semaphore(%arg19 : memref<!tpu.dma_semaphore, #tpu.memory_space<semaphore_mem>>) src(%arg15 : memref<125x64xf32, #tpu.memory_space<vmem>>) dst(%dma_wait3A_80 : memref<10240x64xf32, #tpu.memory_space<vmem_shared>>)
    %dma_wait3A_81 = arith.constant 0 : i32
    %dma_wait3A_82 = arith.constant 0 : i32
    %dma_wait3A_83 = tpu.memref_slice %arg8[%dma_wait3A_81, %dma_wait3A_82] : memref<80x125xi32, #tpu.memory_space<vmem>> -> memref<1x125xi32, #tpu.memory_space<vmem>>
    %dma_wait3A_84 = tpu.memref_squeeze %dma_wait3A_83 : memref<1x125xi32, #tpu.memory_space<vmem>> -> memref<125xi32, #tpu.memory_space<vmem>>
    %dma_wait3A_85 = arith.constant 0 : i32
    %dma_wait3A_86 = arith.constant 0 : i32
    %dma_wait3A_87 = tpu.memref_slice %arg17[%dma_wait3A_85, %dma_wait3A_86] : memref<10240x64xf32, #tpu.memory_space<vmem_shared>> -> memref<10240x64xf32, #tpu.memory_space<vmem_shared>>
    tpu.wait_indirect_dma semaphore(%arg19 : memref<!tpu.dma_semaphore, #tpu.memory_space<semaphore_mem>>) src(%arg16 : memref<125x64xf32, #tpu.memory_space<vmem>>) dst(%dma_wait3A_87 : memref<10240x64xf32, #tpu.memory_space<vmem_shared>>)
    %barrier3A_88 = arith.constant 0 : index
    tpu.barrier barrier_id(%barrier3A_88)
    %mul3A_89 = arith.constant 640 : i32
    %mul3A_90 = arith.muli %arg1, %mul3A_89 : i32
    %mul3A_91 = arith.constant 640 : i32
    %mul3A_92 = arith.muli %arg1, %mul3A_91 : i32
    "tpu.region"() ({
      %run_scoped3A = tpu.sem_alloc : memref<!tpu.dma_semaphore, #tpu.memory_space<semaphore_mem>>
      %dma_start3A_194 = arith.constant 0 : i32
      %dma_start3A_195 = tpu.memref_slice %arg6[%add3A_1, %mul3A_92, %dma_start3A_194] : memref<4x10240x64xf32, #tpu.memory_space<hbm>> -> memref<1x640x64xf32, #tpu.memory_space<hbm>>
      %dma_start3A_196 = tpu.memref_squeeze %dma_start3A_195 : memref<1x640x64xf32, #tpu.memory_space<hbm>> -> memref<640x64xf32, #tpu.memory_space<hbm>>
      %dma_start3A_197 = arith.constant 0 : i32
      %dma_start3A_198 = tpu.memref_slice %arg17[%mul3A_90, %dma_start3A_197] : memref<10240x64xf32, #tpu.memory_space<vmem_shared>> -> memref<640x64xf32, #tpu.memory_space<vmem_shared>>
      tpu.enqueue_dma source(%dma_start3A_198 : memref<640x64xf32, #tpu.memory_space<vmem_shared>>) target(%dma_start3A_196 : memref<640x64xf32, #tpu.memory_space<hbm>>) target_semaphore(%run_scoped3A : memref<!tpu.dma_semaphore, #tpu.memory_space<semaphore_mem>>)
      %dma_wait3A_199 = arith.constant 0 : i32
      %dma_wait3A_200 = tpu.memref_slice %arg6[%add3A_1, %mul3A_92, %dma_wait3A_199] : memref<4x10240x64xf32, #tpu.memory_space<hbm>> -> memref<1x640x64xf32, #tpu.memory_space<hbm>>
      %dma_wait3A_201 = tpu.memref_squeeze %dma_wait3A_200 : memref<1x640x64xf32, #tpu.memory_space<hbm>> -> memref<640x64xf32, #tpu.memory_space<hbm>>
      %dma_wait3A_202 = arith.constant 0 : i32
      %dma_wait3A_203 = tpu.memref_slice %arg17[%mul3A_90, %dma_wait3A_202] : memref<10240x64xf32, #tpu.memory_space<vmem_shared>> -> memref<640x64xf32, #tpu.memory_space<vmem_shared>>
      tpu.wait_dma2 semaphore(%run_scoped3A : memref<!tpu.dma_semaphore, #tpu.memory_space<semaphore_mem>>) src(%dma_wait3A_203 : memref<640x64xf32, #tpu.memory_space<vmem_shared>>) dst(%dma_wait3A_201 : memref<640x64xf32, #tpu.memory_space<hbm>>)
      tpu.yield
    }) : () -> ()
    %barrier3A_93 = arith.constant 0 : index
    tpu.barrier barrier_id(%barrier3A_93)
    %mul3A_94 = arith.constant 2 : i32
    %mul3A_95 = arith.muli %arg0, %mul3A_94 : i32
    %add3A_96 = arith.constant 1 : i32
    %add3A_97 = arith.addi %mul3A_95, %add3A_96 : i32
    %mul3A_98 = arith.constant 640 : i32
    %mul3A_99 = arith.muli %arg1, %mul3A_98 : i32
    "tpu.region"() ({
      %run_scoped3A = tpu.sem_alloc : memref<!tpu.dma_semaphore, #tpu.memory_space<semaphore_mem>>
      %dma_start3A_194 = arith.constant 0 : i32
      %dma_start3A_195 = tpu.memref_slice %arg17[%mul3A_99, %dma_start3A_194] : memref<10240x64xf32, #tpu.memory_space<vmem_shared>> -> memref<640x64xf32, #tpu.memory_space<vmem_shared>>
      tpu.enqueue_dma source(%arg5 : memref<640x64xf32, #tpu.memory_space<hbm>>) target(%dma_start3A_195 : memref<640x64xf32, #tpu.memory_space<vmem_shared>>) target_semaphore(%run_scoped3A : memref<!tpu.dma_semaphore, #tpu.memory_space<semaphore_mem>>)
      %dma_wait3A_196 = arith.constant 0 : i32
      %dma_wait3A_197 = tpu.memref_slice %arg17[%mul3A_99, %dma_wait3A_196] : memref<10240x64xf32, #tpu.memory_space<vmem_shared>> -> memref<640x64xf32, #tpu.memory_space<vmem_shared>>
      tpu.wait_dma2 semaphore(%run_scoped3A : memref<!tpu.dma_semaphore, #tpu.memory_space<semaphore_mem>>) src(%arg5 : memref<640x64xf32, #tpu.memory_space<hbm>>) dst(%dma_wait3A_197 : memref<640x64xf32, #tpu.memory_space<vmem_shared>>)
      tpu.yield
    }) : () -> ()
    %barrier3A_100 = arith.constant 0 : index
    tpu.barrier barrier_id(%barrier3A_100)
    %dma_start3A_101 = arith.constant 0 : i32
    %dma_start3A_102 = arith.constant 0 : i32
    %dma_start3A_103 = tpu.memref_slice %arg7[%dma_start3A_101, %dma_start3A_102] : memref<80x125xi32, #tpu.memory_space<vmem>> -> memref<1x125xi32, #tpu.memory_space<vmem>>
    %dma_start3A_104 = tpu.memref_squeeze %dma_start3A_103 : memref<1x125xi32, #tpu.memory_space<vmem>> -> memref<125xi32, #tpu.memory_space<vmem>>
    %dma_start3A_105 = arith.constant 0 : i32
    %dma_start3A_106 = arith.constant 0 : i32
    %dma_start3A_107 = tpu.memref_slice %arg2[%add3A_97, %dma_start3A_105, %dma_start3A_106] : memref<4x10240x64xf32, #tpu.memory_space<hbm>> -> memref<1x10240x64xf32, #tpu.memory_space<hbm>>
    %dma_start3A_108 = tpu.memref_squeeze %dma_start3A_107 : memref<1x10240x64xf32, #tpu.memory_space<hbm>> -> memref<10240x64xf32, #tpu.memory_space<hbm>>
    %dma_start3A_109 = arith.constant 0 : i32
    %dma_start3A_110 = arith.constant 0 : i32
    %dma_start3A_111 = tpu.memref_slice %dma_start3A_108[%dma_start3A_109, %dma_start3A_110] : memref<10240x64xf32, #tpu.memory_space<hbm>> -> memref<10240x64xf32, #tpu.memory_space<hbm>>
    tpu.enqueue_indirect_dma source(%dma_start3A_111 : memref<10240x64xf32, #tpu.memory_space<hbm>>) target(%arg9 : memref<125x64xf32, #tpu.memory_space<vmem>>) offsets(%dma_start3A_104 : memref<125xi32, #tpu.memory_space<vmem>>) semaphore(%arg18 : memref<!tpu.dma_semaphore, #tpu.memory_space<semaphore_mem>>)
    %dma_start3A_112 = arith.constant 1 : i32
    %dma_start3A_113 = arith.constant 0 : i32
    %dma_start3A_114 = tpu.memref_slice %arg7[%dma_start3A_112, %dma_start3A_113] : memref<80x125xi32, #tpu.memory_space<vmem>> -> memref<1x125xi32, #tpu.memory_space<vmem>>
    %dma_start3A_115 = tpu.memref_squeeze %dma_start3A_114 : memref<1x125xi32, #tpu.memory_space<vmem>> -> memref<125xi32, #tpu.memory_space<vmem>>
    %dma_start3A_116 = arith.constant 0 : i32
    %dma_start3A_117 = arith.constant 0 : i32
    %dma_start3A_118 = tpu.memref_slice %arg2[%add3A_97, %dma_start3A_116, %dma_start3A_117] : memref<4x10240x64xf32, #tpu.memory_space<hbm>> -> memref<1x10240x64xf32, #tpu.memory_space<hbm>>
    %dma_start3A_119 = tpu.memref_squeeze %dma_start3A_118 : memref<1x10240x64xf32, #tpu.memory_space<hbm>> -> memref<10240x64xf32, #tpu.memory_space<hbm>>
    %dma_start3A_120 = arith.constant 0 : i32
    %dma_start3A_121 = arith.constant 0 : i32
    %dma_start3A_122 = tpu.memref_slice %dma_start3A_119[%dma_start3A_120, %dma_start3A_121] : memref<10240x64xf32, #tpu.memory_space<hbm>> -> memref<10240x64xf32, #tpu.memory_space<hbm>>
    tpu.enqueue_indirect_dma source(%dma_start3A_122 : memref<10240x64xf32, #tpu.memory_space<hbm>>) target(%arg10 : memref<125x64xf32, #tpu.memory_space<vmem>>) offsets(%dma_start3A_115 : memref<125xi32, #tpu.memory_space<vmem>>) semaphore(%arg18 : memref<!tpu.dma_semaphore, #tpu.memory_space<semaphore_mem>>)
    %dma_start3A_123 = arith.constant 2 : i32
    %dma_start3A_124 = arith.constant 0 : i32
    %dma_start3A_125 = tpu.memref_slice %arg7[%dma_start3A_123, %dma_start3A_124] : memref<80x125xi32, #tpu.memory_space<vmem>> -> memref<1x125xi32, #tpu.memory_space<vmem>>
    %dma_start3A_126 = tpu.memref_squeeze %dma_start3A_125 : memref<1x125xi32, #tpu.memory_space<vmem>> -> memref<125xi32, #tpu.memory_space<vmem>>
    %dma_start3A_127 = arith.constant 0 : i32
    %dma_start3A_128 = arith.constant 0 : i32
    %dma_start3A_129 = tpu.memref_slice %arg2[%add3A_97, %dma_start3A_127, %dma_start3A_128] : memref<4x10240x64xf32, #tpu.memory_space<hbm>> -> memref<1x10240x64xf32, #tpu.memory_space<hbm>>
    %dma_start3A_130 = tpu.memref_squeeze %dma_start3A_129 : memref<1x10240x64xf32, #tpu.memory_space<hbm>> -> memref<10240x64xf32, #tpu.memory_space<hbm>>
    %dma_start3A_131 = arith.constant 0 : i32
    %dma_start3A_132 = arith.constant 0 : i32
    %dma_start3A_133 = tpu.memref_slice %dma_start3A_130[%dma_start3A_131, %dma_start3A_132] : memref<10240x64xf32, #tpu.memory_space<hbm>> -> memref<10240x64xf32, #tpu.memory_space<hbm>>
    tpu.enqueue_indirect_dma source(%dma_start3A_133 : memref<10240x64xf32, #tpu.memory_space<hbm>>) target(%arg11 : memref<125x64xf32, #tpu.memory_space<vmem>>) offsets(%dma_start3A_126 : memref<125xi32, #tpu.memory_space<vmem>>) semaphore(%arg18 : memref<!tpu.dma_semaphore, #tpu.memory_space<semaphore_mem>>)
    %dma_start3A_134 = arith.constant 3 : i32
    %dma_start3A_135 = arith.constant 0 : i32
    %dma_start3A_136 = tpu.memref_slice %arg7[%dma_start3A_134, %dma_start3A_135] : memref<80x125xi32, #tpu.memory_space<vmem>> -> memref<1x125xi32, #tpu.memory_space<vmem>>
    %dma_start3A_137 = tpu.memref_squeeze %dma_start3A_136 : memref<1x125xi32, #tpu.memory_space<vmem>> -> memref<125xi32, #tpu.memory_space<vmem>>
    %dma_start3A_138 = arith.constant 0 : i32
    %dma_start3A_139 = arith.constant 0 : i32
    %dma_start3A_140 = tpu.memref_slice %arg2[%add3A_97, %dma_start3A_138, %dma_start3A_139] : memref<4x10240x64xf32, #tpu.memory_space<hbm>> -> memref<1x10240x64xf32, #tpu.memory_space<hbm>>
    %dma_start3A_141 = tpu.memref_squeeze %dma_start3A_140 : memref<1x10240x64xf32, #tpu.memory_space<hbm>> -> memref<10240x64xf32, #tpu.memory_space<hbm>>
    %dma_start3A_142 = arith.constant 0 : i32
    %dma_start3A_143 = arith.constant 0 : i32
    %dma_start3A_144 = tpu.memref_slice %dma_start3A_141[%dma_start3A_142, %dma_start3A_143] : memref<10240x64xf32, #tpu.memory_space<hbm>> -> memref<10240x64xf32, #tpu.memory_space<hbm>>
    tpu.enqueue_indirect_dma source(%dma_start3A_144 : memref<10240x64xf32, #tpu.memory_space<hbm>>) target(%arg12 : memref<125x64xf32, #tpu.memory_space<vmem>>) offsets(%dma_start3A_137 : memref<125xi32, #tpu.memory_space<vmem>>) semaphore(%arg18 : memref<!tpu.dma_semaphore, #tpu.memory_space<semaphore_mem>>)
    %dma_start3A_145 = arith.constant 4 : i32
    %dma_start3A_146 = arith.constant 0 : i32
    %dma_start3A_147 = tpu.memref_slice %arg7[%dma_start3A_145, %dma_start3A_146] : memref<80x125xi32, #tpu.memory_space<vmem>> -> memref<1x125xi32, #tpu.memory_space<vmem>>
    %dma_start3A_148 = tpu.memref_squeeze %dma_start3A_147 : memref<1x125xi32, #tpu.memory_space<vmem>> -> memref<125xi32, #tpu.memory_space<vmem>>
    %dma_start3A_149 = arith.constant 0 : i32
    %dma_start3A_150 = arith.constant 0 : i32
    %dma_start3A_151 = tpu.memref_slice %arg2[%add3A_97, %dma_start3A_149, %dma_start3A_150] : memref<4x10240x64xf32, #tpu.memory_space<hbm>> -> memref<1x10240x64xf32, #tpu.memory_space<hbm>>
    %dma_start3A_152 = tpu.memref_squeeze %dma_start3A_151 : memref<1x10240x64xf32, #tpu.memory_space<hbm>> -> memref<10240x64xf32, #tpu.memory_space<hbm>>
    %dma_start3A_153 = arith.constant 0 : i32
    %dma_start3A_154 = arith.constant 0 : i32
    %dma_start3A_155 = tpu.memref_slice %dma_start3A_152[%dma_start3A_153, %dma_start3A_154] : memref<10240x64xf32, #tpu.memory_space<hbm>> -> memref<10240x64xf32, #tpu.memory_space<hbm>>
    tpu.enqueue_indirect_dma source(%dma_start3A_155 : memref<10240x64xf32, #tpu.memory_space<hbm>>) target(%arg13 : memref<125x64xf32, #tpu.memory_space<vmem>>) offsets(%dma_start3A_148 : memref<125xi32, #tpu.memory_space<vmem>>) semaphore(%arg18 : memref<!tpu.dma_semaphore, #tpu.memory_space<semaphore_mem>>)
    %dma_start3A_156 = arith.constant 5 : i32
    %dma_start3A_157 = arith.constant 0 : i32
    %dma_start3A_158 = tpu.memref_slice %arg7[%dma_start3A_156, %dma_start3A_157] : memref<80x125xi32, #tpu.memory_space<vmem>> -> memref<1x125xi32, #tpu.memory_space<vmem>>
    %dma_start3A_159 = tpu.memref_squeeze %dma_start3A_158 : memref<1x125xi32, #tpu.memory_space<vmem>> -> memref<125xi32, #tpu.memory_space<vmem>>
    %dma_start3A_160 = arith.constant 0 : i32
    %dma_start3A_161 = arith.constant 0 : i32
    %dma_start3A_162 = tpu.memref_slice %arg2[%add3A_97, %dma_start3A_160, %dma_start3A_161] : memref<4x10240x64xf32, #tpu.memory_space<hbm>> -> memref<1x10240x64xf32, #tpu.memory_space<hbm>>
    %dma_start3A_163 = tpu.memref_squeeze %dma_start3A_162 : memref<1x10240x64xf32, #tpu.memory_space<hbm>> -> memref<10240x64xf32, #tpu.memory_space<hbm>>
    %dma_start3A_164 = arith.constant 0 : i32
    %dma_start3A_165 = arith.constant 0 : i32
    %dma_start3A_166 = tpu.memref_slice %dma_start3A_163[%dma_start3A_164, %dma_start3A_165] : memref<10240x64xf32, #tpu.memory_space<hbm>> -> memref<10240x64xf32, #tpu.memory_space<hbm>>
    tpu.enqueue_indirect_dma source(%dma_start3A_166 : memref<10240x64xf32, #tpu.memory_space<hbm>>) target(%arg14 : memref<125x64xf32, #tpu.memory_space<vmem>>) offsets(%dma_start3A_159 : memref<125xi32, #tpu.memory_space<vmem>>) semaphore(%arg18 : memref<!tpu.dma_semaphore, #tpu.memory_space<semaphore_mem>>)
    %scan3A_167 = arith.constant 0 : i32
    %scan3A_168 = arith.constant 0 : i32
    %scan3A_169 = arith.constant 10 : i32
    %scan3A_170 = arith.addi %scan3A_168, %scan3A_169 : i32
    %scan3A_171 = arith.constant 1 : i32
    %scan3A_172 = scf.for %scan3A_194 = %scan3A_168 to %scan3A_170 step %scan3A_171 iter_args(%scan3A_195 = %scan3A_167) -> (i32)  : i32 {
      %mul3A_196 = arith.constant 8 : i32
      %mul3A_197 = arith.muli %mul3A_196, %scan3A_194 : i32
      %add3A_198 = arith.constant 0 : i32
      %add3A_199 = arith.addi %mul3A_197, %add3A_198 : i32
      %dma_wait3A_200 = arith.constant 0 : i32
      %dma_wait3A_201 = arith.constant 0 : i32
      %dma_wait3A_202 = tpu.memref_slice %arg7[%dma_wait3A_200, %dma_wait3A_201] : memref<80x125xi32, #tpu.memory_space<vmem>> -> memref<1x125xi32, #tpu.memory_space<vmem>>
      %dma_wait3A_203 = tpu.memref_squeeze %dma_wait3A_202 : memref<1x125xi32, #tpu.memory_space<vmem>> -> memref<125xi32, #tpu.memory_space<vmem>>
      %dma_wait3A_204 = arith.constant 0 : i32
      %dma_wait3A_205 = arith.constant 0 : i32
      %dma_wait3A_206 = tpu.memref_slice %arg2[%add3A_97, %dma_wait3A_204, %dma_wait3A_205] : memref<4x10240x64xf32, #tpu.memory_space<hbm>> -> memref<1x10240x64xf32, #tpu.memory_space<hbm>>
      %dma_wait3A_207 = tpu.memref_squeeze %dma_wait3A_206 : memref<1x10240x64xf32, #tpu.memory_space<hbm>> -> memref<10240x64xf32, #tpu.memory_space<hbm>>
      %dma_wait3A_208 = arith.constant 0 : i32
      %dma_wait3A_209 = arith.constant 0 : i32
      %dma_wait3A_210 = tpu.memref_slice %dma_wait3A_207[%dma_wait3A_208, %dma_wait3A_209] : memref<10240x64xf32, #tpu.memory_space<hbm>> -> memref<10240x64xf32, #tpu.memory_space<hbm>>
      tpu.wait_indirect_dma semaphore(%arg18 : memref<!tpu.dma_semaphore, #tpu.memory_space<semaphore_mem>>) src(%dma_wait3A_210 : memref<10240x64xf32, #tpu.memory_space<hbm>>) dst(%arg9 : memref<125x64xf32, #tpu.memory_space<vmem>>)
      %dma_start3A_211 = arith.constant 0 : i32
      %dma_start3A_212 = tpu.memref_slice %arg8[%add3A_199, %dma_start3A_211] : memref<80x125xi32, #tpu.memory_space<vmem>> -> memref<1x125xi32, #tpu.memory_space<vmem>>
      %dma_start3A_213 = tpu.memref_squeeze %dma_start3A_212 : memref<1x125xi32, #tpu.memory_space<vmem>> -> memref<125xi32, #tpu.memory_space<vmem>>
      %dma_start3A_214 = arith.constant 0 : i32
      %dma_start3A_215 = arith.constant 0 : i32
      %dma_start3A_216 = tpu.memref_slice %arg17[%dma_start3A_214, %dma_start3A_215] : memref<10240x64xf32, #tpu.memory_space<vmem_shared>> -> memref<10240x64xf32, #tpu.memory_space<vmem_shared>>
      tpu.enqueue_indirect_dma source(%arg9 : memref<125x64xf32, #tpu.memory_space<vmem>>) target(%dma_start3A_216 : memref<10240x64xf32, #tpu.memory_space<vmem_shared>>) offsets(%dma_start3A_213 : memref<125xi32, #tpu.memory_space<vmem>>) semaphore(%arg19 : memref<!tpu.dma_semaphore, #tpu.memory_space<semaphore_mem>>) {add = true}
      %ge3A = arith.constant 2 : i32
      %ge3A_217 = arith.cmpi sge, %add3A_199, %ge3A : i32
      %convert_element_type3A = arith.extui %ge3A_217 : i1 to i32
      %cond3A = arith.constant 0 : i32
      %cond3A_218 = arith.cmpi ne, %convert_element_type3A, %cond3A : i32
      scf.if %cond3A_218 {
        %dma_wait3A_443 = arith.constant 0 : i32
        %dma_wait3A_444 = arith.constant 0 : i32
        %dma_wait3A_445 = tpu.memref_slice %arg8[%dma_wait3A_443, %dma_wait3A_444] : memref<80x125xi32, #tpu.memory_space<vmem>> -> memref<1x125xi32, #tpu.memory_space<vmem>>
        %dma_wait3A_446 = tpu.memref_squeeze %dma_wait3A_445 : memref<1x125xi32, #tpu.memory_space<vmem>> -> memref<125xi32, #tpu.memory_space<vmem>>
        %dma_wait3A_447 = arith.constant 0 : i32
        %dma_wait3A_448 = arith.constant 0 : i32
        %dma_wait3A_449 = tpu.memref_slice %arg17[%dma_wait3A_447, %dma_wait3A_448] : memref<10240x64xf32, #tpu.memory_space<vmem_shared>> -> memref<10240x64xf32, #tpu.memory_space<vmem_shared>>
        tpu.wait_indirect_dma semaphore(%arg19 : memref<!tpu.dma_semaphore, #tpu.memory_space<semaphore_mem>>) src(%arg15 : memref<125x64xf32, #tpu.memory_space<vmem>>) dst(%dma_wait3A_449 : memref<10240x64xf32, #tpu.memory_space<vmem_shared>>)
      } else {
      }
      %add3A_219 = arith.constant 6 : i32
      %add3A_220 = arith.addi %add3A_199, %add3A_219 : i32
      %lt3A = arith.constant 80 : i32
      %lt3A_221 = arith.cmpi slt, %add3A_220, %lt3A : i32
      %convert_element_type3A_222 = arith.extui %lt3A_221 : i1 to i32
      %cond3A_223 = arith.constant 0 : i32
      %cond3A_224 = arith.cmpi ne, %convert_element_type3A_222, %cond3A_223 : i32
      scf.if %cond3A_224 {
        %add3A_443 = arith.constant 6 : i32
        %add3A_444 = arith.addi %add3A_199, %add3A_443 : i32
        %dma_start3A_445 = arith.constant 0 : i32
        %dma_start3A_446 = tpu.memref_slice %arg7[%add3A_444, %dma_start3A_445] : memref<80x125xi32, #tpu.memory_space<vmem>> -> memref<1x125xi32, #tpu.memory_space<vmem>>
        %dma_start3A_447 = tpu.memref_squeeze %dma_start3A_446 : memref<1x125xi32, #tpu.memory_space<vmem>> -> memref<125xi32, #tpu.memory_space<vmem>>
        %dma_start3A_448 = arith.constant 0 : i32
        %dma_start3A_449 = arith.constant 0 : i32
        %dma_start3A_450 = tpu.memref_slice %arg2[%add3A_97, %dma_start3A_448, %dma_start3A_449] : memref<4x10240x64xf32, #tpu.memory_space<hbm>> -> memref<1x10240x64xf32, #tpu.memory_space<hbm>>
        %dma_start3A_451 = tpu.memref_squeeze %dma_start3A_450 : memref<1x10240x64xf32, #tpu.memory_space<hbm>> -> memref<10240x64xf32, #tpu.memory_space<hbm>>
        %dma_start3A_452 = arith.constant 0 : i32
        %dma_start3A_453 = arith.constant 0 : i32
        %dma_start3A_454 = tpu.memref_slice %dma_start3A_451[%dma_start3A_452, %dma_start3A_453] : memref<10240x64xf32, #tpu.memory_space<hbm>> -> memref<10240x64xf32, #tpu.memory_space<hbm>>
        tpu.enqueue_indirect_dma source(%dma_start3A_454 : memref<10240x64xf32, #tpu.memory_space<hbm>>) target(%arg15 : memref<125x64xf32, #tpu.memory_space<vmem>>) offsets(%dma_start3A_447 : memref<125xi32, #tpu.memory_space<vmem>>) semaphore(%arg18 : memref<!tpu.dma_semaphore, #tpu.memory_space<semaphore_mem>>)
      } else {
      }
      %add3A_225 = arith.constant 1 : i32
      %add3A_226 = arith.addi %mul3A_197, %add3A_225 : i32
      %dma_wait3A_227 = arith.constant 0 : i32
      %dma_wait3A_228 = arith.constant 0 : i32
      %dma_wait3A_229 = tpu.memref_slice %arg7[%dma_wait3A_227, %dma_wait3A_228] : memref<80x125xi32, #tpu.memory_space<vmem>> -> memref<1x125xi32, #tpu.memory_space<vmem>>
      %dma_wait3A_230 = tpu.memref_squeeze %dma_wait3A_229 : memref<1x125xi32, #tpu.memory_space<vmem>> -> memref<125xi32, #tpu.memory_space<vmem>>
      %dma_wait3A_231 = arith.constant 0 : i32
      %dma_wait3A_232 = arith.constant 0 : i32
      %dma_wait3A_233 = tpu.memref_slice %arg2[%add3A_97, %dma_wait3A_231, %dma_wait3A_232] : memref<4x10240x64xf32, #tpu.memory_space<hbm>> -> memref<1x10240x64xf32, #tpu.memory_space<hbm>>
      %dma_wait3A_234 = tpu.memref_squeeze %dma_wait3A_233 : memref<1x10240x64xf32, #tpu.memory_space<hbm>> -> memref<10240x64xf32, #tpu.memory_space<hbm>>
      %dma_wait3A_235 = arith.constant 0 : i32
      %dma_wait3A_236 = arith.constant 0 : i32
      %dma_wait3A_237 = tpu.memref_slice %dma_wait3A_234[%dma_wait3A_235, %dma_wait3A_236] : memref<10240x64xf32, #tpu.memory_space<hbm>> -> memref<10240x64xf32, #tpu.memory_space<hbm>>
      tpu.wait_indirect_dma semaphore(%arg18 : memref<!tpu.dma_semaphore, #tpu.memory_space<semaphore_mem>>) src(%dma_wait3A_237 : memref<10240x64xf32, #tpu.memory_space<hbm>>) dst(%arg10 : memref<125x64xf32, #tpu.memory_space<vmem>>)
      %dma_start3A_238 = arith.constant 0 : i32
      %dma_start3A_239 = tpu.memref_slice %arg8[%add3A_226, %dma_start3A_238] : memref<80x125xi32, #tpu.memory_space<vmem>> -> memref<1x125xi32, #tpu.memory_space<vmem>>
      %dma_start3A_240 = tpu.memref_squeeze %dma_start3A_239 : memref<1x125xi32, #tpu.memory_space<vmem>> -> memref<125xi32, #tpu.memory_space<vmem>>
      %dma_start3A_241 = arith.constant 0 : i32
      %dma_start3A_242 = arith.constant 0 : i32
      %dma_start3A_243 = tpu.memref_slice %arg17[%dma_start3A_241, %dma_start3A_242] : memref<10240x64xf32, #tpu.memory_space<vmem_shared>> -> memref<10240x64xf32, #tpu.memory_space<vmem_shared>>
      tpu.enqueue_indirect_dma source(%arg10 : memref<125x64xf32, #tpu.memory_space<vmem>>) target(%dma_start3A_243 : memref<10240x64xf32, #tpu.memory_space<vmem_shared>>) offsets(%dma_start3A_240 : memref<125xi32, #tpu.memory_space<vmem>>) semaphore(%arg19 : memref<!tpu.dma_semaphore, #tpu.memory_space<semaphore_mem>>) {add = true}
      %ge3A_244 = arith.constant 2 : i32
      %ge3A_245 = arith.cmpi sge, %add3A_226, %ge3A_244 : i32
      %convert_element_type3A_246 = arith.extui %ge3A_245 : i1 to i32
      %cond3A_247 = arith.constant 0 : i32
      %cond3A_248 = arith.cmpi ne, %convert_element_type3A_246, %cond3A_247 : i32
      scf.if %cond3A_248 {
        %dma_wait3A_443 = arith.constant 0 : i32
        %dma_wait3A_444 = arith.constant 0 : i32
        %dma_wait3A_445 = tpu.memref_slice %arg8[%dma_wait3A_443, %dma_wait3A_444] : memref<80x125xi32, #tpu.memory_space<vmem>> -> memref<1x125xi32, #tpu.memory_space<vmem>>
        %dma_wait3A_446 = tpu.memref_squeeze %dma_wait3A_445 : memref<1x125xi32, #tpu.memory_space<vmem>> -> memref<125xi32, #tpu.memory_space<vmem>>
        %dma_wait3A_447 = arith.constant 0 : i32
        %dma_wait3A_448 = arith.constant 0 : i32
        %dma_wait3A_449 = tpu.memref_slice %arg17[%dma_wait3A_447, %dma_wait3A_448] : memref<10240x64xf32, #tpu.memory_space<vmem_shared>> -> memref<10240x64xf32, #tpu.memory_space<vmem_shared>>
        tpu.wait_indirect_dma semaphore(%arg19 : memref<!tpu.dma_semaphore, #tpu.memory_space<semaphore_mem>>) src(%arg16 : memref<125x64xf32, #tpu.memory_space<vmem>>) dst(%dma_wait3A_449 : memref<10240x64xf32, #tpu.memory_space<vmem_shared>>)
      } else {
      }
      %add3A_249 = arith.constant 6 : i32
      %add3A_250 = arith.addi %add3A_226, %add3A_249 : i32
      %lt3A_251 = arith.constant 80 : i32
      %lt3A_252 = arith.cmpi slt, %add3A_250, %lt3A_251 : i32
      %convert_element_type3A_253 = arith.extui %lt3A_252 : i1 to i32
      %cond3A_254 = arith.constant 0 : i32
      %cond3A_255 = arith.cmpi ne, %convert_element_type3A_253, %cond3A_254 : i32
      scf.if %cond3A_255 {
        %add3A_443 = arith.constant 6 : i32
        %add3A_444 = arith.addi %add3A_226, %add3A_443 : i32
        %dma_start3A_445 = arith.constant 0 : i32
        %dma_start3A_446 = tpu.memref_slice %arg7[%add3A_444, %dma_start3A_445] : memref<80x125xi32, #tpu.memory_space<vmem>> -> memref<1x125xi32, #tpu.memory_space<vmem>>
        %dma_start3A_447 = tpu.memref_squeeze %dma_start3A_446 : memref<1x125xi32, #tpu.memory_space<vmem>> -> memref<125xi32, #tpu.memory_space<vmem>>
        %dma_start3A_448 = arith.constant 0 : i32
        %dma_start3A_449 = arith.constant 0 : i32
        %dma_start3A_450 = tpu.memref_slice %arg2[%add3A_97, %dma_start3A_448, %dma_start3A_449] : memref<4x10240x64xf32, #tpu.memory_space<hbm>> -> memref<1x10240x64xf32, #tpu.memory_space<hbm>>
        %dma_start3A_451 = tpu.memref_squeeze %dma_start3A_450 : memref<1x10240x64xf32, #tpu.memory_space<hbm>> -> memref<10240x64xf32, #tpu.memory_space<hbm>>
        %dma_start3A_452 = arith.constant 0 : i32
        %dma_start3A_453 = arith.constant 0 : i32
        %dma_start3A_454 = tpu.memref_slice %dma_start3A_451[%dma_start3A_452, %dma_start3A_453] : memref<10240x64xf32, #tpu.memory_space<hbm>> -> memref<10240x64xf32, #tpu.memory_space<hbm>>
        tpu.enqueue_indirect_dma source(%dma_start3A_454 : memref<10240x64xf32, #tpu.memory_space<hbm>>) target(%arg16 : memref<125x64xf32, #tpu.memory_space<vmem>>) offsets(%dma_start3A_447 : memref<125xi32, #tpu.memory_space<vmem>>) semaphore(%arg18 : memref<!tpu.dma_semaphore, #tpu.memory_space<semaphore_mem>>)
      } else {
      }
      %add3A_256 = arith.constant 2 : i32
      %add3A_257 = arith.addi %mul3A_197, %add3A_256 : i32
      %dma_wait3A_258 = arith.constant 0 : i32
      %dma_wait3A_259 = arith.constant 0 : i32
      %dma_wait3A_260 = tpu.memref_slice %arg7[%dma_wait3A_258, %dma_wait3A_259] : memref<80x125xi32, #tpu.memory_space<vmem>> -> memref<1x125xi32, #tpu.memory_space<vmem>>
      %dma_wait3A_261 = tpu.memref_squeeze %dma_wait3A_260 : memref<1x125xi32, #tpu.memory_space<vmem>> -> memref<125xi32, #tpu.memory_space<vmem>>
      %dma_wait3A_262 = arith.constant 0 : i32
      %dma_wait3A_263 = arith.constant 0 : i32
      %dma_wait3A_264 = tpu.memref_slice %arg2[%add3A_97, %dma_wait3A_262, %dma_wait3A_263] : memref<4x10240x64xf32, #tpu.memory_space<hbm>> -> memref<1x10240x64xf32, #tpu.memory_space<hbm>>
      %dma_wait3A_265 = tpu.memref_squeeze %dma_wait3A_264 : memref<1x10240x64xf32, #tpu.memory_space<hbm>> -> memref<10240x64xf32, #tpu.memory_space<hbm>>
      %dma_wait3A_266 = arith.constant 0 : i32
      %dma_wait3A_267 = arith.constant 0 : i32
      %dma_wait3A_268 = tpu.memref_slice %dma_wait3A_265[%dma_wait3A_266, %dma_wait3A_267] : memref<10240x64xf32, #tpu.memory_space<hbm>> -> memref<10240x64xf32, #tpu.memory_space<hbm>>
      tpu.wait_indirect_dma semaphore(%arg18 : memref<!tpu.dma_semaphore, #tpu.memory_space<semaphore_mem>>) src(%dma_wait3A_268 : memref<10240x64xf32, #tpu.memory_space<hbm>>) dst(%arg11 : memref<125x64xf32, #tpu.memory_space<vmem>>)
      %dma_start3A_269 = arith.constant 0 : i32
      %dma_start3A_270 = tpu.memref_slice %arg8[%add3A_257, %dma_start3A_269] : memref<80x125xi32, #tpu.memory_space<vmem>> -> memref<1x125xi32, #tpu.memory_space<vmem>>
      %dma_start3A_271 = tpu.memref_squeeze %dma_start3A_270 : memref<1x125xi32, #tpu.memory_space<vmem>> -> memref<125xi32, #tpu.memory_space<vmem>>
      %dma_start3A_272 = arith.constant 0 : i32
      %dma_start3A_273 = arith.constant 0 : i32
      %dma_start3A_274 = tpu.memref_slice %arg17[%dma_start3A_272, %dma_start3A_273] : memref<10240x64xf32, #tpu.memory_space<vmem_shared>> -> memref<10240x64xf32, #tpu.memory_space<vmem_shared>>
      tpu.enqueue_indirect_dma source(%arg11 : memref<125x64xf32, #tpu.memory_space<vmem>>) target(%dma_start3A_274 : memref<10240x64xf32, #tpu.memory_space<vmem_shared>>) offsets(%dma_start3A_271 : memref<125xi32, #tpu.memory_space<vmem>>) semaphore(%arg19 : memref<!tpu.dma_semaphore, #tpu.memory_space<semaphore_mem>>) {add = true}
      %ge3A_275 = arith.constant 2 : i32
      %ge3A_276 = arith.cmpi sge, %add3A_257, %ge3A_275 : i32
      %convert_element_type3A_277 = arith.extui %ge3A_276 : i1 to i32
      %cond3A_278 = arith.constant 0 : i32
      %cond3A_279 = arith.cmpi ne, %convert_element_type3A_277, %cond3A_278 : i32
      scf.if %cond3A_279 {
        %dma_wait3A_443 = arith.constant 0 : i32
        %dma_wait3A_444 = arith.constant 0 : i32
        %dma_wait3A_445 = tpu.memref_slice %arg8[%dma_wait3A_443, %dma_wait3A_444] : memref<80x125xi32, #tpu.memory_space<vmem>> -> memref<1x125xi32, #tpu.memory_space<vmem>>
        %dma_wait3A_446 = tpu.memref_squeeze %dma_wait3A_445 : memref<1x125xi32, #tpu.memory_space<vmem>> -> memref<125xi32, #tpu.memory_space<vmem>>
        %dma_wait3A_447 = arith.constant 0 : i32
        %dma_wait3A_448 = arith.constant 0 : i32
        %dma_wait3A_449 = tpu.memref_slice %arg17[%dma_wait3A_447, %dma_wait3A_448] : memref<10240x64xf32, #tpu.memory_space<vmem_shared>> -> memref<10240x64xf32, #tpu.memory_space<vmem_shared>>
        tpu.wait_indirect_dma semaphore(%arg19 : memref<!tpu.dma_semaphore, #tpu.memory_space<semaphore_mem>>) src(%arg9 : memref<125x64xf32, #tpu.memory_space<vmem>>) dst(%dma_wait3A_449 : memref<10240x64xf32, #tpu.memory_space<vmem_shared>>)
      } else {
      }
      %add3A_280 = arith.constant 6 : i32
      %add3A_281 = arith.addi %add3A_257, %add3A_280 : i32
      %lt3A_282 = arith.constant 80 : i32
      %lt3A_283 = arith.cmpi slt, %add3A_281, %lt3A_282 : i32
      %convert_element_type3A_284 = arith.extui %lt3A_283 : i1 to i32
      %cond3A_285 = arith.constant 0 : i32
      %cond3A_286 = arith.cmpi ne, %convert_element_type3A_284, %cond3A_285 : i32
      scf.if %cond3A_286 {
        %add3A_443 = arith.constant 6 : i32
        %add3A_444 = arith.addi %add3A_257, %add3A_443 : i32
        %dma_start3A_445 = arith.constant 0 : i32
        %dma_start3A_446 = tpu.memref_slice %arg7[%add3A_444, %dma_start3A_445] : memref<80x125xi32, #tpu.memory_space<vmem>> -> memref<1x125xi32, #tpu.memory_space<vmem>>
        %dma_start3A_447 = tpu.memref_squeeze %dma_start3A_446 : memref<1x125xi32, #tpu.memory_space<vmem>> -> memref<125xi32, #tpu.memory_space<vmem>>
        %dma_start3A_448 = arith.constant 0 : i32
        %dma_start3A_449 = arith.constant 0 : i32
        %dma_start3A_450 = tpu.memref_slice %arg2[%add3A_97, %dma_start3A_448, %dma_start3A_449] : memref<4x10240x64xf32, #tpu.memory_space<hbm>> -> memref<1x10240x64xf32, #tpu.memory_space<hbm>>
        %dma_start3A_451 = tpu.memref_squeeze %dma_start3A_450 : memref<1x10240x64xf32, #tpu.memory_space<hbm>> -> memref<10240x64xf32, #tpu.memory_space<hbm>>
        %dma_start3A_452 = arith.constant 0 : i32
        %dma_start3A_453 = arith.constant 0 : i32
        %dma_start3A_454 = tpu.memref_slice %dma_start3A_451[%dma_start3A_452, %dma_start3A_453] : memref<10240x64xf32, #tpu.memory_space<hbm>> -> memref<10240x64xf32, #tpu.memory_space<hbm>>
        tpu.enqueue_indirect_dma source(%dma_start3A_454 : memref<10240x64xf32, #tpu.memory_space<hbm>>) target(%arg9 : memref<125x64xf32, #tpu.memory_space<vmem>>) offsets(%dma_start3A_447 : memref<125xi32, #tpu.memory_space<vmem>>) semaphore(%arg18 : memref<!tpu.dma_semaphore, #tpu.memory_space<semaphore_mem>>)
      } else {
      }
      %add3A_287 = arith.constant 3 : i32
      %add3A_288 = arith.addi %mul3A_197, %add3A_287 : i32
      %dma_wait3A_289 = arith.constant 0 : i32
      %dma_wait3A_290 = arith.constant 0 : i32
      %dma_wait3A_291 = tpu.memref_slice %arg7[%dma_wait3A_289, %dma_wait3A_290] : memref<80x125xi32, #tpu.memory_space<vmem>> -> memref<1x125xi32, #tpu.memory_space<vmem>>
      %dma_wait3A_292 = tpu.memref_squeeze %dma_wait3A_291 : memref<1x125xi32, #tpu.memory_space<vmem>> -> memref<125xi32, #tpu.memory_space<vmem>>
      %dma_wait3A_293 = arith.constant 0 : i32
      %dma_wait3A_294 = arith.constant 0 : i32
      %dma_wait3A_295 = tpu.memref_slice %arg2[%add3A_97, %dma_wait3A_293, %dma_wait3A_294] : memref<4x10240x64xf32, #tpu.memory_space<hbm>> -> memref<1x10240x64xf32, #tpu.memory_space<hbm>>
      %dma_wait3A_296 = tpu.memref_squeeze %dma_wait3A_295 : memref<1x10240x64xf32, #tpu.memory_space<hbm>> -> memref<10240x64xf32, #tpu.memory_space<hbm>>
      %dma_wait3A_297 = arith.constant 0 : i32
      %dma_wait3A_298 = arith.constant 0 : i32
      %dma_wait3A_299 = tpu.memref_slice %dma_wait3A_296[%dma_wait3A_297, %dma_wait3A_298] : memref<10240x64xf32, #tpu.memory_space<hbm>> -> memref<10240x64xf32, #tpu.memory_space<hbm>>
      tpu.wait_indirect_dma semaphore(%arg18 : memref<!tpu.dma_semaphore, #tpu.memory_space<semaphore_mem>>) src(%dma_wait3A_299 : memref<10240x64xf32, #tpu.memory_space<hbm>>) dst(%arg12 : memref<125x64xf32, #tpu.memory_space<vmem>>)
      %dma_start3A_300 = arith.constant 0 : i32
      %dma_start3A_301 = tpu.memref_slice %arg8[%add3A_288, %dma_start3A_300] : memref<80x125xi32, #tpu.memory_space<vmem>> -> memref<1x125xi32, #tpu.memory_space<vmem>>
      %dma_start3A_302 = tpu.memref_squeeze %dma_start3A_301 : memref<1x125xi32, #tpu.memory_space<vmem>> -> memref<125xi32, #tpu.memory_space<vmem>>
      %dma_start3A_303 = arith.constant 0 : i32
      %dma_start3A_304 = arith.constant 0 : i32
      %dma_start3A_305 = tpu.memref_slice %arg17[%dma_start3A_303, %dma_start3A_304] : memref<10240x64xf32, #tpu.memory_space<vmem_shared>> -> memref<10240x64xf32, #tpu.memory_space<vmem_shared>>
      tpu.enqueue_indirect_dma source(%arg12 : memref<125x64xf32, #tpu.memory_space<vmem>>) target(%dma_start3A_305 : memref<10240x64xf32, #tpu.memory_space<vmem_shared>>) offsets(%dma_start3A_302 : memref<125xi32, #tpu.memory_space<vmem>>) semaphore(%arg19 : memref<!tpu.dma_semaphore, #tpu.memory_space<semaphore_mem>>) {add = true}
      %ge3A_306 = arith.constant 2 : i32
      %ge3A_307 = arith.cmpi sge, %add3A_288, %ge3A_306 : i32
      %convert_element_type3A_308 = arith.extui %ge3A_307 : i1 to i32
      %cond3A_309 = arith.constant 0 : i32
      %cond3A_310 = arith.cmpi ne, %convert_element_type3A_308, %cond3A_309 : i32
      scf.if %cond3A_310 {
        %dma_wait3A_443 = arith.constant 0 : i32
        %dma_wait3A_444 = arith.constant 0 : i32
        %dma_wait3A_445 = tpu.memref_slice %arg8[%dma_wait3A_443, %dma_wait3A_444] : memref<80x125xi32, #tpu.memory_space<vmem>> -> memref<1x125xi32, #tpu.memory_space<vmem>>
        %dma_wait3A_446 = tpu.memref_squeeze %dma_wait3A_445 : memref<1x125xi32, #tpu.memory_space<vmem>> -> memref<125xi32, #tpu.memory_space<vmem>>
        %dma_wait3A_447 = arith.constant 0 : i32
        %dma_wait3A_448 = arith.constant 0 : i32
        %dma_wait3A_449 = tpu.memref_slice %arg17[%dma_wait3A_447, %dma_wait3A_448] : memref<10240x64xf32, #tpu.memory_space<vmem_shared>> -> memref<10240x64xf32, #tpu.memory_space<vmem_shared>>
        tpu.wait_indirect_dma semaphore(%arg19 : memref<!tpu.dma_semaphore, #tpu.memory_space<semaphore_mem>>) src(%arg10 : memref<125x64xf32, #tpu.memory_space<vmem>>) dst(%dma_wait3A_449 : memref<10240x64xf32, #tpu.memory_space<vmem_shared>>)
      } else {
      }
      %add3A_311 = arith.constant 6 : i32
      %add3A_312 = arith.addi %add3A_288, %add3A_311 : i32
      %lt3A_313 = arith.constant 80 : i32
      %lt3A_314 = arith.cmpi slt, %add3A_312, %lt3A_313 : i32
      %convert_element_type3A_315 = arith.extui %lt3A_314 : i1 to i32
      %cond3A_316 = arith.constant 0 : i32
      %cond3A_317 = arith.cmpi ne, %convert_element_type3A_315, %cond3A_316 : i32
      scf.if %cond3A_317 {
        %add3A_443 = arith.constant 6 : i32
        %add3A_444 = arith.addi %add3A_288, %add3A_443 : i32
        %dma_start3A_445 = arith.constant 0 : i32
        %dma_start3A_446 = tpu.memref_slice %arg7[%add3A_444, %dma_start3A_445] : memref<80x125xi32, #tpu.memory_space<vmem>> -> memref<1x125xi32, #tpu.memory_space<vmem>>
        %dma_start3A_447 = tpu.memref_squeeze %dma_start3A_446 : memref<1x125xi32, #tpu.memory_space<vmem>> -> memref<125xi32, #tpu.memory_space<vmem>>
        %dma_start3A_448 = arith.constant 0 : i32
        %dma_start3A_449 = arith.constant 0 : i32
        %dma_start3A_450 = tpu.memref_slice %arg2[%add3A_97, %dma_start3A_448, %dma_start3A_449] : memref<4x10240x64xf32, #tpu.memory_space<hbm>> -> memref<1x10240x64xf32, #tpu.memory_space<hbm>>
        %dma_start3A_451 = tpu.memref_squeeze %dma_start3A_450 : memref<1x10240x64xf32, #tpu.memory_space<hbm>> -> memref<10240x64xf32, #tpu.memory_space<hbm>>
        %dma_start3A_452 = arith.constant 0 : i32
        %dma_start3A_453 = arith.constant 0 : i32
        %dma_start3A_454 = tpu.memref_slice %dma_start3A_451[%dma_start3A_452, %dma_start3A_453] : memref<10240x64xf32, #tpu.memory_space<hbm>> -> memref<10240x64xf32, #tpu.memory_space<hbm>>
        tpu.enqueue_indirect_dma source(%dma_start3A_454 : memref<10240x64xf32, #tpu.memory_space<hbm>>) target(%arg10 : memref<125x64xf32, #tpu.memory_space<vmem>>) offsets(%dma_start3A_447 : memref<125xi32, #tpu.memory_space<vmem>>) semaphore(%arg18 : memref<!tpu.dma_semaphore, #tpu.memory_space<semaphore_mem>>)
      } else {
      }
      %add3A_318 = arith.constant 4 : i32
      %add3A_319 = arith.addi %mul3A_197, %add3A_318 : i32
      %dma_wait3A_320 = arith.constant 0 : i32
      %dma_wait3A_321 = arith.constant 0 : i32
      %dma_wait3A_322 = tpu.memref_slice %arg7[%dma_wait3A_320, %dma_wait3A_321] : memref<80x125xi32, #tpu.memory_space<vmem>> -> memref<1x125xi32, #tpu.memory_space<vmem>>
      %dma_wait3A_323 = tpu.memref_squeeze %dma_wait3A_322 : memref<1x125xi32, #tpu.memory_space<vmem>> -> memref<125xi32, #tpu.memory_space<vmem>>
      %dma_wait3A_324 = arith.constant 0 : i32
      %dma_wait3A_325 = arith.constant 0 : i32
      %dma_wait3A_326 = tpu.memref_slice %arg2[%add3A_97, %dma_wait3A_324, %dma_wait3A_325] : memref<4x10240x64xf32, #tpu.memory_space<hbm>> -> memref<1x10240x64xf32, #tpu.memory_space<hbm>>
      %dma_wait3A_327 = tpu.memref_squeeze %dma_wait3A_326 : memref<1x10240x64xf32, #tpu.memory_space<hbm>> -> memref<10240x64xf32, #tpu.memory_space<hbm>>
      %dma_wait3A_328 = arith.constant 0 : i32
      %dma_wait3A_329 = arith.constant 0 : i32
      %dma_wait3A_330 = tpu.memref_slice %dma_wait3A_327[%dma_wait3A_328, %dma_wait3A_329] : memref<10240x64xf32, #tpu.memory_space<hbm>> -> memref<10240x64xf32, #tpu.memory_space<hbm>>
      tpu.wait_indirect_dma semaphore(%arg18 : memref<!tpu.dma_semaphore, #tpu.memory_space<semaphore_mem>>) src(%dma_wait3A_330 : memref<10240x64xf32, #tpu.memory_space<hbm>>) dst(%arg13 : memref<125x64xf32, #tpu.memory_space<vmem>>)
      %dma_start3A_331 = arith.constant 0 : i32
      %dma_start3A_332 = tpu.memref_slice %arg8[%add3A_319, %dma_start3A_331] : memref<80x125xi32, #tpu.memory_space<vmem>> -> memref<1x125xi32, #tpu.memory_space<vmem>>
      %dma_start3A_333 = tpu.memref_squeeze %dma_start3A_332 : memref<1x125xi32, #tpu.memory_space<vmem>> -> memref<125xi32, #tpu.memory_space<vmem>>
      %dma_start3A_334 = arith.constant 0 : i32
      %dma_start3A_335 = arith.constant 0 : i32
      %dma_start3A_336 = tpu.memref_slice %arg17[%dma_start3A_334, %dma_start3A_335] : memref<10240x64xf32, #tpu.memory_space<vmem_shared>> -> memref<10240x64xf32, #tpu.memory_space<vmem_shared>>
      tpu.enqueue_indirect_dma source(%arg13 : memref<125x64xf32, #tpu.memory_space<vmem>>) target(%dma_start3A_336 : memref<10240x64xf32, #tpu.memory_space<vmem_shared>>) offsets(%dma_start3A_333 : memref<125xi32, #tpu.memory_space<vmem>>) semaphore(%arg19 : memref<!tpu.dma_semaphore, #tpu.memory_space<semaphore_mem>>) {add = true}
      %ge3A_337 = arith.constant 2 : i32
      %ge3A_338 = arith.cmpi sge, %add3A_319, %ge3A_337 : i32
      %convert_element_type3A_339 = arith.extui %ge3A_338 : i1 to i32
      %cond3A_340 = arith.constant 0 : i32
      %cond3A_341 = arith.cmpi ne, %convert_element_type3A_339, %cond3A_340 : i32
      scf.if %cond3A_341 {
        %dma_wait3A_443 = arith.constant 0 : i32
        %dma_wait3A_444 = arith.constant 0 : i32
        %dma_wait3A_445 = tpu.memref_slice %arg8[%dma_wait3A_443, %dma_wait3A_444] : memref<80x125xi32, #tpu.memory_space<vmem>> -> memref<1x125xi32, #tpu.memory_space<vmem>>
        %dma_wait3A_446 = tpu.memref_squeeze %dma_wait3A_445 : memref<1x125xi32, #tpu.memory_space<vmem>> -> memref<125xi32, #tpu.memory_space<vmem>>
        %dma_wait3A_447 = arith.constant 0 : i32
        %dma_wait3A_448 = arith.constant 0 : i32
        %dma_wait3A_449 = tpu.memref_slice %arg17[%dma_wait3A_447, %dma_wait3A_448] : memref<10240x64xf32, #tpu.memory_space<vmem_shared>> -> memref<10240x64xf32, #tpu.memory_space<vmem_shared>>
        tpu.wait_indirect_dma semaphore(%arg19 : memref<!tpu.dma_semaphore, #tpu.memory_space<semaphore_mem>>) src(%arg11 : memref<125x64xf32, #tpu.memory_space<vmem>>) dst(%dma_wait3A_449 : memref<10240x64xf32, #tpu.memory_space<vmem_shared>>)
      } else {
      }
      %add3A_342 = arith.constant 6 : i32
      %add3A_343 = arith.addi %add3A_319, %add3A_342 : i32
      %lt3A_344 = arith.constant 80 : i32
      %lt3A_345 = arith.cmpi slt, %add3A_343, %lt3A_344 : i32
      %convert_element_type3A_346 = arith.extui %lt3A_345 : i1 to i32
      %cond3A_347 = arith.constant 0 : i32
      %cond3A_348 = arith.cmpi ne, %convert_element_type3A_346, %cond3A_347 : i32
      scf.if %cond3A_348 {
        %add3A_443 = arith.constant 6 : i32
        %add3A_444 = arith.addi %add3A_319, %add3A_443 : i32
        %dma_start3A_445 = arith.constant 0 : i32
        %dma_start3A_446 = tpu.memref_slice %arg7[%add3A_444, %dma_start3A_445] : memref<80x125xi32, #tpu.memory_space<vmem>> -> memref<1x125xi32, #tpu.memory_space<vmem>>
        %dma_start3A_447 = tpu.memref_squeeze %dma_start3A_446 : memref<1x125xi32, #tpu.memory_space<vmem>> -> memref<125xi32, #tpu.memory_space<vmem>>
        %dma_start3A_448 = arith.constant 0 : i32
        %dma_start3A_449 = arith.constant 0 : i32
        %dma_start3A_450 = tpu.memref_slice %arg2[%add3A_97, %dma_start3A_448, %dma_start3A_449] : memref<4x10240x64xf32, #tpu.memory_space<hbm>> -> memref<1x10240x64xf32, #tpu.memory_space<hbm>>
        %dma_start3A_451 = tpu.memref_squeeze %dma_start3A_450 : memref<1x10240x64xf32, #tpu.memory_space<hbm>> -> memref<10240x64xf32, #tpu.memory_space<hbm>>
        %dma_start3A_452 = arith.constant 0 : i32
        %dma_start3A_453 = arith.constant 0 : i32
        %dma_start3A_454 = tpu.memref_slice %dma_start3A_451[%dma_start3A_452, %dma_start3A_453] : memref<10240x64xf32, #tpu.memory_space<hbm>> -> memref<10240x64xf32, #tpu.memory_space<hbm>>
        tpu.enqueue_indirect_dma source(%dma_start3A_454 : memref<10240x64xf32, #tpu.memory_space<hbm>>) target(%arg11 : memref<125x64xf32, #tpu.memory_space<vmem>>) offsets(%dma_start3A_447 : memref<125xi32, #tpu.memory_space<vmem>>) semaphore(%arg18 : memref<!tpu.dma_semaphore, #tpu.memory_space<semaphore_mem>>)
      } else {
      }
      %add3A_349 = arith.constant 5 : i32
      %add3A_350 = arith.addi %mul3A_197, %add3A_349 : i32
      %dma_wait3A_351 = arith.constant 0 : i32
      %dma_wait3A_352 = arith.constant 0 : i32
      %dma_wait3A_353 = tpu.memref_slice %arg7[%dma_wait3A_351, %dma_wait3A_352] : memref<80x125xi32, #tpu.memory_space<vmem>> -> memref<1x125xi32, #tpu.memory_space<vmem>>
      %dma_wait3A_354 = tpu.memref_squeeze %dma_wait3A_353 : memref<1x125xi32, #tpu.memory_space<vmem>> -> memref<125xi32, #tpu.memory_space<vmem>>
      %dma_wait3A_355 = arith.constant 0 : i32
      %dma_wait3A_356 = arith.constant 0 : i32
      %dma_wait3A_357 = tpu.memref_slice %arg2[%add3A_97, %dma_wait3A_355, %dma_wait3A_356] : memref<4x10240x64xf32, #tpu.memory_space<hbm>> -> memref<1x10240x64xf32, #tpu.memory_space<hbm>>
      %dma_wait3A_358 = tpu.memref_squeeze %dma_wait3A_357 : memref<1x10240x64xf32, #tpu.memory_space<hbm>> -> memref<10240x64xf32, #tpu.memory_space<hbm>>
      %dma_wait3A_359 = arith.constant 0 : i32
      %dma_wait3A_360 = arith.constant 0 : i32
      %dma_wait3A_361 = tpu.memref_slice %dma_wait3A_358[%dma_wait3A_359, %dma_wait3A_360] : memref<10240x64xf32, #tpu.memory_space<hbm>> -> memref<10240x64xf32, #tpu.memory_space<hbm>>
      tpu.wait_indirect_dma semaphore(%arg18 : memref<!tpu.dma_semaphore, #tpu.memory_space<semaphore_mem>>) src(%dma_wait3A_361 : memref<10240x64xf32, #tpu.memory_space<hbm>>) dst(%arg14 : memref<125x64xf32, #tpu.memory_space<vmem>>)
      %dma_start3A_362 = arith.constant 0 : i32
      %dma_start3A_363 = tpu.memref_slice %arg8[%add3A_350, %dma_start3A_362] : memref<80x125xi32, #tpu.memory_space<vmem>> -> memref<1x125xi32, #tpu.memory_space<vmem>>
      %dma_start3A_364 = tpu.memref_squeeze %dma_start3A_363 : memref<1x125xi32, #tpu.memory_space<vmem>> -> memref<125xi32, #tpu.memory_space<vmem>>
      %dma_start3A_365 = arith.constant 0 : i32
      %dma_start3A_366 = arith.constant 0 : i32
      %dma_start3A_367 = tpu.memref_slice %arg17[%dma_start3A_365, %dma_start3A_366] : memref<10240x64xf32, #tpu.memory_space<vmem_shared>> -> memref<10240x64xf32, #tpu.memory_space<vmem_shared>>
      tpu.enqueue_indirect_dma source(%arg14 : memref<125x64xf32, #tpu.memory_space<vmem>>) target(%dma_start3A_367 : memref<10240x64xf32, #tpu.memory_space<vmem_shared>>) offsets(%dma_start3A_364 : memref<125xi32, #tpu.memory_space<vmem>>) semaphore(%arg19 : memref<!tpu.dma_semaphore, #tpu.memory_space<semaphore_mem>>) {add = true}
      %ge3A_368 = arith.constant 2 : i32
      %ge3A_369 = arith.cmpi sge, %add3A_350, %ge3A_368 : i32
      %convert_element_type3A_370 = arith.extui %ge3A_369 : i1 to i32
      %cond3A_371 = arith.constant 0 : i32
      %cond3A_372 = arith.cmpi ne, %convert_element_type3A_370, %cond3A_371 : i32
      scf.if %cond3A_372 {
        %dma_wait3A_443 = arith.constant 0 : i32
        %dma_wait3A_444 = arith.constant 0 : i32
        %dma_wait3A_445 = tpu.memref_slice %arg8[%dma_wait3A_443, %dma_wait3A_444] : memref<80x125xi32, #tpu.memory_space<vmem>> -> memref<1x125xi32, #tpu.memory_space<vmem>>
        %dma_wait3A_446 = tpu.memref_squeeze %dma_wait3A_445 : memref<1x125xi32, #tpu.memory_space<vmem>> -> memref<125xi32, #tpu.memory_space<vmem>>
        %dma_wait3A_447 = arith.constant 0 : i32
        %dma_wait3A_448 = arith.constant 0 : i32
        %dma_wait3A_449 = tpu.memref_slice %arg17[%dma_wait3A_447, %dma_wait3A_448] : memref<10240x64xf32, #tpu.memory_space<vmem_shared>> -> memref<10240x64xf32, #tpu.memory_space<vmem_shared>>
        tpu.wait_indirect_dma semaphore(%arg19 : memref<!tpu.dma_semaphore, #tpu.memory_space<semaphore_mem>>) src(%arg12 : memref<125x64xf32, #tpu.memory_space<vmem>>) dst(%dma_wait3A_449 : memref<10240x64xf32, #tpu.memory_space<vmem_shared>>)
      } else {
      }
      %add3A_373 = arith.constant 6 : i32
      %add3A_374 = arith.addi %add3A_350, %add3A_373 : i32
      %lt3A_375 = arith.constant 80 : i32
      %lt3A_376 = arith.cmpi slt, %add3A_374, %lt3A_375 : i32
      %convert_element_type3A_377 = arith.extui %lt3A_376 : i1 to i32
      %cond3A_378 = arith.constant 0 : i32
      %cond3A_379 = arith.cmpi ne, %convert_element_type3A_377, %cond3A_378 : i32
      scf.if %cond3A_379 {
        %add3A_443 = arith.constant 6 : i32
        %add3A_444 = arith.addi %add3A_350, %add3A_443 : i32
        %dma_start3A_445 = arith.constant 0 : i32
        %dma_start3A_446 = tpu.memref_slice %arg7[%add3A_444, %dma_start3A_445] : memref<80x125xi32, #tpu.memory_space<vmem>> -> memref<1x125xi32, #tpu.memory_space<vmem>>
        %dma_start3A_447 = tpu.memref_squeeze %dma_start3A_446 : memref<1x125xi32, #tpu.memory_space<vmem>> -> memref<125xi32, #tpu.memory_space<vmem>>
        %dma_start3A_448 = arith.constant 0 : i32
        %dma_start3A_449 = arith.constant 0 : i32
        %dma_start3A_450 = tpu.memref_slice %arg2[%add3A_97, %dma_start3A_448, %dma_start3A_449] : memref<4x10240x64xf32, #tpu.memory_space<hbm>> -> memref<1x10240x64xf32, #tpu.memory_space<hbm>>
        %dma_start3A_451 = tpu.memref_squeeze %dma_start3A_450 : memref<1x10240x64xf32, #tpu.memory_space<hbm>> -> memref<10240x64xf32, #tpu.memory_space<hbm>>
        %dma_start3A_452 = arith.constant 0 : i32
        %dma_start3A_453 = arith.constant 0 : i32
        %dma_start3A_454 = tpu.memref_slice %dma_start3A_451[%dma_start3A_452, %dma_start3A_453] : memref<10240x64xf32, #tpu.memory_space<hbm>> -> memref<10240x64xf32, #tpu.memory_space<hbm>>
        tpu.enqueue_indirect_dma source(%dma_start3A_454 : memref<10240x64xf32, #tpu.memory_space<hbm>>) target(%arg12 : memref<125x64xf32, #tpu.memory_space<vmem>>) offsets(%dma_start3A_447 : memref<125xi32, #tpu.memory_space<vmem>>) semaphore(%arg18 : memref<!tpu.dma_semaphore, #tpu.memory_space<semaphore_mem>>)
      } else {
      }
      %add3A_380 = arith.constant 6 : i32
      %add3A_381 = arith.addi %mul3A_197, %add3A_380 : i32
      %dma_wait3A_382 = arith.constant 0 : i32
      %dma_wait3A_383 = arith.constant 0 : i32
      %dma_wait3A_384 = tpu.memref_slice %arg7[%dma_wait3A_382, %dma_wait3A_383] : memref<80x125xi32, #tpu.memory_space<vmem>> -> memref<1x125xi32, #tpu.memory_space<vmem>>
      %dma_wait3A_385 = tpu.memref_squeeze %dma_wait3A_384 : memref<1x125xi32, #tpu.memory_space<vmem>> -> memref<125xi32, #tpu.memory_space<vmem>>
      %dma_wait3A_386 = arith.constant 0 : i32
      %dma_wait3A_387 = arith.constant 0 : i32
      %dma_wait3A_388 = tpu.memref_slice %arg2[%add3A_97, %dma_wait3A_386, %dma_wait3A_387] : memref<4x10240x64xf32, #tpu.memory_space<hbm>> -> memref<1x10240x64xf32, #tpu.memory_space<hbm>>
      %dma_wait3A_389 = tpu.memref_squeeze %dma_wait3A_388 : memref<1x10240x64xf32, #tpu.memory_space<hbm>> -> memref<10240x64xf32, #tpu.memory_space<hbm>>
      %dma_wait3A_390 = arith.constant 0 : i32
      %dma_wait3A_391 = arith.constant 0 : i32
      %dma_wait3A_392 = tpu.memref_slice %dma_wait3A_389[%dma_wait3A_390, %dma_wait3A_391] : memref<10240x64xf32, #tpu.memory_space<hbm>> -> memref<10240x64xf32, #tpu.memory_space<hbm>>
      tpu.wait_indirect_dma semaphore(%arg18 : memref<!tpu.dma_semaphore, #tpu.memory_space<semaphore_mem>>) src(%dma_wait3A_392 : memref<10240x64xf32, #tpu.memory_space<hbm>>) dst(%arg15 : memref<125x64xf32, #tpu.memory_space<vmem>>)
      %dma_start3A_393 = arith.constant 0 : i32
      %dma_start3A_394 = tpu.memref_slice %arg8[%add3A_381, %dma_start3A_393] : memref<80x125xi32, #tpu.memory_space<vmem>> -> memref<1x125xi32, #tpu.memory_space<vmem>>
      %dma_start3A_395 = tpu.memref_squeeze %dma_start3A_394 : memref<1x125xi32, #tpu.memory_space<vmem>> -> memref<125xi32, #tpu.memory_space<vmem>>
      %dma_start3A_396 = arith.constant 0 : i32
      %dma_start3A_397 = arith.constant 0 : i32
      %dma_start3A_398 = tpu.memref_slice %arg17[%dma_start3A_396, %dma_start3A_397] : memref<10240x64xf32, #tpu.memory_space<vmem_shared>> -> memref<10240x64xf32, #tpu.memory_space<vmem_shared>>
      tpu.enqueue_indirect_dma source(%arg15 : memref<125x64xf32, #tpu.memory_space<vmem>>) target(%dma_start3A_398 : memref<10240x64xf32, #tpu.memory_space<vmem_shared>>) offsets(%dma_start3A_395 : memref<125xi32, #tpu.memory_space<vmem>>) semaphore(%arg19 : memref<!tpu.dma_semaphore, #tpu.memory_space<semaphore_mem>>) {add = true}
      %ge3A_399 = arith.constant 2 : i32
      %ge3A_400 = arith.cmpi sge, %add3A_381, %ge3A_399 : i32
      %convert_element_type3A_401 = arith.extui %ge3A_400 : i1 to i32
      %cond3A_402 = arith.constant 0 : i32
      %cond3A_403 = arith.cmpi ne, %convert_element_type3A_401, %cond3A_402 : i32
      scf.if %cond3A_403 {
        %dma_wait3A_443 = arith.constant 0 : i32
        %dma_wait3A_444 = arith.constant 0 : i32
        %dma_wait3A_445 = tpu.memref_slice %arg8[%dma_wait3A_443, %dma_wait3A_444] : memref<80x125xi32, #tpu.memory_space<vmem>> -> memref<1x125xi32, #tpu.memory_space<vmem>>
        %dma_wait3A_446 = tpu.memref_squeeze %dma_wait3A_445 : memref<1x125xi32, #tpu.memory_space<vmem>> -> memref<125xi32, #tpu.memory_space<vmem>>
        %dma_wait3A_447 = arith.constant 0 : i32
        %dma_wait3A_448 = arith.constant 0 : i32
        %dma_wait3A_449 = tpu.memref_slice %arg17[%dma_wait3A_447, %dma_wait3A_448] : memref<10240x64xf32, #tpu.memory_space<vmem_shared>> -> memref<10240x64xf32, #tpu.memory_space<vmem_shared>>
        tpu.wait_indirect_dma semaphore(%arg19 : memref<!tpu.dma_semaphore, #tpu.memory_space<semaphore_mem>>) src(%arg13 : memref<125x64xf32, #tpu.memory_space<vmem>>) dst(%dma_wait3A_449 : memref<10240x64xf32, #tpu.memory_space<vmem_shared>>)
      } else {
      }
      %add3A_404 = arith.constant 6 : i32
      %add3A_405 = arith.addi %add3A_381, %add3A_404 : i32
      %lt3A_406 = arith.constant 80 : i32
      %lt3A_407 = arith.cmpi slt, %add3A_405, %lt3A_406 : i32
      %convert_element_type3A_408 = arith.extui %lt3A_407 : i1 to i32
      %cond3A_409 = arith.constant 0 : i32
      %cond3A_410 = arith.cmpi ne, %convert_element_type3A_408, %cond3A_409 : i32
      scf.if %cond3A_410 {
        %add3A_443 = arith.constant 6 : i32
        %add3A_444 = arith.addi %add3A_381, %add3A_443 : i32
        %dma_start3A_445 = arith.constant 0 : i32
        %dma_start3A_446 = tpu.memref_slice %arg7[%add3A_444, %dma_start3A_445] : memref<80x125xi32, #tpu.memory_space<vmem>> -> memref<1x125xi32, #tpu.memory_space<vmem>>
        %dma_start3A_447 = tpu.memref_squeeze %dma_start3A_446 : memref<1x125xi32, #tpu.memory_space<vmem>> -> memref<125xi32, #tpu.memory_space<vmem>>
        %dma_start3A_448 = arith.constant 0 : i32
        %dma_start3A_449 = arith.constant 0 : i32
        %dma_start3A_450 = tpu.memref_slice %arg2[%add3A_97, %dma_start3A_448, %dma_start3A_449] : memref<4x10240x64xf32, #tpu.memory_space<hbm>> -> memref<1x10240x64xf32, #tpu.memory_space<hbm>>
        %dma_start3A_451 = tpu.memref_squeeze %dma_start3A_450 : memref<1x10240x64xf32, #tpu.memory_space<hbm>> -> memref<10240x64xf32, #tpu.memory_space<hbm>>
        %dma_start3A_452 = arith.constant 0 : i32
        %dma_start3A_453 = arith.constant 0 : i32
        %dma_start3A_454 = tpu.memref_slice %dma_start3A_451[%dma_start3A_452, %dma_start3A_453] : memref<10240x64xf32, #tpu.memory_space<hbm>> -> memref<10240x64xf32, #tpu.memory_space<hbm>>
        tpu.enqueue_indirect_dma source(%dma_start3A_454 : memref<10240x64xf32, #tpu.memory_space<hbm>>) target(%arg13 : memref<125x64xf32, #tpu.memory_space<vmem>>) offsets(%dma_start3A_447 : memref<125xi32, #tpu.memory_space<vmem>>) semaphore(%arg18 : memref<!tpu.dma_semaphore, #tpu.memory_space<semaphore_mem>>)
      } else {
      }
      %add3A_411 = arith.constant 7 : i32
      %add3A_412 = arith.addi %mul3A_197, %add3A_411 : i32
      %dma_wait3A_413 = arith.constant 0 : i32
      %dma_wait3A_414 = arith.constant 0 : i32
      %dma_wait3A_415 = tpu.memref_slice %arg7[%dma_wait3A_413, %dma_wait3A_414] : memref<80x125xi32, #tpu.memory_space<vmem>> -> memref<1x125xi32, #tpu.memory_space<vmem>>
      %dma_wait3A_416 = tpu.memref_squeeze %dma_wait3A_415 : memref<1x125xi32, #tpu.memory_space<vmem>> -> memref<125xi32, #tpu.memory_space<vmem>>
      %dma_wait3A_417 = arith.constant 0 : i32
      %dma_wait3A_418 = arith.constant 0 : i32
      %dma_wait3A_419 = tpu.memref_slice %arg2[%add3A_97, %dma_wait3A_417, %dma_wait3A_418] : memref<4x10240x64xf32, #tpu.memory_space<hbm>> -> memref<1x10240x64xf32, #tpu.memory_space<hbm>>
      %dma_wait3A_420 = tpu.memref_squeeze %dma_wait3A_419 : memref<1x10240x64xf32, #tpu.memory_space<hbm>> -> memref<10240x64xf32, #tpu.memory_space<hbm>>
      %dma_wait3A_421 = arith.constant 0 : i32
      %dma_wait3A_422 = arith.constant 0 : i32
      %dma_wait3A_423 = tpu.memref_slice %dma_wait3A_420[%dma_wait3A_421, %dma_wait3A_422] : memref<10240x64xf32, #tpu.memory_space<hbm>> -> memref<10240x64xf32, #tpu.memory_space<hbm>>
      tpu.wait_indirect_dma semaphore(%arg18 : memref<!tpu.dma_semaphore, #tpu.memory_space<semaphore_mem>>) src(%dma_wait3A_423 : memref<10240x64xf32, #tpu.memory_space<hbm>>) dst(%arg16 : memref<125x64xf32, #tpu.memory_space<vmem>>)
      %dma_start3A_424 = arith.constant 0 : i32
      %dma_start3A_425 = tpu.memref_slice %arg8[%add3A_412, %dma_start3A_424] : memref<80x125xi32, #tpu.memory_space<vmem>> -> memref<1x125xi32, #tpu.memory_space<vmem>>
      %dma_start3A_426 = tpu.memref_squeeze %dma_start3A_425 : memref<1x125xi32, #tpu.memory_space<vmem>> -> memref<125xi32, #tpu.memory_space<vmem>>
      %dma_start3A_427 = arith.constant 0 : i32
      %dma_start3A_428 = arith.constant 0 : i32
      %dma_start3A_429 = tpu.memref_slice %arg17[%dma_start3A_427, %dma_start3A_428] : memref<10240x64xf32, #tpu.memory_space<vmem_shared>> -> memref<10240x64xf32, #tpu.memory_space<vmem_shared>>
      tpu.enqueue_indirect_dma source(%arg16 : memref<125x64xf32, #tpu.memory_space<vmem>>) target(%dma_start3A_429 : memref<10240x64xf32, #tpu.memory_space<vmem_shared>>) offsets(%dma_start3A_426 : memref<125xi32, #tpu.memory_space<vmem>>) semaphore(%arg19 : memref<!tpu.dma_semaphore, #tpu.memory_space<semaphore_mem>>) {add = true}
      %ge3A_430 = arith.constant 2 : i32
      %ge3A_431 = arith.cmpi sge, %add3A_412, %ge3A_430 : i32
      %convert_element_type3A_432 = arith.extui %ge3A_431 : i1 to i32
      %cond3A_433 = arith.constant 0 : i32
      %cond3A_434 = arith.cmpi ne, %convert_element_type3A_432, %cond3A_433 : i32
      scf.if %cond3A_434 {
        %dma_wait3A_443 = arith.constant 0 : i32
        %dma_wait3A_444 = arith.constant 0 : i32
        %dma_wait3A_445 = tpu.memref_slice %arg8[%dma_wait3A_443, %dma_wait3A_444] : memref<80x125xi32, #tpu.memory_space<vmem>> -> memref<1x125xi32, #tpu.memory_space<vmem>>
        %dma_wait3A_446 = tpu.memref_squeeze %dma_wait3A_445 : memref<1x125xi32, #tpu.memory_space<vmem>> -> memref<125xi32, #tpu.memory_space<vmem>>
        %dma_wait3A_447 = arith.constant 0 : i32
        %dma_wait3A_448 = arith.constant 0 : i32
        %dma_wait3A_449 = tpu.memref_slice %arg17[%dma_wait3A_447, %dma_wait3A_448] : memref<10240x64xf32, #tpu.memory_space<vmem_shared>> -> memref<10240x64xf32, #tpu.memory_space<vmem_shared>>
        tpu.wait_indirect_dma semaphore(%arg19 : memref<!tpu.dma_semaphore, #tpu.memory_space<semaphore_mem>>) src(%arg14 : memref<125x64xf32, #tpu.memory_space<vmem>>) dst(%dma_wait3A_449 : memref<10240x64xf32, #tpu.memory_space<vmem_shared>>)
      } else {
      }
      %add3A_435 = arith.constant 6 : i32
      %add3A_436 = arith.addi %add3A_412, %add3A_435 : i32
      %lt3A_437 = arith.constant 80 : i32
      %lt3A_438 = arith.cmpi slt, %add3A_436, %lt3A_437 : i32
      %convert_element_type3A_439 = arith.extui %lt3A_438 : i1 to i32
      %cond3A_440 = arith.constant 0 : i32
      %cond3A_441 = arith.cmpi ne, %convert_element_type3A_439, %cond3A_440 : i32
      scf.if %cond3A_441 {
        %add3A_443 = arith.constant 6 : i32
        %add3A_444 = arith.addi %add3A_412, %add3A_443 : i32
        %dma_start3A_445 = arith.constant 0 : i32
        %dma_start3A_446 = tpu.memref_slice %arg7[%add3A_444, %dma_start3A_445] : memref<80x125xi32, #tpu.memory_space<vmem>> -> memref<1x125xi32, #tpu.memory_space<vmem>>
        %dma_start3A_447 = tpu.memref_squeeze %dma_start3A_446 : memref<1x125xi32, #tpu.memory_space<vmem>> -> memref<125xi32, #tpu.memory_space<vmem>>
        %dma_start3A_448 = arith.constant 0 : i32
        %dma_start3A_449 = arith.constant 0 : i32
        %dma_start3A_450 = tpu.memref_slice %arg2[%add3A_97, %dma_start3A_448, %dma_start3A_449] : memref<4x10240x64xf32, #tpu.memory_space<hbm>> -> memref<1x10240x64xf32, #tpu.memory_space<hbm>>
        %dma_start3A_451 = tpu.memref_squeeze %dma_start3A_450 : memref<1x10240x64xf32, #tpu.memory_space<hbm>> -> memref<10240x64xf32, #tpu.memory_space<hbm>>
        %dma_start3A_452 = arith.constant 0 : i32
        %dma_start3A_453 = arith.constant 0 : i32
        %dma_start3A_454 = tpu.memref_slice %dma_start3A_451[%dma_start3A_452, %dma_start3A_453] : memref<10240x64xf32, #tpu.memory_space<hbm>> -> memref<10240x64xf32, #tpu.memory_space<hbm>>
        tpu.enqueue_indirect_dma source(%dma_start3A_454 : memref<10240x64xf32, #tpu.memory_space<hbm>>) target(%arg14 : memref<125x64xf32, #tpu.memory_space<vmem>>) offsets(%dma_start3A_447 : memref<125xi32, #tpu.memory_space<vmem>>) semaphore(%arg18 : memref<!tpu.dma_semaphore, #tpu.memory_space<semaphore_mem>>)
      } else {
      }
      %scan3A_442 = arith.constant 0 : i32
      scf.yield %scan3A_442 : i32
    }
    %scan3A_173 = arith.constant 10 : i32
    %dma_wait3A_174 = arith.constant 0 : i32
    %dma_wait3A_175 = arith.constant 0 : i32
    %dma_wait3A_176 = tpu.memref_slice %arg8[%dma_wait3A_174, %dma_wait3A_175] : memref<80x125xi32, #tpu.memory_space<vmem>> -> memref<1x125xi32, #tpu.memory_space<vmem>>
    %dma_wait3A_177 = tpu.memref_squeeze %dma_wait3A_176 : memref<1x125xi32, #tpu.memory_space<vmem>> -> memref<125xi32, #tpu.memory_space<vmem>>
    %dma_wait3A_178 = arith.constant 0 : i32
    %dma_wait3A_179 = arith.constant 0 : i32
    %dma_wait3A_180 = tpu.memref_slice %arg17[%dma_wait3A_178, %dma_wait3A_179] : memref<10240x64xf32, #tpu.memory_space<vmem_shared>> -> memref<10240x64xf32, #tpu.memory_space<vmem_shared>>
    tpu.wait_indirect_dma semaphore(%arg19 : memref<!tpu.dma_semaphore, #tpu.memory_space<semaphore_mem>>) src(%arg15 : memref<125x64xf32, #tpu.memory_space<vmem>>) dst(%dma_wait3A_180 : memref<10240x64xf32, #tpu.memory_space<vmem_shared>>)
    %dma_wait3A_181 = arith.constant 0 : i32
    %dma_wait3A_182 = arith.constant 0 : i32
    %dma_wait3A_183 = tpu.memref_slice %arg8[%dma_wait3A_181, %dma_wait3A_182] : memref<80x125xi32, #tpu.memory_space<vmem>> -> memref<1x125xi32, #tpu.memory_space<vmem>>
    %dma_wait3A_184 = tpu.memref_squeeze %dma_wait3A_183 : memref<1x125xi32, #tpu.memory_space<vmem>> -> memref<125xi32, #tpu.memory_space<vmem>>
    %dma_wait3A_185 = arith.constant 0 : i32
    %dma_wait3A_186 = arith.constant 0 : i32
    %dma_wait3A_187 = tpu.memref_slice %arg17[%dma_wait3A_185, %dma_wait3A_186] : memref<10240x64xf32, #tpu.memory_space<vmem_shared>> -> memref<10240x64xf32, #tpu.memory_space<vmem_shared>>
    tpu.wait_indirect_dma semaphore(%arg19 : memref<!tpu.dma_semaphore, #tpu.memory_space<semaphore_mem>>) src(%arg16 : memref<125x64xf32, #tpu.memory_space<vmem>>) dst(%dma_wait3A_187 : memref<10240x64xf32, #tpu.memory_space<vmem_shared>>)
    %barrier3A_188 = arith.constant 0 : index
    tpu.barrier barrier_id(%barrier3A_188)
    %mul3A_189 = arith.constant 640 : i32
    %mul3A_190 = arith.muli %arg1, %mul3A_189 : i32
    %mul3A_191 = arith.constant 640 : i32
    %mul3A_192 = arith.muli %arg1, %mul3A_191 : i32
    "tpu.region"() ({
      %run_scoped3A = tpu.sem_alloc : memref<!tpu.dma_semaphore, #tpu.memory_space<semaphore_mem>>
      %dma_start3A_194 = arith.constant 0 : i32
      %dma_start3A_195 = tpu.memref_slice %arg6[%add3A_97, %mul3A_192, %dma_start3A_194] : memref<4x10240x64xf32, #tpu.memory_space<hbm>> -> memref<1x640x64xf32, #tpu.memory_space<hbm>>
      %dma_start3A_196 = tpu.memref_squeeze %dma_start3A_195 : memref<1x640x64xf32, #tpu.memory_space<hbm>> -> memref<640x64xf32, #tpu.memory_space<hbm>>
      %dma_start3A_197 = arith.constant 0 : i32
      %dma_start3A_198 = tpu.memref_slice %arg17[%mul3A_190, %dma_start3A_197] : memref<10240x64xf32, #tpu.memory_space<vmem_shared>> -> memref<640x64xf32, #tpu.memory_space<vmem_shared>>
      tpu.enqueue_dma source(%dma_start3A_198 : memref<640x64xf32, #tpu.memory_space<vmem_shared>>) target(%dma_start3A_196 : memref<640x64xf32, #tpu.memory_space<hbm>>) target_semaphore(%run_scoped3A : memref<!tpu.dma_semaphore, #tpu.memory_space<semaphore_mem>>)
      %dma_wait3A_199 = arith.constant 0 : i32
      %dma_wait3A_200 = tpu.memref_slice %arg6[%add3A_97, %mul3A_192, %dma_wait3A_199] : memref<4x10240x64xf32, #tpu.memory_space<hbm>> -> memref<1x640x64xf32, #tpu.memory_space<hbm>>
      %dma_wait3A_201 = tpu.memref_squeeze %dma_wait3A_200 : memref<1x640x64xf32, #tpu.memory_space<hbm>> -> memref<640x64xf32, #tpu.memory_space<hbm>>
      %dma_wait3A_202 = arith.constant 0 : i32
      %dma_wait3A_203 = tpu.memref_slice %arg17[%mul3A_190, %dma_wait3A_202] : memref<10240x64xf32, #tpu.memory_space<vmem_shared>> -> memref<640x64xf32, #tpu.memory_space<vmem_shared>>
      tpu.wait_dma2 semaphore(%run_scoped3A : memref<!tpu.dma_semaphore, #tpu.memory_space<semaphore_mem>>) src(%dma_wait3A_203 : memref<640x64xf32, #tpu.memory_space<vmem_shared>>) dst(%dma_wait3A_201 : memref<640x64xf32, #tpu.memory_space<hbm>>)
      tpu.yield
    }) : () -> ()
    %barrier3A_193 = arith.constant 0 : index
    tpu.barrier barrier_id(%barrier3A_193)
    return
  }
}

#map = affine_map<(d0, d1) -> (0, 0, 0)>
#map1 = affine_map<(d0, d1) -> (0)>
#map2 = affine_map<(d0, d1) -> (0, 0)>
module attributes {stable_mosaic.version = 14 : i64} {
  func.func @_stats_body(%arg0: i32, %arg1: i32, %arg2: memref<16x125x80xi32, #tpu.memory_space<hbm>>, %arg3: memref<16x125x80xi32, #tpu.memory_space<hbm>>, %arg4: memref<16xi32, #tpu.memory_space<hbm>>, %arg5: memref<80xf32, #tpu.memory_space<hbm>>, %arg6: memref<10240xf32, #tpu.memory_space<hbm>>, %arg7: memref<10240xf32, #tpu.memory_space<hbm>>, %arg8: memref<10240xf32, #tpu.memory_space<hbm>>, %arg9: memref<16x16xi32, #tpu.memory_space<hbm>>, %arg10: memref<16x16xi32, #tpu.memory_space<hbm>>, %arg11: memref<125x80xi32, #tpu.memory_space<vmem>>, %arg12: memref<125x80xi32, #tpu.memory_space<vmem>>, %arg13: memref<125x80xf32, #tpu.memory_space<vmem>>, %arg14: memref<80xf32, #tpu.memory_space<vmem>>, %arg15: memref<16xi32, #tpu.memory_space<vmem>>, %arg16: memref<16xi32, #tpu.memory_space<vmem>>, %arg17: memref<16xi32, #tpu.memory_space<vmem>>, %arg18: memref<640xf32, #tpu.memory_space<vmem>>, %arg19: memref<10240xf32, #tpu.memory_space<vmem_shared>>, %arg20: memref<10240xf32, #tpu.memory_space<vmem_shared>>, %arg21: memref<!tpu.dma_semaphore, #tpu.memory_space<semaphore_mem>>, %arg22: memref<!tpu.dma_semaphore, #tpu.memory_space<semaphore_mem>>) attributes {dimension_semantics = [#tpu.dimension_semantics<core_parallel>, #tpu.dimension_semantics<subcore_parallel>], iteration_bounds = array<i64: 2, 16>, scalar_prefetch = 0 : i64, scratch_operands = 12 : i64, tpu.core_type = #tpu.core_type<sc_vector_subcore>, window_params = [{transform_indices = #map}, {transform_indices = #map}, {transform_indices = #map1}, {transform_indices = #map1}, {transform_indices = #map1}, {transform_indices = #map1}, {transform_indices = #map1}, {transform_indices = #map2}, {transform_indices = #map2}]} {
    %broadcast_in_dim3A = arith.constant 0.000000e+00 : f32
    %broadcast_in_dim3A_0 = vector.broadcast %broadcast_in_dim3A : f32 to vector<16xf32>
    %swap3A = arith.constant 0 : index
    %swap3A_1 = tpu.vector_load %arg18[%swap3A] {strides = array<i32>} : memref<640xf32, #tpu.memory_space<vmem>>, vector<16xf32>,
    %swap3A_2 = vector.shape_cast %swap3A_1 : vector<16xf32> to vector<16xf32>
    %swap3A_3 = vector.shape_cast %broadcast_in_dim3A_0 : vector<16xf32> to vector<16xf32>
    tpu.vector_store %arg18[%swap3A], %swap3A_3 {strides = array<i32>} : memref<640xf32, #tpu.memory_space<vmem>>, vector<16xf32>,
    %broadcast_in_dim3A_4 = arith.constant 0.000000e+00 : f32
    %broadcast_in_dim3A_5 = vector.broadcast %broadcast_in_dim3A_4 : f32 to vector<16xf32>
    %swap3A_6 = arith.constant 16 : index
    %swap3A_7 = tpu.vector_load %arg18[%swap3A_6] {strides = array<i32>} : memref<640xf32, #tpu.memory_space<vmem>>, vector<16xf32>,
    %swap3A_8 = vector.shape_cast %swap3A_7 : vector<16xf32> to vector<16xf32>
    %swap3A_9 = vector.shape_cast %broadcast_in_dim3A_5 : vector<16xf32> to vector<16xf32>
    tpu.vector_store %arg18[%swap3A_6], %swap3A_9 {strides = array<i32>} : memref<640xf32, #tpu.memory_space<vmem>>, vector<16xf32>,
    %broadcast_in_dim3A_10 = arith.constant 0.000000e+00 : f32
    %broadcast_in_dim3A_11 = vector.broadcast %broadcast_in_dim3A_10 : f32 to vector<16xf32>
    %swap3A_12 = arith.constant 32 : index
    %swap3A_13 = tpu.vector_load %arg18[%swap3A_12] {strides = array<i32>} : memref<640xf32, #tpu.memory_space<vmem>>, vector<16xf32>,
    %swap3A_14 = vector.shape_cast %swap3A_13 : vector<16xf32> to vector<16xf32>
    %swap3A_15 = vector.shape_cast %broadcast_in_dim3A_11 : vector<16xf32> to vector<16xf32>
    tpu.vector_store %arg18[%swap3A_12], %swap3A_15 {strides = array<i32>} : memref<640xf32, #tpu.memory_space<vmem>>, vector<16xf32>,
    %broadcast_in_dim3A_16 = arith.constant 0.000000e+00 : f32
    %broadcast_in_dim3A_17 = vector.broadcast %broadcast_in_dim3A_16 : f32 to vector<16xf32>
    %swap3A_18 = arith.constant 48 : index
    %swap3A_19 = tpu.vector_load %arg18[%swap3A_18] {strides = array<i32>} : memref<640xf32, #tpu.memory_space<vmem>>, vector<16xf32>,
    %swap3A_20 = vector.shape_cast %swap3A_19 : vector<16xf32> to vector<16xf32>
    %swap3A_21 = vector.shape_cast %broadcast_in_dim3A_17 : vector<16xf32> to vector<16xf32>
    tpu.vector_store %arg18[%swap3A_18], %swap3A_21 {strides = array<i32>} : memref<640xf32, #tpu.memory_space<vmem>>, vector<16xf32>,
    %broadcast_in_dim3A_22 = arith.constant 0.000000e+00 : f32
    %broadcast_in_dim3A_23 = vector.broadcast %broadcast_in_dim3A_22 : f32 to vector<16xf32>
    %swap3A_24 = arith.constant 64 : index
    %swap3A_25 = tpu.vector_load %arg18[%swap3A_24] {strides = array<i32>} : memref<640xf32, #tpu.memory_space<vmem>>, vector<16xf32>,
    %swap3A_26 = vector.shape_cast %swap3A_25 : vector<16xf32> to vector<16xf32>
    %swap3A_27 = vector.shape_cast %broadcast_in_dim3A_23 : vector<16xf32> to vector<16xf32>
    tpu.vector_store %arg18[%swap3A_24], %swap3A_27 {strides = array<i32>} : memref<640xf32, #tpu.memory_space<vmem>>, vector<16xf32>,
    %broadcast_in_dim3A_28 = arith.constant 0.000000e+00 : f32
    %broadcast_in_dim3A_29 = vector.broadcast %broadcast_in_dim3A_28 : f32 to vector<16xf32>
    %swap3A_30 = arith.constant 80 : index
    %swap3A_31 = tpu.vector_load %arg18[%swap3A_30] {strides = array<i32>} : memref<640xf32, #tpu.memory_space<vmem>>, vector<16xf32>,
    %swap3A_32 = vector.shape_cast %swap3A_31 : vector<16xf32> to vector<16xf32>
    %swap3A_33 = vector.shape_cast %broadcast_in_dim3A_29 : vector<16xf32> to vector<16xf32>
    tpu.vector_store %arg18[%swap3A_30], %swap3A_33 {strides = array<i32>} : memref<640xf32, #tpu.memory_space<vmem>>, vector<16xf32>,
    %broadcast_in_dim3A_34 = arith.constant 0.000000e+00 : f32
    %broadcast_in_dim3A_35 = vector.broadcast %broadcast_in_dim3A_34 : f32 to vector<16xf32>
    %swap3A_36 = arith.constant 96 : index
    %swap3A_37 = tpu.vector_load %arg18[%swap3A_36] {strides = array<i32>} : memref<640xf32, #tpu.memory_space<vmem>>, vector<16xf32>,
    %swap3A_38 = vector.shape_cast %swap3A_37 : vector<16xf32> to vector<16xf32>
    %swap3A_39 = vector.shape_cast %broadcast_in_dim3A_35 : vector<16xf32> to vector<16xf32>
    tpu.vector_store %arg18[%swap3A_36], %swap3A_39 {strides = array<i32>} : memref<640xf32, #tpu.memory_space<vmem>>, vector<16xf32>,
    %broadcast_in_dim3A_40 = arith.constant 0.000000e+00 : f32
    %broadcast_in_dim3A_41 = vector.broadcast %broadcast_in_dim3A_40 : f32 to vector<16xf32>
    %swap3A_42 = arith.constant 112 : index
    %swap3A_43 = tpu.vector_load %arg18[%swap3A_42] {strides = array<i32>} : memref<640xf32, #tpu.memory_space<vmem>>, vector<16xf32>,
    %swap3A_44 = vector.shape_cast %swap3A_43 : vector<16xf32> to vector<16xf32>
    %swap3A_45 = vector.shape_cast %broadcast_in_dim3A_41 : vector<16xf32> to vector<16xf32>
    tpu.vector_store %arg18[%swap3A_42], %swap3A_45 {strides = array<i32>} : memref<640xf32, #tpu.memory_space<vmem>>, vector<16xf32>,
    %broadcast_in_dim3A_46 = arith.constant 0.000000e+00 : f32
    %broadcast_in_dim3A_47 = vector.broadcast %broadcast_in_dim3A_46 : f32 to vector<16xf32>
    %swap3A_48 = arith.constant 128 : index
    %swap3A_49 = tpu.vector_load %arg18[%swap3A_48] {strides = array<i32>} : memref<640xf32, #tpu.memory_space<vmem>>, vector<16xf32>,
    %swap3A_50 = vector.shape_cast %swap3A_49 : vector<16xf32> to vector<16xf32>
    %swap3A_51 = vector.shape_cast %broadcast_in_dim3A_47 : vector<16xf32> to vector<16xf32>
    tpu.vector_store %arg18[%swap3A_48], %swap3A_51 {strides = array<i32>} : memref<640xf32, #tpu.memory_space<vmem>>, vector<16xf32>,
    %broadcast_in_dim3A_52 = arith.constant 0.000000e+00 : f32
    %broadcast_in_dim3A_53 = vector.broadcast %broadcast_in_dim3A_52 : f32 to vector<16xf32>
    %swap3A_54 = arith.constant 144 : index
    %swap3A_55 = tpu.vector_load %arg18[%swap3A_54] {strides = array<i32>} : memref<640xf32, #tpu.memory_space<vmem>>, vector<16xf32>,
    %swap3A_56 = vector.shape_cast %swap3A_55 : vector<16xf32> to vector<16xf32>
    %swap3A_57 = vector.shape_cast %broadcast_in_dim3A_53 : vector<16xf32> to vector<16xf32>
    tpu.vector_store %arg18[%swap3A_54], %swap3A_57 {strides = array<i32>} : memref<640xf32, #tpu.memory_space<vmem>>, vector<16xf32>,
    %broadcast_in_dim3A_58 = arith.constant 0.000000e+00 : f32
    %broadcast_in_dim3A_59 = vector.broadcast %broadcast_in_dim3A_58 : f32 to vector<16xf32>
    %swap3A_60 = arith.constant 160 : index
    %swap3A_61 = tpu.vector_load %arg18[%swap3A_60] {strides = array<i32>} : memref<640xf32, #tpu.memory_space<vmem>>, vector<16xf32>,
    %swap3A_62 = vector.shape_cast %swap3A_61 : vector<16xf32> to vector<16xf32>
    %swap3A_63 = vector.shape_cast %broadcast_in_dim3A_59 : vector<16xf32> to vector<16xf32>
    tpu.vector_store %arg18[%swap3A_60], %swap3A_63 {strides = array<i32>} : memref<640xf32, #tpu.memory_space<vmem>>, vector<16xf32>,
    %broadcast_in_dim3A_64 = arith.constant 0.000000e+00 : f32
    %broadcast_in_dim3A_65 = vector.broadcast %broadcast_in_dim3A_64 : f32 to vector<16xf32>
    %swap3A_66 = arith.constant 176 : index
    %swap3A_67 = tpu.vector_load %arg18[%swap3A_66] {strides = array<i32>} : memref<640xf32, #tpu.memory_space<vmem>>, vector<16xf32>,
    %swap3A_68 = vector.shape_cast %swap3A_67 : vector<16xf32> to vector<16xf32>
    %swap3A_69 = vector.shape_cast %broadcast_in_dim3A_65 : vector<16xf32> to vector<16xf32>
    tpu.vector_store %arg18[%swap3A_66], %swap3A_69 {strides = array<i32>} : memref<640xf32, #tpu.memory_space<vmem>>, vector<16xf32>,
    %broadcast_in_dim3A_70 = arith.constant 0.000000e+00 : f32
    %broadcast_in_dim3A_71 = vector.broadcast %broadcast_in_dim3A_70 : f32 to vector<16xf32>
    %swap3A_72 = arith.constant 192 : index
    %swap3A_73 = tpu.vector_load %arg18[%swap3A_72] {strides = array<i32>} : memref<640xf32, #tpu.memory_space<vmem>>, vector<16xf32>,
    %swap3A_74 = vector.shape_cast %swap3A_73 : vector<16xf32> to vector<16xf32>
    %swap3A_75 = vector.shape_cast %broadcast_in_dim3A_71 : vector<16xf32> to vector<16xf32>
    tpu.vector_store %arg18[%swap3A_72], %swap3A_75 {strides = array<i32>} : memref<640xf32, #tpu.memory_space<vmem>>, vector<16xf32>,
    %broadcast_in_dim3A_76 = arith.constant 0.000000e+00 : f32
    %broadcast_in_dim3A_77 = vector.broadcast %broadcast_in_dim3A_76 : f32 to vector<16xf32>
    %swap3A_78 = arith.constant 208 : index
    %swap3A_79 = tpu.vector_load %arg18[%swap3A_78] {strides = array<i32>} : memref<640xf32, #tpu.memory_space<vmem>>, vector<16xf32>,
    %swap3A_80 = vector.shape_cast %swap3A_79 : vector<16xf32> to vector<16xf32>
    %swap3A_81 = vector.shape_cast %broadcast_in_dim3A_77 : vector<16xf32> to vector<16xf32>
    tpu.vector_store %arg18[%swap3A_78], %swap3A_81 {strides = array<i32>} : memref<640xf32, #tpu.memory_space<vmem>>, vector<16xf32>,
    %broadcast_in_dim3A_82 = arith.constant 0.000000e+00 : f32
    %broadcast_in_dim3A_83 = vector.broadcast %broadcast_in_dim3A_82 : f32 to vector<16xf32>
    %swap3A_84 = arith.constant 224 : index
    %swap3A_85 = tpu.vector_load %arg18[%swap3A_84] {strides = array<i32>} : memref<640xf32, #tpu.memory_space<vmem>>, vector<16xf32>,
    %swap3A_86 = vector.shape_cast %swap3A_85 : vector<16xf32> to vector<16xf32>
    %swap3A_87 = vector.shape_cast %broadcast_in_dim3A_83 : vector<16xf32> to vector<16xf32>
    tpu.vector_store %arg18[%swap3A_84], %swap3A_87 {strides = array<i32>} : memref<640xf32, #tpu.memory_space<vmem>>, vector<16xf32>,
    %broadcast_in_dim3A_88 = arith.constant 0.000000e+00 : f32
    %broadcast_in_dim3A_89 = vector.broadcast %broadcast_in_dim3A_88 : f32 to vector<16xf32>
    %swap3A_90 = arith.constant 240 : index
    %swap3A_91 = tpu.vector_load %arg18[%swap3A_90] {strides = array<i32>} : memref<640xf32, #tpu.memory_space<vmem>>, vector<16xf32>,
    %swap3A_92 = vector.shape_cast %swap3A_91 : vector<16xf32> to vector<16xf32>
    %swap3A_93 = vector.shape_cast %broadcast_in_dim3A_89 : vector<16xf32> to vector<16xf32>
    tpu.vector_store %arg18[%swap3A_90], %swap3A_93 {strides = array<i32>} : memref<640xf32, #tpu.memory_space<vmem>>, vector<16xf32>,
    %broadcast_in_dim3A_94 = arith.constant 0.000000e+00 : f32
    %broadcast_in_dim3A_95 = vector.broadcast %broadcast_in_dim3A_94 : f32 to vector<16xf32>
    %swap3A_96 = arith.constant 256 : index
    %swap3A_97 = tpu.vector_load %arg18[%swap3A_96] {strides = array<i32>} : memref<640xf32, #tpu.memory_space<vmem>>, vector<16xf32>,
    %swap3A_98 = vector.shape_cast %swap3A_97 : vector<16xf32> to vector<16xf32>
    %swap3A_99 = vector.shape_cast %broadcast_in_dim3A_95 : vector<16xf32> to vector<16xf32>
    tpu.vector_store %arg18[%swap3A_96], %swap3A_99 {strides = array<i32>} : memref<640xf32, #tpu.memory_space<vmem>>, vector<16xf32>,
    %broadcast_in_dim3A_100 = arith.constant 0.000000e+00 : f32
    %broadcast_in_dim3A_101 = vector.broadcast %broadcast_in_dim3A_100 : f32 to vector<16xf32>
    %swap3A_102 = arith.constant 272 : index
    %swap3A_103 = tpu.vector_load %arg18[%swap3A_102] {strides = array<i32>} : memref<640xf32, #tpu.memory_space<vmem>>, vector<16xf32>,
    %swap3A_104 = vector.shape_cast %swap3A_103 : vector<16xf32> to vector<16xf32>
    %swap3A_105 = vector.shape_cast %broadcast_in_dim3A_101 : vector<16xf32> to vector<16xf32>
    tpu.vector_store %arg18[%swap3A_102], %swap3A_105 {strides = array<i32>} : memref<640xf32, #tpu.memory_space<vmem>>, vector<16xf32>,
    %broadcast_in_dim3A_106 = arith.constant 0.000000e+00 : f32
    %broadcast_in_dim3A_107 = vector.broadcast %broadcast_in_dim3A_106 : f32 to vector<16xf32>
    %swap3A_108 = arith.constant 288 : index
    %swap3A_109 = tpu.vector_load %arg18[%swap3A_108] {strides = array<i32>} : memref<640xf32, #tpu.memory_space<vmem>>, vector<16xf32>,
    %swap3A_110 = vector.shape_cast %swap3A_109 : vector<16xf32> to vector<16xf32>
    %swap3A_111 = vector.shape_cast %broadcast_in_dim3A_107 : vector<16xf32> to vector<16xf32>
    tpu.vector_store %arg18[%swap3A_108], %swap3A_111 {strides = array<i32>} : memref<640xf32, #tpu.memory_space<vmem>>, vector<16xf32>,
    %broadcast_in_dim3A_112 = arith.constant 0.000000e+00 : f32
    %broadcast_in_dim3A_113 = vector.broadcast %broadcast_in_dim3A_112 : f32 to vector<16xf32>
    %swap3A_114 = arith.constant 304 : index
    %swap3A_115 = tpu.vector_load %arg18[%swap3A_114] {strides = array<i32>} : memref<640xf32, #tpu.memory_space<vmem>>, vector<16xf32>,
    %swap3A_116 = vector.shape_cast %swap3A_115 : vector<16xf32> to vector<16xf32>
    %swap3A_117 = vector.shape_cast %broadcast_in_dim3A_113 : vector<16xf32> to vector<16xf32>
    tpu.vector_store %arg18[%swap3A_114], %swap3A_117 {strides = array<i32>} : memref<640xf32, #tpu.memory_space<vmem>>, vector<16xf32>,
    %broadcast_in_dim3A_118 = arith.constant 0.000000e+00 : f32
    %broadcast_in_dim3A_119 = vector.broadcast %broadcast_in_dim3A_118 : f32 to vector<16xf32>
    %swap3A_120 = arith.constant 320 : index
    %swap3A_121 = tpu.vector_load %arg18[%swap3A_120] {strides = array<i32>} : memref<640xf32, #tpu.memory_space<vmem>>, vector<16xf32>,
    %swap3A_122 = vector.shape_cast %swap3A_121 : vector<16xf32> to vector<16xf32>
    %swap3A_123 = vector.shape_cast %broadcast_in_dim3A_119 : vector<16xf32> to vector<16xf32>
    tpu.vector_store %arg18[%swap3A_120], %swap3A_123 {strides = array<i32>} : memref<640xf32, #tpu.memory_space<vmem>>, vector<16xf32>,
    %broadcast_in_dim3A_124 = arith.constant 0.000000e+00 : f32
    %broadcast_in_dim3A_125 = vector.broadcast %broadcast_in_dim3A_124 : f32 to vector<16xf32>
    %swap3A_126 = arith.constant 336 : index
    %swap3A_127 = tpu.vector_load %arg18[%swap3A_126] {strides = array<i32>} : memref<640xf32, #tpu.memory_space<vmem>>, vector<16xf32>,
    %swap3A_128 = vector.shape_cast %swap3A_127 : vector<16xf32> to vector<16xf32>
    %swap3A_129 = vector.shape_cast %broadcast_in_dim3A_125 : vector<16xf32> to vector<16xf32>
    tpu.vector_store %arg18[%swap3A_126], %swap3A_129 {strides = array<i32>} : memref<640xf32, #tpu.memory_space<vmem>>, vector<16xf32>,
    %broadcast_in_dim3A_130 = arith.constant 0.000000e+00 : f32
    %broadcast_in_dim3A_131 = vector.broadcast %broadcast_in_dim3A_130 : f32 to vector<16xf32>
    %swap3A_132 = arith.constant 352 : index
    %swap3A_133 = tpu.vector_load %arg18[%swap3A_132] {strides = array<i32>} : memref<640xf32, #tpu.memory_space<vmem>>, vector<16xf32>,
    %swap3A_134 = vector.shape_cast %swap3A_133 : vector<16xf32> to vector<16xf32>
    %swap3A_135 = vector.shape_cast %broadcast_in_dim3A_131 : vector<16xf32> to vector<16xf32>
    tpu.vector_store %arg18[%swap3A_132], %swap3A_135 {strides = array<i32>} : memref<640xf32, #tpu.memory_space<vmem>>, vector<16xf32>,
    %broadcast_in_dim3A_136 = arith.constant 0.000000e+00 : f32
    %broadcast_in_dim3A_137 = vector.broadcast %broadcast_in_dim3A_136 : f32 to vector<16xf32>
    %swap3A_138 = arith.constant 368 : index
    %swap3A_139 = tpu.vector_load %arg18[%swap3A_138] {strides = array<i32>} : memref<640xf32, #tpu.memory_space<vmem>>, vector<16xf32>,
    %swap3A_140 = vector.shape_cast %swap3A_139 : vector<16xf32> to vector<16xf32>
    %swap3A_141 = vector.shape_cast %broadcast_in_dim3A_137 : vector<16xf32> to vector<16xf32>
    tpu.vector_store %arg18[%swap3A_138], %swap3A_141 {strides = array<i32>} : memref<640xf32, #tpu.memory_space<vmem>>, vector<16xf32>,
    %broadcast_in_dim3A_142 = arith.constant 0.000000e+00 : f32
    %broadcast_in_dim3A_143 = vector.broadcast %broadcast_in_dim3A_142 : f32 to vector<16xf32>
    %swap3A_144 = arith.constant 384 : index
    %swap3A_145 = tpu.vector_load %arg18[%swap3A_144] {strides = array<i32>} : memref<640xf32, #tpu.memory_space<vmem>>, vector<16xf32>,
    %swap3A_146 = vector.shape_cast %swap3A_145 : vector<16xf32> to vector<16xf32>
    %swap3A_147 = vector.shape_cast %broadcast_in_dim3A_143 : vector<16xf32> to vector<16xf32>
    tpu.vector_store %arg18[%swap3A_144], %swap3A_147 {strides = array<i32>} : memref<640xf32, #tpu.memory_space<vmem>>, vector<16xf32>,
    %broadcast_in_dim3A_148 = arith.constant 0.000000e+00 : f32
    %broadcast_in_dim3A_149 = vector.broadcast %broadcast_in_dim3A_148 : f32 to vector<16xf32>
    %swap3A_150 = arith.constant 400 : index
    %swap3A_151 = tpu.vector_load %arg18[%swap3A_150] {strides = array<i32>} : memref<640xf32, #tpu.memory_space<vmem>>, vector<16xf32>,
    %swap3A_152 = vector.shape_cast %swap3A_151 : vector<16xf32> to vector<16xf32>
    %swap3A_153 = vector.shape_cast %broadcast_in_dim3A_149 : vector<16xf32> to vector<16xf32>
    tpu.vector_store %arg18[%swap3A_150], %swap3A_153 {strides = array<i32>} : memref<640xf32, #tpu.memory_space<vmem>>, vector<16xf32>,
    %broadcast_in_dim3A_154 = arith.constant 0.000000e+00 : f32
    %broadcast_in_dim3A_155 = vector.broadcast %broadcast_in_dim3A_154 : f32 to vector<16xf32>
    %swap3A_156 = arith.constant 416 : index
    %swap3A_157 = tpu.vector_load %arg18[%swap3A_156] {strides = array<i32>} : memref<640xf32, #tpu.memory_space<vmem>>, vector<16xf32>,
    %swap3A_158 = vector.shape_cast %swap3A_157 : vector<16xf32> to vector<16xf32>
    %swap3A_159 = vector.shape_cast %broadcast_in_dim3A_155 : vector<16xf32> to vector<16xf32>
    tpu.vector_store %arg18[%swap3A_156], %swap3A_159 {strides = array<i32>} : memref<640xf32, #tpu.memory_space<vmem>>, vector<16xf32>,
    %broadcast_in_dim3A_160 = arith.constant 0.000000e+00 : f32
    %broadcast_in_dim3A_161 = vector.broadcast %broadcast_in_dim3A_160 : f32 to vector<16xf32>
    %swap3A_162 = arith.constant 432 : index
    %swap3A_163 = tpu.vector_load %arg18[%swap3A_162] {strides = array<i32>} : memref<640xf32, #tpu.memory_space<vmem>>, vector<16xf32>,
    %swap3A_164 = vector.shape_cast %swap3A_163 : vector<16xf32> to vector<16xf32>
    %swap3A_165 = vector.shape_cast %broadcast_in_dim3A_161 : vector<16xf32> to vector<16xf32>
    tpu.vector_store %arg18[%swap3A_162], %swap3A_165 {strides = array<i32>} : memref<640xf32, #tpu.memory_space<vmem>>, vector<16xf32>,
    %broadcast_in_dim3A_166 = arith.constant 0.000000e+00 : f32
    %broadcast_in_dim3A_167 = vector.broadcast %broadcast_in_dim3A_166 : f32 to vector<16xf32>
    %swap3A_168 = arith.constant 448 : index
    %swap3A_169 = tpu.vector_load %arg18[%swap3A_168] {strides = array<i32>} : memref<640xf32, #tpu.memory_space<vmem>>, vector<16xf32>,
    %swap3A_170 = vector.shape_cast %swap3A_169 : vector<16xf32> to vector<16xf32>
    %swap3A_171 = vector.shape_cast %broadcast_in_dim3A_167 : vector<16xf32> to vector<16xf32>
    tpu.vector_store %arg18[%swap3A_168], %swap3A_171 {strides = array<i32>} : memref<640xf32, #tpu.memory_space<vmem>>, vector<16xf32>,
    %broadcast_in_dim3A_172 = arith.constant 0.000000e+00 : f32
    %broadcast_in_dim3A_173 = vector.broadcast %broadcast_in_dim3A_172 : f32 to vector<16xf32>
    %swap3A_174 = arith.constant 464 : index
    %swap3A_175 = tpu.vector_load %arg18[%swap3A_174] {strides = array<i32>} : memref<640xf32, #tpu.memory_space<vmem>>, vector<16xf32>,
    %swap3A_176 = vector.shape_cast %swap3A_175 : vector<16xf32> to vector<16xf32>
    %swap3A_177 = vector.shape_cast %broadcast_in_dim3A_173 : vector<16xf32> to vector<16xf32>
    tpu.vector_store %arg18[%swap3A_174], %swap3A_177 {strides = array<i32>} : memref<640xf32, #tpu.memory_space<vmem>>, vector<16xf32>,
    %broadcast_in_dim3A_178 = arith.constant 0.000000e+00 : f32
    %broadcast_in_dim3A_179 = vector.broadcast %broadcast_in_dim3A_178 : f32 to vector<16xf32>
    %swap3A_180 = arith.constant 480 : index
    %swap3A_181 = tpu.vector_load %arg18[%swap3A_180] {strides = array<i32>} : memref<640xf32, #tpu.memory_space<vmem>>, vector<16xf32>,
    %swap3A_182 = vector.shape_cast %swap3A_181 : vector<16xf32> to vector<16xf32>
    %swap3A_183 = vector.shape_cast %broadcast_in_dim3A_179 : vector<16xf32> to vector<16xf32>
    tpu.vector_store %arg18[%swap3A_180], %swap3A_183 {strides = array<i32>} : memref<640xf32, #tpu.memory_space<vmem>>, vector<16xf32>,
    %broadcast_in_dim3A_184 = arith.constant 0.000000e+00 : f32
    %broadcast_in_dim3A_185 = vector.broadcast %broadcast_in_dim3A_184 : f32 to vector<16xf32>
    %swap3A_186 = arith.constant 496 : index
    %swap3A_187 = tpu.vector_load %arg18[%swap3A_186] {strides = array<i32>} : memref<640xf32, #tpu.memory_space<vmem>>, vector<16xf32>,
    %swap3A_188 = vector.shape_cast %swap3A_187 : vector<16xf32> to vector<16xf32>
    %swap3A_189 = vector.shape_cast %broadcast_in_dim3A_185 : vector<16xf32> to vector<16xf32>
    tpu.vector_store %arg18[%swap3A_186], %swap3A_189 {strides = array<i32>} : memref<640xf32, #tpu.memory_space<vmem>>, vector<16xf32>,
    %broadcast_in_dim3A_190 = arith.constant 0.000000e+00 : f32
    %broadcast_in_dim3A_191 = vector.broadcast %broadcast_in_dim3A_190 : f32 to vector<16xf32>
    %swap3A_192 = arith.constant 512 : index
    %swap3A_193 = tpu.vector_load %arg18[%swap3A_192] {strides = array<i32>} : memref<640xf32, #tpu.memory_space<vmem>>, vector<16xf32>,
    %swap3A_194 = vector.shape_cast %swap3A_193 : vector<16xf32> to vector<16xf32>
    %swap3A_195 = vector.shape_cast %broadcast_in_dim3A_191 : vector<16xf32> to vector<16xf32>
    tpu.vector_store %arg18[%swap3A_192], %swap3A_195 {strides = array<i32>} : memref<640xf32, #tpu.memory_space<vmem>>, vector<16xf32>,
    %broadcast_in_dim3A_196 = arith.constant 0.000000e+00 : f32
    %broadcast_in_dim3A_197 = vector.broadcast %broadcast_in_dim3A_196 : f32 to vector<16xf32>
    %swap3A_198 = arith.constant 528 : index
    %swap3A_199 = tpu.vector_load %arg18[%swap3A_198] {strides = array<i32>} : memref<640xf32, #tpu.memory_space<vmem>>, vector<16xf32>,
    %swap3A_200 = vector.shape_cast %swap3A_199 : vector<16xf32> to vector<16xf32>
    %swap3A_201 = vector.shape_cast %broadcast_in_dim3A_197 : vector<16xf32> to vector<16xf32>
    tpu.vector_store %arg18[%swap3A_198], %swap3A_201 {strides = array<i32>} : memref<640xf32, #tpu.memory_space<vmem>>, vector<16xf32>,
    %broadcast_in_dim3A_202 = arith.constant 0.000000e+00 : f32
    %broadcast_in_dim3A_203 = vector.broadcast %broadcast_in_dim3A_202 : f32 to vector<16xf32>
    %swap3A_204 = arith.constant 544 : index
    %swap3A_205 = tpu.vector_load %arg18[%swap3A_204] {strides = array<i32>} : memref<640xf32, #tpu.memory_space<vmem>>, vector<16xf32>,
    %swap3A_206 = vector.shape_cast %swap3A_205 : vector<16xf32> to vector<16xf32>
    %swap3A_207 = vector.shape_cast %broadcast_in_dim3A_203 : vector<16xf32> to vector<16xf32>
    tpu.vector_store %arg18[%swap3A_204], %swap3A_207 {strides = array<i32>} : memref<640xf32, #tpu.memory_space<vmem>>, vector<16xf32>,
    %broadcast_in_dim3A_208 = arith.constant 0.000000e+00 : f32
    %broadcast_in_dim3A_209 = vector.broadcast %broadcast_in_dim3A_208 : f32 to vector<16xf32>
    %swap3A_210 = arith.constant 560 : index
    %swap3A_211 = tpu.vector_load %arg18[%swap3A_210] {strides = array<i32>} : memref<640xf32, #tpu.memory_space<vmem>>, vector<16xf32>,
    %swap3A_212 = vector.shape_cast %swap3A_211 : vector<16xf32> to vector<16xf32>
    %swap3A_213 = vector.shape_cast %broadcast_in_dim3A_209 : vector<16xf32> to vector<16xf32>
    tpu.vector_store %arg18[%swap3A_210], %swap3A_213 {strides = array<i32>} : memref<640xf32, #tpu.memory_space<vmem>>, vector<16xf32>,
    %broadcast_in_dim3A_214 = arith.constant 0.000000e+00 : f32
    %broadcast_in_dim3A_215 = vector.broadcast %broadcast_in_dim3A_214 : f32 to vector<16xf32>
    %swap3A_216 = arith.constant 576 : index
    %swap3A_217 = tpu.vector_load %arg18[%swap3A_216] {strides = array<i32>} : memref<640xf32, #tpu.memory_space<vmem>>, vector<16xf32>,
    %swap3A_218 = vector.shape_cast %swap3A_217 : vector<16xf32> to vector<16xf32>
    %swap3A_219 = vector.shape_cast %broadcast_in_dim3A_215 : vector<16xf32> to vector<16xf32>
    tpu.vector_store %arg18[%swap3A_216], %swap3A_219 {strides = array<i32>} : memref<640xf32, #tpu.memory_space<vmem>>, vector<16xf32>,
    %broadcast_in_dim3A_220 = arith.constant 0.000000e+00 : f32
    %broadcast_in_dim3A_221 = vector.broadcast %broadcast_in_dim3A_220 : f32 to vector<16xf32>
    %swap3A_222 = arith.constant 592 : index
    %swap3A_223 = tpu.vector_load %arg18[%swap3A_222] {strides = array<i32>} : memref<640xf32, #tpu.memory_space<vmem>>, vector<16xf32>,
    %swap3A_224 = vector.shape_cast %swap3A_223 : vector<16xf32> to vector<16xf32>
    %swap3A_225 = vector.shape_cast %broadcast_in_dim3A_221 : vector<16xf32> to vector<16xf32>
    tpu.vector_store %arg18[%swap3A_222], %swap3A_225 {strides = array<i32>} : memref<640xf32, #tpu.memory_space<vmem>>, vector<16xf32>,
    %broadcast_in_dim3A_226 = arith.constant 0.000000e+00 : f32
    %broadcast_in_dim3A_227 = vector.broadcast %broadcast_in_dim3A_226 : f32 to vector<16xf32>
    %swap3A_228 = arith.constant 608 : index
    %swap3A_229 = tpu.vector_load %arg18[%swap3A_228] {strides = array<i32>} : memref<640xf32, #tpu.memory_space<vmem>>, vector<16xf32>,
    %swap3A_230 = vector.shape_cast %swap3A_229 : vector<16xf32> to vector<16xf32>
    %swap3A_231 = vector.shape_cast %broadcast_in_dim3A_227 : vector<16xf32> to vector<16xf32>
    tpu.vector_store %arg18[%swap3A_228], %swap3A_231 {strides = array<i32>} : memref<640xf32, #tpu.memory_space<vmem>>, vector<16xf32>,
    %broadcast_in_dim3A_232 = arith.constant 0.000000e+00 : f32
    %broadcast_in_dim3A_233 = vector.broadcast %broadcast_in_dim3A_232 : f32 to vector<16xf32>
    %swap3A_234 = arith.constant 624 : index
    %swap3A_235 = tpu.vector_load %arg18[%swap3A_234] {strides = array<i32>} : memref<640xf32, #tpu.memory_space<vmem>>, vector<16xf32>,
    %swap3A_236 = vector.shape_cast %swap3A_235 : vector<16xf32> to vector<16xf32>
    %swap3A_237 = vector.shape_cast %broadcast_in_dim3A_233 : vector<16xf32> to vector<16xf32>
    tpu.vector_store %arg18[%swap3A_234], %swap3A_237 {strides = array<i32>} : memref<640xf32, #tpu.memory_space<vmem>>, vector<16xf32>,
    %mul3A = arith.constant 640 : i32
    %mul3A_238 = arith.muli %arg1, %mul3A : i32
    "tpu.region"() ({
      %run_scoped3A = tpu.sem_alloc : memref<!tpu.dma_semaphore, #tpu.memory_space<semaphore_mem>>
      %dma_start3A = tpu.memref_slice %arg19[%mul3A_238] : memref<10240xf32, #tpu.memory_space<vmem_shared>> -> memref<640xf32, #tpu.memory_space<vmem_shared>>
      %dma_start3A_262 = tpu.memref_slice %arg19[%mul3A_238] : memref<10240xf32, #tpu.memory_space<vmem_shared>> -> memref<640xf32, #tpu.memory_space<vmem_shared>>
      tpu.enqueue_dma source(%arg18 : memref<640xf32, #tpu.memory_space<vmem>>) target(%dma_start3A_262 : memref<640xf32, #tpu.memory_space<vmem_shared>>) target_semaphore(%run_scoped3A : memref<!tpu.dma_semaphore, #tpu.memory_space<semaphore_mem>>)
      %dma_wait3A = tpu.memref_slice %arg19[%mul3A_238] : memref<10240xf32, #tpu.memory_space<vmem_shared>> -> memref<640xf32, #tpu.memory_space<vmem_shared>>
      %dma_wait3A_263 = tpu.memref_slice %arg19[%mul3A_238] : memref<10240xf32, #tpu.memory_space<vmem_shared>> -> memref<640xf32, #tpu.memory_space<vmem_shared>>
      tpu.wait_dma2 semaphore(%run_scoped3A : memref<!tpu.dma_semaphore, #tpu.memory_space<semaphore_mem>>) src(%arg18 : memref<640xf32, #tpu.memory_space<vmem>>) dst(%dma_wait3A_263 : memref<640xf32, #tpu.memory_space<vmem_shared>>)
      tpu.yield
    }) : () -> ()
    "tpu.region"() ({
      %run_scoped3A = tpu.sem_alloc : memref<!tpu.dma_semaphore, #tpu.memory_space<semaphore_mem>>
      %dma_start3A = arith.constant 0 : i32
      %dma_start3A_262 = arith.constant 0 : i32
      %dma_start3A_263 = tpu.memref_slice %arg2[%arg1, %dma_start3A, %dma_start3A_262] : memref<16x125x80xi32, #tpu.memory_space<hbm>> -> memref<1x125x80xi32, #tpu.memory_space<hbm>>
      %dma_start3A_264 = tpu.memref_squeeze %dma_start3A_263 : memref<1x125x80xi32, #tpu.memory_space<hbm>> -> memref<125x80xi32, #tpu.memory_space<hbm>>
      %dma_start3A_265 = arith.constant 0 : i32
      %dma_start3A_266 = arith.constant 0 : i32
      %dma_start3A_267 = tpu.memref_slice %arg2[%arg1, %dma_start3A_265, %dma_start3A_266] : memref<16x125x80xi32, #tpu.memory_space<hbm>> -> memref<1x125x80xi32, #tpu.memory_space<hbm>>
      %dma_start3A_268 = tpu.memref_squeeze %dma_start3A_267 : memref<1x125x80xi32, #tpu.memory_space<hbm>> -> memref<125x80xi32, #tpu.memory_space<hbm>>
      tpu.enqueue_dma source(%dma_start3A_268 : memref<125x80xi32, #tpu.memory_space<hbm>>) target(%arg11 : memref<125x80xi32, #tpu.memory_space<vmem>>) target_semaphore(%run_scoped3A : memref<!tpu.dma_semaphore, #tpu.memory_space<semaphore_mem>>)
      %dma_wait3A = arith.constant 0 : i32
      %dma_wait3A_269 = arith.constant 0 : i32
      %dma_wait3A_270 = tpu.memref_slice %arg2[%arg1, %dma_wait3A, %dma_wait3A_269] : memref<16x125x80xi32, #tpu.memory_space<hbm>> -> memref<1x125x80xi32, #tpu.memory_space<hbm>>
      %dma_wait3A_271 = tpu.memref_squeeze %dma_wait3A_270 : memref<1x125x80xi32, #tpu.memory_space<hbm>> -> memref<125x80xi32, #tpu.memory_space<hbm>>
      %dma_wait3A_272 = arith.constant 0 : i32
      %dma_wait3A_273 = arith.constant 0 : i32
      %dma_wait3A_274 = tpu.memref_slice %arg2[%arg1, %dma_wait3A_272, %dma_wait3A_273] : memref<16x125x80xi32, #tpu.memory_space<hbm>> -> memref<1x125x80xi32, #tpu.memory_space<hbm>>
      %dma_wait3A_275 = tpu.memref_squeeze %dma_wait3A_274 : memref<1x125x80xi32, #tpu.memory_space<hbm>> -> memref<125x80xi32, #tpu.memory_space<hbm>>
      tpu.wait_dma2 semaphore(%run_scoped3A : memref<!tpu.dma_semaphore, #tpu.memory_space<semaphore_mem>>) src(%dma_wait3A_275 : memref<125x80xi32, #tpu.memory_space<hbm>>) dst(%arg11 : memref<125x80xi32, #tpu.memory_space<vmem>>)
      tpu.yield
    }) : () -> ()
    "tpu.region"() ({
      %run_scoped3A = tpu.sem_alloc : memref<!tpu.dma_semaphore, #tpu.memory_space<semaphore_mem>>
      tpu.enqueue_dma source(%arg5 : memref<80xf32, #tpu.memory_space<hbm>>) target(%arg14 : memref<80xf32, #tpu.memory_space<vmem>>) target_semaphore(%run_scoped3A : memref<!tpu.dma_semaphore, #tpu.memory_space<semaphore_mem>>)
      tpu.wait_dma2 semaphore(%run_scoped3A : memref<!tpu.dma_semaphore, #tpu.memory_space<semaphore_mem>>) src(%arg5 : memref<80xf32, #tpu.memory_space<hbm>>) dst(%arg14 : memref<80xf32, #tpu.memory_space<vmem>>)
      tpu.yield
    }) : () -> ()
    %eq3A = arith.constant 1 : i32
    %eq3A_239 = arith.cmpi eq, %arg0, %eq3A : i32
    %convert_element_type3A = arith.extui %eq3A_239 : i1 to i32
    %cond3A = arith.constant 0 : i32
    %cond3A_240 = arith.cmpi ne, %convert_element_type3A, %cond3A : i32
    scf.if %cond3A_240 {
      %mul3A_262 = arith.constant 640 : i32
      %mul3A_263 = arith.muli %arg1, %mul3A_262 : i32
      "tpu.region"() ({
        %run_scoped3A = tpu.sem_alloc : memref<!tpu.dma_semaphore, #tpu.memory_space<semaphore_mem>>
        %dma_start3A = tpu.memref_slice %arg20[%mul3A_263] : memref<10240xf32, #tpu.memory_space<vmem_shared>> -> memref<640xf32, #tpu.memory_space<vmem_shared>>
        %dma_start3A_264 = tpu.memref_slice %arg20[%mul3A_263] : memref<10240xf32, #tpu.memory_space<vmem_shared>> -> memref<640xf32, #tpu.memory_space<vmem_shared>>
        tpu.enqueue_dma source(%arg18 : memref<640xf32, #tpu.memory_space<vmem>>) target(%dma_start3A_264 : memref<640xf32, #tpu.memory_space<vmem_shared>>) target_semaphore(%run_scoped3A : memref<!tpu.dma_semaphore, #tpu.memory_space<semaphore_mem>>)
        %dma_wait3A = tpu.memref_slice %arg20[%mul3A_263] : memref<10240xf32, #tpu.memory_space<vmem_shared>> -> memref<640xf32, #tpu.memory_space<vmem_shared>>
        %dma_wait3A_265 = tpu.memref_slice %arg20[%mul3A_263] : memref<10240xf32, #tpu.memory_space<vmem_shared>> -> memref<640xf32, #tpu.memory_space<vmem_shared>>
        tpu.wait_dma2 semaphore(%run_scoped3A : memref<!tpu.dma_semaphore, #tpu.memory_space<semaphore_mem>>) src(%arg18 : memref<640xf32, #tpu.memory_space<vmem>>) dst(%dma_wait3A_265 : memref<640xf32, #tpu.memory_space<vmem_shared>>)
        tpu.yield
      }) : () -> ()
      "tpu.region"() ({
        %run_scoped3A = tpu.sem_alloc : memref<!tpu.dma_semaphore, #tpu.memory_space<semaphore_mem>>
        %dma_start3A = arith.constant 0 : i32
        %dma_start3A_264 = arith.constant 0 : i32
        %dma_start3A_265 = tpu.memref_slice %arg3[%arg1, %dma_start3A, %dma_start3A_264] : memref<16x125x80xi32, #tpu.memory_space<hbm>> -> memref<1x125x80xi32, #tpu.memory_space<hbm>>
        %dma_start3A_266 = tpu.memref_squeeze %dma_start3A_265 : memref<1x125x80xi32, #tpu.memory_space<hbm>> -> memref<125x80xi32, #tpu.memory_space<hbm>>
        %dma_start3A_267 = arith.constant 0 : i32
        %dma_start3A_268 = arith.constant 0 : i32
        %dma_start3A_269 = tpu.memref_slice %arg3[%arg1, %dma_start3A_267, %dma_start3A_268] : memref<16x125x80xi32, #tpu.memory_space<hbm>> -> memref<1x125x80xi32, #tpu.memory_space<hbm>>
        %dma_start3A_270 = tpu.memref_squeeze %dma_start3A_269 : memref<1x125x80xi32, #tpu.memory_space<hbm>> -> memref<125x80xi32, #tpu.memory_space<hbm>>
        tpu.enqueue_dma source(%dma_start3A_270 : memref<125x80xi32, #tpu.memory_space<hbm>>) target(%arg12 : memref<125x80xi32, #tpu.memory_space<vmem>>) target_semaphore(%run_scoped3A : memref<!tpu.dma_semaphore, #tpu.memory_space<semaphore_mem>>)
        %dma_wait3A = arith.constant 0 : i32
        %dma_wait3A_271 = arith.constant 0 : i32
        %dma_wait3A_272 = tpu.memref_slice %arg3[%arg1, %dma_wait3A, %dma_wait3A_271] : memref<16x125x80xi32, #tpu.memory_space<hbm>> -> memref<1x125x80xi32, #tpu.memory_space<hbm>>
        %dma_wait3A_273 = tpu.memref_squeeze %dma_wait3A_272 : memref<1x125x80xi32, #tpu.memory_space<hbm>> -> memref<125x80xi32, #tpu.memory_space<hbm>>
        %dma_wait3A_274 = arith.constant 0 : i32
        %dma_wait3A_275 = arith.constant 0 : i32
        %dma_wait3A_276 = tpu.memref_slice %arg3[%arg1, %dma_wait3A_274, %dma_wait3A_275] : memref<16x125x80xi32, #tpu.memory_space<hbm>> -> memref<1x125x80xi32, #tpu.memory_space<hbm>>
        %dma_wait3A_277 = tpu.memref_squeeze %dma_wait3A_276 : memref<1x125x80xi32, #tpu.memory_space<hbm>> -> memref<125x80xi32, #tpu.memory_space<hbm>>
        tpu.wait_dma2 semaphore(%run_scoped3A : memref<!tpu.dma_semaphore, #tpu.memory_space<semaphore_mem>>) src(%dma_wait3A_277 : memref<125x80xi32, #tpu.memory_space<hbm>>) dst(%arg12 : memref<125x80xi32, #tpu.memory_space<vmem>>)
        tpu.yield
      }) : () -> ()
      "tpu.region"() ({
        %run_scoped3A = tpu.sem_alloc : memref<!tpu.dma_semaphore, #tpu.memory_space<semaphore_mem>>
        tpu.enqueue_dma source(%arg4 : memref<16xi32, #tpu.memory_space<hbm>>) target(%arg15 : memref<16xi32, #tpu.memory_space<vmem>>) target_semaphore(%run_scoped3A : memref<!tpu.dma_semaphore, #tpu.memory_space<semaphore_mem>>)
        tpu.wait_dma2 semaphore(%run_scoped3A : memref<!tpu.dma_semaphore, #tpu.memory_space<semaphore_mem>>) src(%arg4 : memref<16xi32, #tpu.memory_space<hbm>>) dst(%arg15 : memref<16xi32, #tpu.memory_space<vmem>>)
        tpu.yield
      }) : () -> ()
    } else {
    }
    %barrier3A = arith.constant 0 : index
    tpu.barrier barrier_id(%barrier3A)
    %eq3A_241 = arith.constant 0 : i32
    %eq3A_242 = arith.cmpi eq, %arg0, %eq3A_241 : i32
    %convert_element_type3A_243 = arith.extui %eq3A_242 : i1 to i32
    %cond3A_244 = arith.constant 0 : i32
    %cond3A_245 = arith.cmpi ne, %convert_element_type3A_243, %cond3A_244 : i32
    scf.if %cond3A_245 {
      %scan3A = arith.constant 0 : i32
      %scan3A_262 = arith.constant 0 : i32
      %scan3A_263 = arith.constant 125 : i32
      %scan3A_264 = arith.addi %scan3A_262, %scan3A_263 : i32
      %scan3A_265 = arith.constant 1 : i32
      %scan3A_266 = scf.for %scan3A_291 = %scan3A_262 to %scan3A_264 step %scan3A_265 iter_args(%scan3A_292 = %scan3A) -> (i32)  : i32 {
        %dma_start3A = arith.constant 0 : i32
        %dma_start3A_293 = tpu.memref_slice %arg11[%scan3A_291, %dma_start3A] : memref<125x80xi32, #tpu.memory_space<vmem>> -> memref<1x80xi32, #tpu.memory_space<vmem>>
        %dma_start3A_294 = tpu.memref_squeeze %dma_start3A_293 : memref<1x80xi32, #tpu.memory_space<vmem>> -> memref<80xi32, #tpu.memory_space<vmem>>
        %dma_start3A_295 = arith.constant 0 : i32
        %dma_start3A_296 = tpu.memref_slice %arg19[%dma_start3A_295] : memref<10240xf32, #tpu.memory_space<vmem_shared>> -> memref<10240xf32, #tpu.memory_space<vmem_shared>>
        tpu.enqueue_indirect_dma source(%arg14 : memref<80xf32, #tpu.memory_space<vmem>>) target(%dma_start3A_296 : memref<10240xf32, #tpu.memory_space<vmem_shared>>) offsets(%dma_start3A_294 : memref<80xi32, #tpu.memory_space<vmem>>) semaphore(%arg21 : memref<!tpu.dma_semaphore, #tpu.memory_space<semaphore_mem>>) {add = true}
        %ge3A = arith.constant 4 : i32
        %ge3A_297 = arith.cmpi sge, %scan3A_291, %ge3A : i32
        %convert_element_type3A_298 = arith.extui %ge3A_297 : i1 to i32
        %cond3A_299 = arith.constant 0 : i32
        %cond3A_300 = arith.cmpi ne, %convert_element_type3A_298, %cond3A_299 : i32
        scf.if %cond3A_300 {
          %dma_wait3A_302 = arith.constant 0 : i32
          %dma_wait3A_303 = arith.constant 0 : i32
          %dma_wait3A_304 = tpu.memref_slice %arg11[%dma_wait3A_302, %dma_wait3A_303] : memref<125x80xi32, #tpu.memory_space<vmem>> -> memref<1x80xi32, #tpu.memory_space<vmem>>
          %dma_wait3A_305 = tpu.memref_squeeze %dma_wait3A_304 : memref<1x80xi32, #tpu.memory_space<vmem>> -> memref<80xi32, #tpu.memory_space<vmem>>
          %dma_wait3A_306 = arith.constant 0 : i32
          %dma_wait3A_307 = tpu.memref_slice %arg19[%dma_wait3A_306] : memref<10240xf32, #tpu.memory_space<vmem_shared>> -> memref<10240xf32, #tpu.memory_space<vmem_shared>>
          tpu.wait_indirect_dma semaphore(%arg21 : memref<!tpu.dma_semaphore, #tpu.memory_space<semaphore_mem>>) src(%arg14 : memref<80xf32, #tpu.memory_space<vmem>>) dst(%dma_wait3A_307 : memref<10240xf32, #tpu.memory_space<vmem_shared>>)
        } else {
        }
        %scan3A_301 = arith.constant 0 : i32
        scf.yield %scan3A_301 : i32
      }
      %scan3A_267 = arith.constant 125 : i32
      %dma_wait3A = arith.constant 0 : i32
      %dma_wait3A_268 = arith.constant 0 : i32
      %dma_wait3A_269 = tpu.memref_slice %arg11[%dma_wait3A, %dma_wait3A_268] : memref<125x80xi32, #tpu.memory_space<vmem>> -> memref<1x80xi32, #tpu.memory_space<vmem>>
      %dma_wait3A_270 = tpu.memref_squeeze %dma_wait3A_269 : memref<1x80xi32, #tpu.memory_space<vmem>> -> memref<80xi32, #tpu.memory_space<vmem>>
      %dma_wait3A_271 = arith.constant 0 : i32
      %dma_wait3A_272 = tpu.memref_slice %arg19[%dma_wait3A_271] : memref<10240xf32, #tpu.memory_space<vmem_shared>> -> memref<10240xf32, #tpu.memory_space<vmem_shared>>
      tpu.wait_indirect_dma semaphore(%arg21 : memref<!tpu.dma_semaphore, #tpu.memory_space<semaphore_mem>>) src(%arg14 : memref<80xf32, #tpu.memory_space<vmem>>) dst(%dma_wait3A_272 : memref<10240xf32, #tpu.memory_space<vmem_shared>>)
      %dma_wait3A_273 = arith.constant 0 : i32
      %dma_wait3A_274 = arith.constant 0 : i32
      %dma_wait3A_275 = tpu.memref_slice %arg11[%dma_wait3A_273, %dma_wait3A_274] : memref<125x80xi32, #tpu.memory_space<vmem>> -> memref<1x80xi32, #tpu.memory_space<vmem>>
      %dma_wait3A_276 = tpu.memref_squeeze %dma_wait3A_275 : memref<1x80xi32, #tpu.memory_space<vmem>> -> memref<80xi32, #tpu.memory_space<vmem>>
      %dma_wait3A_277 = arith.constant 0 : i32
      %dma_wait3A_278 = tpu.memref_slice %arg19[%dma_wait3A_277] : memref<10240xf32, #tpu.memory_space<vmem_shared>> -> memref<10240xf32, #tpu.memory_space<vmem_shared>>
      tpu.wait_indirect_dma semaphore(%arg21 : memref<!tpu.dma_semaphore, #tpu.memory_space<semaphore_mem>>) src(%arg14 : memref<80xf32, #tpu.memory_space<vmem>>) dst(%dma_wait3A_278 : memref<10240xf32, #tpu.memory_space<vmem_shared>>)
      %dma_wait3A_279 = arith.constant 0 : i32
      %dma_wait3A_280 = arith.constant 0 : i32
      %dma_wait3A_281 = tpu.memref_slice %arg11[%dma_wait3A_279, %dma_wait3A_280] : memref<125x80xi32, #tpu.memory_space<vmem>> -> memref<1x80xi32, #tpu.memory_space<vmem>>
      %dma_wait3A_282 = tpu.memref_squeeze %dma_wait3A_281 : memref<1x80xi32, #tpu.memory_space<vmem>> -> memref<80xi32, #tpu.memory_space<vmem>>
      %dma_wait3A_283 = arith.constant 0 : i32
      %dma_wait3A_284 = tpu.memref_slice %arg19[%dma_wait3A_283] : memref<10240xf32, #tpu.memory_space<vmem_shared>> -> memref<10240xf32, #tpu.memory_space<vmem_shared>>
      tpu.wait_indirect_dma semaphore(%arg21 : memref<!tpu.dma_semaphore, #tpu.memory_space<semaphore_mem>>) src(%arg14 : memref<80xf32, #tpu.memory_space<vmem>>) dst(%dma_wait3A_284 : memref<10240xf32, #tpu.memory_space<vmem_shared>>)
      %dma_wait3A_285 = arith.constant 0 : i32
      %dma_wait3A_286 = arith.constant 0 : i32
      %dma_wait3A_287 = tpu.memref_slice %arg11[%dma_wait3A_285, %dma_wait3A_286] : memref<125x80xi32, #tpu.memory_space<vmem>> -> memref<1x80xi32, #tpu.memory_space<vmem>>
      %dma_wait3A_288 = tpu.memref_squeeze %dma_wait3A_287 : memref<1x80xi32, #tpu.memory_space<vmem>> -> memref<80xi32, #tpu.memory_space<vmem>>
      %dma_wait3A_289 = arith.constant 0 : i32
      %dma_wait3A_290 = tpu.memref_slice %arg19[%dma_wait3A_289] : memref<10240xf32, #tpu.memory_space<vmem_shared>> -> memref<10240xf32, #tpu.memory_space<vmem_shared>>
      tpu.wait_indirect_dma semaphore(%arg21 : memref<!tpu.dma_semaphore, #tpu.memory_space<semaphore_mem>>) src(%arg14 : memref<80xf32, #tpu.memory_space<vmem>>) dst(%dma_wait3A_290 : memref<10240xf32, #tpu.memory_space<vmem_shared>>)
    } else {
    }
    %eq3A_246 = arith.constant 1 : i32
    %eq3A_247 = arith.cmpi eq, %arg0, %eq3A_246 : i32
    %convert_element_type3A_248 = arith.extui %eq3A_247 : i1 to i32
    %cond3A_249 = arith.constant 0 : i32
    %cond3A_250 = arith.cmpi ne, %convert_element_type3A_248, %cond3A_249 : i32
    scf.if %cond3A_250 {
      %get3A = arith.constant 0 : index
      %get3A_262 = tpu.vector_load %arg15[%get3A] {strides = array<i32>} : memref<16xi32, #tpu.memory_space<vmem>>, vector<16xi32>,
      %get3A_263 = vector.shape_cast %get3A_262 : vector<16xi32> to vector<16xi32>
      %iota3A = tpu.iota {dimensions = array<i32: 0>} : vector<16xi32>
      %mul3A_264 = arith.constant 10000 : i32
      %mul3A_265 = arith.muli %arg1, %mul3A_264 : i32
      %broadcast_in_dim3A_266 = arith.constant -1 : i32
      %broadcast_in_dim3A_267 = vector.broadcast %broadcast_in_dim3A_266 : i32 to vector<16xi32>
      %broadcast_in_dim3A_268 = arith.constant -1 : i32
      %broadcast_in_dim3A_269 = vector.broadcast %broadcast_in_dim3A_268 : i32 to vector<16xi32>
      %scan3A = arith.constant 0 : i32
      %scan3A_270 = arith.constant 125 : i32
      %scan3A_271 = arith.addi %scan3A, %scan3A_270 : i32
      %scan3A_272 = arith.constant 1 : i32
      %scan3A_273:2 = scf.for %scan3A_346 = %scan3A to %scan3A_271 step %scan3A_272 iter_args(%scan3A_347 = %broadcast_in_dim3A_267, %scan3A_348 = %broadcast_in_dim3A_269) -> (vector<16xi32>, vector<16xi32>)  : i32 {
        %get3A_349 = arith.index_cast %scan3A_346 : i32 to index
        %get3A_350 = arith.constant 0 : index
        %get3A_351 = tpu.vector_load %arg11[%get3A_349, %get3A_350] {strides = array<i32>} : memref<125x80xi32, #tpu.memory_space<vmem>>, vector<1x16xi32>,
        %get3A_352 = vector.shape_cast %get3A_351 : vector<1x16xi32> to vector<16xi32>
        %get3A_353 = arith.index_cast %scan3A_346 : i32 to index
        %get3A_354 = arith.constant 0 : index
        %get3A_355 = tpu.vector_load %arg12[%get3A_353, %get3A_354] {strides = array<i32>} : memref<125x80xi32, #tpu.memory_space<vmem>>, vector<1x16xi32>,
        %get3A_356 = vector.shape_cast %get3A_355 : vector<1x16xi32> to vector<16xi32>
        %eq3A_357 = arith.cmpi eq, %get3A_356, %get3A_263 : vector<16xi32>
        %lt3A = arith.constant 9999 : i32
        %lt3A_358 = vector.broadcast %lt3A : i32 to vector<16xi32>
        %lt3A_359 = arith.cmpi slt, %get3A_352, %lt3A_358 : vector<16xi32>
        %and3A = arith.andi %eq3A_357, %lt3A_359 : vector<16xi1>
        %jit3A = arith.constant 1.000000e+00 : f32
        %jit3A_360 = arith.constant 0.000000e+00 : f32
        %broadcast_in_dim3A_361 = vector.broadcast %jit3A : f32 to vector<16xf32>
        %broadcast_in_dim3A_362 = vector.broadcast %jit3A_360 : f32 to vector<16xf32>
        %select_n3A = arith.select %and3A, %broadcast_in_dim3A_361, %broadcast_in_dim3A_362 : vector<16xi1>, vector<16xf32>
        %swap3A_363 = arith.index_cast %scan3A_346 : i32 to index
        %swap3A_364 = arith.constant 0 : index
        %swap3A_365 = tpu.vector_load %arg13[%swap3A_363, %swap3A_364] {strides = array<i32>} : memref<125x80xf32, #tpu.memory_space<vmem>>, vector<1x16xf32>,
        %swap3A_366 = vector.shape_cast %swap3A_365 : vector<1x16xf32> to vector<16xf32>
        %swap3A_367 = vector.shape_cast %select_n3A : vector<16xf32> to vector<1x16xf32>
        tpu.vector_store %arg13[%swap3A_363, %swap3A_364], %swap3A_367 {strides = array<i32>} : memref<125x80xf32, #tpu.memory_space<vmem>>, vector<1x16xf32>,
        %mul3A_368 = arith.constant 80 : i32
        %mul3A_369 = arith.muli %scan3A_346, %mul3A_368 : i32
        %add3A = arith.addi %mul3A_265, %mul3A_369 : i32
        %add3A_370 = arith.constant 0 : i32
        %add3A_371 = arith.addi %add3A, %add3A_370 : i32
        %add3A_372 = vector.broadcast %add3A_371 : i32 to vector<16xi32>
        %add3A_373 = arith.addi %add3A_372, %iota3A : vector<16xi32>
        %gt3A = arith.cmpi sgt, %add3A_373, %scan3A_347 : vector<16xi32>
        %and3A_374 = arith.andi %eq3A_357, %gt3A : vector<16xi1>
        %select_n3A_375 = arith.select %and3A_374, %add3A_373, %scan3A_347 : vector<16xi1>, vector<16xi32>
        %select_n3A_376 = arith.select %and3A_374, %get3A_352, %scan3A_348 : vector<16xi1>, vector<16xi32>
        %get3A_377 = arith.index_cast %scan3A_346 : i32 to index
        %get3A_378 = arith.constant 16 : index
        %get3A_379 = tpu.vector_load %arg11[%get3A_377, %get3A_378] {strides = array<i32>} : memref<125x80xi32, #tpu.memory_space<vmem>>, vector<1x16xi32>,
        %get3A_380 = vector.shape_cast %get3A_379 : vector<1x16xi32> to vector<16xi32>
        %get3A_381 = arith.index_cast %scan3A_346 : i32 to index
        %get3A_382 = arith.constant 16 : index
        %get3A_383 = tpu.vector_load %arg12[%get3A_381, %get3A_382] {strides = array<i32>} : memref<125x80xi32, #tpu.memory_space<vmem>>, vector<1x16xi32>,
        %get3A_384 = vector.shape_cast %get3A_383 : vector<1x16xi32> to vector<16xi32>
        %eq3A_385 = arith.cmpi eq, %get3A_384, %get3A_263 : vector<16xi32>
        %lt3A_386 = arith.constant 9999 : i32
        %lt3A_387 = vector.broadcast %lt3A_386 : i32 to vector<16xi32>
        %lt3A_388 = arith.cmpi slt, %get3A_380, %lt3A_387 : vector<16xi32>
        %and3A_389 = arith.andi %eq3A_385, %lt3A_388 : vector<16xi1>
        %jit3A_390 = arith.constant 1.000000e+00 : f32
        %jit3A_391 = arith.constant 0.000000e+00 : f32
        %broadcast_in_dim3A_392 = vector.broadcast %jit3A_390 : f32 to vector<16xf32>
        %broadcast_in_dim3A_393 = vector.broadcast %jit3A_391 : f32 to vector<16xf32>
        %select_n3A_394 = arith.select %and3A_389, %broadcast_in_dim3A_392, %broadcast_in_dim3A_393 : vector<16xi1>, vector<16xf32>
        %swap3A_395 = arith.index_cast %scan3A_346 : i32 to index
        %swap3A_396 = arith.constant 16 : index
        %swap3A_397 = tpu.vector_load %arg13[%swap3A_395, %swap3A_396] {strides = array<i32>} : memref<125x80xf32, #tpu.memory_space<vmem>>, vector<1x16xf32>,
        %swap3A_398 = vector.shape_cast %swap3A_397 : vector<1x16xf32> to vector<16xf32>
        %swap3A_399 = vector.shape_cast %select_n3A_394 : vector<16xf32> to vector<1x16xf32>
        tpu.vector_store %arg13[%swap3A_395, %swap3A_396], %swap3A_399 {strides = array<i32>} : memref<125x80xf32, #tpu.memory_space<vmem>>, vector<1x16xf32>,
        %mul3A_400 = arith.constant 80 : i32
        %mul3A_401 = arith.muli %scan3A_346, %mul3A_400 : i32
        %add3A_402 = arith.addi %mul3A_265, %mul3A_401 : i32
        %add3A_403 = arith.constant 16 : i32
        %add3A_404 = arith.addi %add3A_402, %add3A_403 : i32
        %add3A_405 = vector.broadcast %add3A_404 : i32 to vector<16xi32>
        %add3A_406 = arith.addi %add3A_405, %iota3A : vector<16xi32>
        %gt3A_407 = arith.cmpi sgt, %add3A_406, %select_n3A_375 : vector<16xi32>
        %and3A_408 = arith.andi %eq3A_385, %gt3A_407 : vector<16xi1>
        %select_n3A_409 = arith.select %and3A_408, %add3A_406, %select_n3A_375 : vector<16xi1>, vector<16xi32>
        %select_n3A_410 = arith.select %and3A_408, %get3A_380, %select_n3A_376 : vector<16xi1>, vector<16xi32>
        %get3A_411 = arith.index_cast %scan3A_346 : i32 to index
        %get3A_412 = arith.constant 32 : index
        %get3A_413 = tpu.vector_load %arg11[%get3A_411, %get3A_412] {strides = array<i32>} : memref<125x80xi32, #tpu.memory_space<vmem>>, vector<1x16xi32>,
        %get3A_414 = vector.shape_cast %get3A_413 : vector<1x16xi32> to vector<16xi32>
        %get3A_415 = arith.index_cast %scan3A_346 : i32 to index
        %get3A_416 = arith.constant 32 : index
        %get3A_417 = tpu.vector_load %arg12[%get3A_415, %get3A_416] {strides = array<i32>} : memref<125x80xi32, #tpu.memory_space<vmem>>, vector<1x16xi32>,
        %get3A_418 = vector.shape_cast %get3A_417 : vector<1x16xi32> to vector<16xi32>
        %eq3A_419 = arith.cmpi eq, %get3A_418, %get3A_263 : vector<16xi32>
        %lt3A_420 = arith.constant 9999 : i32
        %lt3A_421 = vector.broadcast %lt3A_420 : i32 to vector<16xi32>
        %lt3A_422 = arith.cmpi slt, %get3A_414, %lt3A_421 : vector<16xi32>
        %and3A_423 = arith.andi %eq3A_419, %lt3A_422 : vector<16xi1>
        %jit3A_424 = arith.constant 1.000000e+00 : f32
        %jit3A_425 = arith.constant 0.000000e+00 : f32
        %broadcast_in_dim3A_426 = vector.broadcast %jit3A_424 : f32 to vector<16xf32>
        %broadcast_in_dim3A_427 = vector.broadcast %jit3A_425 : f32 to vector<16xf32>
        %select_n3A_428 = arith.select %and3A_423, %broadcast_in_dim3A_426, %broadcast_in_dim3A_427 : vector<16xi1>, vector<16xf32>
        %swap3A_429 = arith.index_cast %scan3A_346 : i32 to index
        %swap3A_430 = arith.constant 32 : index
        %swap3A_431 = tpu.vector_load %arg13[%swap3A_429, %swap3A_430] {strides = array<i32>} : memref<125x80xf32, #tpu.memory_space<vmem>>, vector<1x16xf32>,
        %swap3A_432 = vector.shape_cast %swap3A_431 : vector<1x16xf32> to vector<16xf32>
        %swap3A_433 = vector.shape_cast %select_n3A_428 : vector<16xf32> to vector<1x16xf32>
        tpu.vector_store %arg13[%swap3A_429, %swap3A_430], %swap3A_433 {strides = array<i32>} : memref<125x80xf32, #tpu.memory_space<vmem>>, vector<1x16xf32>,
        %mul3A_434 = arith.constant 80 : i32
        %mul3A_435 = arith.muli %scan3A_346, %mul3A_434 : i32
        %add3A_436 = arith.addi %mul3A_265, %mul3A_435 : i32
        %add3A_437 = arith.constant 32 : i32
        %add3A_438 = arith.addi %add3A_436, %add3A_437 : i32
        %add3A_439 = vector.broadcast %add3A_438 : i32 to vector<16xi32>
        %add3A_440 = arith.addi %add3A_439, %iota3A : vector<16xi32>
        %gt3A_441 = arith.cmpi sgt, %add3A_440, %select_n3A_409 : vector<16xi32>
        %and3A_442 = arith.andi %eq3A_419, %gt3A_441 : vector<16xi1>
        %select_n3A_443 = arith.select %and3A_442, %add3A_440, %select_n3A_409 : vector<16xi1>, vector<16xi32>
        %select_n3A_444 = arith.select %and3A_442, %get3A_414, %select_n3A_410 : vector<16xi1>, vector<16xi32>
        %get3A_445 = arith.index_cast %scan3A_346 : i32 to index
        %get3A_446 = arith.constant 48 : index
        %get3A_447 = tpu.vector_load %arg11[%get3A_445, %get3A_446] {strides = array<i32>} : memref<125x80xi32, #tpu.memory_space<vmem>>, vector<1x16xi32>,
        %get3A_448 = vector.shape_cast %get3A_447 : vector<1x16xi32> to vector<16xi32>
        %get3A_449 = arith.index_cast %scan3A_346 : i32 to index
        %get3A_450 = arith.constant 48 : index
        %get3A_451 = tpu.vector_load %arg12[%get3A_449, %get3A_450] {strides = array<i32>} : memref<125x80xi32, #tpu.memory_space<vmem>>, vector<1x16xi32>,
        %get3A_452 = vector.shape_cast %get3A_451 : vector<1x16xi32> to vector<16xi32>
        %eq3A_453 = arith.cmpi eq, %get3A_452, %get3A_263 : vector<16xi32>
        %lt3A_454 = arith.constant 9999 : i32
        %lt3A_455 = vector.broadcast %lt3A_454 : i32 to vector<16xi32>
        %lt3A_456 = arith.cmpi slt, %get3A_448, %lt3A_455 : vector<16xi32>
        %and3A_457 = arith.andi %eq3A_453, %lt3A_456 : vector<16xi1>
        %jit3A_458 = arith.constant 1.000000e+00 : f32
        %jit3A_459 = arith.constant 0.000000e+00 : f32
        %broadcast_in_dim3A_460 = vector.broadcast %jit3A_458 : f32 to vector<16xf32>
        %broadcast_in_dim3A_461 = vector.broadcast %jit3A_459 : f32 to vector<16xf32>
        %select_n3A_462 = arith.select %and3A_457, %broadcast_in_dim3A_460, %broadcast_in_dim3A_461 : vector<16xi1>, vector<16xf32>
        %swap3A_463 = arith.index_cast %scan3A_346 : i32 to index
        %swap3A_464 = arith.constant 48 : index
        %swap3A_465 = tpu.vector_load %arg13[%swap3A_463, %swap3A_464] {strides = array<i32>} : memref<125x80xf32, #tpu.memory_space<vmem>>, vector<1x16xf32>,
        %swap3A_466 = vector.shape_cast %swap3A_465 : vector<1x16xf32> to vector<16xf32>
        %swap3A_467 = vector.shape_cast %select_n3A_462 : vector<16xf32> to vector<1x16xf32>
        tpu.vector_store %arg13[%swap3A_463, %swap3A_464], %swap3A_467 {strides = array<i32>} : memref<125x80xf32, #tpu.memory_space<vmem>>, vector<1x16xf32>,
        %mul3A_468 = arith.constant 80 : i32
        %mul3A_469 = arith.muli %scan3A_346, %mul3A_468 : i32
        %add3A_470 = arith.addi %mul3A_265, %mul3A_469 : i32
        %add3A_471 = arith.constant 48 : i32
        %add3A_472 = arith.addi %add3A_470, %add3A_471 : i32
        %add3A_473 = vector.broadcast %add3A_472 : i32 to vector<16xi32>
        %add3A_474 = arith.addi %add3A_473, %iota3A : vector<16xi32>
        %gt3A_475 = arith.cmpi sgt, %add3A_474, %select_n3A_443 : vector<16xi32>
        %and3A_476 = arith.andi %eq3A_453, %gt3A_475 : vector<16xi1>
        %select_n3A_477 = arith.select %and3A_476, %add3A_474, %select_n3A_443 : vector<16xi1>, vector<16xi32>
        %select_n3A_478 = arith.select %and3A_476, %get3A_448, %select_n3A_444 : vector<16xi1>, vector<16xi32>
        %get3A_479 = arith.index_cast %scan3A_346 : i32 to index
        %get3A_480 = arith.constant 64 : index
        %get3A_481 = tpu.vector_load %arg11[%get3A_479, %get3A_480] {strides = array<i32>} : memref<125x80xi32, #tpu.memory_space<vmem>>, vector<1x16xi32>,
        %get3A_482 = vector.shape_cast %get3A_481 : vector<1x16xi32> to vector<16xi32>
        %get3A_483 = arith.index_cast %scan3A_346 : i32 to index
        %get3A_484 = arith.constant 64 : index
        %get3A_485 = tpu.vector_load %arg12[%get3A_483, %get3A_484] {strides = array<i32>} : memref<125x80xi32, #tpu.memory_space<vmem>>, vector<1x16xi32>,
        %get3A_486 = vector.shape_cast %get3A_485 : vector<1x16xi32> to vector<16xi32>
        %eq3A_487 = arith.cmpi eq, %get3A_486, %get3A_263 : vector<16xi32>
        %lt3A_488 = arith.constant 9999 : i32
        %lt3A_489 = vector.broadcast %lt3A_488 : i32 to vector<16xi32>
        %lt3A_490 = arith.cmpi slt, %get3A_482, %lt3A_489 : vector<16xi32>
        %and3A_491 = arith.andi %eq3A_487, %lt3A_490 : vector<16xi1>
        %jit3A_492 = arith.constant 1.000000e+00 : f32
        %jit3A_493 = arith.constant 0.000000e+00 : f32
        %broadcast_in_dim3A_494 = vector.broadcast %jit3A_492 : f32 to vector<16xf32>
        %broadcast_in_dim3A_495 = vector.broadcast %jit3A_493 : f32 to vector<16xf32>
        %select_n3A_496 = arith.select %and3A_491, %broadcast_in_dim3A_494, %broadcast_in_dim3A_495 : vector<16xi1>, vector<16xf32>
        %swap3A_497 = arith.index_cast %scan3A_346 : i32 to index
        %swap3A_498 = arith.constant 64 : index
        %swap3A_499 = tpu.vector_load %arg13[%swap3A_497, %swap3A_498] {strides = array<i32>} : memref<125x80xf32, #tpu.memory_space<vmem>>, vector<1x16xf32>,
        %swap3A_500 = vector.shape_cast %swap3A_499 : vector<1x16xf32> to vector<16xf32>
        %swap3A_501 = vector.shape_cast %select_n3A_496 : vector<16xf32> to vector<1x16xf32>
        tpu.vector_store %arg13[%swap3A_497, %swap3A_498], %swap3A_501 {strides = array<i32>} : memref<125x80xf32, #tpu.memory_space<vmem>>, vector<1x16xf32>,
        %mul3A_502 = arith.constant 80 : i32
        %mul3A_503 = arith.muli %scan3A_346, %mul3A_502 : i32
        %add3A_504 = arith.addi %mul3A_265, %mul3A_503 : i32
        %add3A_505 = arith.constant 64 : i32
        %add3A_506 = arith.addi %add3A_504, %add3A_505 : i32
        %add3A_507 = vector.broadcast %add3A_506 : i32 to vector<16xi32>
        %add3A_508 = arith.addi %add3A_507, %iota3A : vector<16xi32>
        %gt3A_509 = arith.cmpi sgt, %add3A_508, %select_n3A_477 : vector<16xi32>
        %and3A_510 = arith.andi %eq3A_487, %gt3A_509 : vector<16xi1>
        %select_n3A_511 = arith.select %and3A_510, %add3A_508, %select_n3A_477 : vector<16xi1>, vector<16xi32>
        %select_n3A_512 = arith.select %and3A_510, %get3A_482, %select_n3A_478 : vector<16xi1>, vector<16xi32>
        %dma_start3A = arith.constant 0 : i32
        %dma_start3A_513 = tpu.memref_slice %arg12[%scan3A_346, %dma_start3A] : memref<125x80xi32, #tpu.memory_space<vmem>> -> memref<1x80xi32, #tpu.memory_space<vmem>>
        %dma_start3A_514 = tpu.memref_squeeze %dma_start3A_513 : memref<1x80xi32, #tpu.memory_space<vmem>> -> memref<80xi32, #tpu.memory_space<vmem>>
        %dma_start3A_515 = arith.constant 0 : i32
        %dma_start3A_516 = tpu.memref_slice %arg19[%dma_start3A_515] : memref<10240xf32, #tpu.memory_space<vmem_shared>> -> memref<10240xf32, #tpu.memory_space<vmem_shared>>
        tpu.enqueue_indirect_dma source(%arg14 : memref<80xf32, #tpu.memory_space<vmem>>) target(%dma_start3A_516 : memref<10240xf32, #tpu.memory_space<vmem_shared>>) offsets(%dma_start3A_514 : memref<80xi32, #tpu.memory_space<vmem>>) semaphore(%arg21 : memref<!tpu.dma_semaphore, #tpu.memory_space<semaphore_mem>>) {add = true}
        %dma_start3A_517 = arith.constant 0 : i32
        %dma_start3A_518 = tpu.memref_slice %arg13[%scan3A_346, %dma_start3A_517] : memref<125x80xf32, #tpu.memory_space<vmem>> -> memref<1x80xf32, #tpu.memory_space<vmem>>
        %dma_start3A_519 = tpu.memref_squeeze %dma_start3A_518 : memref<1x80xf32, #tpu.memory_space<vmem>> -> memref<80xf32, #tpu.memory_space<vmem>>
        %dma_start3A_520 = arith.constant 0 : i32
        %dma_start3A_521 = tpu.memref_slice %arg11[%scan3A_346, %dma_start3A_520] : memref<125x80xi32, #tpu.memory_space<vmem>> -> memref<1x80xi32, #tpu.memory_space<vmem>>
        %dma_start3A_522 = tpu.memref_squeeze %dma_start3A_521 : memref<1x80xi32, #tpu.memory_space<vmem>> -> memref<80xi32, #tpu.memory_space<vmem>>
        %dma_start3A_523 = arith.constant 0 : i32
        %dma_start3A_524 = tpu.memref_slice %arg20[%dma_start3A_523] : memref<10240xf32, #tpu.memory_space<vmem_shared>> -> memref<10240xf32, #tpu.memory_space<vmem_shared>>
        tpu.enqueue_indirect_dma source(%dma_start3A_519 : memref<80xf32, #tpu.memory_space<vmem>>) target(%dma_start3A_524 : memref<10240xf32, #tpu.memory_space<vmem_shared>>) offsets(%dma_start3A_522 : memref<80xi32, #tpu.memory_space<vmem>>) semaphore(%arg22 : memref<!tpu.dma_semaphore, #tpu.memory_space<semaphore_mem>>) {add = true}
        %ge3A = arith.constant 4 : i32
        %ge3A_525 = arith.cmpi sge, %scan3A_346, %ge3A : i32
        %convert_element_type3A_526 = arith.extui %ge3A_525 : i1 to i32
        %cond3A_527 = arith.constant 0 : i32
        %cond3A_528 = arith.cmpi ne, %convert_element_type3A_526, %cond3A_527 : i32
        scf.if %cond3A_528 {
          %dma_wait3A_529 = arith.constant 0 : i32
          %dma_wait3A_530 = arith.constant 0 : i32
          %dma_wait3A_531 = tpu.memref_slice %arg12[%dma_wait3A_529, %dma_wait3A_530] : memref<125x80xi32, #tpu.memory_space<vmem>> -> memref<1x80xi32, #tpu.memory_space<vmem>>
          %dma_wait3A_532 = tpu.memref_squeeze %dma_wait3A_531 : memref<1x80xi32, #tpu.memory_space<vmem>> -> memref<80xi32, #tpu.memory_space<vmem>>
          %dma_wait3A_533 = arith.constant 0 : i32
          %dma_wait3A_534 = tpu.memref_slice %arg19[%dma_wait3A_533] : memref<10240xf32, #tpu.memory_space<vmem_shared>> -> memref<10240xf32, #tpu.memory_space<vmem_shared>>
          tpu.wait_indirect_dma semaphore(%arg21 : memref<!tpu.dma_semaphore, #tpu.memory_space<semaphore_mem>>) src(%arg14 : memref<80xf32, #tpu.memory_space<vmem>>) dst(%dma_wait3A_534 : memref<10240xf32, #tpu.memory_space<vmem_shared>>)
          %dma_wait3A_535 = arith.constant 0 : i32
          %dma_wait3A_536 = arith.constant 0 : i32
          %dma_wait3A_537 = arith.constant 0 : i32
          %dma_wait3A_538 = tpu.memref_slice %arg13[%dma_wait3A_535, %dma_wait3A_537] : memref<125x80xf32, #tpu.memory_space<vmem>> -> memref<1x80xf32, #tpu.memory_space<vmem>>
          %dma_wait3A_539 = tpu.memref_squeeze %dma_wait3A_538 : memref<1x80xf32, #tpu.memory_space<vmem>> -> memref<80xf32, #tpu.memory_space<vmem>>
          %dma_wait3A_540 = arith.constant 0 : i32
          %dma_wait3A_541 = tpu.memref_slice %arg11[%dma_wait3A_536, %dma_wait3A_540] : memref<125x80xi32, #tpu.memory_space<vmem>> -> memref<1x80xi32, #tpu.memory_space<vmem>>
          %dma_wait3A_542 = tpu.memref_squeeze %dma_wait3A_541 : memref<1x80xi32, #tpu.memory_space<vmem>> -> memref<80xi32, #tpu.memory_space<vmem>>
          %dma_wait3A_543 = arith.constant 0 : i32
          %dma_wait3A_544 = tpu.memref_slice %arg20[%dma_wait3A_543] : memref<10240xf32, #tpu.memory_space<vmem_shared>> -> memref<10240xf32, #tpu.memory_space<vmem_shared>>
          tpu.wait_indirect_dma semaphore(%arg22 : memref<!tpu.dma_semaphore, #tpu.memory_space<semaphore_mem>>) src(%dma_wait3A_539 : memref<80xf32, #tpu.memory_space<vmem>>) dst(%dma_wait3A_544 : memref<10240xf32, #tpu.memory_space<vmem_shared>>)
        } else {
        }
        scf.yield %select_n3A_511, %select_n3A_512 : vector<16xi32>, vector<16xi32>
      }
      %scan3A_274 = arith.constant 125 : i32
      %dma_wait3A = arith.constant 0 : i32
      %dma_wait3A_275 = arith.constant 0 : i32
      %dma_wait3A_276 = tpu.memref_slice %arg12[%dma_wait3A, %dma_wait3A_275] : memref<125x80xi32, #tpu.memory_space<vmem>> -> memref<1x80xi32, #tpu.memory_space<vmem>>
      %dma_wait3A_277 = tpu.memref_squeeze %dma_wait3A_276 : memref<1x80xi32, #tpu.memory_space<vmem>> -> memref<80xi32, #tpu.memory_space<vmem>>
      %dma_wait3A_278 = arith.constant 0 : i32
      %dma_wait3A_279 = tpu.memref_slice %arg19[%dma_wait3A_278] : memref<10240xf32, #tpu.memory_space<vmem_shared>> -> memref<10240xf32, #tpu.memory_space<vmem_shared>>
      tpu.wait_indirect_dma semaphore(%arg21 : memref<!tpu.dma_semaphore, #tpu.memory_space<semaphore_mem>>) src(%arg14 : memref<80xf32, #tpu.memory_space<vmem>>) dst(%dma_wait3A_279 : memref<10240xf32, #tpu.memory_space<vmem_shared>>)
      %dma_wait3A_280 = arith.constant 0 : i32
      %dma_wait3A_281 = arith.constant 0 : i32
      %dma_wait3A_282 = arith.constant 0 : i32
      %dma_wait3A_283 = tpu.memref_slice %arg13[%dma_wait3A_280, %dma_wait3A_282] : memref<125x80xf32, #tpu.memory_space<vmem>> -> memref<1x80xf32, #tpu.memory_space<vmem>>
      %dma_wait3A_284 = tpu.memref_squeeze %dma_wait3A_283 : memref<1x80xf32, #tpu.memory_space<vmem>> -> memref<80xf32, #tpu.memory_space<vmem>>
      %dma_wait3A_285 = arith.constant 0 : i32
      %dma_wait3A_286 = tpu.memref_slice %arg11[%dma_wait3A_281, %dma_wait3A_285] : memref<125x80xi32, #tpu.memory_space<vmem>> -> memref<1x80xi32, #tpu.memory_space<vmem>>
      %dma_wait3A_287 = tpu.memref_squeeze %dma_wait3A_286 : memref<1x80xi32, #tpu.memory_space<vmem>> -> memref<80xi32, #tpu.memory_space<vmem>>
      %dma_wait3A_288 = arith.constant 0 : i32
      %dma_wait3A_289 = tpu.memref_slice %arg20[%dma_wait3A_288] : memref<10240xf32, #tpu.memory_space<vmem_shared>> -> memref<10240xf32, #tpu.memory_space<vmem_shared>>
      tpu.wait_indirect_dma semaphore(%arg22 : memref<!tpu.dma_semaphore, #tpu.memory_space<semaphore_mem>>) src(%dma_wait3A_284 : memref<80xf32, #tpu.memory_space<vmem>>) dst(%dma_wait3A_289 : memref<10240xf32, #tpu.memory_space<vmem_shared>>)
      %dma_wait3A_290 = arith.constant 0 : i32
      %dma_wait3A_291 = arith.constant 0 : i32
      %dma_wait3A_292 = tpu.memref_slice %arg12[%dma_wait3A_290, %dma_wait3A_291] : memref<125x80xi32, #tpu.memory_space<vmem>> -> memref<1x80xi32, #tpu.memory_space<vmem>>
      %dma_wait3A_293 = tpu.memref_squeeze %dma_wait3A_292 : memref<1x80xi32, #tpu.memory_space<vmem>> -> memref<80xi32, #tpu.memory_space<vmem>>
      %dma_wait3A_294 = arith.constant 0 : i32
      %dma_wait3A_295 = tpu.memref_slice %arg19[%dma_wait3A_294] : memref<10240xf32, #tpu.memory_space<vmem_shared>> -> memref<10240xf32, #tpu.memory_space<vmem_shared>>
      tpu.wait_indirect_dma semaphore(%arg21 : memref<!tpu.dma_semaphore, #tpu.memory_space<semaphore_mem>>) src(%arg14 : memref<80xf32, #tpu.memory_space<vmem>>) dst(%dma_wait3A_295 : memref<10240xf32, #tpu.memory_space<vmem_shared>>)
      %dma_wait3A_296 = arith.constant 0 : i32
      %dma_wait3A_297 = arith.constant 0 : i32
      %dma_wait3A_298 = arith.constant 0 : i32
      %dma_wait3A_299 = tpu.memref_slice %arg13[%dma_wait3A_296, %dma_wait3A_298] : memref<125x80xf32, #tpu.memory_space<vmem>> -> memref<1x80xf32, #tpu.memory_space<vmem>>
      %dma_wait3A_300 = tpu.memref_squeeze %dma_wait3A_299 : memref<1x80xf32, #tpu.memory_space<vmem>> -> memref<80xf32, #tpu.memory_space<vmem>>
      %dma_wait3A_301 = arith.constant 0 : i32
      %dma_wait3A_302 = tpu.memref_slice %arg11[%dma_wait3A_297, %dma_wait3A_301] : memref<125x80xi32, #tpu.memory_space<vmem>> -> memref<1x80xi32, #tpu.memory_space<vmem>>
      %dma_wait3A_303 = tpu.memref_squeeze %dma_wait3A_302 : memref<1x80xi32, #tpu.memory_space<vmem>> -> memref<80xi32, #tpu.memory_space<vmem>>
      %dma_wait3A_304 = arith.constant 0 : i32
      %dma_wait3A_305 = tpu.memref_slice %arg20[%dma_wait3A_304] : memref<10240xf32, #tpu.memory_space<vmem_shared>> -> memref<10240xf32, #tpu.memory_space<vmem_shared>>
      tpu.wait_indirect_dma semaphore(%arg22 : memref<!tpu.dma_semaphore, #tpu.memory_space<semaphore_mem>>) src(%dma_wait3A_300 : memref<80xf32, #tpu.memory_space<vmem>>) dst(%dma_wait3A_305 : memref<10240xf32, #tpu.memory_space<vmem_shared>>)
      %dma_wait3A_306 = arith.constant 0 : i32
      %dma_wait3A_307 = arith.constant 0 : i32
      %dma_wait3A_308 = tpu.memref_slice %arg12[%dma_wait3A_306, %dma_wait3A_307] : memref<125x80xi32, #tpu.memory_space<vmem>> -> memref<1x80xi32, #tpu.memory_space<vmem>>
      %dma_wait3A_309 = tpu.memref_squeeze %dma_wait3A_308 : memref<1x80xi32, #tpu.memory_space<vmem>> -> memref<80xi32, #tpu.memory_space<vmem>>
      %dma_wait3A_310 = arith.constant 0 : i32
      %dma_wait3A_311 = tpu.memref_slice %arg19[%dma_wait3A_310] : memref<10240xf32, #tpu.memory_space<vmem_shared>> -> memref<10240xf32, #tpu.memory_space<vmem_shared>>
      tpu.wait_indirect_dma semaphore(%arg21 : memref<!tpu.dma_semaphore, #tpu.memory_space<semaphore_mem>>) src(%arg14 : memref<80xf32, #tpu.memory_space<vmem>>) dst(%dma_wait3A_311 : memref<10240xf32, #tpu.memory_space<vmem_shared>>)
      %dma_wait3A_312 = arith.constant 0 : i32
      %dma_wait3A_313 = arith.constant 0 : i32
      %dma_wait3A_314 = arith.constant 0 : i32
      %dma_wait3A_315 = tpu.memref_slice %arg13[%dma_wait3A_312, %dma_wait3A_314] : memref<125x80xf32, #tpu.memory_space<vmem>> -> memref<1x80xf32, #tpu.memory_space<vmem>>
      %dma_wait3A_316 = tpu.memref_squeeze %dma_wait3A_315 : memref<1x80xf32, #tpu.memory_space<vmem>> -> memref<80xf32, #tpu.memory_space<vmem>>
      %dma_wait3A_317 = arith.constant 0 : i32
      %dma_wait3A_318 = tpu.memref_slice %arg11[%dma_wait3A_313, %dma_wait3A_317] : memref<125x80xi32, #tpu.memory_space<vmem>> -> memref<1x80xi32, #tpu.memory_space<vmem>>
      %dma_wait3A_319 = tpu.memref_squeeze %dma_wait3A_318 : memref<1x80xi32, #tpu.memory_space<vmem>> -> memref<80xi32, #tpu.memory_space<vmem>>
      %dma_wait3A_320 = arith.constant 0 : i32
      %dma_wait3A_321 = tpu.memref_slice %arg20[%dma_wait3A_320] : memref<10240xf32, #tpu.memory_space<vmem_shared>> -> memref<10240xf32, #tpu.memory_space<vmem_shared>>
      tpu.wait_indirect_dma semaphore(%arg22 : memref<!tpu.dma_semaphore, #tpu.memory_space<semaphore_mem>>) src(%dma_wait3A_316 : memref<80xf32, #tpu.memory_space<vmem>>) dst(%dma_wait3A_321 : memref<10240xf32, #tpu.memory_space<vmem_shared>>)
      %dma_wait3A_322 = arith.constant 0 : i32
      %dma_wait3A_323 = arith.constant 0 : i32
      %dma_wait3A_324 = tpu.memref_slice %arg12[%dma_wait3A_322, %dma_wait3A_323] : memref<125x80xi32, #tpu.memory_space<vmem>> -> memref<1x80xi32, #tpu.memory_space<vmem>>
      %dma_wait3A_325 = tpu.memref_squeeze %dma_wait3A_324 : memref<1x80xi32, #tpu.memory_space<vmem>> -> memref<80xi32, #tpu.memory_space<vmem>>
      %dma_wait3A_326 = arith.constant 0 : i32
      %dma_wait3A_327 = tpu.memref_slice %arg19[%dma_wait3A_326] : memref<10240xf32, #tpu.memory_space<vmem_shared>> -> memref<10240xf32, #tpu.memory_space<vmem_shared>>
      tpu.wait_indirect_dma semaphore(%arg21 : memref<!tpu.dma_semaphore, #tpu.memory_space<semaphore_mem>>) src(%arg14 : memref<80xf32, #tpu.memory_space<vmem>>) dst(%dma_wait3A_327 : memref<10240xf32, #tpu.memory_space<vmem_shared>>)
      %dma_wait3A_328 = arith.constant 0 : i32
      %dma_wait3A_329 = arith.constant 0 : i32
      %dma_wait3A_330 = arith.constant 0 : i32
      %dma_wait3A_331 = tpu.memref_slice %arg13[%dma_wait3A_328, %dma_wait3A_330] : memref<125x80xf32, #tpu.memory_space<vmem>> -> memref<1x80xf32, #tpu.memory_space<vmem>>
      %dma_wait3A_332 = tpu.memref_squeeze %dma_wait3A_331 : memref<1x80xf32, #tpu.memory_space<vmem>> -> memref<80xf32, #tpu.memory_space<vmem>>
      %dma_wait3A_333 = arith.constant 0 : i32
      %dma_wait3A_334 = tpu.memref_slice %arg11[%dma_wait3A_329, %dma_wait3A_333] : memref<125x80xi32, #tpu.memory_space<vmem>> -> memref<1x80xi32, #tpu.memory_space<vmem>>
      %dma_wait3A_335 = tpu.memref_squeeze %dma_wait3A_334 : memref<1x80xi32, #tpu.memory_space<vmem>> -> memref<80xi32, #tpu.memory_space<vmem>>
      %dma_wait3A_336 = arith.constant 0 : i32
      %dma_wait3A_337 = tpu.memref_slice %arg20[%dma_wait3A_336] : memref<10240xf32, #tpu.memory_space<vmem_shared>> -> memref<10240xf32, #tpu.memory_space<vmem_shared>>
      tpu.wait_indirect_dma semaphore(%arg22 : memref<!tpu.dma_semaphore, #tpu.memory_space<semaphore_mem>>) src(%dma_wait3A_332 : memref<80xf32, #tpu.memory_space<vmem>>) dst(%dma_wait3A_337 : memref<10240xf32, #tpu.memory_space<vmem_shared>>)
      %swap3A_338 = arith.constant 0 : index
      %swap3A_339 = tpu.vector_load %arg16[%swap3A_338] {strides = array<i32>} : memref<16xi32, #tpu.memory_space<vmem>>, vector<16xi32>,
      %swap3A_340 = vector.shape_cast %swap3A_339 : vector<16xi32> to vector<16xi32>
      %swap3A_341 = vector.shape_cast %scan3A_273#0 : vector<16xi32> to vector<16xi32>
      tpu.vector_store %arg16[%swap3A_338], %swap3A_341 {strides = array<i32>} : memref<16xi32, #tpu.memory_space<vmem>>, vector<16xi32>,
      %swap3A_342 = arith.constant 0 : index
      %swap3A_343 = tpu.vector_load %arg17[%swap3A_342] {strides = array<i32>} : memref<16xi32, #tpu.memory_space<vmem>>, vector<16xi32>,
      %swap3A_344 = vector.shape_cast %swap3A_343 : vector<16xi32> to vector<16xi32>
      %swap3A_345 = vector.shape_cast %scan3A_273#1 : vector<16xi32> to vector<16xi32>
      tpu.vector_store %arg17[%swap3A_342], %swap3A_345 {strides = array<i32>} : memref<16xi32, #tpu.memory_space<vmem>>, vector<16xi32>,
      "tpu.region"() ({
        %run_scoped3A = tpu.sem_alloc : memref<!tpu.dma_semaphore, #tpu.memory_space<semaphore_mem>>
        %dma_start3A = arith.constant 0 : i32
        %dma_start3A_346 = tpu.memref_slice %arg9[%arg1, %dma_start3A] : memref<16x16xi32, #tpu.memory_space<hbm>> -> memref<1x16xi32, #tpu.memory_space<hbm>>
        %dma_start3A_347 = tpu.memref_squeeze %dma_start3A_346 : memref<1x16xi32, #tpu.memory_space<hbm>> -> memref<16xi32, #tpu.memory_space<hbm>>
        %dma_start3A_348 = arith.constant 0 : i32
        %dma_start3A_349 = tpu.memref_slice %arg9[%arg1, %dma_start3A_348] : memref<16x16xi32, #tpu.memory_space<hbm>> -> memref<1x16xi32, #tpu.memory_space<hbm>>
        %dma_start3A_350 = tpu.memref_squeeze %dma_start3A_349 : memref<1x16xi32, #tpu.memory_space<hbm>> -> memref<16xi32, #tpu.memory_space<hbm>>
        tpu.enqueue_dma source(%arg16 : memref<16xi32, #tpu.memory_space<vmem>>) target(%dma_start3A_350 : memref<16xi32, #tpu.memory_space<hbm>>) target_semaphore(%run_scoped3A : memref<!tpu.dma_semaphore, #tpu.memory_space<semaphore_mem>>)
        %dma_wait3A_351 = arith.constant 0 : i32
        %dma_wait3A_352 = tpu.memref_slice %arg9[%arg1, %dma_wait3A_351] : memref<16x16xi32, #tpu.memory_space<hbm>> -> memref<1x16xi32, #tpu.memory_space<hbm>>
        %dma_wait3A_353 = tpu.memref_squeeze %dma_wait3A_352 : memref<1x16xi32, #tpu.memory_space<hbm>> -> memref<16xi32, #tpu.memory_space<hbm>>
        %dma_wait3A_354 = arith.constant 0 : i32
        %dma_wait3A_355 = tpu.memref_slice %arg9[%arg1, %dma_wait3A_354] : memref<16x16xi32, #tpu.memory_space<hbm>> -> memref<1x16xi32, #tpu.memory_space<hbm>>
        %dma_wait3A_356 = tpu.memref_squeeze %dma_wait3A_355 : memref<1x16xi32, #tpu.memory_space<hbm>> -> memref<16xi32, #tpu.memory_space<hbm>>
        tpu.wait_dma2 semaphore(%run_scoped3A : memref<!tpu.dma_semaphore, #tpu.memory_space<semaphore_mem>>) src(%arg16 : memref<16xi32, #tpu.memory_space<vmem>>) dst(%dma_wait3A_356 : memref<16xi32, #tpu.memory_space<hbm>>)
        tpu.yield
      }) : () -> ()
      "tpu.region"() ({
        %run_scoped3A = tpu.sem_alloc : memref<!tpu.dma_semaphore, #tpu.memory_space<semaphore_mem>>
        %dma_start3A = arith.constant 0 : i32
        %dma_start3A_346 = tpu.memref_slice %arg10[%arg1, %dma_start3A] : memref<16x16xi32, #tpu.memory_space<hbm>> -> memref<1x16xi32, #tpu.memory_space<hbm>>
        %dma_start3A_347 = tpu.memref_squeeze %dma_start3A_346 : memref<1x16xi32, #tpu.memory_space<hbm>> -> memref<16xi32, #tpu.memory_space<hbm>>
        %dma_start3A_348 = arith.constant 0 : i32
        %dma_start3A_349 = tpu.memref_slice %arg10[%arg1, %dma_start3A_348] : memref<16x16xi32, #tpu.memory_space<hbm>> -> memref<1x16xi32, #tpu.memory_space<hbm>>
        %dma_start3A_350 = tpu.memref_squeeze %dma_start3A_349 : memref<1x16xi32, #tpu.memory_space<hbm>> -> memref<16xi32, #tpu.memory_space<hbm>>
        tpu.enqueue_dma source(%arg17 : memref<16xi32, #tpu.memory_space<vmem>>) target(%dma_start3A_350 : memref<16xi32, #tpu.memory_space<hbm>>) target_semaphore(%run_scoped3A : memref<!tpu.dma_semaphore, #tpu.memory_space<semaphore_mem>>)
        %dma_wait3A_351 = arith.constant 0 : i32
        %dma_wait3A_352 = tpu.memref_slice %arg10[%arg1, %dma_wait3A_351] : memref<16x16xi32, #tpu.memory_space<hbm>> -> memref<1x16xi32, #tpu.memory_space<hbm>>
        %dma_wait3A_353 = tpu.memref_squeeze %dma_wait3A_352 : memref<1x16xi32, #tpu.memory_space<hbm>> -> memref<16xi32, #tpu.memory_space<hbm>>
        %dma_wait3A_354 = arith.constant 0 : i32
        %dma_wait3A_355 = tpu.memref_slice %arg10[%arg1, %dma_wait3A_354] : memref<16x16xi32, #tpu.memory_space<hbm>> -> memref<1x16xi32, #tpu.memory_space<hbm>>
        %dma_wait3A_356 = tpu.memref_squeeze %dma_wait3A_355 : memref<1x16xi32, #tpu.memory_space<hbm>> -> memref<16xi32, #tpu.memory_space<hbm>>
        tpu.wait_dma2 semaphore(%run_scoped3A : memref<!tpu.dma_semaphore, #tpu.memory_space<semaphore_mem>>) src(%arg17 : memref<16xi32, #tpu.memory_space<vmem>>) dst(%dma_wait3A_356 : memref<16xi32, #tpu.memory_space<hbm>>)
        tpu.yield
      }) : () -> ()
    } else {
    }
    %barrier3A_251 = arith.constant 0 : index
    tpu.barrier barrier_id(%barrier3A_251)
    %eq3A_252 = arith.constant 0 : i32
    %eq3A_253 = arith.cmpi eq, %arg0, %eq3A_252 : i32
    %convert_element_type3A_254 = arith.extui %eq3A_253 : i1 to i32
    %cond3A_255 = arith.constant 0 : i32
    %cond3A_256 = arith.cmpi ne, %convert_element_type3A_254, %cond3A_255 : i32
    scf.if %cond3A_256 {
      %mul3A_262 = arith.constant 640 : i32
      %mul3A_263 = arith.muli %arg1, %mul3A_262 : i32
      "tpu.region"() ({
        %run_scoped3A = tpu.sem_alloc : memref<!tpu.dma_semaphore, #tpu.memory_space<semaphore_mem>>
        %dma_start3A = tpu.memref_slice %arg19[%mul3A_263] : memref<10240xf32, #tpu.memory_space<vmem_shared>> -> memref<640xf32, #tpu.memory_space<vmem_shared>>
        %dma_start3A_266 = tpu.memref_slice %arg19[%mul3A_263] : memref<10240xf32, #tpu.memory_space<vmem_shared>> -> memref<640xf32, #tpu.memory_space<vmem_shared>>
        tpu.enqueue_dma source(%dma_start3A_266 : memref<640xf32, #tpu.memory_space<vmem_shared>>) target(%arg18 : memref<640xf32, #tpu.memory_space<vmem>>) target_semaphore(%run_scoped3A : memref<!tpu.dma_semaphore, #tpu.memory_space<semaphore_mem>>)
        %dma_wait3A = tpu.memref_slice %arg19[%mul3A_263] : memref<10240xf32, #tpu.memory_space<vmem_shared>> -> memref<640xf32, #tpu.memory_space<vmem_shared>>
        %dma_wait3A_267 = tpu.memref_slice %arg19[%mul3A_263] : memref<10240xf32, #tpu.memory_space<vmem_shared>> -> memref<640xf32, #tpu.memory_space<vmem_shared>>
        tpu.wait_dma2 semaphore(%run_scoped3A : memref<!tpu.dma_semaphore, #tpu.memory_space<semaphore_mem>>) src(%dma_wait3A_267 : memref<640xf32, #tpu.memory_space<vmem_shared>>) dst(%arg18 : memref<640xf32, #tpu.memory_space<vmem>>)
        tpu.yield
      }) : () -> ()
      %mul3A_264 = arith.constant 640 : i32
      %mul3A_265 = arith.muli %arg1, %mul3A_264 : i32
      "tpu.region"() ({
        %run_scoped3A = tpu.sem_alloc : memref<!tpu.dma_semaphore, #tpu.memory_space<semaphore_mem>>
        %dma_start3A = tpu.memref_slice %arg6[%mul3A_265] : memref<10240xf32, #tpu.memory_space<hbm>> -> memref<640xf32, #tpu.memory_space<hbm>>
        %dma_start3A_266 = tpu.memref_slice %arg6[%mul3A_265] : memref<10240xf32, #tpu.memory_space<hbm>> -> memref<640xf32, #tpu.memory_space<hbm>>
        tpu.enqueue_dma source(%arg18 : memref<640xf32, #tpu.memory_space<vmem>>) target(%dma_start3A_266 : memref<640xf32, #tpu.memory_space<hbm>>) target_semaphore(%run_scoped3A : memref<!tpu.dma_semaphore, #tpu.memory_space<semaphore_mem>>)
        %dma_wait3A = tpu.memref_slice %arg6[%mul3A_265] : memref<10240xf32, #tpu.memory_space<hbm>> -> memref<640xf32, #tpu.memory_space<hbm>>
        %dma_wait3A_267 = tpu.memref_slice %arg6[%mul3A_265] : memref<10240xf32, #tpu.memory_space<hbm>> -> memref<640xf32, #tpu.memory_space<hbm>>
        tpu.wait_dma2 semaphore(%run_scoped3A : memref<!tpu.dma_semaphore, #tpu.memory_space<semaphore_mem>>) src(%arg18 : memref<640xf32, #tpu.memory_space<vmem>>) dst(%dma_wait3A_267 : memref<640xf32, #tpu.memory_space<hbm>>)
        tpu.yield
      }) : () -> ()
    } else {
    }
    %eq3A_257 = arith.constant 1 : i32
    %eq3A_258 = arith.cmpi eq, %arg0, %eq3A_257 : i32
    %convert_element_type3A_259 = arith.extui %eq3A_258 : i1 to i32
    %cond3A_260 = arith.constant 0 : i32
    %cond3A_261 = arith.cmpi ne, %convert_element_type3A_259, %cond3A_260 : i32
    scf.if %cond3A_261 {
      %mul3A_262 = arith.constant 640 : i32
      %mul3A_263 = arith.muli %arg1, %mul3A_262 : i32
      "tpu.region"() ({
        %run_scoped3A = tpu.sem_alloc : memref<!tpu.dma_semaphore, #tpu.memory_space<semaphore_mem>>
        %dma_start3A = tpu.memref_slice %arg19[%mul3A_263] : memref<10240xf32, #tpu.memory_space<vmem_shared>> -> memref<640xf32, #tpu.memory_space<vmem_shared>>
        %dma_start3A_270 = tpu.memref_slice %arg19[%mul3A_263] : memref<10240xf32, #tpu.memory_space<vmem_shared>> -> memref<640xf32, #tpu.memory_space<vmem_shared>>
        tpu.enqueue_dma source(%dma_start3A_270 : memref<640xf32, #tpu.memory_space<vmem_shared>>) target(%arg18 : memref<640xf32, #tpu.memory_space<vmem>>) target_semaphore(%run_scoped3A : memref<!tpu.dma_semaphore, #tpu.memory_space<semaphore_mem>>)
        %dma_wait3A = tpu.memref_slice %arg19[%mul3A_263] : memref<10240xf32, #tpu.memory_space<vmem_shared>> -> memref<640xf32, #tpu.memory_space<vmem_shared>>
        %dma_wait3A_271 = tpu.memref_slice %arg19[%mul3A_263] : memref<10240xf32, #tpu.memory_space<vmem_shared>> -> memref<640xf32, #tpu.memory_space<vmem_shared>>
        tpu.wait_dma2 semaphore(%run_scoped3A : memref<!tpu.dma_semaphore, #tpu.memory_space<semaphore_mem>>) src(%dma_wait3A_271 : memref<640xf32, #tpu.memory_space<vmem_shared>>) dst(%arg18 : memref<640xf32, #tpu.memory_space<vmem>>)
        tpu.yield
      }) : () -> ()
      %mul3A_264 = arith.constant 640 : i32
      %mul3A_265 = arith.muli %arg1, %mul3A_264 : i32
      "tpu.region"() ({
        %run_scoped3A = tpu.sem_alloc : memref<!tpu.dma_semaphore, #tpu.memory_space<semaphore_mem>>
        %dma_start3A = tpu.memref_slice %arg7[%mul3A_265] : memref<10240xf32, #tpu.memory_space<hbm>> -> memref<640xf32, #tpu.memory_space<hbm>>
        %dma_start3A_270 = tpu.memref_slice %arg7[%mul3A_265] : memref<10240xf32, #tpu.memory_space<hbm>> -> memref<640xf32, #tpu.memory_space<hbm>>
        tpu.enqueue_dma source(%arg18 : memref<640xf32, #tpu.memory_space<vmem>>) target(%dma_start3A_270 : memref<640xf32, #tpu.memory_space<hbm>>) target_semaphore(%run_scoped3A : memref<!tpu.dma_semaphore, #tpu.memory_space<semaphore_mem>>)
        %dma_wait3A = tpu.memref_slice %arg7[%mul3A_265] : memref<10240xf32, #tpu.memory_space<hbm>> -> memref<640xf32, #tpu.memory_space<hbm>>
        %dma_wait3A_271 = tpu.memref_slice %arg7[%mul3A_265] : memref<10240xf32, #tpu.memory_space<hbm>> -> memref<640xf32, #tpu.memory_space<hbm>>
        tpu.wait_dma2 semaphore(%run_scoped3A : memref<!tpu.dma_semaphore, #tpu.memory_space<semaphore_mem>>) src(%arg18 : memref<640xf32, #tpu.memory_space<vmem>>) dst(%dma_wait3A_271 : memref<640xf32, #tpu.memory_space<hbm>>)
        tpu.yield
      }) : () -> ()
      %mul3A_266 = arith.constant 640 : i32
      %mul3A_267 = arith.muli %arg1, %mul3A_266 : i32
      "tpu.region"() ({
        %run_scoped3A = tpu.sem_alloc : memref<!tpu.dma_semaphore, #tpu.memory_space<semaphore_mem>>
        %dma_start3A = tpu.memref_slice %arg20[%mul3A_267] : memref<10240xf32, #tpu.memory_space<vmem_shared>> -> memref<640xf32, #tpu.memory_space<vmem_shared>>
        %dma_start3A_270 = tpu.memref_slice %arg20[%mul3A_267] : memref<10240xf32, #tpu.memory_space<vmem_shared>> -> memref<640xf32, #tpu.memory_space<vmem_shared>>
        tpu.enqueue_dma source(%dma_start3A_270 : memref<640xf32, #tpu.memory_space<vmem_shared>>) target(%arg18 : memref<640xf32, #tpu.memory_space<vmem>>) target_semaphore(%run_scoped3A : memref<!tpu.dma_semaphore, #tpu.memory_space<semaphore_mem>>)
        %dma_wait3A = tpu.memref_slice %arg20[%mul3A_267] : memref<10240xf32, #tpu.memory_space<vmem_shared>> -> memref<640xf32, #tpu.memory_space<vmem_shared>>
        %dma_wait3A_271 = tpu.memref_slice %arg20[%mul3A_267] : memref<10240xf32, #tpu.memory_space<vmem_shared>> -> memref<640xf32, #tpu.memory_space<vmem_shared>>
        tpu.wait_dma2 semaphore(%run_scoped3A : memref<!tpu.dma_semaphore, #tpu.memory_space<semaphore_mem>>) src(%dma_wait3A_271 : memref<640xf32, #tpu.memory_space<vmem_shared>>) dst(%arg18 : memref<640xf32, #tpu.memory_space<vmem>>)
        tpu.yield
      }) : () -> ()
      %mul3A_268 = arith.constant 640 : i32
      %mul3A_269 = arith.muli %arg1, %mul3A_268 : i32
      "tpu.region"() ({
        %run_scoped3A = tpu.sem_alloc : memref<!tpu.dma_semaphore, #tpu.memory_space<semaphore_mem>>
        %dma_start3A = tpu.memref_slice %arg8[%mul3A_269] : memref<10240xf32, #tpu.memory_space<hbm>> -> memref<640xf32, #tpu.memory_space<hbm>>
        %dma_start3A_270 = tpu.memref_slice %arg8[%mul3A_269] : memref<10240xf32, #tpu.memory_space<hbm>> -> memref<640xf32, #tpu.memory_space<hbm>>
        tpu.enqueue_dma source(%arg18 : memref<640xf32, #tpu.memory_space<vmem>>) target(%dma_start3A_270 : memref<640xf32, #tpu.memory_space<hbm>>) target_semaphore(%run_scoped3A : memref<!tpu.dma_semaphore, #tpu.memory_space<semaphore_mem>>)
        %dma_wait3A = tpu.memref_slice %arg8[%mul3A_269] : memref<10240xf32, #tpu.memory_space<hbm>> -> memref<640xf32, #tpu.memory_space<hbm>>
        %dma_wait3A_271 = tpu.memref_slice %arg8[%mul3A_269] : memref<10240xf32, #tpu.memory_space<hbm>> -> memref<640xf32, #tpu.memory_space<hbm>>
        tpu.wait_dma2 semaphore(%run_scoped3A : memref<!tpu.dma_semaphore, #tpu.memory_space<semaphore_mem>>) src(%arg18 : memref<640xf32, #tpu.memory_space<vmem>>) dst(%dma_wait3A_271 : memref<640xf32, #tpu.memory_space<hbm>>)
        tpu.yield
      }) : () -> ()
    } else {
    }
    return
  }
}

#map = affine_map<(d0, d1) -> (0, 0, 0)>
#map1 = affine_map<(d0, d1) -> (0, 0)>
module attributes {stable_mosaic.version = 14 : i64} {
  func.func @_spmm_body(%arg0: i32, %arg1: i32, %arg2: memref<4x10240x64xf32, #tpu.memory_space<hbm>>, %arg3: memref<16x80x125xi32, #tpu.memory_space<hbm>>, %arg4: memref<16x80x125xi32, #tpu.memory_space<hbm>>, %arg5: memref<640x64xf32, #tpu.memory_space<hbm>>, %arg6: memref<4x10240x64xf32, #tpu.memory_space<hbm>>, %arg7: memref<80x125xi32, #tpu.memory_space<vmem>>, %arg8: memref<80x125xi32, #tpu.memory_space<vmem>>, %arg9: memref<125x64xf32, #tpu.memory_space<vmem>>, %arg10: memref<125x64xf32, #tpu.memory_space<vmem>>, %arg11: memref<125x64xf32, #tpu.memory_space<vmem>>, %arg12: memref<125x64xf32, #tpu.memory_space<vmem>>, %arg13: memref<125x64xf32, #tpu.memory_space<vmem>>, %arg14: memref<125x64xf32, #tpu.memory_space<vmem>>, %arg15: memref<125x64xf32, #tpu.memory_space<vmem>>, %arg16: memref<125x64xf32, #tpu.memory_space<vmem>>, %arg17: memref<10240x64xf32, #tpu.memory_space<vmem_shared>>, %arg18: memref<!tpu.dma_semaphore, #tpu.memory_space<semaphore_mem>>, %arg19: memref<!tpu.dma_semaphore, #tpu.memory_space<semaphore_mem>>) attributes {dimension_semantics = [#tpu.dimension_semantics<core_parallel>, #tpu.dimension_semantics<subcore_parallel>], iteration_bounds = array<i64: 2, 16>, scalar_prefetch = 0 : i64, scratch_operands = 13 : i64, tpu.core_type = #tpu.core_type<sc_vector_subcore>, window_params = [{transform_indices = #map}, {transform_indices = #map}, {transform_indices = #map}, {transform_indices = #map1}, {transform_indices = #map}]} {
    "tpu.region"() ({
      %run_scoped3A = tpu.sem_alloc : memref<!tpu.dma_semaphore, #tpu.memory_space<semaphore_mem>>
      %dma_start3A_194 = arith.constant 0 : i32
      %dma_start3A_195 = arith.constant 0 : i32
      %dma_start3A_196 = tpu.memref_slice %arg3[%arg1, %dma_start3A_194, %dma_start3A_195] : memref<16x80x125xi32, #tpu.memory_space<hbm>> -> memref<1x80x125xi32, #tpu.memory_space<hbm>>
      %dma_start3A_197 = tpu.memref_squeeze %dma_start3A_196 : memref<1x80x125xi32, #tpu.memory_space<hbm>> -> memref<80x125xi32, #tpu.memory_space<hbm>>
      %dma_start3A_198 = arith.constant 0 : i32
      %dma_start3A_199 = arith.constant 0 : i32
      %dma_start3A_200 = tpu.memref_slice %arg3[%arg1, %dma_start3A_198, %dma_start3A_199] : memref<16x80x125xi32, #tpu.memory_space<hbm>> -> memref<1x80x125xi32, #tpu.memory_space<hbm>>
      %dma_start3A_201 = tpu.memref_squeeze %dma_start3A_200 : memref<1x80x125xi32, #tpu.memory_space<hbm>> -> memref<80x125xi32, #tpu.memory_space<hbm>>
      tpu.enqueue_dma source(%dma_start3A_201 : memref<80x125xi32, #tpu.memory_space<hbm>>) target(%arg7 : memref<80x125xi32, #tpu.memory_space<vmem>>) target_semaphore(%run_scoped3A : memref<!tpu.dma_semaphore, #tpu.memory_space<semaphore_mem>>)
      %dma_wait3A_202 = arith.constant 0 : i32
      %dma_wait3A_203 = arith.constant 0 : i32
      %dma_wait3A_204 = tpu.memref_slice %arg3[%arg1, %dma_wait3A_202, %dma_wait3A_203] : memref<16x80x125xi32, #tpu.memory_space<hbm>> -> memref<1x80x125xi32, #tpu.memory_space<hbm>>
      %dma_wait3A_205 = tpu.memref_squeeze %dma_wait3A_204 : memref<1x80x125xi32, #tpu.memory_space<hbm>> -> memref<80x125xi32, #tpu.memory_space<hbm>>
      %dma_wait3A_206 = arith.constant 0 : i32
      %dma_wait3A_207 = arith.constant 0 : i32
      %dma_wait3A_208 = tpu.memref_slice %arg3[%arg1, %dma_wait3A_206, %dma_wait3A_207] : memref<16x80x125xi32, #tpu.memory_space<hbm>> -> memref<1x80x125xi32, #tpu.memory_space<hbm>>
      %dma_wait3A_209 = tpu.memref_squeeze %dma_wait3A_208 : memref<1x80x125xi32, #tpu.memory_space<hbm>> -> memref<80x125xi32, #tpu.memory_space<hbm>>
      tpu.wait_dma2 semaphore(%run_scoped3A : memref<!tpu.dma_semaphore, #tpu.memory_space<semaphore_mem>>) src(%dma_wait3A_209 : memref<80x125xi32, #tpu.memory_space<hbm>>) dst(%arg7 : memref<80x125xi32, #tpu.memory_space<vmem>>)
      tpu.yield
    }) : () -> ()
    "tpu.region"() ({
      %run_scoped3A = tpu.sem_alloc : memref<!tpu.dma_semaphore, #tpu.memory_space<semaphore_mem>>
      %dma_start3A_194 = arith.constant 0 : i32
      %dma_start3A_195 = arith.constant 0 : i32
      %dma_start3A_196 = tpu.memref_slice %arg4[%arg1, %dma_start3A_194, %dma_start3A_195] : memref<16x80x125xi32, #tpu.memory_space<hbm>> -> memref<1x80x125xi32, #tpu.memory_space<hbm>>
      %dma_start3A_197 = tpu.memref_squeeze %dma_start3A_196 : memref<1x80x125xi32, #tpu.memory_space<hbm>> -> memref<80x125xi32, #tpu.memory_space<hbm>>
      %dma_start3A_198 = arith.constant 0 : i32
      %dma_start3A_199 = arith.constant 0 : i32
      %dma_start3A_200 = tpu.memref_slice %arg4[%arg1, %dma_start3A_198, %dma_start3A_199] : memref<16x80x125xi32, #tpu.memory_space<hbm>> -> memref<1x80x125xi32, #tpu.memory_space<hbm>>
      %dma_start3A_201 = tpu.memref_squeeze %dma_start3A_200 : memref<1x80x125xi32, #tpu.memory_space<hbm>> -> memref<80x125xi32, #tpu.memory_space<hbm>>
      tpu.enqueue_dma source(%dma_start3A_201 : memref<80x125xi32, #tpu.memory_space<hbm>>) target(%arg8 : memref<80x125xi32, #tpu.memory_space<vmem>>) target_semaphore(%run_scoped3A : memref<!tpu.dma_semaphore, #tpu.memory_space<semaphore_mem>>)
      %dma_wait3A_202 = arith.constant 0 : i32
      %dma_wait3A_203 = arith.constant 0 : i32
      %dma_wait3A_204 = tpu.memref_slice %arg4[%arg1, %dma_wait3A_202, %dma_wait3A_203] : memref<16x80x125xi32, #tpu.memory_space<hbm>> -> memref<1x80x125xi32, #tpu.memory_space<hbm>>
      %dma_wait3A_205 = tpu.memref_squeeze %dma_wait3A_204 : memref<1x80x125xi32, #tpu.memory_space<hbm>> -> memref<80x125xi32, #tpu.memory_space<hbm>>
      %dma_wait3A_206 = arith.constant 0 : i32
      %dma_wait3A_207 = arith.constant 0 : i32
      %dma_wait3A_208 = tpu.memref_slice %arg4[%arg1, %dma_wait3A_206, %dma_wait3A_207] : memref<16x80x125xi32, #tpu.memory_space<hbm>> -> memref<1x80x125xi32, #tpu.memory_space<hbm>>
      %dma_wait3A_209 = tpu.memref_squeeze %dma_wait3A_208 : memref<1x80x125xi32, #tpu.memory_space<hbm>> -> memref<80x125xi32, #tpu.memory_space<hbm>>
      tpu.wait_dma2 semaphore(%run_scoped3A : memref<!tpu.dma_semaphore, #tpu.memory_space<semaphore_mem>>) src(%dma_wait3A_209 : memref<80x125xi32, #tpu.memory_space<hbm>>) dst(%arg8 : memref<80x125xi32, #tpu.memory_space<vmem>>)
      tpu.yield
    }) : () -> ()
    %mul3A = arith.constant 2 : i32
    %mul3A_0 = arith.muli %arg0, %mul3A : i32
    %add3A = arith.constant 0 : i32
    %add3A_1 = arith.addi %mul3A_0, %add3A : i32
    %mul3A_2 = arith.constant 640 : i32
    %mul3A_3 = arith.muli %arg1, %mul3A_2 : i32
    "tpu.region"() ({
      %run_scoped3A = tpu.sem_alloc : memref<!tpu.dma_semaphore, #tpu.memory_space<semaphore_mem>>
      %dma_start3A_194 = arith.constant 0 : i32
      %dma_start3A_195 = tpu.memref_slice %arg17[%mul3A_3, %dma_start3A_194] : memref<10240x64xf32, #tpu.memory_space<vmem_shared>> -> memref<640x64xf32, #tpu.memory_space<vmem_shared>>
      tpu.enqueue_dma source(%arg5 : memref<640x64xf32, #tpu.memory_space<hbm>>) target(%dma_start3A_195 : memref<640x64xf32, #tpu.memory_space<vmem_shared>>) target_semaphore(%run_scoped3A : memref<!tpu.dma_semaphore, #tpu.memory_space<semaphore_mem>>)
      %dma_wait3A_196 = arith.constant 0 : i32
      %dma_wait3A_197 = tpu.memref_slice %arg17[%mul3A_3, %dma_wait3A_196] : memref<10240x64xf32, #tpu.memory_space<vmem_shared>> -> memref<640x64xf32, #tpu.memory_space<vmem_shared>>
      tpu.wait_dma2 semaphore(%run_scoped3A : memref<!tpu.dma_semaphore, #tpu.memory_space<semaphore_mem>>) src(%arg5 : memref<640x64xf32, #tpu.memory_space<hbm>>) dst(%dma_wait3A_197 : memref<640x64xf32, #tpu.memory_space<vmem_shared>>)
      tpu.yield
    }) : () -> ()
    %barrier3A = arith.constant 0 : index
    tpu.barrier barrier_id(%barrier3A)
    %dma_start3A = arith.constant 0 : i32
    %dma_start3A_4 = arith.constant 0 : i32
    %dma_start3A_5 = tpu.memref_slice %arg7[%dma_start3A, %dma_start3A_4] : memref<80x125xi32, #tpu.memory_space<vmem>> -> memref<1x125xi32, #tpu.memory_space<vmem>>
    %dma_start3A_6 = tpu.memref_squeeze %dma_start3A_5 : memref<1x125xi32, #tpu.memory_space<vmem>> -> memref<125xi32, #tpu.memory_space<vmem>>
    %dma_start3A_7 = arith.constant 0 : i32
    %dma_start3A_8 = arith.constant 0 : i32
    %dma_start3A_9 = tpu.memref_slice %arg2[%add3A_1, %dma_start3A_7, %dma_start3A_8] : memref<4x10240x64xf32, #tpu.memory_space<hbm>> -> memref<1x10240x64xf32, #tpu.memory_space<hbm>>
    %dma_start3A_10 = tpu.memref_squeeze %dma_start3A_9 : memref<1x10240x64xf32, #tpu.memory_space<hbm>> -> memref<10240x64xf32, #tpu.memory_space<hbm>>
    %dma_start3A_11 = arith.constant 0 : i32
    %dma_start3A_12 = arith.constant 0 : i32
    %dma_start3A_13 = tpu.memref_slice %dma_start3A_10[%dma_start3A_11, %dma_start3A_12] : memref<10240x64xf32, #tpu.memory_space<hbm>> -> memref<10240x64xf32, #tpu.memory_space<hbm>>
    tpu.enqueue_indirect_dma source(%dma_start3A_13 : memref<10240x64xf32, #tpu.memory_space<hbm>>) target(%arg9 : memref<125x64xf32, #tpu.memory_space<vmem>>) offsets(%dma_start3A_6 : memref<125xi32, #tpu.memory_space<vmem>>) semaphore(%arg18 : memref<!tpu.dma_semaphore, #tpu.memory_space<semaphore_mem>>)
    %dma_start3A_14 = arith.constant 1 : i32
    %dma_start3A_15 = arith.constant 0 : i32
    %dma_start3A_16 = tpu.memref_slice %arg7[%dma_start3A_14, %dma_start3A_15] : memref<80x125xi32, #tpu.memory_space<vmem>> -> memref<1x125xi32, #tpu.memory_space<vmem>>
    %dma_start3A_17 = tpu.memref_squeeze %dma_start3A_16 : memref<1x125xi32, #tpu.memory_space<vmem>> -> memref<125xi32, #tpu.memory_space<vmem>>
    %dma_start3A_18 = arith.constant 0 : i32
    %dma_start3A_19 = arith.constant 0 : i32
    %dma_start3A_20 = tpu.memref_slice %arg2[%add3A_1, %dma_start3A_18, %dma_start3A_19] : memref<4x10240x64xf32, #tpu.memory_space<hbm>> -> memref<1x10240x64xf32, #tpu.memory_space<hbm>>
    %dma_start3A_21 = tpu.memref_squeeze %dma_start3A_20 : memref<1x10240x64xf32, #tpu.memory_space<hbm>> -> memref<10240x64xf32, #tpu.memory_space<hbm>>
    %dma_start3A_22 = arith.constant 0 : i32
    %dma_start3A_23 = arith.constant 0 : i32
    %dma_start3A_24 = tpu.memref_slice %dma_start3A_21[%dma_start3A_22, %dma_start3A_23] : memref<10240x64xf32, #tpu.memory_space<hbm>> -> memref<10240x64xf32, #tpu.memory_space<hbm>>
    tpu.enqueue_indirect_dma source(%dma_start3A_24 : memref<10240x64xf32, #tpu.memory_space<hbm>>) target(%arg10 : memref<125x64xf32, #tpu.memory_space<vmem>>) offsets(%dma_start3A_17 : memref<125xi32, #tpu.memory_space<vmem>>) semaphore(%arg18 : memref<!tpu.dma_semaphore, #tpu.memory_space<semaphore_mem>>)
    %dma_start3A_25 = arith.constant 2 : i32
    %dma_start3A_26 = arith.constant 0 : i32
    %dma_start3A_27 = tpu.memref_slice %arg7[%dma_start3A_25, %dma_start3A_26] : memref<80x125xi32, #tpu.memory_space<vmem>> -> memref<1x125xi32, #tpu.memory_space<vmem>>
    %dma_start3A_28 = tpu.memref_squeeze %dma_start3A_27 : memref<1x125xi32, #tpu.memory_space<vmem>> -> memref<125xi32, #tpu.memory_space<vmem>>
    %dma_start3A_29 = arith.constant 0 : i32
    %dma_start3A_30 = arith.constant 0 : i32
    %dma_start3A_31 = tpu.memref_slice %arg2[%add3A_1, %dma_start3A_29, %dma_start3A_30] : memref<4x10240x64xf32, #tpu.memory_space<hbm>> -> memref<1x10240x64xf32, #tpu.memory_space<hbm>>
    %dma_start3A_32 = tpu.memref_squeeze %dma_start3A_31 : memref<1x10240x64xf32, #tpu.memory_space<hbm>> -> memref<10240x64xf32, #tpu.memory_space<hbm>>
    %dma_start3A_33 = arith.constant 0 : i32
    %dma_start3A_34 = arith.constant 0 : i32
    %dma_start3A_35 = tpu.memref_slice %dma_start3A_32[%dma_start3A_33, %dma_start3A_34] : memref<10240x64xf32, #tpu.memory_space<hbm>> -> memref<10240x64xf32, #tpu.memory_space<hbm>>
    tpu.enqueue_indirect_dma source(%dma_start3A_35 : memref<10240x64xf32, #tpu.memory_space<hbm>>) target(%arg11 : memref<125x64xf32, #tpu.memory_space<vmem>>) offsets(%dma_start3A_28 : memref<125xi32, #tpu.memory_space<vmem>>) semaphore(%arg18 : memref<!tpu.dma_semaphore, #tpu.memory_space<semaphore_mem>>)
    %dma_start3A_36 = arith.constant 3 : i32
    %dma_start3A_37 = arith.constant 0 : i32
    %dma_start3A_38 = tpu.memref_slice %arg7[%dma_start3A_36, %dma_start3A_37] : memref<80x125xi32, #tpu.memory_space<vmem>> -> memref<1x125xi32, #tpu.memory_space<vmem>>
    %dma_start3A_39 = tpu.memref_squeeze %dma_start3A_38 : memref<1x125xi32, #tpu.memory_space<vmem>> -> memref<125xi32, #tpu.memory_space<vmem>>
    %dma_start3A_40 = arith.constant 0 : i32
    %dma_start3A_41 = arith.constant 0 : i32
    %dma_start3A_42 = tpu.memref_slice %arg2[%add3A_1, %dma_start3A_40, %dma_start3A_41] : memref<4x10240x64xf32, #tpu.memory_space<hbm>> -> memref<1x10240x64xf32, #tpu.memory_space<hbm>>
    %dma_start3A_43 = tpu.memref_squeeze %dma_start3A_42 : memref<1x10240x64xf32, #tpu.memory_space<hbm>> -> memref<10240x64xf32, #tpu.memory_space<hbm>>
    %dma_start3A_44 = arith.constant 0 : i32
    %dma_start3A_45 = arith.constant 0 : i32
    %dma_start3A_46 = tpu.memref_slice %dma_start3A_43[%dma_start3A_44, %dma_start3A_45] : memref<10240x64xf32, #tpu.memory_space<hbm>> -> memref<10240x64xf32, #tpu.memory_space<hbm>>
    tpu.enqueue_indirect_dma source(%dma_start3A_46 : memref<10240x64xf32, #tpu.memory_space<hbm>>) target(%arg12 : memref<125x64xf32, #tpu.memory_space<vmem>>) offsets(%dma_start3A_39 : memref<125xi32, #tpu.memory_space<vmem>>) semaphore(%arg18 : memref<!tpu.dma_semaphore, #tpu.memory_space<semaphore_mem>>)
    %dma_start3A_47 = arith.constant 4 : i32
    %dma_start3A_48 = arith.constant 0 : i32
    %dma_start3A_49 = tpu.memref_slice %arg7[%dma_start3A_47, %dma_start3A_48] : memref<80x125xi32, #tpu.memory_space<vmem>> -> memref<1x125xi32, #tpu.memory_space<vmem>>
    %dma_start3A_50 = tpu.memref_squeeze %dma_start3A_49 : memref<1x125xi32, #tpu.memory_space<vmem>> -> memref<125xi32, #tpu.memory_space<vmem>>
    %dma_start3A_51 = arith.constant 0 : i32
    %dma_start3A_52 = arith.constant 0 : i32
    %dma_start3A_53 = tpu.memref_slice %arg2[%add3A_1, %dma_start3A_51, %dma_start3A_52] : memref<4x10240x64xf32, #tpu.memory_space<hbm>> -> memref<1x10240x64xf32, #tpu.memory_space<hbm>>
    %dma_start3A_54 = tpu.memref_squeeze %dma_start3A_53 : memref<1x10240x64xf32, #tpu.memory_space<hbm>> -> memref<10240x64xf32, #tpu.memory_space<hbm>>
    %dma_start3A_55 = arith.constant 0 : i32
    %dma_start3A_56 = arith.constant 0 : i32
    %dma_start3A_57 = tpu.memref_slice %dma_start3A_54[%dma_start3A_55, %dma_start3A_56] : memref<10240x64xf32, #tpu.memory_space<hbm>> -> memref<10240x64xf32, #tpu.memory_space<hbm>>
    tpu.enqueue_indirect_dma source(%dma_start3A_57 : memref<10240x64xf32, #tpu.memory_space<hbm>>) target(%arg13 : memref<125x64xf32, #tpu.memory_space<vmem>>) offsets(%dma_start3A_50 : memref<125xi32, #tpu.memory_space<vmem>>) semaphore(%arg18 : memref<!tpu.dma_semaphore, #tpu.memory_space<semaphore_mem>>)
    %dma_start3A_58 = arith.constant 5 : i32
    %dma_start3A_59 = arith.constant 0 : i32
    %dma_start3A_60 = tpu.memref_slice %arg7[%dma_start3A_58, %dma_start3A_59] : memref<80x125xi32, #tpu.memory_space<vmem>> -> memref<1x125xi32, #tpu.memory_space<vmem>>
    %dma_start3A_61 = tpu.memref_squeeze %dma_start3A_60 : memref<1x125xi32, #tpu.memory_space<vmem>> -> memref<125xi32, #tpu.memory_space<vmem>>
    %dma_start3A_62 = arith.constant 0 : i32
    %dma_start3A_63 = arith.constant 0 : i32
    %dma_start3A_64 = tpu.memref_slice %arg2[%add3A_1, %dma_start3A_62, %dma_start3A_63] : memref<4x10240x64xf32, #tpu.memory_space<hbm>> -> memref<1x10240x64xf32, #tpu.memory_space<hbm>>
    %dma_start3A_65 = tpu.memref_squeeze %dma_start3A_64 : memref<1x10240x64xf32, #tpu.memory_space<hbm>> -> memref<10240x64xf32, #tpu.memory_space<hbm>>
    %dma_start3A_66 = arith.constant 0 : i32
    %dma_start3A_67 = arith.constant 0 : i32
    %dma_start3A_68 = tpu.memref_slice %dma_start3A_65[%dma_start3A_66, %dma_start3A_67] : memref<10240x64xf32, #tpu.memory_space<hbm>> -> memref<10240x64xf32, #tpu.memory_space<hbm>>
    tpu.enqueue_indirect_dma source(%dma_start3A_68 : memref<10240x64xf32, #tpu.memory_space<hbm>>) target(%arg14 : memref<125x64xf32, #tpu.memory_space<vmem>>) offsets(%dma_start3A_61 : memref<125xi32, #tpu.memory_space<vmem>>) semaphore(%arg18 : memref<!tpu.dma_semaphore, #tpu.memory_space<semaphore_mem>>)
    %scan3A = arith.constant 0 : i32
    %scan3A_69 = arith.constant 0 : i32
    %scan3A_70 = arith.constant 10 : i32
    %scan3A_71 = arith.addi %scan3A_69, %scan3A_70 : i32
    %scan3A_72 = arith.constant 1 : i32
    %scan3A_73 = scf.for %scan3A_194 = %scan3A_69 to %scan3A_71 step %scan3A_72 iter_args(%scan3A_195 = %scan3A) -> (i32)  : i32 {
      %mul3A_196 = arith.constant 8 : i32
      %mul3A_197 = arith.muli %mul3A_196, %scan3A_194 : i32
      %add3A_198 = arith.constant 0 : i32
      %add3A_199 = arith.addi %mul3A_197, %add3A_198 : i32
      %dma_wait3A_200 = arith.constant 0 : i32
      %dma_wait3A_201 = arith.constant 0 : i32
      %dma_wait3A_202 = tpu.memref_slice %arg7[%dma_wait3A_200, %dma_wait3A_201] : memref<80x125xi32, #tpu.memory_space<vmem>> -> memref<1x125xi32, #tpu.memory_space<vmem>>
      %dma_wait3A_203 = tpu.memref_squeeze %dma_wait3A_202 : memref<1x125xi32, #tpu.memory_space<vmem>> -> memref<125xi32, #tpu.memory_space<vmem>>
      %dma_wait3A_204 = arith.constant 0 : i32
      %dma_wait3A_205 = arith.constant 0 : i32
      %dma_wait3A_206 = tpu.memref_slice %arg2[%add3A_1, %dma_wait3A_204, %dma_wait3A_205] : memref<4x10240x64xf32, #tpu.memory_space<hbm>> -> memref<1x10240x64xf32, #tpu.memory_space<hbm>>
      %dma_wait3A_207 = tpu.memref_squeeze %dma_wait3A_206 : memref<1x10240x64xf32, #tpu.memory_space<hbm>> -> memref<10240x64xf32, #tpu.memory_space<hbm>>
      %dma_wait3A_208 = arith.constant 0 : i32
      %dma_wait3A_209 = arith.constant 0 : i32
      %dma_wait3A_210 = tpu.memref_slice %dma_wait3A_207[%dma_wait3A_208, %dma_wait3A_209] : memref<10240x64xf32, #tpu.memory_space<hbm>> -> memref<10240x64xf32, #tpu.memory_space<hbm>>
      tpu.wait_indirect_dma semaphore(%arg18 : memref<!tpu.dma_semaphore, #tpu.memory_space<semaphore_mem>>) src(%dma_wait3A_210 : memref<10240x64xf32, #tpu.memory_space<hbm>>) dst(%arg9 : memref<125x64xf32, #tpu.memory_space<vmem>>)
      %dma_start3A_211 = arith.constant 0 : i32
      %dma_start3A_212 = tpu.memref_slice %arg8[%add3A_199, %dma_start3A_211] : memref<80x125xi32, #tpu.memory_space<vmem>> -> memref<1x125xi32, #tpu.memory_space<vmem>>
      %dma_start3A_213 = tpu.memref_squeeze %dma_start3A_212 : memref<1x125xi32, #tpu.memory_space<vmem>> -> memref<125xi32, #tpu.memory_space<vmem>>
      %dma_start3A_214 = arith.constant 0 : i32
      %dma_start3A_215 = arith.constant 0 : i32
      %dma_start3A_216 = tpu.memref_slice %arg17[%dma_start3A_214, %dma_start3A_215] : memref<10240x64xf32, #tpu.memory_space<vmem_shared>> -> memref<10240x64xf32, #tpu.memory_space<vmem_shared>>
      tpu.enqueue_indirect_dma source(%arg9 : memref<125x64xf32, #tpu.memory_space<vmem>>) target(%dma_start3A_216 : memref<10240x64xf32, #tpu.memory_space<vmem_shared>>) offsets(%dma_start3A_213 : memref<125xi32, #tpu.memory_space<vmem>>) semaphore(%arg19 : memref<!tpu.dma_semaphore, #tpu.memory_space<semaphore_mem>>) {add = true}
      %ge3A = arith.constant 2 : i32
      %ge3A_217 = arith.cmpi sge, %add3A_199, %ge3A : i32
      %convert_element_type3A = arith.extui %ge3A_217 : i1 to i32
      %cond3A = arith.constant 0 : i32
      %cond3A_218 = arith.cmpi ne, %convert_element_type3A, %cond3A : i32
      scf.if %cond3A_218 {
        %dma_wait3A_443 = arith.constant 0 : i32
        %dma_wait3A_444 = arith.constant 0 : i32
        %dma_wait3A_445 = tpu.memref_slice %arg8[%dma_wait3A_443, %dma_wait3A_444] : memref<80x125xi32, #tpu.memory_space<vmem>> -> memref<1x125xi32, #tpu.memory_space<vmem>>
        %dma_wait3A_446 = tpu.memref_squeeze %dma_wait3A_445 : memref<1x125xi32, #tpu.memory_space<vmem>> -> memref<125xi32, #tpu.memory_space<vmem>>
        %dma_wait3A_447 = arith.constant 0 : i32
        %dma_wait3A_448 = arith.constant 0 : i32
        %dma_wait3A_449 = tpu.memref_slice %arg17[%dma_wait3A_447, %dma_wait3A_448] : memref<10240x64xf32, #tpu.memory_space<vmem_shared>> -> memref<10240x64xf32, #tpu.memory_space<vmem_shared>>
        tpu.wait_indirect_dma semaphore(%arg19 : memref<!tpu.dma_semaphore, #tpu.memory_space<semaphore_mem>>) src(%arg15 : memref<125x64xf32, #tpu.memory_space<vmem>>) dst(%dma_wait3A_449 : memref<10240x64xf32, #tpu.memory_space<vmem_shared>>)
      } else {
      }
      %add3A_219 = arith.constant 6 : i32
      %add3A_220 = arith.addi %add3A_199, %add3A_219 : i32
      %lt3A = arith.constant 80 : i32
      %lt3A_221 = arith.cmpi slt, %add3A_220, %lt3A : i32
      %convert_element_type3A_222 = arith.extui %lt3A_221 : i1 to i32
      %cond3A_223 = arith.constant 0 : i32
      %cond3A_224 = arith.cmpi ne, %convert_element_type3A_222, %cond3A_223 : i32
      scf.if %cond3A_224 {
        %add3A_443 = arith.constant 6 : i32
        %add3A_444 = arith.addi %add3A_199, %add3A_443 : i32
        %dma_start3A_445 = arith.constant 0 : i32
        %dma_start3A_446 = tpu.memref_slice %arg7[%add3A_444, %dma_start3A_445] : memref<80x125xi32, #tpu.memory_space<vmem>> -> memref<1x125xi32, #tpu.memory_space<vmem>>
        %dma_start3A_447 = tpu.memref_squeeze %dma_start3A_446 : memref<1x125xi32, #tpu.memory_space<vmem>> -> memref<125xi32, #tpu.memory_space<vmem>>
        %dma_start3A_448 = arith.constant 0 : i32
        %dma_start3A_449 = arith.constant 0 : i32
        %dma_start3A_450 = tpu.memref_slice %arg2[%add3A_1, %dma_start3A_448, %dma_start3A_449] : memref<4x10240x64xf32, #tpu.memory_space<hbm>> -> memref<1x10240x64xf32, #tpu.memory_space<hbm>>
        %dma_start3A_451 = tpu.memref_squeeze %dma_start3A_450 : memref<1x10240x64xf32, #tpu.memory_space<hbm>> -> memref<10240x64xf32, #tpu.memory_space<hbm>>
        %dma_start3A_452 = arith.constant 0 : i32
        %dma_start3A_453 = arith.constant 0 : i32
        %dma_start3A_454 = tpu.memref_slice %dma_start3A_451[%dma_start3A_452, %dma_start3A_453] : memref<10240x64xf32, #tpu.memory_space<hbm>> -> memref<10240x64xf32, #tpu.memory_space<hbm>>
        tpu.enqueue_indirect_dma source(%dma_start3A_454 : memref<10240x64xf32, #tpu.memory_space<hbm>>) target(%arg15 : memref<125x64xf32, #tpu.memory_space<vmem>>) offsets(%dma_start3A_447 : memref<125xi32, #tpu.memory_space<vmem>>) semaphore(%arg18 : memref<!tpu.dma_semaphore, #tpu.memory_space<semaphore_mem>>)
      } else {
      }
      %add3A_225 = arith.constant 1 : i32
      %add3A_226 = arith.addi %mul3A_197, %add3A_225 : i32
      %dma_wait3A_227 = arith.constant 0 : i32
      %dma_wait3A_228 = arith.constant 0 : i32
      %dma_wait3A_229 = tpu.memref_slice %arg7[%dma_wait3A_227, %dma_wait3A_228] : memref<80x125xi32, #tpu.memory_space<vmem>> -> memref<1x125xi32, #tpu.memory_space<vmem>>
      %dma_wait3A_230 = tpu.memref_squeeze %dma_wait3A_229 : memref<1x125xi32, #tpu.memory_space<vmem>> -> memref<125xi32, #tpu.memory_space<vmem>>
      %dma_wait3A_231 = arith.constant 0 : i32
      %dma_wait3A_232 = arith.constant 0 : i32
      %dma_wait3A_233 = tpu.memref_slice %arg2[%add3A_1, %dma_wait3A_231, %dma_wait3A_232] : memref<4x10240x64xf32, #tpu.memory_space<hbm>> -> memref<1x10240x64xf32, #tpu.memory_space<hbm>>
      %dma_wait3A_234 = tpu.memref_squeeze %dma_wait3A_233 : memref<1x10240x64xf32, #tpu.memory_space<hbm>> -> memref<10240x64xf32, #tpu.memory_space<hbm>>
      %dma_wait3A_235 = arith.constant 0 : i32
      %dma_wait3A_236 = arith.constant 0 : i32
      %dma_wait3A_237 = tpu.memref_slice %dma_wait3A_234[%dma_wait3A_235, %dma_wait3A_236] : memref<10240x64xf32, #tpu.memory_space<hbm>> -> memref<10240x64xf32, #tpu.memory_space<hbm>>
      tpu.wait_indirect_dma semaphore(%arg18 : memref<!tpu.dma_semaphore, #tpu.memory_space<semaphore_mem>>) src(%dma_wait3A_237 : memref<10240x64xf32, #tpu.memory_space<hbm>>) dst(%arg10 : memref<125x64xf32, #tpu.memory_space<vmem>>)
      %dma_start3A_238 = arith.constant 0 : i32
      %dma_start3A_239 = tpu.memref_slice %arg8[%add3A_226, %dma_start3A_238] : memref<80x125xi32, #tpu.memory_space<vmem>> -> memref<1x125xi32, #tpu.memory_space<vmem>>
      %dma_start3A_240 = tpu.memref_squeeze %dma_start3A_239 : memref<1x125xi32, #tpu.memory_space<vmem>> -> memref<125xi32, #tpu.memory_space<vmem>>
      %dma_start3A_241 = arith.constant 0 : i32
      %dma_start3A_242 = arith.constant 0 : i32
      %dma_start3A_243 = tpu.memref_slice %arg17[%dma_start3A_241, %dma_start3A_242] : memref<10240x64xf32, #tpu.memory_space<vmem_shared>> -> memref<10240x64xf32, #tpu.memory_space<vmem_shared>>
      tpu.enqueue_indirect_dma source(%arg10 : memref<125x64xf32, #tpu.memory_space<vmem>>) target(%dma_start3A_243 : memref<10240x64xf32, #tpu.memory_space<vmem_shared>>) offsets(%dma_start3A_240 : memref<125xi32, #tpu.memory_space<vmem>>) semaphore(%arg19 : memref<!tpu.dma_semaphore, #tpu.memory_space<semaphore_mem>>) {add = true}
      %ge3A_244 = arith.constant 2 : i32
      %ge3A_245 = arith.cmpi sge, %add3A_226, %ge3A_244 : i32
      %convert_element_type3A_246 = arith.extui %ge3A_245 : i1 to i32
      %cond3A_247 = arith.constant 0 : i32
      %cond3A_248 = arith.cmpi ne, %convert_element_type3A_246, %cond3A_247 : i32
      scf.if %cond3A_248 {
        %dma_wait3A_443 = arith.constant 0 : i32
        %dma_wait3A_444 = arith.constant 0 : i32
        %dma_wait3A_445 = tpu.memref_slice %arg8[%dma_wait3A_443, %dma_wait3A_444] : memref<80x125xi32, #tpu.memory_space<vmem>> -> memref<1x125xi32, #tpu.memory_space<vmem>>
        %dma_wait3A_446 = tpu.memref_squeeze %dma_wait3A_445 : memref<1x125xi32, #tpu.memory_space<vmem>> -> memref<125xi32, #tpu.memory_space<vmem>>
        %dma_wait3A_447 = arith.constant 0 : i32
        %dma_wait3A_448 = arith.constant 0 : i32
        %dma_wait3A_449 = tpu.memref_slice %arg17[%dma_wait3A_447, %dma_wait3A_448] : memref<10240x64xf32, #tpu.memory_space<vmem_shared>> -> memref<10240x64xf32, #tpu.memory_space<vmem_shared>>
        tpu.wait_indirect_dma semaphore(%arg19 : memref<!tpu.dma_semaphore, #tpu.memory_space<semaphore_mem>>) src(%arg16 : memref<125x64xf32, #tpu.memory_space<vmem>>) dst(%dma_wait3A_449 : memref<10240x64xf32, #tpu.memory_space<vmem_shared>>)
      } else {
      }
      %add3A_249 = arith.constant 6 : i32
      %add3A_250 = arith.addi %add3A_226, %add3A_249 : i32
      %lt3A_251 = arith.constant 80 : i32
      %lt3A_252 = arith.cmpi slt, %add3A_250, %lt3A_251 : i32
      %convert_element_type3A_253 = arith.extui %lt3A_252 : i1 to i32
      %cond3A_254 = arith.constant 0 : i32
      %cond3A_255 = arith.cmpi ne, %convert_element_type3A_253, %cond3A_254 : i32
      scf.if %cond3A_255 {
        %add3A_443 = arith.constant 6 : i32
        %add3A_444 = arith.addi %add3A_226, %add3A_443 : i32
        %dma_start3A_445 = arith.constant 0 : i32
        %dma_start3A_446 = tpu.memref_slice %arg7[%add3A_444, %dma_start3A_445] : memref<80x125xi32, #tpu.memory_space<vmem>> -> memref<1x125xi32, #tpu.memory_space<vmem>>
        %dma_start3A_447 = tpu.memref_squeeze %dma_start3A_446 : memref<1x125xi32, #tpu.memory_space<vmem>> -> memref<125xi32, #tpu.memory_space<vmem>>
        %dma_start3A_448 = arith.constant 0 : i32
        %dma_start3A_449 = arith.constant 0 : i32
        %dma_start3A_450 = tpu.memref_slice %arg2[%add3A_1, %dma_start3A_448, %dma_start3A_449] : memref<4x10240x64xf32, #tpu.memory_space<hbm>> -> memref<1x10240x64xf32, #tpu.memory_space<hbm>>
        %dma_start3A_451 = tpu.memref_squeeze %dma_start3A_450 : memref<1x10240x64xf32, #tpu.memory_space<hbm>> -> memref<10240x64xf32, #tpu.memory_space<hbm>>
        %dma_start3A_452 = arith.constant 0 : i32
        %dma_start3A_453 = arith.constant 0 : i32
        %dma_start3A_454 = tpu.memref_slice %dma_start3A_451[%dma_start3A_452, %dma_start3A_453] : memref<10240x64xf32, #tpu.memory_space<hbm>> -> memref<10240x64xf32, #tpu.memory_space<hbm>>
        tpu.enqueue_indirect_dma source(%dma_start3A_454 : memref<10240x64xf32, #tpu.memory_space<hbm>>) target(%arg16 : memref<125x64xf32, #tpu.memory_space<vmem>>) offsets(%dma_start3A_447 : memref<125xi32, #tpu.memory_space<vmem>>) semaphore(%arg18 : memref<!tpu.dma_semaphore, #tpu.memory_space<semaphore_mem>>)
      } else {
      }
      %add3A_256 = arith.constant 2 : i32
      %add3A_257 = arith.addi %mul3A_197, %add3A_256 : i32
      %dma_wait3A_258 = arith.constant 0 : i32
      %dma_wait3A_259 = arith.constant 0 : i32
      %dma_wait3A_260 = tpu.memref_slice %arg7[%dma_wait3A_258, %dma_wait3A_259] : memref<80x125xi32, #tpu.memory_space<vmem>> -> memref<1x125xi32, #tpu.memory_space<vmem>>
      %dma_wait3A_261 = tpu.memref_squeeze %dma_wait3A_260 : memref<1x125xi32, #tpu.memory_space<vmem>> -> memref<125xi32, #tpu.memory_space<vmem>>
      %dma_wait3A_262 = arith.constant 0 : i32
      %dma_wait3A_263 = arith.constant 0 : i32
      %dma_wait3A_264 = tpu.memref_slice %arg2[%add3A_1, %dma_wait3A_262, %dma_wait3A_263] : memref<4x10240x64xf32, #tpu.memory_space<hbm>> -> memref<1x10240x64xf32, #tpu.memory_space<hbm>>
      %dma_wait3A_265 = tpu.memref_squeeze %dma_wait3A_264 : memref<1x10240x64xf32, #tpu.memory_space<hbm>> -> memref<10240x64xf32, #tpu.memory_space<hbm>>
      %dma_wait3A_266 = arith.constant 0 : i32
      %dma_wait3A_267 = arith.constant 0 : i32
      %dma_wait3A_268 = tpu.memref_slice %dma_wait3A_265[%dma_wait3A_266, %dma_wait3A_267] : memref<10240x64xf32, #tpu.memory_space<hbm>> -> memref<10240x64xf32, #tpu.memory_space<hbm>>
      tpu.wait_indirect_dma semaphore(%arg18 : memref<!tpu.dma_semaphore, #tpu.memory_space<semaphore_mem>>) src(%dma_wait3A_268 : memref<10240x64xf32, #tpu.memory_space<hbm>>) dst(%arg11 : memref<125x64xf32, #tpu.memory_space<vmem>>)
      %dma_start3A_269 = arith.constant 0 : i32
      %dma_start3A_270 = tpu.memref_slice %arg8[%add3A_257, %dma_start3A_269] : memref<80x125xi32, #tpu.memory_space<vmem>> -> memref<1x125xi32, #tpu.memory_space<vmem>>
      %dma_start3A_271 = tpu.memref_squeeze %dma_start3A_270 : memref<1x125xi32, #tpu.memory_space<vmem>> -> memref<125xi32, #tpu.memory_space<vmem>>
      %dma_start3A_272 = arith.constant 0 : i32
      %dma_start3A_273 = arith.constant 0 : i32
      %dma_start3A_274 = tpu.memref_slice %arg17[%dma_start3A_272, %dma_start3A_273] : memref<10240x64xf32, #tpu.memory_space<vmem_shared>> -> memref<10240x64xf32, #tpu.memory_space<vmem_shared>>
      tpu.enqueue_indirect_dma source(%arg11 : memref<125x64xf32, #tpu.memory_space<vmem>>) target(%dma_start3A_274 : memref<10240x64xf32, #tpu.memory_space<vmem_shared>>) offsets(%dma_start3A_271 : memref<125xi32, #tpu.memory_space<vmem>>) semaphore(%arg19 : memref<!tpu.dma_semaphore, #tpu.memory_space<semaphore_mem>>) {add = true}
      %ge3A_275 = arith.constant 2 : i32
      %ge3A_276 = arith.cmpi sge, %add3A_257, %ge3A_275 : i32
      %convert_element_type3A_277 = arith.extui %ge3A_276 : i1 to i32
      %cond3A_278 = arith.constant 0 : i32
      %cond3A_279 = arith.cmpi ne, %convert_element_type3A_277, %cond3A_278 : i32
      scf.if %cond3A_279 {
        %dma_wait3A_443 = arith.constant 0 : i32
        %dma_wait3A_444 = arith.constant 0 : i32
        %dma_wait3A_445 = tpu.memref_slice %arg8[%dma_wait3A_443, %dma_wait3A_444] : memref<80x125xi32, #tpu.memory_space<vmem>> -> memref<1x125xi32, #tpu.memory_space<vmem>>
        %dma_wait3A_446 = tpu.memref_squeeze %dma_wait3A_445 : memref<1x125xi32, #tpu.memory_space<vmem>> -> memref<125xi32, #tpu.memory_space<vmem>>
        %dma_wait3A_447 = arith.constant 0 : i32
        %dma_wait3A_448 = arith.constant 0 : i32
        %dma_wait3A_449 = tpu.memref_slice %arg17[%dma_wait3A_447, %dma_wait3A_448] : memref<10240x64xf32, #tpu.memory_space<vmem_shared>> -> memref<10240x64xf32, #tpu.memory_space<vmem_shared>>
        tpu.wait_indirect_dma semaphore(%arg19 : memref<!tpu.dma_semaphore, #tpu.memory_space<semaphore_mem>>) src(%arg9 : memref<125x64xf32, #tpu.memory_space<vmem>>) dst(%dma_wait3A_449 : memref<10240x64xf32, #tpu.memory_space<vmem_shared>>)
      } else {
      }
      %add3A_280 = arith.constant 6 : i32
      %add3A_281 = arith.addi %add3A_257, %add3A_280 : i32
      %lt3A_282 = arith.constant 80 : i32
      %lt3A_283 = arith.cmpi slt, %add3A_281, %lt3A_282 : i32
      %convert_element_type3A_284 = arith.extui %lt3A_283 : i1 to i32
      %cond3A_285 = arith.constant 0 : i32
      %cond3A_286 = arith.cmpi ne, %convert_element_type3A_284, %cond3A_285 : i32
      scf.if %cond3A_286 {
        %add3A_443 = arith.constant 6 : i32
        %add3A_444 = arith.addi %add3A_257, %add3A_443 : i32
        %dma_start3A_445 = arith.constant 0 : i32
        %dma_start3A_446 = tpu.memref_slice %arg7[%add3A_444, %dma_start3A_445] : memref<80x125xi32, #tpu.memory_space<vmem>> -> memref<1x125xi32, #tpu.memory_space<vmem>>
        %dma_start3A_447 = tpu.memref_squeeze %dma_start3A_446 : memref<1x125xi32, #tpu.memory_space<vmem>> -> memref<125xi32, #tpu.memory_space<vmem>>
        %dma_start3A_448 = arith.constant 0 : i32
        %dma_start3A_449 = arith.constant 0 : i32
        %dma_start3A_450 = tpu.memref_slice %arg2[%add3A_1, %dma_start3A_448, %dma_start3A_449] : memref<4x10240x64xf32, #tpu.memory_space<hbm>> -> memref<1x10240x64xf32, #tpu.memory_space<hbm>>
        %dma_start3A_451 = tpu.memref_squeeze %dma_start3A_450 : memref<1x10240x64xf32, #tpu.memory_space<hbm>> -> memref<10240x64xf32, #tpu.memory_space<hbm>>
        %dma_start3A_452 = arith.constant 0 : i32
        %dma_start3A_453 = arith.constant 0 : i32
        %dma_start3A_454 = tpu.memref_slice %dma_start3A_451[%dma_start3A_452, %dma_start3A_453] : memref<10240x64xf32, #tpu.memory_space<hbm>> -> memref<10240x64xf32, #tpu.memory_space<hbm>>
        tpu.enqueue_indirect_dma source(%dma_start3A_454 : memref<10240x64xf32, #tpu.memory_space<hbm>>) target(%arg9 : memref<125x64xf32, #tpu.memory_space<vmem>>) offsets(%dma_start3A_447 : memref<125xi32, #tpu.memory_space<vmem>>) semaphore(%arg18 : memref<!tpu.dma_semaphore, #tpu.memory_space<semaphore_mem>>)
      } else {
      }
      %add3A_287 = arith.constant 3 : i32
      %add3A_288 = arith.addi %mul3A_197, %add3A_287 : i32
      %dma_wait3A_289 = arith.constant 0 : i32
      %dma_wait3A_290 = arith.constant 0 : i32
      %dma_wait3A_291 = tpu.memref_slice %arg7[%dma_wait3A_289, %dma_wait3A_290] : memref<80x125xi32, #tpu.memory_space<vmem>> -> memref<1x125xi32, #tpu.memory_space<vmem>>
      %dma_wait3A_292 = tpu.memref_squeeze %dma_wait3A_291 : memref<1x125xi32, #tpu.memory_space<vmem>> -> memref<125xi32, #tpu.memory_space<vmem>>
      %dma_wait3A_293 = arith.constant 0 : i32
      %dma_wait3A_294 = arith.constant 0 : i32
      %dma_wait3A_295 = tpu.memref_slice %arg2[%add3A_1, %dma_wait3A_293, %dma_wait3A_294] : memref<4x10240x64xf32, #tpu.memory_space<hbm>> -> memref<1x10240x64xf32, #tpu.memory_space<hbm>>
      %dma_wait3A_296 = tpu.memref_squeeze %dma_wait3A_295 : memref<1x10240x64xf32, #tpu.memory_space<hbm>> -> memref<10240x64xf32, #tpu.memory_space<hbm>>
      %dma_wait3A_297 = arith.constant 0 : i32
      %dma_wait3A_298 = arith.constant 0 : i32
      %dma_wait3A_299 = tpu.memref_slice %dma_wait3A_296[%dma_wait3A_297, %dma_wait3A_298] : memref<10240x64xf32, #tpu.memory_space<hbm>> -> memref<10240x64xf32, #tpu.memory_space<hbm>>
      tpu.wait_indirect_dma semaphore(%arg18 : memref<!tpu.dma_semaphore, #tpu.memory_space<semaphore_mem>>) src(%dma_wait3A_299 : memref<10240x64xf32, #tpu.memory_space<hbm>>) dst(%arg12 : memref<125x64xf32, #tpu.memory_space<vmem>>)
      %dma_start3A_300 = arith.constant 0 : i32
      %dma_start3A_301 = tpu.memref_slice %arg8[%add3A_288, %dma_start3A_300] : memref<80x125xi32, #tpu.memory_space<vmem>> -> memref<1x125xi32, #tpu.memory_space<vmem>>
      %dma_start3A_302 = tpu.memref_squeeze %dma_start3A_301 : memref<1x125xi32, #tpu.memory_space<vmem>> -> memref<125xi32, #tpu.memory_space<vmem>>
      %dma_start3A_303 = arith.constant 0 : i32
      %dma_start3A_304 = arith.constant 0 : i32
      %dma_start3A_305 = tpu.memref_slice %arg17[%dma_start3A_303, %dma_start3A_304] : memref<10240x64xf32, #tpu.memory_space<vmem_shared>> -> memref<10240x64xf32, #tpu.memory_space<vmem_shared>>
      tpu.enqueue_indirect_dma source(%arg12 : memref<125x64xf32, #tpu.memory_space<vmem>>) target(%dma_start3A_305 : memref<10240x64xf32, #tpu.memory_space<vmem_shared>>) offsets(%dma_start3A_302 : memref<125xi32, #tpu.memory_space<vmem>>) semaphore(%arg19 : memref<!tpu.dma_semaphore, #tpu.memory_space<semaphore_mem>>) {add = true}
      %ge3A_306 = arith.constant 2 : i32
      %ge3A_307 = arith.cmpi sge, %add3A_288, %ge3A_306 : i32
      %convert_element_type3A_308 = arith.extui %ge3A_307 : i1 to i32
      %cond3A_309 = arith.constant 0 : i32
      %cond3A_310 = arith.cmpi ne, %convert_element_type3A_308, %cond3A_309 : i32
      scf.if %cond3A_310 {
        %dma_wait3A_443 = arith.constant 0 : i32
        %dma_wait3A_444 = arith.constant 0 : i32
        %dma_wait3A_445 = tpu.memref_slice %arg8[%dma_wait3A_443, %dma_wait3A_444] : memref<80x125xi32, #tpu.memory_space<vmem>> -> memref<1x125xi32, #tpu.memory_space<vmem>>
        %dma_wait3A_446 = tpu.memref_squeeze %dma_wait3A_445 : memref<1x125xi32, #tpu.memory_space<vmem>> -> memref<125xi32, #tpu.memory_space<vmem>>
        %dma_wait3A_447 = arith.constant 0 : i32
        %dma_wait3A_448 = arith.constant 0 : i32
        %dma_wait3A_449 = tpu.memref_slice %arg17[%dma_wait3A_447, %dma_wait3A_448] : memref<10240x64xf32, #tpu.memory_space<vmem_shared>> -> memref<10240x64xf32, #tpu.memory_space<vmem_shared>>
        tpu.wait_indirect_dma semaphore(%arg19 : memref<!tpu.dma_semaphore, #tpu.memory_space<semaphore_mem>>) src(%arg10 : memref<125x64xf32, #tpu.memory_space<vmem>>) dst(%dma_wait3A_449 : memref<10240x64xf32, #tpu.memory_space<vmem_shared>>)
      } else {
      }
      %add3A_311 = arith.constant 6 : i32
      %add3A_312 = arith.addi %add3A_288, %add3A_311 : i32
      %lt3A_313 = arith.constant 80 : i32
      %lt3A_314 = arith.cmpi slt, %add3A_312, %lt3A_313 : i32
      %convert_element_type3A_315 = arith.extui %lt3A_314 : i1 to i32
      %cond3A_316 = arith.constant 0 : i32
      %cond3A_317 = arith.cmpi ne, %convert_element_type3A_315, %cond3A_316 : i32
      scf.if %cond3A_317 {
        %add3A_443 = arith.constant 6 : i32
        %add3A_444 = arith.addi %add3A_288, %add3A_443 : i32
        %dma_start3A_445 = arith.constant 0 : i32
        %dma_start3A_446 = tpu.memref_slice %arg7[%add3A_444, %dma_start3A_445] : memref<80x125xi32, #tpu.memory_space<vmem>> -> memref<1x125xi32, #tpu.memory_space<vmem>>
        %dma_start3A_447 = tpu.memref_squeeze %dma_start3A_446 : memref<1x125xi32, #tpu.memory_space<vmem>> -> memref<125xi32, #tpu.memory_space<vmem>>
        %dma_start3A_448 = arith.constant 0 : i32
        %dma_start3A_449 = arith.constant 0 : i32
        %dma_start3A_450 = tpu.memref_slice %arg2[%add3A_1, %dma_start3A_448, %dma_start3A_449] : memref<4x10240x64xf32, #tpu.memory_space<hbm>> -> memref<1x10240x64xf32, #tpu.memory_space<hbm>>
        %dma_start3A_451 = tpu.memref_squeeze %dma_start3A_450 : memref<1x10240x64xf32, #tpu.memory_space<hbm>> -> memref<10240x64xf32, #tpu.memory_space<hbm>>
        %dma_start3A_452 = arith.constant 0 : i32
        %dma_start3A_453 = arith.constant 0 : i32
        %dma_start3A_454 = tpu.memref_slice %dma_start3A_451[%dma_start3A_452, %dma_start3A_453] : memref<10240x64xf32, #tpu.memory_space<hbm>> -> memref<10240x64xf32, #tpu.memory_space<hbm>>
        tpu.enqueue_indirect_dma source(%dma_start3A_454 : memref<10240x64xf32, #tpu.memory_space<hbm>>) target(%arg10 : memref<125x64xf32, #tpu.memory_space<vmem>>) offsets(%dma_start3A_447 : memref<125xi32, #tpu.memory_space<vmem>>) semaphore(%arg18 : memref<!tpu.dma_semaphore, #tpu.memory_space<semaphore_mem>>)
      } else {
      }
      %add3A_318 = arith.constant 4 : i32
      %add3A_319 = arith.addi %mul3A_197, %add3A_318 : i32
      %dma_wait3A_320 = arith.constant 0 : i32
      %dma_wait3A_321 = arith.constant 0 : i32
      %dma_wait3A_322 = tpu.memref_slice %arg7[%dma_wait3A_320, %dma_wait3A_321] : memref<80x125xi32, #tpu.memory_space<vmem>> -> memref<1x125xi32, #tpu.memory_space<vmem>>
      %dma_wait3A_323 = tpu.memref_squeeze %dma_wait3A_322 : memref<1x125xi32, #tpu.memory_space<vmem>> -> memref<125xi32, #tpu.memory_space<vmem>>
      %dma_wait3A_324 = arith.constant 0 : i32
      %dma_wait3A_325 = arith.constant 0 : i32
      %dma_wait3A_326 = tpu.memref_slice %arg2[%add3A_1, %dma_wait3A_324, %dma_wait3A_325] : memref<4x10240x64xf32, #tpu.memory_space<hbm>> -> memref<1x10240x64xf32, #tpu.memory_space<hbm>>
      %dma_wait3A_327 = tpu.memref_squeeze %dma_wait3A_326 : memref<1x10240x64xf32, #tpu.memory_space<hbm>> -> memref<10240x64xf32, #tpu.memory_space<hbm>>
      %dma_wait3A_328 = arith.constant 0 : i32
      %dma_wait3A_329 = arith.constant 0 : i32
      %dma_wait3A_330 = tpu.memref_slice %dma_wait3A_327[%dma_wait3A_328, %dma_wait3A_329] : memref<10240x64xf32, #tpu.memory_space<hbm>> -> memref<10240x64xf32, #tpu.memory_space<hbm>>
      tpu.wait_indirect_dma semaphore(%arg18 : memref<!tpu.dma_semaphore, #tpu.memory_space<semaphore_mem>>) src(%dma_wait3A_330 : memref<10240x64xf32, #tpu.memory_space<hbm>>) dst(%arg13 : memref<125x64xf32, #tpu.memory_space<vmem>>)
      %dma_start3A_331 = arith.constant 0 : i32
      %dma_start3A_332 = tpu.memref_slice %arg8[%add3A_319, %dma_start3A_331] : memref<80x125xi32, #tpu.memory_space<vmem>> -> memref<1x125xi32, #tpu.memory_space<vmem>>
      %dma_start3A_333 = tpu.memref_squeeze %dma_start3A_332 : memref<1x125xi32, #tpu.memory_space<vmem>> -> memref<125xi32, #tpu.memory_space<vmem>>
      %dma_start3A_334 = arith.constant 0 : i32
      %dma_start3A_335 = arith.constant 0 : i32
      %dma_start3A_336 = tpu.memref_slice %arg17[%dma_start3A_334, %dma_start3A_335] : memref<10240x64xf32, #tpu.memory_space<vmem_shared>> -> memref<10240x64xf32, #tpu.memory_space<vmem_shared>>
      tpu.enqueue_indirect_dma source(%arg13 : memref<125x64xf32, #tpu.memory_space<vmem>>) target(%dma_start3A_336 : memref<10240x64xf32, #tpu.memory_space<vmem_shared>>) offsets(%dma_start3A_333 : memref<125xi32, #tpu.memory_space<vmem>>) semaphore(%arg19 : memref<!tpu.dma_semaphore, #tpu.memory_space<semaphore_mem>>) {add = true}
      %ge3A_337 = arith.constant 2 : i32
      %ge3A_338 = arith.cmpi sge, %add3A_319, %ge3A_337 : i32
      %convert_element_type3A_339 = arith.extui %ge3A_338 : i1 to i32
      %cond3A_340 = arith.constant 0 : i32
      %cond3A_341 = arith.cmpi ne, %convert_element_type3A_339, %cond3A_340 : i32
      scf.if %cond3A_341 {
        %dma_wait3A_443 = arith.constant 0 : i32
        %dma_wait3A_444 = arith.constant 0 : i32
        %dma_wait3A_445 = tpu.memref_slice %arg8[%dma_wait3A_443, %dma_wait3A_444] : memref<80x125xi32, #tpu.memory_space<vmem>> -> memref<1x125xi32, #tpu.memory_space<vmem>>
        %dma_wait3A_446 = tpu.memref_squeeze %dma_wait3A_445 : memref<1x125xi32, #tpu.memory_space<vmem>> -> memref<125xi32, #tpu.memory_space<vmem>>
        %dma_wait3A_447 = arith.constant 0 : i32
        %dma_wait3A_448 = arith.constant 0 : i32
        %dma_wait3A_449 = tpu.memref_slice %arg17[%dma_wait3A_447, %dma_wait3A_448] : memref<10240x64xf32, #tpu.memory_space<vmem_shared>> -> memref<10240x64xf32, #tpu.memory_space<vmem_shared>>
        tpu.wait_indirect_dma semaphore(%arg19 : memref<!tpu.dma_semaphore, #tpu.memory_space<semaphore_mem>>) src(%arg11 : memref<125x64xf32, #tpu.memory_space<vmem>>) dst(%dma_wait3A_449 : memref<10240x64xf32, #tpu.memory_space<vmem_shared>>)
      } else {
      }
      %add3A_342 = arith.constant 6 : i32
      %add3A_343 = arith.addi %add3A_319, %add3A_342 : i32
      %lt3A_344 = arith.constant 80 : i32
      %lt3A_345 = arith.cmpi slt, %add3A_343, %lt3A_344 : i32
      %convert_element_type3A_346 = arith.extui %lt3A_345 : i1 to i32
      %cond3A_347 = arith.constant 0 : i32
      %cond3A_348 = arith.cmpi ne, %convert_element_type3A_346, %cond3A_347 : i32
      scf.if %cond3A_348 {
        %add3A_443 = arith.constant 6 : i32
        %add3A_444 = arith.addi %add3A_319, %add3A_443 : i32
        %dma_start3A_445 = arith.constant 0 : i32
        %dma_start3A_446 = tpu.memref_slice %arg7[%add3A_444, %dma_start3A_445] : memref<80x125xi32, #tpu.memory_space<vmem>> -> memref<1x125xi32, #tpu.memory_space<vmem>>
        %dma_start3A_447 = tpu.memref_squeeze %dma_start3A_446 : memref<1x125xi32, #tpu.memory_space<vmem>> -> memref<125xi32, #tpu.memory_space<vmem>>
        %dma_start3A_448 = arith.constant 0 : i32
        %dma_start3A_449 = arith.constant 0 : i32
        %dma_start3A_450 = tpu.memref_slice %arg2[%add3A_1, %dma_start3A_448, %dma_start3A_449] : memref<4x10240x64xf32, #tpu.memory_space<hbm>> -> memref<1x10240x64xf32, #tpu.memory_space<hbm>>
        %dma_start3A_451 = tpu.memref_squeeze %dma_start3A_450 : memref<1x10240x64xf32, #tpu.memory_space<hbm>> -> memref<10240x64xf32, #tpu.memory_space<hbm>>
        %dma_start3A_452 = arith.constant 0 : i32
        %dma_start3A_453 = arith.constant 0 : i32
        %dma_start3A_454 = tpu.memref_slice %dma_start3A_451[%dma_start3A_452, %dma_start3A_453] : memref<10240x64xf32, #tpu.memory_space<hbm>> -> memref<10240x64xf32, #tpu.memory_space<hbm>>
        tpu.enqueue_indirect_dma source(%dma_start3A_454 : memref<10240x64xf32, #tpu.memory_space<hbm>>) target(%arg11 : memref<125x64xf32, #tpu.memory_space<vmem>>) offsets(%dma_start3A_447 : memref<125xi32, #tpu.memory_space<vmem>>) semaphore(%arg18 : memref<!tpu.dma_semaphore, #tpu.memory_space<semaphore_mem>>)
      } else {
      }
      %add3A_349 = arith.constant 5 : i32
      %add3A_350 = arith.addi %mul3A_197, %add3A_349 : i32
      %dma_wait3A_351 = arith.constant 0 : i32
      %dma_wait3A_352 = arith.constant 0 : i32
      %dma_wait3A_353 = tpu.memref_slice %arg7[%dma_wait3A_351, %dma_wait3A_352] : memref<80x125xi32, #tpu.memory_space<vmem>> -> memref<1x125xi32, #tpu.memory_space<vmem>>
      %dma_wait3A_354 = tpu.memref_squeeze %dma_wait3A_353 : memref<1x125xi32, #tpu.memory_space<vmem>> -> memref<125xi32, #tpu.memory_space<vmem>>
      %dma_wait3A_355 = arith.constant 0 : i32
      %dma_wait3A_356 = arith.constant 0 : i32
      %dma_wait3A_357 = tpu.memref_slice %arg2[%add3A_1, %dma_wait3A_355, %dma_wait3A_356] : memref<4x10240x64xf32, #tpu.memory_space<hbm>> -> memref<1x10240x64xf32, #tpu.memory_space<hbm>>
      %dma_wait3A_358 = tpu.memref_squeeze %dma_wait3A_357 : memref<1x10240x64xf32, #tpu.memory_space<hbm>> -> memref<10240x64xf32, #tpu.memory_space<hbm>>
      %dma_wait3A_359 = arith.constant 0 : i32
      %dma_wait3A_360 = arith.constant 0 : i32
      %dma_wait3A_361 = tpu.memref_slice %dma_wait3A_358[%dma_wait3A_359, %dma_wait3A_360] : memref<10240x64xf32, #tpu.memory_space<hbm>> -> memref<10240x64xf32, #tpu.memory_space<hbm>>
      tpu.wait_indirect_dma semaphore(%arg18 : memref<!tpu.dma_semaphore, #tpu.memory_space<semaphore_mem>>) src(%dma_wait3A_361 : memref<10240x64xf32, #tpu.memory_space<hbm>>) dst(%arg14 : memref<125x64xf32, #tpu.memory_space<vmem>>)
      %dma_start3A_362 = arith.constant 0 : i32
      %dma_start3A_363 = tpu.memref_slice %arg8[%add3A_350, %dma_start3A_362] : memref<80x125xi32, #tpu.memory_space<vmem>> -> memref<1x125xi32, #tpu.memory_space<vmem>>
      %dma_start3A_364 = tpu.memref_squeeze %dma_start3A_363 : memref<1x125xi32, #tpu.memory_space<vmem>> -> memref<125xi32, #tpu.memory_space<vmem>>
      %dma_start3A_365 = arith.constant 0 : i32
      %dma_start3A_366 = arith.constant 0 : i32
      %dma_start3A_367 = tpu.memref_slice %arg17[%dma_start3A_365, %dma_start3A_366] : memref<10240x64xf32, #tpu.memory_space<vmem_shared>> -> memref<10240x64xf32, #tpu.memory_space<vmem_shared>>
      tpu.enqueue_indirect_dma source(%arg14 : memref<125x64xf32, #tpu.memory_space<vmem>>) target(%dma_start3A_367 : memref<10240x64xf32, #tpu.memory_space<vmem_shared>>) offsets(%dma_start3A_364 : memref<125xi32, #tpu.memory_space<vmem>>) semaphore(%arg19 : memref<!tpu.dma_semaphore, #tpu.memory_space<semaphore_mem>>) {add = true}
      %ge3A_368 = arith.constant 2 : i32
      %ge3A_369 = arith.cmpi sge, %add3A_350, %ge3A_368 : i32
      %convert_element_type3A_370 = arith.extui %ge3A_369 : i1 to i32
      %cond3A_371 = arith.constant 0 : i32
      %cond3A_372 = arith.cmpi ne, %convert_element_type3A_370, %cond3A_371 : i32
      scf.if %cond3A_372 {
        %dma_wait3A_443 = arith.constant 0 : i32
        %dma_wait3A_444 = arith.constant 0 : i32
        %dma_wait3A_445 = tpu.memref_slice %arg8[%dma_wait3A_443, %dma_wait3A_444] : memref<80x125xi32, #tpu.memory_space<vmem>> -> memref<1x125xi32, #tpu.memory_space<vmem>>
        %dma_wait3A_446 = tpu.memref_squeeze %dma_wait3A_445 : memref<1x125xi32, #tpu.memory_space<vmem>> -> memref<125xi32, #tpu.memory_space<vmem>>
        %dma_wait3A_447 = arith.constant 0 : i32
        %dma_wait3A_448 = arith.constant 0 : i32
        %dma_wait3A_449 = tpu.memref_slice %arg17[%dma_wait3A_447, %dma_wait3A_448] : memref<10240x64xf32, #tpu.memory_space<vmem_shared>> -> memref<10240x64xf32, #tpu.memory_space<vmem_shared>>
        tpu.wait_indirect_dma semaphore(%arg19 : memref<!tpu.dma_semaphore, #tpu.memory_space<semaphore_mem>>) src(%arg12 : memref<125x64xf32, #tpu.memory_space<vmem>>) dst(%dma_wait3A_449 : memref<10240x64xf32, #tpu.memory_space<vmem_shared>>)
      } else {
      }
      %add3A_373 = arith.constant 6 : i32
      %add3A_374 = arith.addi %add3A_350, %add3A_373 : i32
      %lt3A_375 = arith.constant 80 : i32
      %lt3A_376 = arith.cmpi slt, %add3A_374, %lt3A_375 : i32
      %convert_element_type3A_377 = arith.extui %lt3A_376 : i1 to i32
      %cond3A_378 = arith.constant 0 : i32
      %cond3A_379 = arith.cmpi ne, %convert_element_type3A_377, %cond3A_378 : i32
      scf.if %cond3A_379 {
        %add3A_443 = arith.constant 6 : i32
        %add3A_444 = arith.addi %add3A_350, %add3A_443 : i32
        %dma_start3A_445 = arith.constant 0 : i32
        %dma_start3A_446 = tpu.memref_slice %arg7[%add3A_444, %dma_start3A_445] : memref<80x125xi32, #tpu.memory_space<vmem>> -> memref<1x125xi32, #tpu.memory_space<vmem>>
        %dma_start3A_447 = tpu.memref_squeeze %dma_start3A_446 : memref<1x125xi32, #tpu.memory_space<vmem>> -> memref<125xi32, #tpu.memory_space<vmem>>
        %dma_start3A_448 = arith.constant 0 : i32
        %dma_start3A_449 = arith.constant 0 : i32
        %dma_start3A_450 = tpu.memref_slice %arg2[%add3A_1, %dma_start3A_448, %dma_start3A_449] : memref<4x10240x64xf32, #tpu.memory_space<hbm>> -> memref<1x10240x64xf32, #tpu.memory_space<hbm>>
        %dma_start3A_451 = tpu.memref_squeeze %dma_start3A_450 : memref<1x10240x64xf32, #tpu.memory_space<hbm>> -> memref<10240x64xf32, #tpu.memory_space<hbm>>
        %dma_start3A_452 = arith.constant 0 : i32
        %dma_start3A_453 = arith.constant 0 : i32
        %dma_start3A_454 = tpu.memref_slice %dma_start3A_451[%dma_start3A_452, %dma_start3A_453] : memref<10240x64xf32, #tpu.memory_space<hbm>> -> memref<10240x64xf32, #tpu.memory_space<hbm>>
        tpu.enqueue_indirect_dma source(%dma_start3A_454 : memref<10240x64xf32, #tpu.memory_space<hbm>>) target(%arg12 : memref<125x64xf32, #tpu.memory_space<vmem>>) offsets(%dma_start3A_447 : memref<125xi32, #tpu.memory_space<vmem>>) semaphore(%arg18 : memref<!tpu.dma_semaphore, #tpu.memory_space<semaphore_mem>>)
      } else {
      }
      %add3A_380 = arith.constant 6 : i32
      %add3A_381 = arith.addi %mul3A_197, %add3A_380 : i32
      %dma_wait3A_382 = arith.constant 0 : i32
      %dma_wait3A_383 = arith.constant 0 : i32
      %dma_wait3A_384 = tpu.memref_slice %arg7[%dma_wait3A_382, %dma_wait3A_383] : memref<80x125xi32, #tpu.memory_space<vmem>> -> memref<1x125xi32, #tpu.memory_space<vmem>>
      %dma_wait3A_385 = tpu.memref_squeeze %dma_wait3A_384 : memref<1x125xi32, #tpu.memory_space<vmem>> -> memref<125xi32, #tpu.memory_space<vmem>>
      %dma_wait3A_386 = arith.constant 0 : i32
      %dma_wait3A_387 = arith.constant 0 : i32
      %dma_wait3A_388 = tpu.memref_slice %arg2[%add3A_1, %dma_wait3A_386, %dma_wait3A_387] : memref<4x10240x64xf32, #tpu.memory_space<hbm>> -> memref<1x10240x64xf32, #tpu.memory_space<hbm>>
      %dma_wait3A_389 = tpu.memref_squeeze %dma_wait3A_388 : memref<1x10240x64xf32, #tpu.memory_space<hbm>> -> memref<10240x64xf32, #tpu.memory_space<hbm>>
      %dma_wait3A_390 = arith.constant 0 : i32
      %dma_wait3A_391 = arith.constant 0 : i32
      %dma_wait3A_392 = tpu.memref_slice %dma_wait3A_389[%dma_wait3A_390, %dma_wait3A_391] : memref<10240x64xf32, #tpu.memory_space<hbm>> -> memref<10240x64xf32, #tpu.memory_space<hbm>>
      tpu.wait_indirect_dma semaphore(%arg18 : memref<!tpu.dma_semaphore, #tpu.memory_space<semaphore_mem>>) src(%dma_wait3A_392 : memref<10240x64xf32, #tpu.memory_space<hbm>>) dst(%arg15 : memref<125x64xf32, #tpu.memory_space<vmem>>)
      %dma_start3A_393 = arith.constant 0 : i32
      %dma_start3A_394 = tpu.memref_slice %arg8[%add3A_381, %dma_start3A_393] : memref<80x125xi32, #tpu.memory_space<vmem>> -> memref<1x125xi32, #tpu.memory_space<vmem>>
      %dma_start3A_395 = tpu.memref_squeeze %dma_start3A_394 : memref<1x125xi32, #tpu.memory_space<vmem>> -> memref<125xi32, #tpu.memory_space<vmem>>
      %dma_start3A_396 = arith.constant 0 : i32
      %dma_start3A_397 = arith.constant 0 : i32
      %dma_start3A_398 = tpu.memref_slice %arg17[%dma_start3A_396, %dma_start3A_397] : memref<10240x64xf32, #tpu.memory_space<vmem_shared>> -> memref<10240x64xf32, #tpu.memory_space<vmem_shared>>
      tpu.enqueue_indirect_dma source(%arg15 : memref<125x64xf32, #tpu.memory_space<vmem>>) target(%dma_start3A_398 : memref<10240x64xf32, #tpu.memory_space<vmem_shared>>) offsets(%dma_start3A_395 : memref<125xi32, #tpu.memory_space<vmem>>) semaphore(%arg19 : memref<!tpu.dma_semaphore, #tpu.memory_space<semaphore_mem>>) {add = true}
      %ge3A_399 = arith.constant 2 : i32
      %ge3A_400 = arith.cmpi sge, %add3A_381, %ge3A_399 : i32
      %convert_element_type3A_401 = arith.extui %ge3A_400 : i1 to i32
      %cond3A_402 = arith.constant 0 : i32
      %cond3A_403 = arith.cmpi ne, %convert_element_type3A_401, %cond3A_402 : i32
      scf.if %cond3A_403 {
        %dma_wait3A_443 = arith.constant 0 : i32
        %dma_wait3A_444 = arith.constant 0 : i32
        %dma_wait3A_445 = tpu.memref_slice %arg8[%dma_wait3A_443, %dma_wait3A_444] : memref<80x125xi32, #tpu.memory_space<vmem>> -> memref<1x125xi32, #tpu.memory_space<vmem>>
        %dma_wait3A_446 = tpu.memref_squeeze %dma_wait3A_445 : memref<1x125xi32, #tpu.memory_space<vmem>> -> memref<125xi32, #tpu.memory_space<vmem>>
        %dma_wait3A_447 = arith.constant 0 : i32
        %dma_wait3A_448 = arith.constant 0 : i32
        %dma_wait3A_449 = tpu.memref_slice %arg17[%dma_wait3A_447, %dma_wait3A_448] : memref<10240x64xf32, #tpu.memory_space<vmem_shared>> -> memref<10240x64xf32, #tpu.memory_space<vmem_shared>>
        tpu.wait_indirect_dma semaphore(%arg19 : memref<!tpu.dma_semaphore, #tpu.memory_space<semaphore_mem>>) src(%arg13 : memref<125x64xf32, #tpu.memory_space<vmem>>) dst(%dma_wait3A_449 : memref<10240x64xf32, #tpu.memory_space<vmem_shared>>)
      } else {
      }
      %add3A_404 = arith.constant 6 : i32
      %add3A_405 = arith.addi %add3A_381, %add3A_404 : i32
      %lt3A_406 = arith.constant 80 : i32
      %lt3A_407 = arith.cmpi slt, %add3A_405, %lt3A_406 : i32
      %convert_element_type3A_408 = arith.extui %lt3A_407 : i1 to i32
      %cond3A_409 = arith.constant 0 : i32
      %cond3A_410 = arith.cmpi ne, %convert_element_type3A_408, %cond3A_409 : i32
      scf.if %cond3A_410 {
        %add3A_443 = arith.constant 6 : i32
        %add3A_444 = arith.addi %add3A_381, %add3A_443 : i32
        %dma_start3A_445 = arith.constant 0 : i32
        %dma_start3A_446 = tpu.memref_slice %arg7[%add3A_444, %dma_start3A_445] : memref<80x125xi32, #tpu.memory_space<vmem>> -> memref<1x125xi32, #tpu.memory_space<vmem>>
        %dma_start3A_447 = tpu.memref_squeeze %dma_start3A_446 : memref<1x125xi32, #tpu.memory_space<vmem>> -> memref<125xi32, #tpu.memory_space<vmem>>
        %dma_start3A_448 = arith.constant 0 : i32
        %dma_start3A_449 = arith.constant 0 : i32
        %dma_start3A_450 = tpu.memref_slice %arg2[%add3A_1, %dma_start3A_448, %dma_start3A_449] : memref<4x10240x64xf32, #tpu.memory_space<hbm>> -> memref<1x10240x64xf32, #tpu.memory_space<hbm>>
        %dma_start3A_451 = tpu.memref_squeeze %dma_start3A_450 : memref<1x10240x64xf32, #tpu.memory_space<hbm>> -> memref<10240x64xf32, #tpu.memory_space<hbm>>
        %dma_start3A_452 = arith.constant 0 : i32
        %dma_start3A_453 = arith.constant 0 : i32
        %dma_start3A_454 = tpu.memref_slice %dma_start3A_451[%dma_start3A_452, %dma_start3A_453] : memref<10240x64xf32, #tpu.memory_space<hbm>> -> memref<10240x64xf32, #tpu.memory_space<hbm>>
        tpu.enqueue_indirect_dma source(%dma_start3A_454 : memref<10240x64xf32, #tpu.memory_space<hbm>>) target(%arg13 : memref<125x64xf32, #tpu.memory_space<vmem>>) offsets(%dma_start3A_447 : memref<125xi32, #tpu.memory_space<vmem>>) semaphore(%arg18 : memref<!tpu.dma_semaphore, #tpu.memory_space<semaphore_mem>>)
      } else {
      }
      %add3A_411 = arith.constant 7 : i32
      %add3A_412 = arith.addi %mul3A_197, %add3A_411 : i32
      %dma_wait3A_413 = arith.constant 0 : i32
      %dma_wait3A_414 = arith.constant 0 : i32
      %dma_wait3A_415 = tpu.memref_slice %arg7[%dma_wait3A_413, %dma_wait3A_414] : memref<80x125xi32, #tpu.memory_space<vmem>> -> memref<1x125xi32, #tpu.memory_space<vmem>>
      %dma_wait3A_416 = tpu.memref_squeeze %dma_wait3A_415 : memref<1x125xi32, #tpu.memory_space<vmem>> -> memref<125xi32, #tpu.memory_space<vmem>>
      %dma_wait3A_417 = arith.constant 0 : i32
      %dma_wait3A_418 = arith.constant 0 : i32
      %dma_wait3A_419 = tpu.memref_slice %arg2[%add3A_1, %dma_wait3A_417, %dma_wait3A_418] : memref<4x10240x64xf32, #tpu.memory_space<hbm>> -> memref<1x10240x64xf32, #tpu.memory_space<hbm>>
      %dma_wait3A_420 = tpu.memref_squeeze %dma_wait3A_419 : memref<1x10240x64xf32, #tpu.memory_space<hbm>> -> memref<10240x64xf32, #tpu.memory_space<hbm>>
      %dma_wait3A_421 = arith.constant 0 : i32
      %dma_wait3A_422 = arith.constant 0 : i32
      %dma_wait3A_423 = tpu.memref_slice %dma_wait3A_420[%dma_wait3A_421, %dma_wait3A_422] : memref<10240x64xf32, #tpu.memory_space<hbm>> -> memref<10240x64xf32, #tpu.memory_space<hbm>>
      tpu.wait_indirect_dma semaphore(%arg18 : memref<!tpu.dma_semaphore, #tpu.memory_space<semaphore_mem>>) src(%dma_wait3A_423 : memref<10240x64xf32, #tpu.memory_space<hbm>>) dst(%arg16 : memref<125x64xf32, #tpu.memory_space<vmem>>)
      %dma_start3A_424 = arith.constant 0 : i32
      %dma_start3A_425 = tpu.memref_slice %arg8[%add3A_412, %dma_start3A_424] : memref<80x125xi32, #tpu.memory_space<vmem>> -> memref<1x125xi32, #tpu.memory_space<vmem>>
      %dma_start3A_426 = tpu.memref_squeeze %dma_start3A_425 : memref<1x125xi32, #tpu.memory_space<vmem>> -> memref<125xi32, #tpu.memory_space<vmem>>
      %dma_start3A_427 = arith.constant 0 : i32
      %dma_start3A_428 = arith.constant 0 : i32
      %dma_start3A_429 = tpu.memref_slice %arg17[%dma_start3A_427, %dma_start3A_428] : memref<10240x64xf32, #tpu.memory_space<vmem_shared>> -> memref<10240x64xf32, #tpu.memory_space<vmem_shared>>
      tpu.enqueue_indirect_dma source(%arg16 : memref<125x64xf32, #tpu.memory_space<vmem>>) target(%dma_start3A_429 : memref<10240x64xf32, #tpu.memory_space<vmem_shared>>) offsets(%dma_start3A_426 : memref<125xi32, #tpu.memory_space<vmem>>) semaphore(%arg19 : memref<!tpu.dma_semaphore, #tpu.memory_space<semaphore_mem>>) {add = true}
      %ge3A_430 = arith.constant 2 : i32
      %ge3A_431 = arith.cmpi sge, %add3A_412, %ge3A_430 : i32
      %convert_element_type3A_432 = arith.extui %ge3A_431 : i1 to i32
      %cond3A_433 = arith.constant 0 : i32
      %cond3A_434 = arith.cmpi ne, %convert_element_type3A_432, %cond3A_433 : i32
      scf.if %cond3A_434 {
        %dma_wait3A_443 = arith.constant 0 : i32
        %dma_wait3A_444 = arith.constant 0 : i32
        %dma_wait3A_445 = tpu.memref_slice %arg8[%dma_wait3A_443, %dma_wait3A_444] : memref<80x125xi32, #tpu.memory_space<vmem>> -> memref<1x125xi32, #tpu.memory_space<vmem>>
        %dma_wait3A_446 = tpu.memref_squeeze %dma_wait3A_445 : memref<1x125xi32, #tpu.memory_space<vmem>> -> memref<125xi32, #tpu.memory_space<vmem>>
        %dma_wait3A_447 = arith.constant 0 : i32
        %dma_wait3A_448 = arith.constant 0 : i32
        %dma_wait3A_449 = tpu.memref_slice %arg17[%dma_wait3A_447, %dma_wait3A_448] : memref<10240x64xf32, #tpu.memory_space<vmem_shared>> -> memref<10240x64xf32, #tpu.memory_space<vmem_shared>>
        tpu.wait_indirect_dma semaphore(%arg19 : memref<!tpu.dma_semaphore, #tpu.memory_space<semaphore_mem>>) src(%arg14 : memref<125x64xf32, #tpu.memory_space<vmem>>) dst(%dma_wait3A_449 : memref<10240x64xf32, #tpu.memory_space<vmem_shared>>)
      } else {
      }
      %add3A_435 = arith.constant 6 : i32
      %add3A_436 = arith.addi %add3A_412, %add3A_435 : i32
      %lt3A_437 = arith.constant 80 : i32
      %lt3A_438 = arith.cmpi slt, %add3A_436, %lt3A_437 : i32
      %convert_element_type3A_439 = arith.extui %lt3A_438 : i1 to i32
      %cond3A_440 = arith.constant 0 : i32
      %cond3A_441 = arith.cmpi ne, %convert_element_type3A_439, %cond3A_440 : i32
      scf.if %cond3A_441 {
        %add3A_443 = arith.constant 6 : i32
        %add3A_444 = arith.addi %add3A_412, %add3A_443 : i32
        %dma_start3A_445 = arith.constant 0 : i32
        %dma_start3A_446 = tpu.memref_slice %arg7[%add3A_444, %dma_start3A_445] : memref<80x125xi32, #tpu.memory_space<vmem>> -> memref<1x125xi32, #tpu.memory_space<vmem>>
        %dma_start3A_447 = tpu.memref_squeeze %dma_start3A_446 : memref<1x125xi32, #tpu.memory_space<vmem>> -> memref<125xi32, #tpu.memory_space<vmem>>
        %dma_start3A_448 = arith.constant 0 : i32
        %dma_start3A_449 = arith.constant 0 : i32
        %dma_start3A_450 = tpu.memref_slice %arg2[%add3A_1, %dma_start3A_448, %dma_start3A_449] : memref<4x10240x64xf32, #tpu.memory_space<hbm>> -> memref<1x10240x64xf32, #tpu.memory_space<hbm>>
        %dma_start3A_451 = tpu.memref_squeeze %dma_start3A_450 : memref<1x10240x64xf32, #tpu.memory_space<hbm>> -> memref<10240x64xf32, #tpu.memory_space<hbm>>
        %dma_start3A_452 = arith.constant 0 : i32
        %dma_start3A_453 = arith.constant 0 : i32
        %dma_start3A_454 = tpu.memref_slice %dma_start3A_451[%dma_start3A_452, %dma_start3A_453] : memref<10240x64xf32, #tpu.memory_space<hbm>> -> memref<10240x64xf32, #tpu.memory_space<hbm>>
        tpu.enqueue_indirect_dma source(%dma_start3A_454 : memref<10240x64xf32, #tpu.memory_space<hbm>>) target(%arg14 : memref<125x64xf32, #tpu.memory_space<vmem>>) offsets(%dma_start3A_447 : memref<125xi32, #tpu.memory_space<vmem>>) semaphore(%arg18 : memref<!tpu.dma_semaphore, #tpu.memory_space<semaphore_mem>>)
      } else {
      }
      %scan3A_442 = arith.constant 0 : i32
      scf.yield %scan3A_442 : i32
    }
    %scan3A_74 = arith.constant 10 : i32
    %dma_wait3A = arith.constant 0 : i32
    %dma_wait3A_75 = arith.constant 0 : i32
    %dma_wait3A_76 = tpu.memref_slice %arg8[%dma_wait3A, %dma_wait3A_75] : memref<80x125xi32, #tpu.memory_space<vmem>> -> memref<1x125xi32, #tpu.memory_space<vmem>>
    %dma_wait3A_77 = tpu.memref_squeeze %dma_wait3A_76 : memref<1x125xi32, #tpu.memory_space<vmem>> -> memref<125xi32, #tpu.memory_space<vmem>>
    %dma_wait3A_78 = arith.constant 0 : i32
    %dma_wait3A_79 = arith.constant 0 : i32
    %dma_wait3A_80 = tpu.memref_slice %arg17[%dma_wait3A_78, %dma_wait3A_79] : memref<10240x64xf32, #tpu.memory_space<vmem_shared>> -> memref<10240x64xf32, #tpu.memory_space<vmem_shared>>
    tpu.wait_indirect_dma semaphore(%arg19 : memref<!tpu.dma_semaphore, #tpu.memory_space<semaphore_mem>>) src(%arg15 : memref<125x64xf32, #tpu.memory_space<vmem>>) dst(%dma_wait3A_80 : memref<10240x64xf32, #tpu.memory_space<vmem_shared>>)
    %dma_wait3A_81 = arith.constant 0 : i32
    %dma_wait3A_82 = arith.constant 0 : i32
    %dma_wait3A_83 = tpu.memref_slice %arg8[%dma_wait3A_81, %dma_wait3A_82] : memref<80x125xi32, #tpu.memory_space<vmem>> -> memref<1x125xi32, #tpu.memory_space<vmem>>
    %dma_wait3A_84 = tpu.memref_squeeze %dma_wait3A_83 : memref<1x125xi32, #tpu.memory_space<vmem>> -> memref<125xi32, #tpu.memory_space<vmem>>
    %dma_wait3A_85 = arith.constant 0 : i32
    %dma_wait3A_86 = arith.constant 0 : i32
    %dma_wait3A_87 = tpu.memref_slice %arg17[%dma_wait3A_85, %dma_wait3A_86] : memref<10240x64xf32, #tpu.memory_space<vmem_shared>> -> memref<10240x64xf32, #tpu.memory_space<vmem_shared>>
    tpu.wait_indirect_dma semaphore(%arg19 : memref<!tpu.dma_semaphore, #tpu.memory_space<semaphore_mem>>) src(%arg16 : memref<125x64xf32, #tpu.memory_space<vmem>>) dst(%dma_wait3A_87 : memref<10240x64xf32, #tpu.memory_space<vmem_shared>>)
    %barrier3A_88 = arith.constant 0 : index
    tpu.barrier barrier_id(%barrier3A_88)
    %mul3A_89 = arith.constant 640 : i32
    %mul3A_90 = arith.muli %arg1, %mul3A_89 : i32
    %mul3A_91 = arith.constant 640 : i32
    %mul3A_92 = arith.muli %arg1, %mul3A_91 : i32
    "tpu.region"() ({
      %run_scoped3A = tpu.sem_alloc : memref<!tpu.dma_semaphore, #tpu.memory_space<semaphore_mem>>
      %dma_start3A_194 = arith.constant 0 : i32
      %dma_start3A_195 = tpu.memref_slice %arg6[%add3A_1, %mul3A_92, %dma_start3A_194] : memref<4x10240x64xf32, #tpu.memory_space<hbm>> -> memref<1x640x64xf32, #tpu.memory_space<hbm>>
      %dma_start3A_196 = tpu.memref_squeeze %dma_start3A_195 : memref<1x640x64xf32, #tpu.memory_space<hbm>> -> memref<640x64xf32, #tpu.memory_space<hbm>>
      %dma_start3A_197 = arith.constant 0 : i32
      %dma_start3A_198 = tpu.memref_slice %arg17[%mul3A_90, %dma_start3A_197] : memref<10240x64xf32, #tpu.memory_space<vmem_shared>> -> memref<640x64xf32, #tpu.memory_space<vmem_shared>>
      tpu.enqueue_dma source(%dma_start3A_198 : memref<640x64xf32, #tpu.memory_space<vmem_shared>>) target(%dma_start3A_196 : memref<640x64xf32, #tpu.memory_space<hbm>>) target_semaphore(%run_scoped3A : memref<!tpu.dma_semaphore, #tpu.memory_space<semaphore_mem>>)
      %dma_wait3A_199 = arith.constant 0 : i32
      %dma_wait3A_200 = tpu.memref_slice %arg6[%add3A_1, %mul3A_92, %dma_wait3A_199] : memref<4x10240x64xf32, #tpu.memory_space<hbm>> -> memref<1x640x64xf32, #tpu.memory_space<hbm>>
      %dma_wait3A_201 = tpu.memref_squeeze %dma_wait3A_200 : memref<1x640x64xf32, #tpu.memory_space<hbm>> -> memref<640x64xf32, #tpu.memory_space<hbm>>
      %dma_wait3A_202 = arith.constant 0 : i32
      %dma_wait3A_203 = tpu.memref_slice %arg17[%mul3A_90, %dma_wait3A_202] : memref<10240x64xf32, #tpu.memory_space<vmem_shared>> -> memref<640x64xf32, #tpu.memory_space<vmem_shared>>
      tpu.wait_dma2 semaphore(%run_scoped3A : memref<!tpu.dma_semaphore, #tpu.memory_space<semaphore_mem>>) src(%dma_wait3A_203 : memref<640x64xf32, #tpu.memory_space<vmem_shared>>) dst(%dma_wait3A_201 : memref<640x64xf32, #tpu.memory_space<hbm>>)
      tpu.yield
    }) : () -> ()
    %barrier3A_93 = arith.constant 0 : index
    tpu.barrier barrier_id(%barrier3A_93)
    %mul3A_94 = arith.constant 2 : i32
    %mul3A_95 = arith.muli %arg0, %mul3A_94 : i32
    %add3A_96 = arith.constant 1 : i32
    %add3A_97 = arith.addi %mul3A_95, %add3A_96 : i32
    %mul3A_98 = arith.constant 640 : i32
    %mul3A_99 = arith.muli %arg1, %mul3A_98 : i32
    "tpu.region"() ({
      %run_scoped3A = tpu.sem_alloc : memref<!tpu.dma_semaphore, #tpu.memory_space<semaphore_mem>>
      %dma_start3A_194 = arith.constant 0 : i32
      %dma_start3A_195 = tpu.memref_slice %arg17[%mul3A_99, %dma_start3A_194] : memref<10240x64xf32, #tpu.memory_space<vmem_shared>> -> memref<640x64xf32, #tpu.memory_space<vmem_shared>>
      tpu.enqueue_dma source(%arg5 : memref<640x64xf32, #tpu.memory_space<hbm>>) target(%dma_start3A_195 : memref<640x64xf32, #tpu.memory_space<vmem_shared>>) target_semaphore(%run_scoped3A : memref<!tpu.dma_semaphore, #tpu.memory_space<semaphore_mem>>)
      %dma_wait3A_196 = arith.constant 0 : i32
      %dma_wait3A_197 = tpu.memref_slice %arg17[%mul3A_99, %dma_wait3A_196] : memref<10240x64xf32, #tpu.memory_space<vmem_shared>> -> memref<640x64xf32, #tpu.memory_space<vmem_shared>>
      tpu.wait_dma2 semaphore(%run_scoped3A : memref<!tpu.dma_semaphore, #tpu.memory_space<semaphore_mem>>) src(%arg5 : memref<640x64xf32, #tpu.memory_space<hbm>>) dst(%dma_wait3A_197 : memref<640x64xf32, #tpu.memory_space<vmem_shared>>)
      tpu.yield
    }) : () -> ()
    %barrier3A_100 = arith.constant 0 : index
    tpu.barrier barrier_id(%barrier3A_100)
    %dma_start3A_101 = arith.constant 0 : i32
    %dma_start3A_102 = arith.constant 0 : i32
    %dma_start3A_103 = tpu.memref_slice %arg7[%dma_start3A_101, %dma_start3A_102] : memref<80x125xi32, #tpu.memory_space<vmem>> -> memref<1x125xi32, #tpu.memory_space<vmem>>
    %dma_start3A_104 = tpu.memref_squeeze %dma_start3A_103 : memref<1x125xi32, #tpu.memory_space<vmem>> -> memref<125xi32, #tpu.memory_space<vmem>>
    %dma_start3A_105 = arith.constant 0 : i32
    %dma_start3A_106 = arith.constant 0 : i32
    %dma_start3A_107 = tpu.memref_slice %arg2[%add3A_97, %dma_start3A_105, %dma_start3A_106] : memref<4x10240x64xf32, #tpu.memory_space<hbm>> -> memref<1x10240x64xf32, #tpu.memory_space<hbm>>
    %dma_start3A_108 = tpu.memref_squeeze %dma_start3A_107 : memref<1x10240x64xf32, #tpu.memory_space<hbm>> -> memref<10240x64xf32, #tpu.memory_space<hbm>>
    %dma_start3A_109 = arith.constant 0 : i32
    %dma_start3A_110 = arith.constant 0 : i32
    %dma_start3A_111 = tpu.memref_slice %dma_start3A_108[%dma_start3A_109, %dma_start3A_110] : memref<10240x64xf32, #tpu.memory_space<hbm>> -> memref<10240x64xf32, #tpu.memory_space<hbm>>
    tpu.enqueue_indirect_dma source(%dma_start3A_111 : memref<10240x64xf32, #tpu.memory_space<hbm>>) target(%arg9 : memref<125x64xf32, #tpu.memory_space<vmem>>) offsets(%dma_start3A_104 : memref<125xi32, #tpu.memory_space<vmem>>) semaphore(%arg18 : memref<!tpu.dma_semaphore, #tpu.memory_space<semaphore_mem>>)
    %dma_start3A_112 = arith.constant 1 : i32
    %dma_start3A_113 = arith.constant 0 : i32
    %dma_start3A_114 = tpu.memref_slice %arg7[%dma_start3A_112, %dma_start3A_113] : memref<80x125xi32, #tpu.memory_space<vmem>> -> memref<1x125xi32, #tpu.memory_space<vmem>>
    %dma_start3A_115 = tpu.memref_squeeze %dma_start3A_114 : memref<1x125xi32, #tpu.memory_space<vmem>> -> memref<125xi32, #tpu.memory_space<vmem>>
    %dma_start3A_116 = arith.constant 0 : i32
    %dma_start3A_117 = arith.constant 0 : i32
    %dma_start3A_118 = tpu.memref_slice %arg2[%add3A_97, %dma_start3A_116, %dma_start3A_117] : memref<4x10240x64xf32, #tpu.memory_space<hbm>> -> memref<1x10240x64xf32, #tpu.memory_space<hbm>>
    %dma_start3A_119 = tpu.memref_squeeze %dma_start3A_118 : memref<1x10240x64xf32, #tpu.memory_space<hbm>> -> memref<10240x64xf32, #tpu.memory_space<hbm>>
    %dma_start3A_120 = arith.constant 0 : i32
    %dma_start3A_121 = arith.constant 0 : i32
    %dma_start3A_122 = tpu.memref_slice %dma_start3A_119[%dma_start3A_120, %dma_start3A_121] : memref<10240x64xf32, #tpu.memory_space<hbm>> -> memref<10240x64xf32, #tpu.memory_space<hbm>>
    tpu.enqueue_indirect_dma source(%dma_start3A_122 : memref<10240x64xf32, #tpu.memory_space<hbm>>) target(%arg10 : memref<125x64xf32, #tpu.memory_space<vmem>>) offsets(%dma_start3A_115 : memref<125xi32, #tpu.memory_space<vmem>>) semaphore(%arg18 : memref<!tpu.dma_semaphore, #tpu.memory_space<semaphore_mem>>)
    %dma_start3A_123 = arith.constant 2 : i32
    %dma_start3A_124 = arith.constant 0 : i32
    %dma_start3A_125 = tpu.memref_slice %arg7[%dma_start3A_123, %dma_start3A_124] : memref<80x125xi32, #tpu.memory_space<vmem>> -> memref<1x125xi32, #tpu.memory_space<vmem>>
    %dma_start3A_126 = tpu.memref_squeeze %dma_start3A_125 : memref<1x125xi32, #tpu.memory_space<vmem>> -> memref<125xi32, #tpu.memory_space<vmem>>
    %dma_start3A_127 = arith.constant 0 : i32
    %dma_start3A_128 = arith.constant 0 : i32
    %dma_start3A_129 = tpu.memref_slice %arg2[%add3A_97, %dma_start3A_127, %dma_start3A_128] : memref<4x10240x64xf32, #tpu.memory_space<hbm>> -> memref<1x10240x64xf32, #tpu.memory_space<hbm>>
    %dma_start3A_130 = tpu.memref_squeeze %dma_start3A_129 : memref<1x10240x64xf32, #tpu.memory_space<hbm>> -> memref<10240x64xf32, #tpu.memory_space<hbm>>
    %dma_start3A_131 = arith.constant 0 : i32
    %dma_start3A_132 = arith.constant 0 : i32
    %dma_start3A_133 = tpu.memref_slice %dma_start3A_130[%dma_start3A_131, %dma_start3A_132] : memref<10240x64xf32, #tpu.memory_space<hbm>> -> memref<10240x64xf32, #tpu.memory_space<hbm>>
    tpu.enqueue_indirect_dma source(%dma_start3A_133 : memref<10240x64xf32, #tpu.memory_space<hbm>>) target(%arg11 : memref<125x64xf32, #tpu.memory_space<vmem>>) offsets(%dma_start3A_126 : memref<125xi32, #tpu.memory_space<vmem>>) semaphore(%arg18 : memref<!tpu.dma_semaphore, #tpu.memory_space<semaphore_mem>>)
    %dma_start3A_134 = arith.constant 3 : i32
    %dma_start3A_135 = arith.constant 0 : i32
    %dma_start3A_136 = tpu.memref_slice %arg7[%dma_start3A_134, %dma_start3A_135] : memref<80x125xi32, #tpu.memory_space<vmem>> -> memref<1x125xi32, #tpu.memory_space<vmem>>
    %dma_start3A_137 = tpu.memref_squeeze %dma_start3A_136 : memref<1x125xi32, #tpu.memory_space<vmem>> -> memref<125xi32, #tpu.memory_space<vmem>>
    %dma_start3A_138 = arith.constant 0 : i32
    %dma_start3A_139 = arith.constant 0 : i32
    %dma_start3A_140 = tpu.memref_slice %arg2[%add3A_97, %dma_start3A_138, %dma_start3A_139] : memref<4x10240x64xf32, #tpu.memory_space<hbm>> -> memref<1x10240x64xf32, #tpu.memory_space<hbm>>
    %dma_start3A_141 = tpu.memref_squeeze %dma_start3A_140 : memref<1x10240x64xf32, #tpu.memory_space<hbm>> -> memref<10240x64xf32, #tpu.memory_space<hbm>>
    %dma_start3A_142 = arith.constant 0 : i32
    %dma_start3A_143 = arith.constant 0 : i32
    %dma_start3A_144 = tpu.memref_slice %dma_start3A_141[%dma_start3A_142, %dma_start3A_143] : memref<10240x64xf32, #tpu.memory_space<hbm>> -> memref<10240x64xf32, #tpu.memory_space<hbm>>
    tpu.enqueue_indirect_dma source(%dma_start3A_144 : memref<10240x64xf32, #tpu.memory_space<hbm>>) target(%arg12 : memref<125x64xf32, #tpu.memory_space<vmem>>) offsets(%dma_start3A_137 : memref<125xi32, #tpu.memory_space<vmem>>) semaphore(%arg18 : memref<!tpu.dma_semaphore, #tpu.memory_space<semaphore_mem>>)
    %dma_start3A_145 = arith.constant 4 : i32
    %dma_start3A_146 = arith.constant 0 : i32
    %dma_start3A_147 = tpu.memref_slice %arg7[%dma_start3A_145, %dma_start3A_146] : memref<80x125xi32, #tpu.memory_space<vmem>> -> memref<1x125xi32, #tpu.memory_space<vmem>>
    %dma_start3A_148 = tpu.memref_squeeze %dma_start3A_147 : memref<1x125xi32, #tpu.memory_space<vmem>> -> memref<125xi32, #tpu.memory_space<vmem>>
    %dma_start3A_149 = arith.constant 0 : i32
    %dma_start3A_150 = arith.constant 0 : i32
    %dma_start3A_151 = tpu.memref_slice %arg2[%add3A_97, %dma_start3A_149, %dma_start3A_150] : memref<4x10240x64xf32, #tpu.memory_space<hbm>> -> memref<1x10240x64xf32, #tpu.memory_space<hbm>>
    %dma_start3A_152 = tpu.memref_squeeze %dma_start3A_151 : memref<1x10240x64xf32, #tpu.memory_space<hbm>> -> memref<10240x64xf32, #tpu.memory_space<hbm>>
    %dma_start3A_153 = arith.constant 0 : i32
    %dma_start3A_154 = arith.constant 0 : i32
    %dma_start3A_155 = tpu.memref_slice %dma_start3A_152[%dma_start3A_153, %dma_start3A_154] : memref<10240x64xf32, #tpu.memory_space<hbm>> -> memref<10240x64xf32, #tpu.memory_space<hbm>>
    tpu.enqueue_indirect_dma source(%dma_start3A_155 : memref<10240x64xf32, #tpu.memory_space<hbm>>) target(%arg13 : memref<125x64xf32, #tpu.memory_space<vmem>>) offsets(%dma_start3A_148 : memref<125xi32, #tpu.memory_space<vmem>>) semaphore(%arg18 : memref<!tpu.dma_semaphore, #tpu.memory_space<semaphore_mem>>)
    %dma_start3A_156 = arith.constant 5 : i32
    %dma_start3A_157 = arith.constant 0 : i32
    %dma_start3A_158 = tpu.memref_slice %arg7[%dma_start3A_156, %dma_start3A_157] : memref<80x125xi32, #tpu.memory_space<vmem>> -> memref<1x125xi32, #tpu.memory_space<vmem>>
    %dma_start3A_159 = tpu.memref_squeeze %dma_start3A_158 : memref<1x125xi32, #tpu.memory_space<vmem>> -> memref<125xi32, #tpu.memory_space<vmem>>
    %dma_start3A_160 = arith.constant 0 : i32
    %dma_start3A_161 = arith.constant 0 : i32
    %dma_start3A_162 = tpu.memref_slice %arg2[%add3A_97, %dma_start3A_160, %dma_start3A_161] : memref<4x10240x64xf32, #tpu.memory_space<hbm>> -> memref<1x10240x64xf32, #tpu.memory_space<hbm>>
    %dma_start3A_163 = tpu.memref_squeeze %dma_start3A_162 : memref<1x10240x64xf32, #tpu.memory_space<hbm>> -> memref<10240x64xf32, #tpu.memory_space<hbm>>
    %dma_start3A_164 = arith.constant 0 : i32
    %dma_start3A_165 = arith.constant 0 : i32
    %dma_start3A_166 = tpu.memref_slice %dma_start3A_163[%dma_start3A_164, %dma_start3A_165] : memref<10240x64xf32, #tpu.memory_space<hbm>> -> memref<10240x64xf32, #tpu.memory_space<hbm>>
    tpu.enqueue_indirect_dma source(%dma_start3A_166 : memref<10240x64xf32, #tpu.memory_space<hbm>>) target(%arg14 : memref<125x64xf32, #tpu.memory_space<vmem>>) offsets(%dma_start3A_159 : memref<125xi32, #tpu.memory_space<vmem>>) semaphore(%arg18 : memref<!tpu.dma_semaphore, #tpu.memory_space<semaphore_mem>>)
    %scan3A_167 = arith.constant 0 : i32
    %scan3A_168 = arith.constant 0 : i32
    %scan3A_169 = arith.constant 10 : i32
    %scan3A_170 = arith.addi %scan3A_168, %scan3A_169 : i32
    %scan3A_171 = arith.constant 1 : i32
    %scan3A_172 = scf.for %scan3A_194 = %scan3A_168 to %scan3A_170 step %scan3A_171 iter_args(%scan3A_195 = %scan3A_167) -> (i32)  : i32 {
      %mul3A_196 = arith.constant 8 : i32
      %mul3A_197 = arith.muli %mul3A_196, %scan3A_194 : i32
      %add3A_198 = arith.constant 0 : i32
      %add3A_199 = arith.addi %mul3A_197, %add3A_198 : i32
      %dma_wait3A_200 = arith.constant 0 : i32
      %dma_wait3A_201 = arith.constant 0 : i32
      %dma_wait3A_202 = tpu.memref_slice %arg7[%dma_wait3A_200, %dma_wait3A_201] : memref<80x125xi32, #tpu.memory_space<vmem>> -> memref<1x125xi32, #tpu.memory_space<vmem>>
      %dma_wait3A_203 = tpu.memref_squeeze %dma_wait3A_202 : memref<1x125xi32, #tpu.memory_space<vmem>> -> memref<125xi32, #tpu.memory_space<vmem>>
      %dma_wait3A_204 = arith.constant 0 : i32
      %dma_wait3A_205 = arith.constant 0 : i32
      %dma_wait3A_206 = tpu.memref_slice %arg2[%add3A_97, %dma_wait3A_204, %dma_wait3A_205] : memref<4x10240x64xf32, #tpu.memory_space<hbm>> -> memref<1x10240x64xf32, #tpu.memory_space<hbm>>
      %dma_wait3A_207 = tpu.memref_squeeze %dma_wait3A_206 : memref<1x10240x64xf32, #tpu.memory_space<hbm>> -> memref<10240x64xf32, #tpu.memory_space<hbm>>
      %dma_wait3A_208 = arith.constant 0 : i32
      %dma_wait3A_209 = arith.constant 0 : i32
      %dma_wait3A_210 = tpu.memref_slice %dma_wait3A_207[%dma_wait3A_208, %dma_wait3A_209] : memref<10240x64xf32, #tpu.memory_space<hbm>> -> memref<10240x64xf32, #tpu.memory_space<hbm>>
      tpu.wait_indirect_dma semaphore(%arg18 : memref<!tpu.dma_semaphore, #tpu.memory_space<semaphore_mem>>) src(%dma_wait3A_210 : memref<10240x64xf32, #tpu.memory_space<hbm>>) dst(%arg9 : memref<125x64xf32, #tpu.memory_space<vmem>>)
      %dma_start3A_211 = arith.constant 0 : i32
      %dma_start3A_212 = tpu.memref_slice %arg8[%add3A_199, %dma_start3A_211] : memref<80x125xi32, #tpu.memory_space<vmem>> -> memref<1x125xi32, #tpu.memory_space<vmem>>
      %dma_start3A_213 = tpu.memref_squeeze %dma_start3A_212 : memref<1x125xi32, #tpu.memory_space<vmem>> -> memref<125xi32, #tpu.memory_space<vmem>>
      %dma_start3A_214 = arith.constant 0 : i32
      %dma_start3A_215 = arith.constant 0 : i32
      %dma_start3A_216 = tpu.memref_slice %arg17[%dma_start3A_214, %dma_start3A_215] : memref<10240x64xf32, #tpu.memory_space<vmem_shared>> -> memref<10240x64xf32, #tpu.memory_space<vmem_shared>>
      tpu.enqueue_indirect_dma source(%arg9 : memref<125x64xf32, #tpu.memory_space<vmem>>) target(%dma_start3A_216 : memref<10240x64xf32, #tpu.memory_space<vmem_shared>>) offsets(%dma_start3A_213 : memref<125xi32, #tpu.memory_space<vmem>>) semaphore(%arg19 : memref<!tpu.dma_semaphore, #tpu.memory_space<semaphore_mem>>) {add = true}
      %ge3A = arith.constant 2 : i32
      %ge3A_217 = arith.cmpi sge, %add3A_199, %ge3A : i32
      %convert_element_type3A = arith.extui %ge3A_217 : i1 to i32
      %cond3A = arith.constant 0 : i32
      %cond3A_218 = arith.cmpi ne, %convert_element_type3A, %cond3A : i32
      scf.if %cond3A_218 {
        %dma_wait3A_443 = arith.constant 0 : i32
        %dma_wait3A_444 = arith.constant 0 : i32
        %dma_wait3A_445 = tpu.memref_slice %arg8[%dma_wait3A_443, %dma_wait3A_444] : memref<80x125xi32, #tpu.memory_space<vmem>> -> memref<1x125xi32, #tpu.memory_space<vmem>>
        %dma_wait3A_446 = tpu.memref_squeeze %dma_wait3A_445 : memref<1x125xi32, #tpu.memory_space<vmem>> -> memref<125xi32, #tpu.memory_space<vmem>>
        %dma_wait3A_447 = arith.constant 0 : i32
        %dma_wait3A_448 = arith.constant 0 : i32
        %dma_wait3A_449 = tpu.memref_slice %arg17[%dma_wait3A_447, %dma_wait3A_448] : memref<10240x64xf32, #tpu.memory_space<vmem_shared>> -> memref<10240x64xf32, #tpu.memory_space<vmem_shared>>
        tpu.wait_indirect_dma semaphore(%arg19 : memref<!tpu.dma_semaphore, #tpu.memory_space<semaphore_mem>>) src(%arg15 : memref<125x64xf32, #tpu.memory_space<vmem>>) dst(%dma_wait3A_449 : memref<10240x64xf32, #tpu.memory_space<vmem_shared>>)
      } else {
      }
      %add3A_219 = arith.constant 6 : i32
      %add3A_220 = arith.addi %add3A_199, %add3A_219 : i32
      %lt3A = arith.constant 80 : i32
      %lt3A_221 = arith.cmpi slt, %add3A_220, %lt3A : i32
      %convert_element_type3A_222 = arith.extui %lt3A_221 : i1 to i32
      %cond3A_223 = arith.constant 0 : i32
      %cond3A_224 = arith.cmpi ne, %convert_element_type3A_222, %cond3A_223 : i32
      scf.if %cond3A_224 {
        %add3A_443 = arith.constant 6 : i32
        %add3A_444 = arith.addi %add3A_199, %add3A_443 : i32
        %dma_start3A_445 = arith.constant 0 : i32
        %dma_start3A_446 = tpu.memref_slice %arg7[%add3A_444, %dma_start3A_445] : memref<80x125xi32, #tpu.memory_space<vmem>> -> memref<1x125xi32, #tpu.memory_space<vmem>>
        %dma_start3A_447 = tpu.memref_squeeze %dma_start3A_446 : memref<1x125xi32, #tpu.memory_space<vmem>> -> memref<125xi32, #tpu.memory_space<vmem>>
        %dma_start3A_448 = arith.constant 0 : i32
        %dma_start3A_449 = arith.constant 0 : i32
        %dma_start3A_450 = tpu.memref_slice %arg2[%add3A_97, %dma_start3A_448, %dma_start3A_449] : memref<4x10240x64xf32, #tpu.memory_space<hbm>> -> memref<1x10240x64xf32, #tpu.memory_space<hbm>>
        %dma_start3A_451 = tpu.memref_squeeze %dma_start3A_450 : memref<1x10240x64xf32, #tpu.memory_space<hbm>> -> memref<10240x64xf32, #tpu.memory_space<hbm>>
        %dma_start3A_452 = arith.constant 0 : i32
        %dma_start3A_453 = arith.constant 0 : i32
        %dma_start3A_454 = tpu.memref_slice %dma_start3A_451[%dma_start3A_452, %dma_start3A_453] : memref<10240x64xf32, #tpu.memory_space<hbm>> -> memref<10240x64xf32, #tpu.memory_space<hbm>>
        tpu.enqueue_indirect_dma source(%dma_start3A_454 : memref<10240x64xf32, #tpu.memory_space<hbm>>) target(%arg15 : memref<125x64xf32, #tpu.memory_space<vmem>>) offsets(%dma_start3A_447 : memref<125xi32, #tpu.memory_space<vmem>>) semaphore(%arg18 : memref<!tpu.dma_semaphore, #tpu.memory_space<semaphore_mem>>)
      } else {
      }
      %add3A_225 = arith.constant 1 : i32
      %add3A_226 = arith.addi %mul3A_197, %add3A_225 : i32
      %dma_wait3A_227 = arith.constant 0 : i32
      %dma_wait3A_228 = arith.constant 0 : i32
      %dma_wait3A_229 = tpu.memref_slice %arg7[%dma_wait3A_227, %dma_wait3A_228] : memref<80x125xi32, #tpu.memory_space<vmem>> -> memref<1x125xi32, #tpu.memory_space<vmem>>
      %dma_wait3A_230 = tpu.memref_squeeze %dma_wait3A_229 : memref<1x125xi32, #tpu.memory_space<vmem>> -> memref<125xi32, #tpu.memory_space<vmem>>
      %dma_wait3A_231 = arith.constant 0 : i32
      %dma_wait3A_232 = arith.constant 0 : i32
      %dma_wait3A_233 = tpu.memref_slice %arg2[%add3A_97, %dma_wait3A_231, %dma_wait3A_232] : memref<4x10240x64xf32, #tpu.memory_space<hbm>> -> memref<1x10240x64xf32, #tpu.memory_space<hbm>>
      %dma_wait3A_234 = tpu.memref_squeeze %dma_wait3A_233 : memref<1x10240x64xf32, #tpu.memory_space<hbm>> -> memref<10240x64xf32, #tpu.memory_space<hbm>>
      %dma_wait3A_235 = arith.constant 0 : i32
      %dma_wait3A_236 = arith.constant 0 : i32
      %dma_wait3A_237 = tpu.memref_slice %dma_wait3A_234[%dma_wait3A_235, %dma_wait3A_236] : memref<10240x64xf32, #tpu.memory_space<hbm>> -> memref<10240x64xf32, #tpu.memory_space<hbm>>
      tpu.wait_indirect_dma semaphore(%arg18 : memref<!tpu.dma_semaphore, #tpu.memory_space<semaphore_mem>>) src(%dma_wait3A_237 : memref<10240x64xf32, #tpu.memory_space<hbm>>) dst(%arg10 : memref<125x64xf32, #tpu.memory_space<vmem>>)
      %dma_start3A_238 = arith.constant 0 : i32
      %dma_start3A_239 = tpu.memref_slice %arg8[%add3A_226, %dma_start3A_238] : memref<80x125xi32, #tpu.memory_space<vmem>> -> memref<1x125xi32, #tpu.memory_space<vmem>>
      %dma_start3A_240 = tpu.memref_squeeze %dma_start3A_239 : memref<1x125xi32, #tpu.memory_space<vmem>> -> memref<125xi32, #tpu.memory_space<vmem>>
      %dma_start3A_241 = arith.constant 0 : i32
      %dma_start3A_242 = arith.constant 0 : i32
      %dma_start3A_243 = tpu.memref_slice %arg17[%dma_start3A_241, %dma_start3A_242] : memref<10240x64xf32, #tpu.memory_space<vmem_shared>> -> memref<10240x64xf32, #tpu.memory_space<vmem_shared>>
      tpu.enqueue_indirect_dma source(%arg10 : memref<125x64xf32, #tpu.memory_space<vmem>>) target(%dma_start3A_243 : memref<10240x64xf32, #tpu.memory_space<vmem_shared>>) offsets(%dma_start3A_240 : memref<125xi32, #tpu.memory_space<vmem>>) semaphore(%arg19 : memref<!tpu.dma_semaphore, #tpu.memory_space<semaphore_mem>>) {add = true}
      %ge3A_244 = arith.constant 2 : i32
      %ge3A_245 = arith.cmpi sge, %add3A_226, %ge3A_244 : i32
      %convert_element_type3A_246 = arith.extui %ge3A_245 : i1 to i32
      %cond3A_247 = arith.constant 0 : i32
      %cond3A_248 = arith.cmpi ne, %convert_element_type3A_246, %cond3A_247 : i32
      scf.if %cond3A_248 {
        %dma_wait3A_443 = arith.constant 0 : i32
        %dma_wait3A_444 = arith.constant 0 : i32
        %dma_wait3A_445 = tpu.memref_slice %arg8[%dma_wait3A_443, %dma_wait3A_444] : memref<80x125xi32, #tpu.memory_space<vmem>> -> memref<1x125xi32, #tpu.memory_space<vmem>>
        %dma_wait3A_446 = tpu.memref_squeeze %dma_wait3A_445 : memref<1x125xi32, #tpu.memory_space<vmem>> -> memref<125xi32, #tpu.memory_space<vmem>>
        %dma_wait3A_447 = arith.constant 0 : i32
        %dma_wait3A_448 = arith.constant 0 : i32
        %dma_wait3A_449 = tpu.memref_slice %arg17[%dma_wait3A_447, %dma_wait3A_448] : memref<10240x64xf32, #tpu.memory_space<vmem_shared>> -> memref<10240x64xf32, #tpu.memory_space<vmem_shared>>
        tpu.wait_indirect_dma semaphore(%arg19 : memref<!tpu.dma_semaphore, #tpu.memory_space<semaphore_mem>>) src(%arg16 : memref<125x64xf32, #tpu.memory_space<vmem>>) dst(%dma_wait3A_449 : memref<10240x64xf32, #tpu.memory_space<vmem_shared>>)
      } else {
      }
      %add3A_249 = arith.constant 6 : i32
      %add3A_250 = arith.addi %add3A_226, %add3A_249 : i32
      %lt3A_251 = arith.constant 80 : i32
      %lt3A_252 = arith.cmpi slt, %add3A_250, %lt3A_251 : i32
      %convert_element_type3A_253 = arith.extui %lt3A_252 : i1 to i32
      %cond3A_254 = arith.constant 0 : i32
      %cond3A_255 = arith.cmpi ne, %convert_element_type3A_253, %cond3A_254 : i32
      scf.if %cond3A_255 {
        %add3A_443 = arith.constant 6 : i32
        %add3A_444 = arith.addi %add3A_226, %add3A_443 : i32
        %dma_start3A_445 = arith.constant 0 : i32
        %dma_start3A_446 = tpu.memref_slice %arg7[%add3A_444, %dma_start3A_445] : memref<80x125xi32, #tpu.memory_space<vmem>> -> memref<1x125xi32, #tpu.memory_space<vmem>>
        %dma_start3A_447 = tpu.memref_squeeze %dma_start3A_446 : memref<1x125xi32, #tpu.memory_space<vmem>> -> memref<125xi32, #tpu.memory_space<vmem>>
        %dma_start3A_448 = arith.constant 0 : i32
        %dma_start3A_449 = arith.constant 0 : i32
        %dma_start3A_450 = tpu.memref_slice %arg2[%add3A_97, %dma_start3A_448, %dma_start3A_449] : memref<4x10240x64xf32, #tpu.memory_space<hbm>> -> memref<1x10240x64xf32, #tpu.memory_space<hbm>>
        %dma_start3A_451 = tpu.memref_squeeze %dma_start3A_450 : memref<1x10240x64xf32, #tpu.memory_space<hbm>> -> memref<10240x64xf32, #tpu.memory_space<hbm>>
        %dma_start3A_452 = arith.constant 0 : i32
        %dma_start3A_453 = arith.constant 0 : i32
        %dma_start3A_454 = tpu.memref_slice %dma_start3A_451[%dma_start3A_452, %dma_start3A_453] : memref<10240x64xf32, #tpu.memory_space<hbm>> -> memref<10240x64xf32, #tpu.memory_space<hbm>>
        tpu.enqueue_indirect_dma source(%dma_start3A_454 : memref<10240x64xf32, #tpu.memory_space<hbm>>) target(%arg16 : memref<125x64xf32, #tpu.memory_space<vmem>>) offsets(%dma_start3A_447 : memref<125xi32, #tpu.memory_space<vmem>>) semaphore(%arg18 : memref<!tpu.dma_semaphore, #tpu.memory_space<semaphore_mem>>)
      } else {
      }
      %add3A_256 = arith.constant 2 : i32
      %add3A_257 = arith.addi %mul3A_197, %add3A_256 : i32
      %dma_wait3A_258 = arith.constant 0 : i32
      %dma_wait3A_259 = arith.constant 0 : i32
      %dma_wait3A_260 = tpu.memref_slice %arg7[%dma_wait3A_258, %dma_wait3A_259] : memref<80x125xi32, #tpu.memory_space<vmem>> -> memref<1x125xi32, #tpu.memory_space<vmem>>
      %dma_wait3A_261 = tpu.memref_squeeze %dma_wait3A_260 : memref<1x125xi32, #tpu.memory_space<vmem>> -> memref<125xi32, #tpu.memory_space<vmem>>
      %dma_wait3A_262 = arith.constant 0 : i32
      %dma_wait3A_263 = arith.constant 0 : i32
      %dma_wait3A_264 = tpu.memref_slice %arg2[%add3A_97, %dma_wait3A_262, %dma_wait3A_263] : memref<4x10240x64xf32, #tpu.memory_space<hbm>> -> memref<1x10240x64xf32, #tpu.memory_space<hbm>>
      %dma_wait3A_265 = tpu.memref_squeeze %dma_wait3A_264 : memref<1x10240x64xf32, #tpu.memory_space<hbm>> -> memref<10240x64xf32, #tpu.memory_space<hbm>>
      %dma_wait3A_266 = arith.constant 0 : i32
      %dma_wait3A_267 = arith.constant 0 : i32
      %dma_wait3A_268 = tpu.memref_slice %dma_wait3A_265[%dma_wait3A_266, %dma_wait3A_267] : memref<10240x64xf32, #tpu.memory_space<hbm>> -> memref<10240x64xf32, #tpu.memory_space<hbm>>
      tpu.wait_indirect_dma semaphore(%arg18 : memref<!tpu.dma_semaphore, #tpu.memory_space<semaphore_mem>>) src(%dma_wait3A_268 : memref<10240x64xf32, #tpu.memory_space<hbm>>) dst(%arg11 : memref<125x64xf32, #tpu.memory_space<vmem>>)
      %dma_start3A_269 = arith.constant 0 : i32
      %dma_start3A_270 = tpu.memref_slice %arg8[%add3A_257, %dma_start3A_269] : memref<80x125xi32, #tpu.memory_space<vmem>> -> memref<1x125xi32, #tpu.memory_space<vmem>>
      %dma_start3A_271 = tpu.memref_squeeze %dma_start3A_270 : memref<1x125xi32, #tpu.memory_space<vmem>> -> memref<125xi32, #tpu.memory_space<vmem>>
      %dma_start3A_272 = arith.constant 0 : i32
      %dma_start3A_273 = arith.constant 0 : i32
      %dma_start3A_274 = tpu.memref_slice %arg17[%dma_start3A_272, %dma_start3A_273] : memref<10240x64xf32, #tpu.memory_space<vmem_shared>> -> memref<10240x64xf32, #tpu.memory_space<vmem_shared>>
      tpu.enqueue_indirect_dma source(%arg11 : memref<125x64xf32, #tpu.memory_space<vmem>>) target(%dma_start3A_274 : memref<10240x64xf32, #tpu.memory_space<vmem_shared>>) offsets(%dma_start3A_271 : memref<125xi32, #tpu.memory_space<vmem>>) semaphore(%arg19 : memref<!tpu.dma_semaphore, #tpu.memory_space<semaphore_mem>>) {add = true}
      %ge3A_275 = arith.constant 2 : i32
      %ge3A_276 = arith.cmpi sge, %add3A_257, %ge3A_275 : i32
      %convert_element_type3A_277 = arith.extui %ge3A_276 : i1 to i32
      %cond3A_278 = arith.constant 0 : i32
      %cond3A_279 = arith.cmpi ne, %convert_element_type3A_277, %cond3A_278 : i32
      scf.if %cond3A_279 {
        %dma_wait3A_443 = arith.constant 0 : i32
        %dma_wait3A_444 = arith.constant 0 : i32
        %dma_wait3A_445 = tpu.memref_slice %arg8[%dma_wait3A_443, %dma_wait3A_444] : memref<80x125xi32, #tpu.memory_space<vmem>> -> memref<1x125xi32, #tpu.memory_space<vmem>>
        %dma_wait3A_446 = tpu.memref_squeeze %dma_wait3A_445 : memref<1x125xi32, #tpu.memory_space<vmem>> -> memref<125xi32, #tpu.memory_space<vmem>>
        %dma_wait3A_447 = arith.constant 0 : i32
        %dma_wait3A_448 = arith.constant 0 : i32
        %dma_wait3A_449 = tpu.memref_slice %arg17[%dma_wait3A_447, %dma_wait3A_448] : memref<10240x64xf32, #tpu.memory_space<vmem_shared>> -> memref<10240x64xf32, #tpu.memory_space<vmem_shared>>
        tpu.wait_indirect_dma semaphore(%arg19 : memref<!tpu.dma_semaphore, #tpu.memory_space<semaphore_mem>>) src(%arg9 : memref<125x64xf32, #tpu.memory_space<vmem>>) dst(%dma_wait3A_449 : memref<10240x64xf32, #tpu.memory_space<vmem_shared>>)
      } else {
      }
      %add3A_280 = arith.constant 6 : i32
      %add3A_281 = arith.addi %add3A_257, %add3A_280 : i32
      %lt3A_282 = arith.constant 80 : i32
      %lt3A_283 = arith.cmpi slt, %add3A_281, %lt3A_282 : i32
      %convert_element_type3A_284 = arith.extui %lt3A_283 : i1 to i32
      %cond3A_285 = arith.constant 0 : i32
      %cond3A_286 = arith.cmpi ne, %convert_element_type3A_284, %cond3A_285 : i32
      scf.if %cond3A_286 {
        %add3A_443 = arith.constant 6 : i32
        %add3A_444 = arith.addi %add3A_257, %add3A_443 : i32
        %dma_start3A_445 = arith.constant 0 : i32
        %dma_start3A_446 = tpu.memref_slice %arg7[%add3A_444, %dma_start3A_445] : memref<80x125xi32, #tpu.memory_space<vmem>> -> memref<1x125xi32, #tpu.memory_space<vmem>>
        %dma_start3A_447 = tpu.memref_squeeze %dma_start3A_446 : memref<1x125xi32, #tpu.memory_space<vmem>> -> memref<125xi32, #tpu.memory_space<vmem>>
        %dma_start3A_448 = arith.constant 0 : i32
        %dma_start3A_449 = arith.constant 0 : i32
        %dma_start3A_450 = tpu.memref_slice %arg2[%add3A_97, %dma_start3A_448, %dma_start3A_449] : memref<4x10240x64xf32, #tpu.memory_space<hbm>> -> memref<1x10240x64xf32, #tpu.memory_space<hbm>>
        %dma_start3A_451 = tpu.memref_squeeze %dma_start3A_450 : memref<1x10240x64xf32, #tpu.memory_space<hbm>> -> memref<10240x64xf32, #tpu.memory_space<hbm>>
        %dma_start3A_452 = arith.constant 0 : i32
        %dma_start3A_453 = arith.constant 0 : i32
        %dma_start3A_454 = tpu.memref_slice %dma_start3A_451[%dma_start3A_452, %dma_start3A_453] : memref<10240x64xf32, #tpu.memory_space<hbm>> -> memref<10240x64xf32, #tpu.memory_space<hbm>>
        tpu.enqueue_indirect_dma source(%dma_start3A_454 : memref<10240x64xf32, #tpu.memory_space<hbm>>) target(%arg9 : memref<125x64xf32, #tpu.memory_space<vmem>>) offsets(%dma_start3A_447 : memref<125xi32, #tpu.memory_space<vmem>>) semaphore(%arg18 : memref<!tpu.dma_semaphore, #tpu.memory_space<semaphore_mem>>)
      } else {
      }
      %add3A_287 = arith.constant 3 : i32
      %add3A_288 = arith.addi %mul3A_197, %add3A_287 : i32
      %dma_wait3A_289 = arith.constant 0 : i32
      %dma_wait3A_290 = arith.constant 0 : i32
      %dma_wait3A_291 = tpu.memref_slice %arg7[%dma_wait3A_289, %dma_wait3A_290] : memref<80x125xi32, #tpu.memory_space<vmem>> -> memref<1x125xi32, #tpu.memory_space<vmem>>
      %dma_wait3A_292 = tpu.memref_squeeze %dma_wait3A_291 : memref<1x125xi32, #tpu.memory_space<vmem>> -> memref<125xi32, #tpu.memory_space<vmem>>
      %dma_wait3A_293 = arith.constant 0 : i32
      %dma_wait3A_294 = arith.constant 0 : i32
      %dma_wait3A_295 = tpu.memref_slice %arg2[%add3A_97, %dma_wait3A_293, %dma_wait3A_294] : memref<4x10240x64xf32, #tpu.memory_space<hbm>> -> memref<1x10240x64xf32, #tpu.memory_space<hbm>>
      %dma_wait3A_296 = tpu.memref_squeeze %dma_wait3A_295 : memref<1x10240x64xf32, #tpu.memory_space<hbm>> -> memref<10240x64xf32, #tpu.memory_space<hbm>>
      %dma_wait3A_297 = arith.constant 0 : i32
      %dma_wait3A_298 = arith.constant 0 : i32
      %dma_wait3A_299 = tpu.memref_slice %dma_wait3A_296[%dma_wait3A_297, %dma_wait3A_298] : memref<10240x64xf32, #tpu.memory_space<hbm>> -> memref<10240x64xf32, #tpu.memory_space<hbm>>
      tpu.wait_indirect_dma semaphore(%arg18 : memref<!tpu.dma_semaphore, #tpu.memory_space<semaphore_mem>>) src(%dma_wait3A_299 : memref<10240x64xf32, #tpu.memory_space<hbm>>) dst(%arg12 : memref<125x64xf32, #tpu.memory_space<vmem>>)
      %dma_start3A_300 = arith.constant 0 : i32
      %dma_start3A_301 = tpu.memref_slice %arg8[%add3A_288, %dma_start3A_300] : memref<80x125xi32, #tpu.memory_space<vmem>> -> memref<1x125xi32, #tpu.memory_space<vmem>>
      %dma_start3A_302 = tpu.memref_squeeze %dma_start3A_301 : memref<1x125xi32, #tpu.memory_space<vmem>> -> memref<125xi32, #tpu.memory_space<vmem>>
      %dma_start3A_303 = arith.constant 0 : i32
      %dma_start3A_304 = arith.constant 0 : i32
      %dma_start3A_305 = tpu.memref_slice %arg17[%dma_start3A_303, %dma_start3A_304] : memref<10240x64xf32, #tpu.memory_space<vmem_shared>> -> memref<10240x64xf32, #tpu.memory_space<vmem_shared>>
      tpu.enqueue_indirect_dma source(%arg12 : memref<125x64xf32, #tpu.memory_space<vmem>>) target(%dma_start3A_305 : memref<10240x64xf32, #tpu.memory_space<vmem_shared>>) offsets(%dma_start3A_302 : memref<125xi32, #tpu.memory_space<vmem>>) semaphore(%arg19 : memref<!tpu.dma_semaphore, #tpu.memory_space<semaphore_mem>>) {add = true}
      %ge3A_306 = arith.constant 2 : i32
      %ge3A_307 = arith.cmpi sge, %add3A_288, %ge3A_306 : i32
      %convert_element_type3A_308 = arith.extui %ge3A_307 : i1 to i32
      %cond3A_309 = arith.constant 0 : i32
      %cond3A_310 = arith.cmpi ne, %convert_element_type3A_308, %cond3A_309 : i32
      scf.if %cond3A_310 {
        %dma_wait3A_443 = arith.constant 0 : i32
        %dma_wait3A_444 = arith.constant 0 : i32
        %dma_wait3A_445 = tpu.memref_slice %arg8[%dma_wait3A_443, %dma_wait3A_444] : memref<80x125xi32, #tpu.memory_space<vmem>> -> memref<1x125xi32, #tpu.memory_space<vmem>>
        %dma_wait3A_446 = tpu.memref_squeeze %dma_wait3A_445 : memref<1x125xi32, #tpu.memory_space<vmem>> -> memref<125xi32, #tpu.memory_space<vmem>>
        %dma_wait3A_447 = arith.constant 0 : i32
        %dma_wait3A_448 = arith.constant 0 : i32
        %dma_wait3A_449 = tpu.memref_slice %arg17[%dma_wait3A_447, %dma_wait3A_448] : memref<10240x64xf32, #tpu.memory_space<vmem_shared>> -> memref<10240x64xf32, #tpu.memory_space<vmem_shared>>
        tpu.wait_indirect_dma semaphore(%arg19 : memref<!tpu.dma_semaphore, #tpu.memory_space<semaphore_mem>>) src(%arg10 : memref<125x64xf32, #tpu.memory_space<vmem>>) dst(%dma_wait3A_449 : memref<10240x64xf32, #tpu.memory_space<vmem_shared>>)
      } else {
      }
      %add3A_311 = arith.constant 6 : i32
      %add3A_312 = arith.addi %add3A_288, %add3A_311 : i32
      %lt3A_313 = arith.constant 80 : i32
      %lt3A_314 = arith.cmpi slt, %add3A_312, %lt3A_313 : i32
      %convert_element_type3A_315 = arith.extui %lt3A_314 : i1 to i32
      %cond3A_316 = arith.constant 0 : i32
      %cond3A_317 = arith.cmpi ne, %convert_element_type3A_315, %cond3A_316 : i32
      scf.if %cond3A_317 {
        %add3A_443 = arith.constant 6 : i32
        %add3A_444 = arith.addi %add3A_288, %add3A_443 : i32
        %dma_start3A_445 = arith.constant 0 : i32
        %dma_start3A_446 = tpu.memref_slice %arg7[%add3A_444, %dma_start3A_445] : memref<80x125xi32, #tpu.memory_space<vmem>> -> memref<1x125xi32, #tpu.memory_space<vmem>>
        %dma_start3A_447 = tpu.memref_squeeze %dma_start3A_446 : memref<1x125xi32, #tpu.memory_space<vmem>> -> memref<125xi32, #tpu.memory_space<vmem>>
        %dma_start3A_448 = arith.constant 0 : i32
        %dma_start3A_449 = arith.constant 0 : i32
        %dma_start3A_450 = tpu.memref_slice %arg2[%add3A_97, %dma_start3A_448, %dma_start3A_449] : memref<4x10240x64xf32, #tpu.memory_space<hbm>> -> memref<1x10240x64xf32, #tpu.memory_space<hbm>>
        %dma_start3A_451 = tpu.memref_squeeze %dma_start3A_450 : memref<1x10240x64xf32, #tpu.memory_space<hbm>> -> memref<10240x64xf32, #tpu.memory_space<hbm>>
        %dma_start3A_452 = arith.constant 0 : i32
        %dma_start3A_453 = arith.constant 0 : i32
        %dma_start3A_454 = tpu.memref_slice %dma_start3A_451[%dma_start3A_452, %dma_start3A_453] : memref<10240x64xf32, #tpu.memory_space<hbm>> -> memref<10240x64xf32, #tpu.memory_space<hbm>>
        tpu.enqueue_indirect_dma source(%dma_start3A_454 : memref<10240x64xf32, #tpu.memory_space<hbm>>) target(%arg10 : memref<125x64xf32, #tpu.memory_space<vmem>>) offsets(%dma_start3A_447 : memref<125xi32, #tpu.memory_space<vmem>>) semaphore(%arg18 : memref<!tpu.dma_semaphore, #tpu.memory_space<semaphore_mem>>)
      } else {
      }
      %add3A_318 = arith.constant 4 : i32
      %add3A_319 = arith.addi %mul3A_197, %add3A_318 : i32
      %dma_wait3A_320 = arith.constant 0 : i32
      %dma_wait3A_321 = arith.constant 0 : i32
      %dma_wait3A_322 = tpu.memref_slice %arg7[%dma_wait3A_320, %dma_wait3A_321] : memref<80x125xi32, #tpu.memory_space<vmem>> -> memref<1x125xi32, #tpu.memory_space<vmem>>
      %dma_wait3A_323 = tpu.memref_squeeze %dma_wait3A_322 : memref<1x125xi32, #tpu.memory_space<vmem>> -> memref<125xi32, #tpu.memory_space<vmem>>
      %dma_wait3A_324 = arith.constant 0 : i32
      %dma_wait3A_325 = arith.constant 0 : i32
      %dma_wait3A_326 = tpu.memref_slice %arg2[%add3A_97, %dma_wait3A_324, %dma_wait3A_325] : memref<4x10240x64xf32, #tpu.memory_space<hbm>> -> memref<1x10240x64xf32, #tpu.memory_space<hbm>>
      %dma_wait3A_327 = tpu.memref_squeeze %dma_wait3A_326 : memref<1x10240x64xf32, #tpu.memory_space<hbm>> -> memref<10240x64xf32, #tpu.memory_space<hbm>>
      %dma_wait3A_328 = arith.constant 0 : i32
      %dma_wait3A_329 = arith.constant 0 : i32
      %dma_wait3A_330 = tpu.memref_slice %dma_wait3A_327[%dma_wait3A_328, %dma_wait3A_329] : memref<10240x64xf32, #tpu.memory_space<hbm>> -> memref<10240x64xf32, #tpu.memory_space<hbm>>
      tpu.wait_indirect_dma semaphore(%arg18 : memref<!tpu.dma_semaphore, #tpu.memory_space<semaphore_mem>>) src(%dma_wait3A_330 : memref<10240x64xf32, #tpu.memory_space<hbm>>) dst(%arg13 : memref<125x64xf32, #tpu.memory_space<vmem>>)
      %dma_start3A_331 = arith.constant 0 : i32
      %dma_start3A_332 = tpu.memref_slice %arg8[%add3A_319, %dma_start3A_331] : memref<80x125xi32, #tpu.memory_space<vmem>> -> memref<1x125xi32, #tpu.memory_space<vmem>>
      %dma_start3A_333 = tpu.memref_squeeze %dma_start3A_332 : memref<1x125xi32, #tpu.memory_space<vmem>> -> memref<125xi32, #tpu.memory_space<vmem>>
      %dma_start3A_334 = arith.constant 0 : i32
      %dma_start3A_335 = arith.constant 0 : i32
      %dma_start3A_336 = tpu.memref_slice %arg17[%dma_start3A_334, %dma_start3A_335] : memref<10240x64xf32, #tpu.memory_space<vmem_shared>> -> memref<10240x64xf32, #tpu.memory_space<vmem_shared>>
      tpu.enqueue_indirect_dma source(%arg13 : memref<125x64xf32, #tpu.memory_space<vmem>>) target(%dma_start3A_336 : memref<10240x64xf32, #tpu.memory_space<vmem_shared>>) offsets(%dma_start3A_333 : memref<125xi32, #tpu.memory_space<vmem>>) semaphore(%arg19 : memref<!tpu.dma_semaphore, #tpu.memory_space<semaphore_mem>>) {add = true}
      %ge3A_337 = arith.constant 2 : i32
      %ge3A_338 = arith.cmpi sge, %add3A_319, %ge3A_337 : i32
      %convert_element_type3A_339 = arith.extui %ge3A_338 : i1 to i32
      %cond3A_340 = arith.constant 0 : i32
      %cond3A_341 = arith.cmpi ne, %convert_element_type3A_339, %cond3A_340 : i32
      scf.if %cond3A_341 {
        %dma_wait3A_443 = arith.constant 0 : i32
        %dma_wait3A_444 = arith.constant 0 : i32
        %dma_wait3A_445 = tpu.memref_slice %arg8[%dma_wait3A_443, %dma_wait3A_444] : memref<80x125xi32, #tpu.memory_space<vmem>> -> memref<1x125xi32, #tpu.memory_space<vmem>>
        %dma_wait3A_446 = tpu.memref_squeeze %dma_wait3A_445 : memref<1x125xi32, #tpu.memory_space<vmem>> -> memref<125xi32, #tpu.memory_space<vmem>>
        %dma_wait3A_447 = arith.constant 0 : i32
        %dma_wait3A_448 = arith.constant 0 : i32
        %dma_wait3A_449 = tpu.memref_slice %arg17[%dma_wait3A_447, %dma_wait3A_448] : memref<10240x64xf32, #tpu.memory_space<vmem_shared>> -> memref<10240x64xf32, #tpu.memory_space<vmem_shared>>
        tpu.wait_indirect_dma semaphore(%arg19 : memref<!tpu.dma_semaphore, #tpu.memory_space<semaphore_mem>>) src(%arg11 : memref<125x64xf32, #tpu.memory_space<vmem>>) dst(%dma_wait3A_449 : memref<10240x64xf32, #tpu.memory_space<vmem_shared>>)
      } else {
      }
      %add3A_342 = arith.constant 6 : i32
      %add3A_343 = arith.addi %add3A_319, %add3A_342 : i32
      %lt3A_344 = arith.constant 80 : i32
      %lt3A_345 = arith.cmpi slt, %add3A_343, %lt3A_344 : i32
      %convert_element_type3A_346 = arith.extui %lt3A_345 : i1 to i32
      %cond3A_347 = arith.constant 0 : i32
      %cond3A_348 = arith.cmpi ne, %convert_element_type3A_346, %cond3A_347 : i32
      scf.if %cond3A_348 {
        %add3A_443 = arith.constant 6 : i32
        %add3A_444 = arith.addi %add3A_319, %add3A_443 : i32
        %dma_start3A_445 = arith.constant 0 : i32
        %dma_start3A_446 = tpu.memref_slice %arg7[%add3A_444, %dma_start3A_445] : memref<80x125xi32, #tpu.memory_space<vmem>> -> memref<1x125xi32, #tpu.memory_space<vmem>>
        %dma_start3A_447 = tpu.memref_squeeze %dma_start3A_446 : memref<1x125xi32, #tpu.memory_space<vmem>> -> memref<125xi32, #tpu.memory_space<vmem>>
        %dma_start3A_448 = arith.constant 0 : i32
        %dma_start3A_449 = arith.constant 0 : i32
        %dma_start3A_450 = tpu.memref_slice %arg2[%add3A_97, %dma_start3A_448, %dma_start3A_449] : memref<4x10240x64xf32, #tpu.memory_space<hbm>> -> memref<1x10240x64xf32, #tpu.memory_space<hbm>>
        %dma_start3A_451 = tpu.memref_squeeze %dma_start3A_450 : memref<1x10240x64xf32, #tpu.memory_space<hbm>> -> memref<10240x64xf32, #tpu.memory_space<hbm>>
        %dma_start3A_452 = arith.constant 0 : i32
        %dma_start3A_453 = arith.constant 0 : i32
        %dma_start3A_454 = tpu.memref_slice %dma_start3A_451[%dma_start3A_452, %dma_start3A_453] : memref<10240x64xf32, #tpu.memory_space<hbm>> -> memref<10240x64xf32, #tpu.memory_space<hbm>>
        tpu.enqueue_indirect_dma source(%dma_start3A_454 : memref<10240x64xf32, #tpu.memory_space<hbm>>) target(%arg11 : memref<125x64xf32, #tpu.memory_space<vmem>>) offsets(%dma_start3A_447 : memref<125xi32, #tpu.memory_space<vmem>>) semaphore(%arg18 : memref<!tpu.dma_semaphore, #tpu.memory_space<semaphore_mem>>)
      } else {
      }
      %add3A_349 = arith.constant 5 : i32
      %add3A_350 = arith.addi %mul3A_197, %add3A_349 : i32
      %dma_wait3A_351 = arith.constant 0 : i32
      %dma_wait3A_352 = arith.constant 0 : i32
      %dma_wait3A_353 = tpu.memref_slice %arg7[%dma_wait3A_351, %dma_wait3A_352] : memref<80x125xi32, #tpu.memory_space<vmem>> -> memref<1x125xi32, #tpu.memory_space<vmem>>
      %dma_wait3A_354 = tpu.memref_squeeze %dma_wait3A_353 : memref<1x125xi32, #tpu.memory_space<vmem>> -> memref<125xi32, #tpu.memory_space<vmem>>
      %dma_wait3A_355 = arith.constant 0 : i32
      %dma_wait3A_356 = arith.constant 0 : i32
      %dma_wait3A_357 = tpu.memref_slice %arg2[%add3A_97, %dma_wait3A_355, %dma_wait3A_356] : memref<4x10240x64xf32, #tpu.memory_space<hbm>> -> memref<1x10240x64xf32, #tpu.memory_space<hbm>>
      %dma_wait3A_358 = tpu.memref_squeeze %dma_wait3A_357 : memref<1x10240x64xf32, #tpu.memory_space<hbm>> -> memref<10240x64xf32, #tpu.memory_space<hbm>>
      %dma_wait3A_359 = arith.constant 0 : i32
      %dma_wait3A_360 = arith.constant 0 : i32
      %dma_wait3A_361 = tpu.memref_slice %dma_wait3A_358[%dma_wait3A_359, %dma_wait3A_360] : memref<10240x64xf32, #tpu.memory_space<hbm>> -> memref<10240x64xf32, #tpu.memory_space<hbm>>
      tpu.wait_indirect_dma semaphore(%arg18 : memref<!tpu.dma_semaphore, #tpu.memory_space<semaphore_mem>>) src(%dma_wait3A_361 : memref<10240x64xf32, #tpu.memory_space<hbm>>) dst(%arg14 : memref<125x64xf32, #tpu.memory_space<vmem>>)
      %dma_start3A_362 = arith.constant 0 : i32
      %dma_start3A_363 = tpu.memref_slice %arg8[%add3A_350, %dma_start3A_362] : memref<80x125xi32, #tpu.memory_space<vmem>> -> memref<1x125xi32, #tpu.memory_space<vmem>>
      %dma_start3A_364 = tpu.memref_squeeze %dma_start3A_363 : memref<1x125xi32, #tpu.memory_space<vmem>> -> memref<125xi32, #tpu.memory_space<vmem>>
      %dma_start3A_365 = arith.constant 0 : i32
      %dma_start3A_366 = arith.constant 0 : i32
      %dma_start3A_367 = tpu.memref_slice %arg17[%dma_start3A_365, %dma_start3A_366] : memref<10240x64xf32, #tpu.memory_space<vmem_shared>> -> memref<10240x64xf32, #tpu.memory_space<vmem_shared>>
      tpu.enqueue_indirect_dma source(%arg14 : memref<125x64xf32, #tpu.memory_space<vmem>>) target(%dma_start3A_367 : memref<10240x64xf32, #tpu.memory_space<vmem_shared>>) offsets(%dma_start3A_364 : memref<125xi32, #tpu.memory_space<vmem>>) semaphore(%arg19 : memref<!tpu.dma_semaphore, #tpu.memory_space<semaphore_mem>>) {add = true}
      %ge3A_368 = arith.constant 2 : i32
      %ge3A_369 = arith.cmpi sge, %add3A_350, %ge3A_368 : i32
      %convert_element_type3A_370 = arith.extui %ge3A_369 : i1 to i32
      %cond3A_371 = arith.constant 0 : i32
      %cond3A_372 = arith.cmpi ne, %convert_element_type3A_370, %cond3A_371 : i32
      scf.if %cond3A_372 {
        %dma_wait3A_443 = arith.constant 0 : i32
        %dma_wait3A_444 = arith.constant 0 : i32
        %dma_wait3A_445 = tpu.memref_slice %arg8[%dma_wait3A_443, %dma_wait3A_444] : memref<80x125xi32, #tpu.memory_space<vmem>> -> memref<1x125xi32, #tpu.memory_space<vmem>>
        %dma_wait3A_446 = tpu.memref_squeeze %dma_wait3A_445 : memref<1x125xi32, #tpu.memory_space<vmem>> -> memref<125xi32, #tpu.memory_space<vmem>>
        %dma_wait3A_447 = arith.constant 0 : i32
        %dma_wait3A_448 = arith.constant 0 : i32
        %dma_wait3A_449 = tpu.memref_slice %arg17[%dma_wait3A_447, %dma_wait3A_448] : memref<10240x64xf32, #tpu.memory_space<vmem_shared>> -> memref<10240x64xf32, #tpu.memory_space<vmem_shared>>
        tpu.wait_indirect_dma semaphore(%arg19 : memref<!tpu.dma_semaphore, #tpu.memory_space<semaphore_mem>>) src(%arg12 : memref<125x64xf32, #tpu.memory_space<vmem>>) dst(%dma_wait3A_449 : memref<10240x64xf32, #tpu.memory_space<vmem_shared>>)
      } else {
      }
      %add3A_373 = arith.constant 6 : i32
      %add3A_374 = arith.addi %add3A_350, %add3A_373 : i32
      %lt3A_375 = arith.constant 80 : i32
      %lt3A_376 = arith.cmpi slt, %add3A_374, %lt3A_375 : i32
      %convert_element_type3A_377 = arith.extui %lt3A_376 : i1 to i32
      %cond3A_378 = arith.constant 0 : i32
      %cond3A_379 = arith.cmpi ne, %convert_element_type3A_377, %cond3A_378 : i32
      scf.if %cond3A_379 {
        %add3A_443 = arith.constant 6 : i32
        %add3A_444 = arith.addi %add3A_350, %add3A_443 : i32
        %dma_start3A_445 = arith.constant 0 : i32
        %dma_start3A_446 = tpu.memref_slice %arg7[%add3A_444, %dma_start3A_445] : memref<80x125xi32, #tpu.memory_space<vmem>> -> memref<1x125xi32, #tpu.memory_space<vmem>>
        %dma_start3A_447 = tpu.memref_squeeze %dma_start3A_446 : memref<1x125xi32, #tpu.memory_space<vmem>> -> memref<125xi32, #tpu.memory_space<vmem>>
        %dma_start3A_448 = arith.constant 0 : i32
        %dma_start3A_449 = arith.constant 0 : i32
        %dma_start3A_450 = tpu.memref_slice %arg2[%add3A_97, %dma_start3A_448, %dma_start3A_449] : memref<4x10240x64xf32, #tpu.memory_space<hbm>> -> memref<1x10240x64xf32, #tpu.memory_space<hbm>>
        %dma_start3A_451 = tpu.memref_squeeze %dma_start3A_450 : memref<1x10240x64xf32, #tpu.memory_space<hbm>> -> memref<10240x64xf32, #tpu.memory_space<hbm>>
        %dma_start3A_452 = arith.constant 0 : i32
        %dma_start3A_453 = arith.constant 0 : i32
        %dma_start3A_454 = tpu.memref_slice %dma_start3A_451[%dma_start3A_452, %dma_start3A_453] : memref<10240x64xf32, #tpu.memory_space<hbm>> -> memref<10240x64xf32, #tpu.memory_space<hbm>>
        tpu.enqueue_indirect_dma source(%dma_start3A_454 : memref<10240x64xf32, #tpu.memory_space<hbm>>) target(%arg12 : memref<125x64xf32, #tpu.memory_space<vmem>>) offsets(%dma_start3A_447 : memref<125xi32, #tpu.memory_space<vmem>>) semaphore(%arg18 : memref<!tpu.dma_semaphore, #tpu.memory_space<semaphore_mem>>)
      } else {
      }
      %add3A_380 = arith.constant 6 : i32
      %add3A_381 = arith.addi %mul3A_197, %add3A_380 : i32
      %dma_wait3A_382 = arith.constant 0 : i32
      %dma_wait3A_383 = arith.constant 0 : i32
      %dma_wait3A_384 = tpu.memref_slice %arg7[%dma_wait3A_382, %dma_wait3A_383] : memref<80x125xi32, #tpu.memory_space<vmem>> -> memref<1x125xi32, #tpu.memory_space<vmem>>
      %dma_wait3A_385 = tpu.memref_squeeze %dma_wait3A_384 : memref<1x125xi32, #tpu.memory_space<vmem>> -> memref<125xi32, #tpu.memory_space<vmem>>
      %dma_wait3A_386 = arith.constant 0 : i32
      %dma_wait3A_387 = arith.constant 0 : i32
      %dma_wait3A_388 = tpu.memref_slice %arg2[%add3A_97, %dma_wait3A_386, %dma_wait3A_387] : memref<4x10240x64xf32, #tpu.memory_space<hbm>> -> memref<1x10240x64xf32, #tpu.memory_space<hbm>>
      %dma_wait3A_389 = tpu.memref_squeeze %dma_wait3A_388 : memref<1x10240x64xf32, #tpu.memory_space<hbm>> -> memref<10240x64xf32, #tpu.memory_space<hbm>>
      %dma_wait3A_390 = arith.constant 0 : i32
      %dma_wait3A_391 = arith.constant 0 : i32
      %dma_wait3A_392 = tpu.memref_slice %dma_wait3A_389[%dma_wait3A_390, %dma_wait3A_391] : memref<10240x64xf32, #tpu.memory_space<hbm>> -> memref<10240x64xf32, #tpu.memory_space<hbm>>
      tpu.wait_indirect_dma semaphore(%arg18 : memref<!tpu.dma_semaphore, #tpu.memory_space<semaphore_mem>>) src(%dma_wait3A_392 : memref<10240x64xf32, #tpu.memory_space<hbm>>) dst(%arg15 : memref<125x64xf32, #tpu.memory_space<vmem>>)
      %dma_start3A_393 = arith.constant 0 : i32
      %dma_start3A_394 = tpu.memref_slice %arg8[%add3A_381, %dma_start3A_393] : memref<80x125xi32, #tpu.memory_space<vmem>> -> memref<1x125xi32, #tpu.memory_space<vmem>>
      %dma_start3A_395 = tpu.memref_squeeze %dma_start3A_394 : memref<1x125xi32, #tpu.memory_space<vmem>> -> memref<125xi32, #tpu.memory_space<vmem>>
      %dma_start3A_396 = arith.constant 0 : i32
      %dma_start3A_397 = arith.constant 0 : i32
      %dma_start3A_398 = tpu.memref_slice %arg17[%dma_start3A_396, %dma_start3A_397] : memref<10240x64xf32, #tpu.memory_space<vmem_shared>> -> memref<10240x64xf32, #tpu.memory_space<vmem_shared>>
      tpu.enqueue_indirect_dma source(%arg15 : memref<125x64xf32, #tpu.memory_space<vmem>>) target(%dma_start3A_398 : memref<10240x64xf32, #tpu.memory_space<vmem_shared>>) offsets(%dma_start3A_395 : memref<125xi32, #tpu.memory_space<vmem>>) semaphore(%arg19 : memref<!tpu.dma_semaphore, #tpu.memory_space<semaphore_mem>>) {add = true}
      %ge3A_399 = arith.constant 2 : i32
      %ge3A_400 = arith.cmpi sge, %add3A_381, %ge3A_399 : i32
      %convert_element_type3A_401 = arith.extui %ge3A_400 : i1 to i32
      %cond3A_402 = arith.constant 0 : i32
      %cond3A_403 = arith.cmpi ne, %convert_element_type3A_401, %cond3A_402 : i32
      scf.if %cond3A_403 {
        %dma_wait3A_443 = arith.constant 0 : i32
        %dma_wait3A_444 = arith.constant 0 : i32
        %dma_wait3A_445 = tpu.memref_slice %arg8[%dma_wait3A_443, %dma_wait3A_444] : memref<80x125xi32, #tpu.memory_space<vmem>> -> memref<1x125xi32, #tpu.memory_space<vmem>>
        %dma_wait3A_446 = tpu.memref_squeeze %dma_wait3A_445 : memref<1x125xi32, #tpu.memory_space<vmem>> -> memref<125xi32, #tpu.memory_space<vmem>>
        %dma_wait3A_447 = arith.constant 0 : i32
        %dma_wait3A_448 = arith.constant 0 : i32
        %dma_wait3A_449 = tpu.memref_slice %arg17[%dma_wait3A_447, %dma_wait3A_448] : memref<10240x64xf32, #tpu.memory_space<vmem_shared>> -> memref<10240x64xf32, #tpu.memory_space<vmem_shared>>
        tpu.wait_indirect_dma semaphore(%arg19 : memref<!tpu.dma_semaphore, #tpu.memory_space<semaphore_mem>>) src(%arg13 : memref<125x64xf32, #tpu.memory_space<vmem>>) dst(%dma_wait3A_449 : memref<10240x64xf32, #tpu.memory_space<vmem_shared>>)
      } else {
      }
      %add3A_404 = arith.constant 6 : i32
      %add3A_405 = arith.addi %add3A_381, %add3A_404 : i32
      %lt3A_406 = arith.constant 80 : i32
      %lt3A_407 = arith.cmpi slt, %add3A_405, %lt3A_406 : i32
      %convert_element_type3A_408 = arith.extui %lt3A_407 : i1 to i32
      %cond3A_409 = arith.constant 0 : i32
      %cond3A_410 = arith.cmpi ne, %convert_element_type3A_408, %cond3A_409 : i32
      scf.if %cond3A_410 {
        %add3A_443 = arith.constant 6 : i32
        %add3A_444 = arith.addi %add3A_381, %add3A_443 : i32
        %dma_start3A_445 = arith.constant 0 : i32
        %dma_start3A_446 = tpu.memref_slice %arg7[%add3A_444, %dma_start3A_445] : memref<80x125xi32, #tpu.memory_space<vmem>> -> memref<1x125xi32, #tpu.memory_space<vmem>>
        %dma_start3A_447 = tpu.memref_squeeze %dma_start3A_446 : memref<1x125xi32, #tpu.memory_space<vmem>> -> memref<125xi32, #tpu.memory_space<vmem>>
        %dma_start3A_448 = arith.constant 0 : i32
        %dma_start3A_449 = arith.constant 0 : i32
        %dma_start3A_450 = tpu.memref_slice %arg2[%add3A_97, %dma_start3A_448, %dma_start3A_449] : memref<4x10240x64xf32, #tpu.memory_space<hbm>> -> memref<1x10240x64xf32, #tpu.memory_space<hbm>>
        %dma_start3A_451 = tpu.memref_squeeze %dma_start3A_450 : memref<1x10240x64xf32, #tpu.memory_space<hbm>> -> memref<10240x64xf32, #tpu.memory_space<hbm>>
        %dma_start3A_452 = arith.constant 0 : i32
        %dma_start3A_453 = arith.constant 0 : i32
        %dma_start3A_454 = tpu.memref_slice %dma_start3A_451[%dma_start3A_452, %dma_start3A_453] : memref<10240x64xf32, #tpu.memory_space<hbm>> -> memref<10240x64xf32, #tpu.memory_space<hbm>>
        tpu.enqueue_indirect_dma source(%dma_start3A_454 : memref<10240x64xf32, #tpu.memory_space<hbm>>) target(%arg13 : memref<125x64xf32, #tpu.memory_space<vmem>>) offsets(%dma_start3A_447 : memref<125xi32, #tpu.memory_space<vmem>>) semaphore(%arg18 : memref<!tpu.dma_semaphore, #tpu.memory_space<semaphore_mem>>)
      } else {
      }
      %add3A_411 = arith.constant 7 : i32
      %add3A_412 = arith.addi %mul3A_197, %add3A_411 : i32
      %dma_wait3A_413 = arith.constant 0 : i32
      %dma_wait3A_414 = arith.constant 0 : i32
      %dma_wait3A_415 = tpu.memref_slice %arg7[%dma_wait3A_413, %dma_wait3A_414] : memref<80x125xi32, #tpu.memory_space<vmem>> -> memref<1x125xi32, #tpu.memory_space<vmem>>
      %dma_wait3A_416 = tpu.memref_squeeze %dma_wait3A_415 : memref<1x125xi32, #tpu.memory_space<vmem>> -> memref<125xi32, #tpu.memory_space<vmem>>
      %dma_wait3A_417 = arith.constant 0 : i32
      %dma_wait3A_418 = arith.constant 0 : i32
      %dma_wait3A_419 = tpu.memref_slice %arg2[%add3A_97, %dma_wait3A_417, %dma_wait3A_418] : memref<4x10240x64xf32, #tpu.memory_space<hbm>> -> memref<1x10240x64xf32, #tpu.memory_space<hbm>>
      %dma_wait3A_420 = tpu.memref_squeeze %dma_wait3A_419 : memref<1x10240x64xf32, #tpu.memory_space<hbm>> -> memref<10240x64xf32, #tpu.memory_space<hbm>>
      %dma_wait3A_421 = arith.constant 0 : i32
      %dma_wait3A_422 = arith.constant 0 : i32
      %dma_wait3A_423 = tpu.memref_slice %dma_wait3A_420[%dma_wait3A_421, %dma_wait3A_422] : memref<10240x64xf32, #tpu.memory_space<hbm>> -> memref<10240x64xf32, #tpu.memory_space<hbm>>
      tpu.wait_indirect_dma semaphore(%arg18 : memref<!tpu.dma_semaphore, #tpu.memory_space<semaphore_mem>>) src(%dma_wait3A_423 : memref<10240x64xf32, #tpu.memory_space<hbm>>) dst(%arg16 : memref<125x64xf32, #tpu.memory_space<vmem>>)
      %dma_start3A_424 = arith.constant 0 : i32
      %dma_start3A_425 = tpu.memref_slice %arg8[%add3A_412, %dma_start3A_424] : memref<80x125xi32, #tpu.memory_space<vmem>> -> memref<1x125xi32, #tpu.memory_space<vmem>>
      %dma_start3A_426 = tpu.memref_squeeze %dma_start3A_425 : memref<1x125xi32, #tpu.memory_space<vmem>> -> memref<125xi32, #tpu.memory_space<vmem>>
      %dma_start3A_427 = arith.constant 0 : i32
      %dma_start3A_428 = arith.constant 0 : i32
      %dma_start3A_429 = tpu.memref_slice %arg17[%dma_start3A_427, %dma_start3A_428] : memref<10240x64xf32, #tpu.memory_space<vmem_shared>> -> memref<10240x64xf32, #tpu.memory_space<vmem_shared>>
      tpu.enqueue_indirect_dma source(%arg16 : memref<125x64xf32, #tpu.memory_space<vmem>>) target(%dma_start3A_429 : memref<10240x64xf32, #tpu.memory_space<vmem_shared>>) offsets(%dma_start3A_426 : memref<125xi32, #tpu.memory_space<vmem>>) semaphore(%arg19 : memref<!tpu.dma_semaphore, #tpu.memory_space<semaphore_mem>>) {add = true}
      %ge3A_430 = arith.constant 2 : i32
      %ge3A_431 = arith.cmpi sge, %add3A_412, %ge3A_430 : i32
      %convert_element_type3A_432 = arith.extui %ge3A_431 : i1 to i32
      %cond3A_433 = arith.constant 0 : i32
      %cond3A_434 = arith.cmpi ne, %convert_element_type3A_432, %cond3A_433 : i32
      scf.if %cond3A_434 {
        %dma_wait3A_443 = arith.constant 0 : i32
        %dma_wait3A_444 = arith.constant 0 : i32
        %dma_wait3A_445 = tpu.memref_slice %arg8[%dma_wait3A_443, %dma_wait3A_444] : memref<80x125xi32, #tpu.memory_space<vmem>> -> memref<1x125xi32, #tpu.memory_space<vmem>>
        %dma_wait3A_446 = tpu.memref_squeeze %dma_wait3A_445 : memref<1x125xi32, #tpu.memory_space<vmem>> -> memref<125xi32, #tpu.memory_space<vmem>>
        %dma_wait3A_447 = arith.constant 0 : i32
        %dma_wait3A_448 = arith.constant 0 : i32
        %dma_wait3A_449 = tpu.memref_slice %arg17[%dma_wait3A_447, %dma_wait3A_448] : memref<10240x64xf32, #tpu.memory_space<vmem_shared>> -> memref<10240x64xf32, #tpu.memory_space<vmem_shared>>
        tpu.wait_indirect_dma semaphore(%arg19 : memref<!tpu.dma_semaphore, #tpu.memory_space<semaphore_mem>>) src(%arg14 : memref<125x64xf32, #tpu.memory_space<vmem>>) dst(%dma_wait3A_449 : memref<10240x64xf32, #tpu.memory_space<vmem_shared>>)
      } else {
      }
      %add3A_435 = arith.constant 6 : i32
      %add3A_436 = arith.addi %add3A_412, %add3A_435 : i32
      %lt3A_437 = arith.constant 80 : i32
      %lt3A_438 = arith.cmpi slt, %add3A_436, %lt3A_437 : i32
      %convert_element_type3A_439 = arith.extui %lt3A_438 : i1 to i32
      %cond3A_440 = arith.constant 0 : i32
      %cond3A_441 = arith.cmpi ne, %convert_element_type3A_439, %cond3A_440 : i32
      scf.if %cond3A_441 {
        %add3A_443 = arith.constant 6 : i32
        %add3A_444 = arith.addi %add3A_412, %add3A_443 : i32
        %dma_start3A_445 = arith.constant 0 : i32
        %dma_start3A_446 = tpu.memref_slice %arg7[%add3A_444, %dma_start3A_445] : memref<80x125xi32, #tpu.memory_space<vmem>> -> memref<1x125xi32, #tpu.memory_space<vmem>>
        %dma_start3A_447 = tpu.memref_squeeze %dma_start3A_446 : memref<1x125xi32, #tpu.memory_space<vmem>> -> memref<125xi32, #tpu.memory_space<vmem>>
        %dma_start3A_448 = arith.constant 0 : i32
        %dma_start3A_449 = arith.constant 0 : i32
        %dma_start3A_450 = tpu.memref_slice %arg2[%add3A_97, %dma_start3A_448, %dma_start3A_449] : memref<4x10240x64xf32, #tpu.memory_space<hbm>> -> memref<1x10240x64xf32, #tpu.memory_space<hbm>>
        %dma_start3A_451 = tpu.memref_squeeze %dma_start3A_450 : memref<1x10240x64xf32, #tpu.memory_space<hbm>> -> memref<10240x64xf32, #tpu.memory_space<hbm>>
        %dma_start3A_452 = arith.constant 0 : i32
        %dma_start3A_453 = arith.constant 0 : i32
        %dma_start3A_454 = tpu.memref_slice %dma_start3A_451[%dma_start3A_452, %dma_start3A_453] : memref<10240x64xf32, #tpu.memory_space<hbm>> -> memref<10240x64xf32, #tpu.memory_space<hbm>>
        tpu.enqueue_indirect_dma source(%dma_start3A_454 : memref<10240x64xf32, #tpu.memory_space<hbm>>) target(%arg14 : memref<125x64xf32, #tpu.memory_space<vmem>>) offsets(%dma_start3A_447 : memref<125xi32, #tpu.memory_space<vmem>>) semaphore(%arg18 : memref<!tpu.dma_semaphore, #tpu.memory_space<semaphore_mem>>)
      } else {
      }
      %scan3A_442 = arith.constant 0 : i32
      scf.yield %scan3A_442 : i32
    }
    %scan3A_173 = arith.constant 10 : i32
    %dma_wait3A_174 = arith.constant 0 : i32
    %dma_wait3A_175 = arith.constant 0 : i32
    %dma_wait3A_176 = tpu.memref_slice %arg8[%dma_wait3A_174, %dma_wait3A_175] : memref<80x125xi32, #tpu.memory_space<vmem>> -> memref<1x125xi32, #tpu.memory_space<vmem>>
    %dma_wait3A_177 = tpu.memref_squeeze %dma_wait3A_176 : memref<1x125xi32, #tpu.memory_space<vmem>> -> memref<125xi32, #tpu.memory_space<vmem>>
    %dma_wait3A_178 = arith.constant 0 : i32
    %dma_wait3A_179 = arith.constant 0 : i32
    %dma_wait3A_180 = tpu.memref_slice %arg17[%dma_wait3A_178, %dma_wait3A_179] : memref<10240x64xf32, #tpu.memory_space<vmem_shared>> -> memref<10240x64xf32, #tpu.memory_space<vmem_shared>>
    tpu.wait_indirect_dma semaphore(%arg19 : memref<!tpu.dma_semaphore, #tpu.memory_space<semaphore_mem>>) src(%arg15 : memref<125x64xf32, #tpu.memory_space<vmem>>) dst(%dma_wait3A_180 : memref<10240x64xf32, #tpu.memory_space<vmem_shared>>)
    %dma_wait3A_181 = arith.constant 0 : i32
    %dma_wait3A_182 = arith.constant 0 : i32
    %dma_wait3A_183 = tpu.memref_slice %arg8[%dma_wait3A_181, %dma_wait3A_182] : memref<80x125xi32, #tpu.memory_space<vmem>> -> memref<1x125xi32, #tpu.memory_space<vmem>>
    %dma_wait3A_184 = tpu.memref_squeeze %dma_wait3A_183 : memref<1x125xi32, #tpu.memory_space<vmem>> -> memref<125xi32, #tpu.memory_space<vmem>>
    %dma_wait3A_185 = arith.constant 0 : i32
    %dma_wait3A_186 = arith.constant 0 : i32
    %dma_wait3A_187 = tpu.memref_slice %arg17[%dma_wait3A_185, %dma_wait3A_186] : memref<10240x64xf32, #tpu.memory_space<vmem_shared>> -> memref<10240x64xf32, #tpu.memory_space<vmem_shared>>
    tpu.wait_indirect_dma semaphore(%arg19 : memref<!tpu.dma_semaphore, #tpu.memory_space<semaphore_mem>>) src(%arg16 : memref<125x64xf32, #tpu.memory_space<vmem>>) dst(%dma_wait3A_187 : memref<10240x64xf32, #tpu.memory_space<vmem_shared>>)
    %barrier3A_188 = arith.constant 0 : index
    tpu.barrier barrier_id(%barrier3A_188)
    %mul3A_189 = arith.constant 640 : i32
    %mul3A_190 = arith.muli %arg1, %mul3A_189 : i32
    %mul3A_191 = arith.constant 640 : i32
    %mul3A_192 = arith.muli %arg1, %mul3A_191 : i32
    "tpu.region"() ({
      %run_scoped3A = tpu.sem_alloc : memref<!tpu.dma_semaphore, #tpu.memory_space<semaphore_mem>>
      %dma_start3A_194 = arith.constant 0 : i32
      %dma_start3A_195 = tpu.memref_slice %arg6[%add3A_97, %mul3A_192, %dma_start3A_194] : memref<4x10240x64xf32, #tpu.memory_space<hbm>> -> memref<1x640x64xf32, #tpu.memory_space<hbm>>
      %dma_start3A_196 = tpu.memref_squeeze %dma_start3A_195 : memref<1x640x64xf32, #tpu.memory_space<hbm>> -> memref<640x64xf32, #tpu.memory_space<hbm>>
      %dma_start3A_197 = arith.constant 0 : i32
      %dma_start3A_198 = tpu.memref_slice %arg17[%mul3A_190, %dma_start3A_197] : memref<10240x64xf32, #tpu.memory_space<vmem_shared>> -> memref<640x64xf32, #tpu.memory_space<vmem_shared>>
      tpu.enqueue_dma source(%dma_start3A_198 : memref<640x64xf32, #tpu.memory_space<vmem_shared>>) target(%dma_start3A_196 : memref<640x64xf32, #tpu.memory_space<hbm>>) target_semaphore(%run_scoped3A : memref<!tpu.dma_semaphore, #tpu.memory_space<semaphore_mem>>)
      %dma_wait3A_199 = arith.constant 0 : i32
      %dma_wait3A_200 = tpu.memref_slice %arg6[%add3A_97, %mul3A_192, %dma_wait3A_199] : memref<4x10240x64xf32, #tpu.memory_space<hbm>> -> memref<1x640x64xf32, #tpu.memory_space<hbm>>
      %dma_wait3A_201 = tpu.memref_squeeze %dma_wait3A_200 : memref<1x640x64xf32, #tpu.memory_space<hbm>> -> memref<640x64xf32, #tpu.memory_space<hbm>>
      %dma_wait3A_202 = arith.constant 0 : i32
      %dma_wait3A_203 = tpu.memref_slice %arg17[%mul3A_190, %dma_wait3A_202] : memref<10240x64xf32, #tpu.memory_space<vmem_shared>> -> memref<640x64xf32, #tpu.memory_space<vmem_shared>>
      tpu.wait_dma2 semaphore(%run_scoped3A : memref<!tpu.dma_semaphore, #tpu.memory_space<semaphore_mem>>) src(%dma_wait3A_203 : memref<640x64xf32, #tpu.memory_space<vmem_shared>>) dst(%dma_wait3A_201 : memref<640x64xf32, #tpu.memory_space<hbm>>)
      tpu.yield
    }) : () -> ()
    %barrier3A_193 = arith.constant 0 : index
    tpu.barrier barrier_id(%barrier3A_193)
    return
  }
}

module attributes {stable_mosaic.version = 14 : i64} {
  func.func @_prep_body(%arg0: i32, %arg1: memref<2048x256xf32, #tpu.memory_space<vmem>>, %arg2: memref<16x128xf32, #tpu.memory_space<vmem>>, %arg3: memref<16x128xf32, #tpu.memory_space<vmem>>, %arg4: memref<4x2048x64xf32, #tpu.memory_space<vmem>>, %arg5: memref<16x128xf32, #tpu.memory_space<vmem>>, %arg6: memref<16x128xf32, #tpu.memory_space<vmem>>) attributes {dimension_semantics = [#tpu.dimension_semantics<arbitrary>], iteration_bounds = array<i64: 5>, scalar_prefetch = 0 : i64, scratch_operands = 0 : i64, tpu.core_type = #tpu.core_type<tc>, window_params = [{transform_indices = @transform_0, window_bounds = array<i64: 2048, 256>}, {transform_indices = @transform_1, window_bounds = array<i64: 16, 128>}, {transform_indices = @transform_2, window_bounds = array<i64: 16, 128>}, {transform_indices = @transform_3, window_bounds = array<i64: 4, 2048, 64>}, {transform_indices = @transform_4, window_bounds = array<i64: 16, 128>}, {transform_indices = @transform_5, window_bounds = array<i64: 16, 128>}]} {
    %get3A = arith.constant 0 : index
    %get3A_0 = arith.constant 0 : index
    %get3A_1 = vector.load %arg2[%get3A, %get3A_0] : memref<16x128xf32, #tpu.memory_space<vmem>>, vector<16x128xf32>
    %max3A = arith.constant 1.000000e+00 : f32
    %max3A_2 = vector.broadcast %max3A : f32 to vector<16x128xf32>
    %max3A_3 = arith.maximumf %get3A_1, %max3A_2 : vector<16x128xf32>
    %rsqrt3A = math.rsqrt %max3A_3 : vector<16x128xf32>
    %get3A_4 = arith.constant 0 : index
    %get3A_5 = arith.constant 0 : index
    %get3A_6 = vector.load %arg3[%get3A_4, %get3A_5] : memref<16x128xf32, #tpu.memory_space<vmem>>, vector<16x128xf32>
    %max3A_7 = arith.constant 1.000000e+00 : f32
    %max3A_8 = vector.broadcast %max3A_7 : f32 to vector<16x128xf32>
    %max3A_9 = arith.maximumf %get3A_6, %max3A_8 : vector<16x128xf32>
    %rsqrt3A_10 = math.rsqrt %max3A_9 : vector<16x128xf32>
    %get3A_11 = arith.constant 0 : index
    %get3A_12 = arith.constant 0 : index
    %get3A_13 = vector.load %arg1[%get3A_11, %get3A_12] : memref<2048x256xf32, #tpu.memory_space<vmem>>, vector<2048x256xf32>
    %reshape3A = vector.shape_cast %get3A_13 : vector<2048x256xf32> to vector<16x128x256xf32>
    %broadcast_in_dim3A = vector.shape_cast %rsqrt3A : vector<16x128xf32> to vector<16x128x1xf32>
    %mul3A = vector.broadcast %broadcast_in_dim3A : vector<16x128x1xf32> to vector<16x128x256xf32>
    %mul3A_14 = arith.mulf %reshape3A, %mul3A : vector<16x128x256xf32>
    %slice3A = vector.extract_strided_slice %mul3A_14 {offsets = [0, 0, 0], sizes = [16, 128, 64], strides = [1, 1, 1]} : vector<16x128x256xf32> to vector<16x128x64xf32>
    %reshape3A_15 = vector.shape_cast %slice3A : vector<16x128x64xf32> to vector<2048x64xf32>
    %swap3A = arith.constant 0 : index
    %swap3A_16 = arith.constant 0 : index
    %swap3A_17 = arith.constant 0 : index
    %swap3A_18 = vector.load %arg4[%swap3A, %swap3A_16, %swap3A_17] : memref<4x2048x64xf32, #tpu.memory_space<vmem>>, vector<1x2048x64xf32>
    %swap3A_19 = vector.shape_cast %swap3A_18 : vector<1x2048x64xf32> to vector<2048x64xf32>
    %swap3A_20 = vector.shape_cast %reshape3A_15 : vector<2048x64xf32> to vector<1x2048x64xf32>
    tpu.vector_store %arg4[%swap3A, %swap3A_16, %swap3A_17], %swap3A_20 {strides = array<i32>} : memref<4x2048x64xf32, #tpu.memory_space<vmem>>, vector<1x2048x64xf32>,
    %slice3A_21 = vector.extract_strided_slice %mul3A_14 {offsets = [0, 0, 64], sizes = [16, 128, 64], strides = [1, 1, 1]} : vector<16x128x256xf32> to vector<16x128x64xf32>
    %reshape3A_22 = vector.shape_cast %slice3A_21 : vector<16x128x64xf32> to vector<2048x64xf32>
    %swap3A_23 = arith.constant 1 : index
    %swap3A_24 = arith.constant 0 : index
    %swap3A_25 = arith.constant 0 : index
    %swap3A_26 = vector.load %arg4[%swap3A_23, %swap3A_24, %swap3A_25] : memref<4x2048x64xf32, #tpu.memory_space<vmem>>, vector<1x2048x64xf32>
    %swap3A_27 = vector.shape_cast %swap3A_26 : vector<1x2048x64xf32> to vector<2048x64xf32>
    %swap3A_28 = vector.shape_cast %reshape3A_22 : vector<2048x64xf32> to vector<1x2048x64xf32>
    tpu.vector_store %arg4[%swap3A_23, %swap3A_24, %swap3A_25], %swap3A_28 {strides = array<i32>} : memref<4x2048x64xf32, #tpu.memory_space<vmem>>, vector<1x2048x64xf32>,
    %slice3A_29 = vector.extract_strided_slice %mul3A_14 {offsets = [0, 0, 128], sizes = [16, 128, 64], strides = [1, 1, 1]} : vector<16x128x256xf32> to vector<16x128x64xf32>
    %reshape3A_30 = vector.shape_cast %slice3A_29 : vector<16x128x64xf32> to vector<2048x64xf32>
    %swap3A_31 = arith.constant 2 : index
    %swap3A_32 = arith.constant 0 : index
    %swap3A_33 = arith.constant 0 : index
    %swap3A_34 = vector.load %arg4[%swap3A_31, %swap3A_32, %swap3A_33] : memref<4x2048x64xf32, #tpu.memory_space<vmem>>, vector<1x2048x64xf32>
    %swap3A_35 = vector.shape_cast %swap3A_34 : vector<1x2048x64xf32> to vector<2048x64xf32>
    %swap3A_36 = vector.shape_cast %reshape3A_30 : vector<2048x64xf32> to vector<1x2048x64xf32>
    tpu.vector_store %arg4[%swap3A_31, %swap3A_32, %swap3A_33], %swap3A_36 {strides = array<i32>} : memref<4x2048x64xf32, #tpu.memory_space<vmem>>, vector<1x2048x64xf32>,
    %slice3A_37 = vector.extract_strided_slice %mul3A_14 {offsets = [0, 0, 192], sizes = [16, 128, 64], strides = [1, 1, 1]} : vector<16x128x256xf32> to vector<16x128x64xf32>
    %reshape3A_38 = vector.shape_cast %slice3A_37 : vector<16x128x64xf32> to vector<2048x64xf32>
    %swap3A_39 = arith.constant 3 : index
    %swap3A_40 = arith.constant 0 : index
    %swap3A_41 = arith.constant 0 : index
    %swap3A_42 = vector.load %arg4[%swap3A_39, %swap3A_40, %swap3A_41] : memref<4x2048x64xf32, #tpu.memory_space<vmem>>, vector<1x2048x64xf32>
    %swap3A_43 = vector.shape_cast %swap3A_42 : vector<1x2048x64xf32> to vector<2048x64xf32>
    %swap3A_44 = vector.shape_cast %reshape3A_38 : vector<2048x64xf32> to vector<1x2048x64xf32>
    tpu.vector_store %arg4[%swap3A_39, %swap3A_40, %swap3A_41], %swap3A_44 {strides = array<i32>} : memref<4x2048x64xf32, #tpu.memory_space<vmem>>, vector<1x2048x64xf32>,
    %swap3A_45 = arith.constant 0 : index
    %swap3A_46 = arith.constant 0 : index
    %swap3A_47 = vector.load %arg5[%swap3A_45, %swap3A_46] : memref<16x128xf32, #tpu.memory_space<vmem>>, vector<16x128xf32>
    tpu.vector_store %arg5[%swap3A_45, %swap3A_46], %rsqrt3A {strides = array<i32>} : memref<16x128xf32, #tpu.memory_space<vmem>>, vector<16x128xf32>,
    %swap3A_48 = arith.constant 0 : index
    %swap3A_49 = arith.constant 0 : index
    %swap3A_50 = vector.load %arg6[%swap3A_48, %swap3A_49] : memref<16x128xf32, #tpu.memory_space<vmem>>, vector<16x128xf32>
    tpu.vector_store %arg6[%swap3A_48, %swap3A_49], %rsqrt3A_10 {strides = array<i32>} : memref<16x128xf32, #tpu.memory_space<vmem>>, vector<16x128xf32>,
    return
  }
  func.func @transform_0(%arg0: i32) -> (i32, i32) {
    %c0_i32 = arith.constant 0 : i32
    %c0_i32_0 = arith.constant 0 : i32
    return %arg0, %c0_i32 : i32, i32
  }
  func.func @transform_1(%arg0: i32) -> (i32, i32) {
    %c0_i32 = arith.constant 0 : i32
    %c0_i32_0 = arith.constant 0 : i32
    return %arg0, %c0_i32 : i32, i32
  }
  func.func @transform_2(%arg0: i32) -> (i32, i32) {
    %c0_i32 = arith.constant 0 : i32
    %c0_i32_0 = arith.constant 0 : i32
    return %arg0, %c0_i32 : i32, i32
  }
  func.func @transform_3(%arg0: i32) -> (i32, i32, i32) {
    %c0_i32 = arith.constant 0 : i32
    %c0_i32_0 = arith.constant 0 : i32
    %c0_i32_1 = arith.constant 0 : i32
    return %c0_i32, %arg0, %c0_i32_0 : i32, i32, i32
  }
  func.func @transform_4(%arg0: i32) -> (i32, i32) {
    %c0_i32 = arith.constant 0 : i32
    %c0_i32_0 = arith.constant 0 : i32
    return %arg0, %c0_i32 : i32, i32
  }
  func.func @transform_5(%arg0: i32) -> (i32, i32) {
    %c0_i32 = arith.constant 0 : i32
    %c0_i32_0 = arith.constant 0 : i32
    return %arg0, %c0_i32 : i32, i32
  }
}

module attributes {stable_mosaic.version = 14 : i64} {
  func.func @_dense1_body(%arg0: i32, %arg1: memref<4x2048x64xf32, #tpu.memory_space<vmem>>, %arg2: memref<16x128xf32, #tpu.memory_space<vmem>>, %arg3: memref<16x128xf32, #tpu.memory_space<vmem>>, %arg4: memref<4x64x256xf32, #tpu.memory_space<vmem>>, %arg5: memref<1x256xf32, #tpu.memory_space<vmem>>, %arg6: memref<4x2048x64xf32, #tpu.memory_space<vmem>>) attributes {dimension_semantics = [#tpu.dimension_semantics<arbitrary>], iteration_bounds = array<i64: 5>, scalar_prefetch = 0 : i64, scratch_operands = 0 : i64, tpu.core_type = #tpu.core_type<tc>, window_params = [{transform_indices = @transform_0, window_bounds = array<i64: 4, 2048, 64>}, {transform_indices = @transform_1, window_bounds = array<i64: 16, 128>}, {transform_indices = @transform_2, window_bounds = array<i64: 16, 128>}, {pipeline_mode = #tpu.pipeline_mode<synchronous>, transform_indices = @transform_3, window_bounds = array<i64: 4, 64, 256>}, {pipeline_mode = #tpu.pipeline_mode<synchronous>, transform_indices = @transform_4, window_bounds = array<i64: 1, 256>}, {transform_indices = @transform_5, window_bounds = array<i64: 4, 2048, 64>}]} {
    %get3A = arith.constant 0 : index
    %get3A_0 = arith.constant 0 : index
    %get3A_1 = vector.load %arg2[%get3A, %get3A_0] : memref<16x128xf32, #tpu.memory_space<vmem>>, vector<16x128xf32>
    %broadcast_in_dim3A = vector.shape_cast %get3A_1 : vector<16x128xf32> to vector<16x128x1xf32>
    %get3A_2 = arith.constant 0 : index
    %get3A_3 = arith.constant 0 : index
    %get3A_4 = vector.load %arg5[%get3A_2, %get3A_3] : memref<1x256xf32, #tpu.memory_space<vmem>>, vector<1x256xf32>
    %get3A_5 = arith.constant 0 : index
    %get3A_6 = arith.constant 0 : index
    %get3A_7 = arith.constant 0 : index
    %get3A_8 = vector.load %arg1[%get3A_5, %get3A_6, %get3A_7] : memref<4x2048x64xf32, #tpu.memory_space<vmem>>, vector<1x2048x64xf32>
    %get3A_9 = vector.shape_cast %get3A_8 : vector<1x2048x64xf32> to vector<2048x64xf32>
    %reshape3A = vector.shape_cast %get3A_9 : vector<2048x64xf32> to vector<16x128x64xf32>
    %mul3A = vector.broadcast %broadcast_in_dim3A : vector<16x128x1xf32> to vector<16x128x64xf32>
    %mul3A_10 = arith.mulf %reshape3A, %mul3A : vector<16x128x64xf32>
    %reshape3A_11 = vector.shape_cast %mul3A_10 : vector<16x128x64xf32> to vector<2048x64xf32>
    %get3A_12 = arith.constant 0 : index
    %get3A_13 = arith.constant 0 : index
    %get3A_14 = arith.constant 0 : index
    %get3A_15 = vector.load %arg4[%get3A_12, %get3A_13, %get3A_14] : memref<4x64x256xf32, #tpu.memory_space<vmem>>, vector<1x64x256xf32>
    %get3A_16 = vector.shape_cast %get3A_15 : vector<1x64x256xf32> to vector<64x256xf32>
    %dot_general3A = arith.constant dense<0.000000e+00> : vector<2048x256xf32>
    %dot_general3A_17 = tpu.matmul %reshape3A_11, %get3A_16, %dot_general3A {dimension_numbers = #tpu.dot_dimension_numbers<[1], [0], [0], [1], [0, 0, 1, 1], [], []>, transpose_lhs_hint = false} : vector<2048x64xf32>, vector<64x256xf32>, vector<2048x256xf32> -> vector<2048x256xf32>
    %add3A = vector.broadcast %get3A_4 : vector<1x256xf32> to vector<2048x256xf32>
    %add3A_18 = arith.addf %add3A, %dot_general3A_17 : vector<2048x256xf32>
    %get3A_19 = arith.constant 1 : index
    %get3A_20 = arith.constant 0 : index
    %get3A_21 = arith.constant 0 : index
    %get3A_22 = vector.load %arg1[%get3A_19, %get3A_20, %get3A_21] : memref<4x2048x64xf32, #tpu.memory_space<vmem>>, vector<1x2048x64xf32>
    %get3A_23 = vector.shape_cast %get3A_22 : vector<1x2048x64xf32> to vector<2048x64xf32>
    %reshape3A_24 = vector.shape_cast %get3A_23 : vector<2048x64xf32> to vector<16x128x64xf32>
    %mul3A_25 = vector.broadcast %broadcast_in_dim3A : vector<16x128x1xf32> to vector<16x128x64xf32>
    %mul3A_26 = arith.mulf %reshape3A_24, %mul3A_25 : vector<16x128x64xf32>
    %reshape3A_27 = vector.shape_cast %mul3A_26 : vector<16x128x64xf32> to vector<2048x64xf32>
    %get3A_28 = arith.constant 1 : index
    %get3A_29 = arith.constant 0 : index
    %get3A_30 = arith.constant 0 : index
    %get3A_31 = vector.load %arg4[%get3A_28, %get3A_29, %get3A_30] : memref<4x64x256xf32, #tpu.memory_space<vmem>>, vector<1x64x256xf32>
    %get3A_32 = vector.shape_cast %get3A_31 : vector<1x64x256xf32> to vector<64x256xf32>
    %dot_general3A_33 = arith.constant dense<0.000000e+00> : vector<2048x256xf32>
    %dot_general3A_34 = tpu.matmul %reshape3A_27, %get3A_32, %dot_general3A_33 {dimension_numbers = #tpu.dot_dimension_numbers<[1], [0], [0], [1], [0, 0, 1, 1], [], []>, transpose_lhs_hint = false} : vector<2048x64xf32>, vector<64x256xf32>, vector<2048x256xf32> -> vector<2048x256xf32>
    %add3A_35 = arith.addf %add3A_18, %dot_general3A_34 : vector<2048x256xf32>
    %get3A_36 = arith.constant 2 : index
    %get3A_37 = arith.constant 0 : index
    %get3A_38 = arith.constant 0 : index
    %get3A_39 = vector.load %arg1[%get3A_36, %get3A_37, %get3A_38] : memref<4x2048x64xf32, #tpu.memory_space<vmem>>, vector<1x2048x64xf32>
    %get3A_40 = vector.shape_cast %get3A_39 : vector<1x2048x64xf32> to vector<2048x64xf32>
    %reshape3A_41 = vector.shape_cast %get3A_40 : vector<2048x64xf32> to vector<16x128x64xf32>
    %mul3A_42 = vector.broadcast %broadcast_in_dim3A : vector<16x128x1xf32> to vector<16x128x64xf32>
    %mul3A_43 = arith.mulf %reshape3A_41, %mul3A_42 : vector<16x128x64xf32>
    %reshape3A_44 = vector.shape_cast %mul3A_43 : vector<16x128x64xf32> to vector<2048x64xf32>
    %get3A_45 = arith.constant 2 : index
    %get3A_46 = arith.constant 0 : index
    %get3A_47 = arith.constant 0 : index
    %get3A_48 = vector.load %arg4[%get3A_45, %get3A_46, %get3A_47] : memref<4x64x256xf32, #tpu.memory_space<vmem>>, vector<1x64x256xf32>
    %get3A_49 = vector.shape_cast %get3A_48 : vector<1x64x256xf32> to vector<64x256xf32>
    %dot_general3A_50 = arith.constant dense<0.000000e+00> : vector<2048x256xf32>
    %dot_general3A_51 = tpu.matmul %reshape3A_44, %get3A_49, %dot_general3A_50 {dimension_numbers = #tpu.dot_dimension_numbers<[1], [0], [0], [1], [0, 0, 1, 1], [], []>, transpose_lhs_hint = false} : vector<2048x64xf32>, vector<64x256xf32>, vector<2048x256xf32> -> vector<2048x256xf32>
    %add3A_52 = arith.addf %add3A_35, %dot_general3A_51 : vector<2048x256xf32>
    %get3A_53 = arith.constant 3 : index
    %get3A_54 = arith.constant 0 : index
    %get3A_55 = arith.constant 0 : index
    %get3A_56 = vector.load %arg1[%get3A_53, %get3A_54, %get3A_55] : memref<4x2048x64xf32, #tpu.memory_space<vmem>>, vector<1x2048x64xf32>
    %get3A_57 = vector.shape_cast %get3A_56 : vector<1x2048x64xf32> to vector<2048x64xf32>
    %reshape3A_58 = vector.shape_cast %get3A_57 : vector<2048x64xf32> to vector<16x128x64xf32>
    %mul3A_59 = vector.broadcast %broadcast_in_dim3A : vector<16x128x1xf32> to vector<16x128x64xf32>
    %mul3A_60 = arith.mulf %reshape3A_58, %mul3A_59 : vector<16x128x64xf32>
    %reshape3A_61 = vector.shape_cast %mul3A_60 : vector<16x128x64xf32> to vector<2048x64xf32>
    %get3A_62 = arith.constant 3 : index
    %get3A_63 = arith.constant 0 : index
    %get3A_64 = arith.constant 0 : index
    %get3A_65 = vector.load %arg4[%get3A_62, %get3A_63, %get3A_64] : memref<4x64x256xf32, #tpu.memory_space<vmem>>, vector<1x64x256xf32>
    %get3A_66 = vector.shape_cast %get3A_65 : vector<1x64x256xf32> to vector<64x256xf32>
    %dot_general3A_67 = arith.constant dense<0.000000e+00> : vector<2048x256xf32>
    %dot_general3A_68 = tpu.matmul %reshape3A_61, %get3A_66, %dot_general3A_67 {dimension_numbers = #tpu.dot_dimension_numbers<[1], [0], [0], [1], [0, 0, 1, 1], [], []>, transpose_lhs_hint = false} : vector<2048x64xf32>, vector<64x256xf32>, vector<2048x256xf32> -> vector<2048x256xf32>
    %add3A_69 = arith.addf %add3A_52, %dot_general3A_68 : vector<2048x256xf32>
    %ge3A = arith.constant 0.000000e+00 : f32
    %ge3A_70 = vector.broadcast %ge3A : f32 to vector<2048x256xf32>
    %ge3A_71 = arith.cmpf oge, %add3A_69, %ge3A_70 : vector<2048x256xf32>
    %mul3A_72 = arith.constant 0.00999999977 : f32
    %mul3A_73 = vector.broadcast %mul3A_72 : f32 to vector<2048x256xf32>
    %mul3A_74 = arith.mulf %mul3A_73, %add3A_69 : vector<2048x256xf32>
    %select_n3A = arith.select %ge3A_71, %add3A_69, %mul3A_74 : vector<2048x256xi1>, vector<2048x256xf32>
    %reshape3A_75 = vector.shape_cast %select_n3A : vector<2048x256xf32> to vector<16x128x256xf32>
    %get3A_76 = arith.constant 0 : index
    %get3A_77 = arith.constant 0 : index
    %get3A_78 = vector.load %arg3[%get3A_76, %get3A_77] : memref<16x128xf32, #tpu.memory_space<vmem>>, vector<16x128xf32>
    %broadcast_in_dim3A_79 = vector.shape_cast %get3A_78 : vector<16x128xf32> to vector<16x128x1xf32>
    %mul3A_80 = vector.broadcast %broadcast_in_dim3A_79 : vector<16x128x1xf32> to vector<16x128x256xf32>
    %mul3A_81 = arith.mulf %reshape3A_75, %mul3A_80 : vector<16x128x256xf32>
    %slice3A = vector.extract_strided_slice %mul3A_81 {offsets = [0, 0, 0], sizes = [16, 128, 64], strides = [1, 1, 1]} : vector<16x128x256xf32> to vector<16x128x64xf32>
    %reshape3A_82 = vector.shape_cast %slice3A : vector<16x128x64xf32> to vector<2048x64xf32>
    %swap3A = arith.constant 0 : index
    %swap3A_83 = arith.constant 0 : index
    %swap3A_84 = arith.constant 0 : index
    %swap3A_85 = vector.load %arg6[%swap3A, %swap3A_83, %swap3A_84] : memref<4x2048x64xf32, #tpu.memory_space<vmem>>, vector<1x2048x64xf32>
    %swap3A_86 = vector.shape_cast %swap3A_85 : vector<1x2048x64xf32> to vector<2048x64xf32>
    %swap3A_87 = vector.shape_cast %reshape3A_82 : vector<2048x64xf32> to vector<1x2048x64xf32>
    tpu.vector_store %arg6[%swap3A, %swap3A_83, %swap3A_84], %swap3A_87 {strides = array<i32>} : memref<4x2048x64xf32, #tpu.memory_space<vmem>>, vector<1x2048x64xf32>,
    %slice3A_88 = vector.extract_strided_slice %mul3A_81 {offsets = [0, 0, 64], sizes = [16, 128, 64], strides = [1, 1, 1]} : vector<16x128x256xf32> to vector<16x128x64xf32>
    %reshape3A_89 = vector.shape_cast %slice3A_88 : vector<16x128x64xf32> to vector<2048x64xf32>
    %swap3A_90 = arith.constant 1 : index
    %swap3A_91 = arith.constant 0 : index
    %swap3A_92 = arith.constant 0 : index
    %swap3A_93 = vector.load %arg6[%swap3A_90, %swap3A_91, %swap3A_92] : memref<4x2048x64xf32, #tpu.memory_space<vmem>>, vector<1x2048x64xf32>
    %swap3A_94 = vector.shape_cast %swap3A_93 : vector<1x2048x64xf32> to vector<2048x64xf32>
    %swap3A_95 = vector.shape_cast %reshape3A_89 : vector<2048x64xf32> to vector<1x2048x64xf32>
    tpu.vector_store %arg6[%swap3A_90, %swap3A_91, %swap3A_92], %swap3A_95 {strides = array<i32>} : memref<4x2048x64xf32, #tpu.memory_space<vmem>>, vector<1x2048x64xf32>,
    %slice3A_96 = vector.extract_strided_slice %mul3A_81 {offsets = [0, 0, 128], sizes = [16, 128, 64], strides = [1, 1, 1]} : vector<16x128x256xf32> to vector<16x128x64xf32>
    %reshape3A_97 = vector.shape_cast %slice3A_96 : vector<16x128x64xf32> to vector<2048x64xf32>
    %swap3A_98 = arith.constant 2 : index
    %swap3A_99 = arith.constant 0 : index
    %swap3A_100 = arith.constant 0 : index
    %swap3A_101 = vector.load %arg6[%swap3A_98, %swap3A_99, %swap3A_100] : memref<4x2048x64xf32, #tpu.memory_space<vmem>>, vector<1x2048x64xf32>
    %swap3A_102 = vector.shape_cast %swap3A_101 : vector<1x2048x64xf32> to vector<2048x64xf32>
    %swap3A_103 = vector.shape_cast %reshape3A_97 : vector<2048x64xf32> to vector<1x2048x64xf32>
    tpu.vector_store %arg6[%swap3A_98, %swap3A_99, %swap3A_100], %swap3A_103 {strides = array<i32>} : memref<4x2048x64xf32, #tpu.memory_space<vmem>>, vector<1x2048x64xf32>,
    %slice3A_104 = vector.extract_strided_slice %mul3A_81 {offsets = [0, 0, 192], sizes = [16, 128, 64], strides = [1, 1, 1]} : vector<16x128x256xf32> to vector<16x128x64xf32>
    %reshape3A_105 = vector.shape_cast %slice3A_104 : vector<16x128x64xf32> to vector<2048x64xf32>
    %swap3A_106 = arith.constant 3 : index
    %swap3A_107 = arith.constant 0 : index
    %swap3A_108 = arith.constant 0 : index
    %swap3A_109 = vector.load %arg6[%swap3A_106, %swap3A_107, %swap3A_108] : memref<4x2048x64xf32, #tpu.memory_space<vmem>>, vector<1x2048x64xf32>
    %swap3A_110 = vector.shape_cast %swap3A_109 : vector<1x2048x64xf32> to vector<2048x64xf32>
    %swap3A_111 = vector.shape_cast %reshape3A_105 : vector<2048x64xf32> to vector<1x2048x64xf32>
    tpu.vector_store %arg6[%swap3A_106, %swap3A_107, %swap3A_108], %swap3A_111 {strides = array<i32>} : memref<4x2048x64xf32, #tpu.memory_space<vmem>>, vector<1x2048x64xf32>,
    return
  }
  func.func @transform_0(%arg0: i32) -> (i32, i32, i32) {
    %c0_i32 = arith.constant 0 : i32
    %c0_i32_0 = arith.constant 0 : i32
    %c0_i32_1 = arith.constant 0 : i32
    return %c0_i32, %arg0, %c0_i32_0 : i32, i32, i32
  }
  func.func @transform_1(%arg0: i32) -> (i32, i32) {
    %c0_i32 = arith.constant 0 : i32
    %c0_i32_0 = arith.constant 0 : i32
    return %arg0, %c0_i32 : i32, i32
  }
  func.func @transform_2(%arg0: i32) -> (i32, i32) {
    %c0_i32 = arith.constant 0 : i32
    %c0_i32_0 = arith.constant 0 : i32
    return %arg0, %c0_i32 : i32, i32
  }
  func.func @transform_3(%arg0: i32) -> (i32, i32, i32) {
    %c0_i32 = arith.constant 0 : i32
    %c0_i32_0 = arith.constant 0 : i32
    %c0_i32_1 = arith.constant 0 : i32
    %c0_i32_2 = arith.constant 0 : i32
    return %c0_i32, %c0_i32_0, %c0_i32_1 : i32, i32, i32
  }
  func.func @transform_4(%arg0: i32) -> (i32, i32) {
    %c0_i32 = arith.constant 0 : i32
    %c0_i32_0 = arith.constant 0 : i32
    %c0_i32_1 = arith.constant 0 : i32
    return %c0_i32, %c0_i32_0 : i32, i32
  }
  func.func @transform_5(%arg0: i32) -> (i32, i32, i32) {
    %c0_i32 = arith.constant 0 : i32
    %c0_i32_0 = arith.constant 0 : i32
    %c0_i32_1 = arith.constant 0 : i32
    return %c0_i32, %arg0, %c0_i32_0 : i32, i32, i32
  }
}

module attributes {stable_mosaic.version = 14 : i64} {
  func.func @_score_body(%arg0: i32, %arg1: memref<4x2048x64xf32, #tpu.memory_space<vmem>>, %arg2: memref<16x128xf32, #tpu.memory_space<vmem>>, %arg3: memref<4x64x256xf32, #tpu.memory_space<vmem>>, %arg4: memref<1x256xf32, #tpu.memory_space<vmem>>, %arg5: memref<256x2xf32, #tpu.memory_space<vmem>>, %arg6: memref<80x128xf32, #tpu.memory_space<vmem>>, %arg7: memref<80x128xf32, #tpu.memory_space<vmem>>, %arg8: memref<16x16xi32, #tpu.memory_space<vmem>>, %arg9: memref<16x16xi32, #tpu.memory_space<vmem>>, %arg10: memref<1x1xi32, #tpu.memory_space<vmem>>, %arg11: memref<2x128xf32, #tpu.memory_space<vmem>>, %arg12: memref<2x128xf32, #tpu.memory_space<vmem>>, %arg13: memref<1x1xf32, #tpu.memory_space<vmem>>, %arg14: memref<80x128xf32, #tpu.memory_space<vmem>>, %arg15: memref<1x1xf32, #tpu.memory_space<vmem>>, %arg16: memref<80x128xf32, #tpu.memory_space<vmem>>, %arg17: memref<80x128xf32, #tpu.memory_space<vmem>>) attributes {dimension_semantics = [#tpu.dimension_semantics<arbitrary>], iteration_bounds = array<i64: 5>, scalar_prefetch = 0 : i64, scratch_operands = 2 : i64, tpu.core_type = #tpu.core_type<tc>, window_params = [{transform_indices = @transform_0, window_bounds = array<i64: 4, 2048, 64>}, {transform_indices = @transform_1, window_bounds = array<i64: 16, 128>}, {pipeline_mode = #tpu.pipeline_mode<synchronous>, transform_indices = @transform_2, window_bounds = array<i64: 4, 64, 256>}, {pipeline_mode = #tpu.pipeline_mode<synchronous>, transform_indices = @transform_3, window_bounds = array<i64: 1, 256>}, {pipeline_mode = #tpu.pipeline_mode<synchronous>, transform_indices = @transform_4, window_bounds = array<i64: 256, 2>}, {pipeline_mode = #tpu.pipeline_mode<synchronous>, transform_indices = @transform_5, window_bounds = array<i64: 80, 128>}, {pipeline_mode = #tpu.pipeline_mode<synchronous>, transform_indices = @transform_6, window_bounds = array<i64: 80, 128>}, {pipeline_mode = #tpu.pipeline_mode<synchronous>, transform_indices = @transform_7, window_bounds = array<i64: 16, 16>}, {pipeline_mode = #tpu.pipeline_mode<synchronous>, transform_indices = @transform_8, window_bounds = array<i64: 16, 16>}, {pipeline_mode = #tpu.pipeline_mode<synchronous>, transform_indices = @transform_9, window_bounds = array<i64: 1, 1>}, {pipeline_mode = #tpu.pipeline_mode<synchronous>, transform_indices = @transform_10, window_bounds = array<i64: 2, 128>}, {pipeline_mode = #tpu.pipeline_mode<synchronous>, transform_indices = @transform_11, window_bounds = array<i64: 2, 128>}, {pipeline_mode = #tpu.pipeline_mode<synchronous>, transform_indices = @transform_12, window_bounds = array<i64: 1, 1>}, {pipeline_mode = #tpu.pipeline_mode<synchronous>, transform_indices = @transform_13, window_bounds = array<i64: 80, 128>}, {pipeline_mode = #tpu.pipeline_mode<synchronous>, transform_indices = @transform_14, window_bounds = array<i64: 1, 1>}]} {
    %get3A = arith.constant 0 : index
    %get3A_0 = arith.constant 0 : index
    %get3A_1 = vector.load %arg2[%get3A, %get3A_0] : memref<16x128xf32, #tpu.memory_space<vmem>>, vector<16x128xf32>
    %broadcast_in_dim3A = vector.shape_cast %get3A_1 : vector<16x128xf32> to vector<16x128x1xf32>
    %get3A_2 = arith.constant 0 : index
    %get3A_3 = arith.constant 0 : index
    %get3A_4 = vector.load %arg4[%get3A_2, %get3A_3] : memref<1x256xf32, #tpu.memory_space<vmem>>, vector<1x256xf32>
    %get3A_5 = arith.constant 0 : index
    %get3A_6 = arith.constant 0 : index
    %get3A_7 = arith.constant 0 : index
    %get3A_8 = vector.load %arg1[%get3A_5, %get3A_6, %get3A_7] : memref<4x2048x64xf32, #tpu.memory_space<vmem>>, vector<1x2048x64xf32>
    %get3A_9 = vector.shape_cast %get3A_8 : vector<1x2048x64xf32> to vector<2048x64xf32>
    %reshape3A = vector.shape_cast %get3A_9 : vector<2048x64xf32> to vector<16x128x64xf32>
    %mul3A = vector.broadcast %broadcast_in_dim3A : vector<16x128x1xf32> to vector<16x128x64xf32>
    %mul3A_10 = arith.mulf %reshape3A, %mul3A : vector<16x128x64xf32>
    %reshape3A_11 = vector.shape_cast %mul3A_10 : vector<16x128x64xf32> to vector<2048x64xf32>
    %get3A_12 = arith.constant 0 : index
    %get3A_13 = arith.constant 0 : index
    %get3A_14 = arith.constant 0 : index
    %get3A_15 = vector.load %arg3[%get3A_12, %get3A_13, %get3A_14] : memref<4x64x256xf32, #tpu.memory_space<vmem>>, vector<1x64x256xf32>
    %get3A_16 = vector.shape_cast %get3A_15 : vector<1x64x256xf32> to vector<64x256xf32>
    %dot_general3A = arith.constant dense<0.000000e+00> : vector<2048x256xf32>
    %dot_general3A_17 = tpu.matmul %reshape3A_11, %get3A_16, %dot_general3A {dimension_numbers = #tpu.dot_dimension_numbers<[1], [0], [0], [1], [0, 0, 1, 1], [], []>, transpose_lhs_hint = false} : vector<2048x64xf32>, vector<64x256xf32>, vector<2048x256xf32> -> vector<2048x256xf32>
    %add3A = vector.broadcast %get3A_4 : vector<1x256xf32> to vector<2048x256xf32>
    %add3A_18 = arith.addf %add3A, %dot_general3A_17 : vector<2048x256xf32>
    %get3A_19 = arith.constant 1 : index
    %get3A_20 = arith.constant 0 : index
    %get3A_21 = arith.constant 0 : index
    %get3A_22 = vector.load %arg1[%get3A_19, %get3A_20, %get3A_21] : memref<4x2048x64xf32, #tpu.memory_space<vmem>>, vector<1x2048x64xf32>
    %get3A_23 = vector.shape_cast %get3A_22 : vector<1x2048x64xf32> to vector<2048x64xf32>
    %reshape3A_24 = vector.shape_cast %get3A_23 : vector<2048x64xf32> to vector<16x128x64xf32>
    %mul3A_25 = vector.broadcast %broadcast_in_dim3A : vector<16x128x1xf32> to vector<16x128x64xf32>
    %mul3A_26 = arith.mulf %reshape3A_24, %mul3A_25 : vector<16x128x64xf32>
    %reshape3A_27 = vector.shape_cast %mul3A_26 : vector<16x128x64xf32> to vector<2048x64xf32>
    %get3A_28 = arith.constant 1 : index
    %get3A_29 = arith.constant 0 : index
    %get3A_30 = arith.constant 0 : index
    %get3A_31 = vector.load %arg3[%get3A_28, %get3A_29, %get3A_30] : memref<4x64x256xf32, #tpu.memory_space<vmem>>, vector<1x64x256xf32>
    %get3A_32 = vector.shape_cast %get3A_31 : vector<1x64x256xf32> to vector<64x256xf32>
    %dot_general3A_33 = arith.constant dense<0.000000e+00> : vector<2048x256xf32>
    %dot_general3A_34 = tpu.matmul %reshape3A_27, %get3A_32, %dot_general3A_33 {dimension_numbers = #tpu.dot_dimension_numbers<[1], [0], [0], [1], [0, 0, 1, 1], [], []>, transpose_lhs_hint = false} : vector<2048x64xf32>, vector<64x256xf32>, vector<2048x256xf32> -> vector<2048x256xf32>
    %add3A_35 = arith.addf %add3A_18, %dot_general3A_34 : vector<2048x256xf32>
    %get3A_36 = arith.constant 2 : index
    %get3A_37 = arith.constant 0 : index
    %get3A_38 = arith.constant 0 : index
    %get3A_39 = vector.load %arg1[%get3A_36, %get3A_37, %get3A_38] : memref<4x2048x64xf32, #tpu.memory_space<vmem>>, vector<1x2048x64xf32>
    %get3A_40 = vector.shape_cast %get3A_39 : vector<1x2048x64xf32> to vector<2048x64xf32>
    %reshape3A_41 = vector.shape_cast %get3A_40 : vector<2048x64xf32> to vector<16x128x64xf32>
    %mul3A_42 = vector.broadcast %broadcast_in_dim3A : vector<16x128x1xf32> to vector<16x128x64xf32>
    %mul3A_43 = arith.mulf %reshape3A_41, %mul3A_42 : vector<16x128x64xf32>
    %reshape3A_44 = vector.shape_cast %mul3A_43 : vector<16x128x64xf32> to vector<2048x64xf32>
    %get3A_45 = arith.constant 2 : index
    %get3A_46 = arith.constant 0 : index
    %get3A_47 = arith.constant 0 : index
    %get3A_48 = vector.load %arg3[%get3A_45, %get3A_46, %get3A_47] : memref<4x64x256xf32, #tpu.memory_space<vmem>>, vector<1x64x256xf32>
    %get3A_49 = vector.shape_cast %get3A_48 : vector<1x64x256xf32> to vector<64x256xf32>
    %dot_general3A_50 = arith.constant dense<0.000000e+00> : vector<2048x256xf32>
    %dot_general3A_51 = tpu.matmul %reshape3A_44, %get3A_49, %dot_general3A_50 {dimension_numbers = #tpu.dot_dimension_numbers<[1], [0], [0], [1], [0, 0, 1, 1], [], []>, transpose_lhs_hint = false} : vector<2048x64xf32>, vector<64x256xf32>, vector<2048x256xf32> -> vector<2048x256xf32>
    %add3A_52 = arith.addf %add3A_35, %dot_general3A_51 : vector<2048x256xf32>
    %get3A_53 = arith.constant 3 : index
    %get3A_54 = arith.constant 0 : index
    %get3A_55 = arith.constant 0 : index
    %get3A_56 = vector.load %arg1[%get3A_53, %get3A_54, %get3A_55] : memref<4x2048x64xf32, #tpu.memory_space<vmem>>, vector<1x2048x64xf32>
    %get3A_57 = vector.shape_cast %get3A_56 : vector<1x2048x64xf32> to vector<2048x64xf32>
    %reshape3A_58 = vector.shape_cast %get3A_57 : vector<2048x64xf32> to vector<16x128x64xf32>
    %mul3A_59 = vector.broadcast %broadcast_in_dim3A : vector<16x128x1xf32> to vector<16x128x64xf32>
    %mul3A_60 = arith.mulf %reshape3A_58, %mul3A_59 : vector<16x128x64xf32>
    %reshape3A_61 = vector.shape_cast %mul3A_60 : vector<16x128x64xf32> to vector<2048x64xf32>
    %get3A_62 = arith.constant 3 : index
    %get3A_63 = arith.constant 0 : index
    %get3A_64 = arith.constant 0 : index
    %get3A_65 = vector.load %arg3[%get3A_62, %get3A_63, %get3A_64] : memref<4x64x256xf32, #tpu.memory_space<vmem>>, vector<1x64x256xf32>
    %get3A_66 = vector.shape_cast %get3A_65 : vector<1x64x256xf32> to vector<64x256xf32>
    %dot_general3A_67 = arith.constant dense<0.000000e+00> : vector<2048x256xf32>
    %dot_general3A_68 = tpu.matmul %reshape3A_61, %get3A_66, %dot_general3A_67 {dimension_numbers = #tpu.dot_dimension_numbers<[1], [0], [0], [1], [0, 0, 1, 1], [], []>, transpose_lhs_hint = false} : vector<2048x64xf32>, vector<64x256xf32>, vector<2048x256xf32> -> vector<2048x256xf32>
    %add3A_69 = arith.addf %add3A_52, %dot_general3A_68 : vector<2048x256xf32>
    %ge3A = arith.constant 0.000000e+00 : f32
    %ge3A_70 = vector.broadcast %ge3A : f32 to vector<2048x256xf32>
    %ge3A_71 = arith.cmpf oge, %add3A_69, %ge3A_70 : vector<2048x256xf32>
    %mul3A_72 = arith.constant 0.00999999977 : f32
    %mul3A_73 = vector.broadcast %mul3A_72 : f32 to vector<2048x256xf32>
    %mul3A_74 = arith.mulf %mul3A_73, %add3A_69 : vector<2048x256xf32>
    %select_n3A = arith.select %ge3A_71, %add3A_69, %mul3A_74 : vector<2048x256xi1>, vector<2048x256xf32>
    %get3A_75 = arith.constant 0 : index
    %get3A_76 = arith.constant 0 : index
    %get3A_77 = vector.load %arg5[%get3A_75, %get3A_76] : memref<256x2xf32, #tpu.memory_space<vmem>>, vector<256x2xf32>
    %dot_general3A_78 = arith.constant dense<0.000000e+00> : vector<2048x2xf32>
    %dot_general3A_79 = tpu.matmul %select_n3A, %get3A_77, %dot_general3A_78 {dimension_numbers = #tpu.dot_dimension_numbers<[1], [0], [0], [1], [0, 0, 1, 1], [], []>, transpose_lhs_hint = false} : vector<2048x256xf32>, vector<256x2xf32>, vector<2048x2xf32> -> vector<2048x2xf32>
    %slice3A = vector.extract_strided_slice %dot_general3A_79 {offsets = [0, 0], sizes = [2048, 1], strides = [1, 1]} : vector<2048x2xf32> to vector<2048x1xf32>
    %squeeze3A = vector.shape_cast %slice3A : vector<2048x1xf32> to vector<2048xf32>
    %reshape3A_80 = vector.shape_cast %squeeze3A : vector<2048xf32> to vector<16x128xf32>
    %mul3A_81 = arith.constant 16 : i32
    %mul3A_82 = arith.muli %mul3A_81, %arg0 : i32
    %swap3A = arith.index_cast %mul3A_82 : i32 to index
    %swap3A_83 = arith.constant 0 : index
    %swap3A_84 = vector.load %arg16[%swap3A, %swap3A_83] : memref<80x128xf32, #tpu.memory_space<vmem>>, vector<16x128xf32>
    tpu.vector_store %arg16[%swap3A, %swap3A_83], %reshape3A_80 {strides = array<i32>} : memref<80x128xf32, #tpu.memory_space<vmem>>, vector<16x128xf32>,
    %slice3A_85 = vector.extract_strided_slice %dot_general3A_79 {offsets = [0, 1], sizes = [2048, 1], strides = [1, 1]} : vector<2048x2xf32> to vector<2048x1xf32>
    %squeeze3A_86 = vector.shape_cast %slice3A_85 : vector<2048x1xf32> to vector<2048xf32>
    %reshape3A_87 = vector.shape_cast %squeeze3A_86 : vector<2048xf32> to vector<16x128xf32>
    %mul3A_88 = arith.constant 16 : i32
    %mul3A_89 = arith.muli %mul3A_88, %arg0 : i32
    %swap3A_90 = arith.index_cast %mul3A_89 : i32 to index
    %swap3A_91 = arith.constant 0 : index
    %swap3A_92 = vector.load %arg17[%swap3A_90, %swap3A_91] : memref<80x128xf32, #tpu.memory_space<vmem>>, vector<16x128xf32>
    tpu.vector_store %arg17[%swap3A_90, %swap3A_91], %reshape3A_87 {strides = array<i32>} : memref<80x128xf32, #tpu.memory_space<vmem>>, vector<16x128xf32>,
    %eq3A = arith.constant 4 : i32
    %eq3A_93 = arith.cmpi eq, %arg0, %eq3A : i32
    %convert_element_type3A = arith.extui %eq3A_93 : i1 to i32
    %cond3A = arith.constant 0 : i32
    %cond3A_94 = arith.cmpi ne, %convert_element_type3A, %cond3A : i32
    scf.if %cond3A_94 {
      %iota3A = tpu.iota {dimensions = array<i32: 0>} : vector<80x128xi32>
      %iota3A_95 = tpu.iota {dimensions = array<i32: 1>} : vector<80x128xi32>
      %mul3A_96 = arith.constant 128 : i32
      %mul3A_97 = vector.broadcast %mul3A_96 : i32 to vector<80x128xi32>
      %mul3A_98 = arith.muli %iota3A, %mul3A_97 : vector<80x128xi32>
      %add3A_99 = arith.addi %mul3A_98, %iota3A_95 : vector<80x128xi32>
      %ge3A_100 = arith.constant 8 : i32
      %ge3A_101 = vector.broadcast %ge3A_100 : i32 to vector<80x128xi32>
      %ge3A_102 = arith.cmpi sge, %add3A_99, %ge3A_101 : vector<80x128xi32>
      %le3A = arith.constant 9998 : i32
      %le3A_103 = vector.broadcast %le3A : i32 to vector<80x128xi32>
      %le3A_104 = arith.cmpi sle, %add3A_99, %le3A_103 : vector<80x128xi32>
      %and3A = arith.andi %ge3A_102, %le3A_104 : vector<80x128xi1>
      %get3A_105 = arith.constant 0 : index
      %get3A_106 = arith.constant 0 : index
      %get3A_107 = vector.load %arg8[%get3A_105, %get3A_106] : memref<16x16xi32, #tpu.memory_space<vmem>>, vector<16x16xi32>
      %reduce_max3A = vector.shape_cast %get3A_107 : vector<16x16xi32> to vector<1x16x16xi32>
      %reduce_max3A_108 = arith.constant dense<-2147483648> : vector<1xi32>
      %reduce_max3A_109 = vector.multi_reduction <maxsi>, %reduce_max3A, %reduce_max3A_108 [1, 2] : vector<1x16x16xi32> to vector<1xi32>
      %reduce_max3A_110 = vector.shape_cast %reduce_max3A_109 : vector<1xi32> to vector<1x1x1xi32>
      %reduce_max3A_111 = vector.extract %reduce_max3A_110[0, 0, 0] : i32 from vector<1x1x1xi32>
      %get3A_112 = arith.constant 0 : index
      %get3A_113 = arith.constant 0 : index
      %get3A_114 = vector.load %arg8[%get3A_112, %get3A_113] : memref<16x16xi32, #tpu.memory_space<vmem>>, vector<16x16xi32>
      %eq3A_115 = vector.broadcast %reduce_max3A_111 : i32 to vector<16x16xi32>
      %eq3A_116 = arith.cmpi eq, %get3A_114, %eq3A_115 : vector<16x16xi32>
      %get3A_117 = arith.constant 0 : index
      %get3A_118 = arith.constant 0 : index
      %get3A_119 = vector.load %arg9[%get3A_117, %get3A_118] : memref<16x16xi32, #tpu.memory_space<vmem>>, vector<16x16xi32>
      %jit3A = arith.constant 0 : i32
      %broadcast_in_dim3A_120 = vector.broadcast %jit3A : i32 to vector<16x16xi32>
      %select_n3A_121 = arith.select %eq3A_116, %get3A_119, %broadcast_in_dim3A_120 : vector<16x16xi1>, vector<16x16xi32>
      %reduce_sum3A = vector.shape_cast %select_n3A_121 : vector<16x16xi32> to vector<1x16x16xi32>
      %reduce_sum3A_122 = arith.constant dense<0> : vector<1xi32>
      %reduce_sum3A_123 = vector.multi_reduction <add>, %reduce_sum3A, %reduce_sum3A_122 [1, 2] : vector<1x16x16xi32> to vector<1xi32>
      %reduce_sum3A_124 = vector.shape_cast %reduce_sum3A_123 : vector<1xi32> to vector<1x1x1xi32>
      %reduce_sum3A_125 = vector.extract %reduce_sum3A_124[0, 0, 0] : i32 from vector<1x1x1xi32>
      %lt3A = arith.constant 0 : i32
      %lt3A_126 = arith.cmpi slt, %reduce_max3A_111, %lt3A : i32
      %jit3A_127 = arith.constant -1 : i32
      %select_n3A_128 = arith.select %lt3A_126, %jit3A_127, %reduce_sum3A_125 : i32
      %get3A_129 = arith.constant 0 : index
      %get3A_130 = arith.constant 0 : index
      %get3A_131 = vector.load %arg7[%get3A_129, %get3A_130] : memref<80x128xf32, #tpu.memory_space<vmem>>, vector<80x128xf32>
      %eq3A_132 = vector.broadcast %select_n3A_128 : i32 to vector<80x128xi32>
      %eq3A_133 = arith.cmpi eq, %add3A_99, %eq3A_132 : vector<80x128xi32>
      %jit3A_134 = arith.constant 1.000000e+00 : f32
      %jit3A_135 = arith.constant 0.000000e+00 : f32
      %broadcast_in_dim3A_136 = vector.broadcast %jit3A_134 : f32 to vector<80x128xf32>
      %broadcast_in_dim3A_137 = vector.broadcast %jit3A_135 : f32 to vector<80x128xf32>
      %select_n3A_138 = arith.select %eq3A_133, %broadcast_in_dim3A_136, %broadcast_in_dim3A_137 : vector<80x128xi1>, vector<80x128xf32>
      %sub3A = arith.subf %get3A_131, %select_n3A_138 : vector<80x128xf32>
      %gt3A = arith.constant 5.000000e-01 : f32
      %gt3A_139 = vector.broadcast %gt3A : f32 to vector<80x128xf32>
      %gt3A_140 = arith.cmpf ogt, %sub3A, %gt3A_139 : vector<80x128xf32>
      %jit3A_141 = arith.constant 1.000000e+06 : f32
      %jit3A_142 = arith.constant 0.000000e+00 : f32
      %broadcast_in_dim3A_143 = vector.broadcast %jit3A_141 : f32 to vector<80x128xf32>
      %broadcast_in_dim3A_144 = vector.broadcast %jit3A_142 : f32 to vector<80x128xf32>
      %select_n3A_145 = arith.select %gt3A_140, %broadcast_in_dim3A_143, %broadcast_in_dim3A_144 : vector<80x128xi1>, vector<80x128xf32>
      %get3A_146 = arith.constant 0 : index
      %get3A_147 = arith.constant 0 : index
      %get3A_148 = vector.load %arg10[%get3A_146, %get3A_147] : memref<1x1xi32, #tpu.memory_space<vmem>>, vector<1x1xi32>
      %reduce_sum3A_149 = vector.shape_cast %get3A_148 : vector<1x1xi32> to vector<1x1x1xi32>
      %reduce_sum3A_150 = arith.constant dense<0> : vector<1xi32>
      %reduce_sum3A_151 = vector.multi_reduction <add>, %reduce_sum3A_149, %reduce_sum3A_150 [1, 2] : vector<1x1x1xi32> to vector<1xi32>
      %reduce_sum3A_152 = vector.shape_cast %reduce_sum3A_151 : vector<1xi32> to vector<1x1x1xi32>
      %reduce_sum3A_153 = vector.extract %reduce_sum3A_152[0, 0, 0] : i32 from vector<1x1x1xi32>
      %eq3A_154 = vector.broadcast %reduce_sum3A_153 : i32 to vector<80x128xi32>
      %eq3A_155 = arith.cmpi eq, %add3A_99, %eq3A_154 : vector<80x128xi32>
      %get3A_156 = arith.constant 0 : index
      %get3A_157 = arith.constant 0 : index
      %get3A_158 = vector.load %arg17[%get3A_156, %get3A_157] : memref<80x128xf32, #tpu.memory_space<vmem>>, vector<80x128xf32>
      %jit3A_159 = arith.constant 0.000000e+00 : f32
      %broadcast_in_dim3A_160 = vector.broadcast %jit3A_159 : f32 to vector<80x128xf32>
      %select_n3A_161 = arith.select %eq3A_155, %get3A_158, %broadcast_in_dim3A_160 : vector<80x128xi1>, vector<80x128xf32>
      %reduce_sum3A_162 = vector.shape_cast %select_n3A_161 : vector<80x128xf32> to vector<1x80x128xf32>
      %reduce_sum3A_163 = arith.constant dense<0.000000e+00> : vector<1xf32>
      %reduce_sum3A_164 = vector.multi_reduction <add>, %reduce_sum3A_162, %reduce_sum3A_163 [1, 2] : vector<1x80x128xf32> to vector<1xf32>
      %reduce_sum3A_165 = vector.shape_cast %reduce_sum3A_164 : vector<1xf32> to vector<1x1x1xf32>
      %reduce_sum3A_166 = vector.extract %reduce_sum3A_165[0, 0, 0] : f32 from vector<1x1x1xf32>
      %get3A_167 = arith.constant 0 : index
      %get3A_168 = arith.constant 0 : index
      %get3A_169 = vector.load %arg11[%get3A_167, %get3A_168] : memref<2x128xf32, #tpu.memory_space<vmem>>, vector<2x128xf32>
      %get3A_170 = arith.constant 0 : index
      %get3A_171 = arith.constant 0 : index
      %get3A_172 = vector.load %arg12[%get3A_170, %get3A_171] : memref<2x128xf32, #tpu.memory_space<vmem>>, vector<2x128xf32>
      %mul3A_173 = arith.mulf %get3A_169, %get3A_172 : vector<2x128xf32>
      %reduce_sum3A_174 = vector.shape_cast %mul3A_173 : vector<2x128xf32> to vector<1x2x128xf32>
      %reduce_sum3A_175 = arith.constant dense<0.000000e+00> : vector<1xf32>
      %reduce_sum3A_176 = vector.multi_reduction <add>, %reduce_sum3A_174, %reduce_sum3A_175 [1, 2] : vector<1x2x128xf32> to vector<1xf32>
      %reduce_sum3A_177 = vector.shape_cast %reduce_sum3A_176 : vector<1xf32> to vector<1x1x1xf32>
      %reduce_sum3A_178 = vector.extract %reduce_sum3A_177[0, 0, 0] : f32 from vector<1x1x1xf32>
      %add3A_179 = arith.addf %reduce_sum3A_166, %reduce_sum3A_178 : f32
      %get3A_180 = arith.constant 0 : index
      %get3A_181 = arith.constant 0 : index
      %get3A_182 = vector.load %arg13[%get3A_180, %get3A_181] : memref<1x1xf32, #tpu.memory_space<vmem>>, vector<1x1xf32>
      %reduce_sum3A_183 = vector.shape_cast %get3A_182 : vector<1x1xf32> to vector<1x1x1xf32>
      %reduce_sum3A_184 = arith.constant dense<0.000000e+00> : vector<1xf32>
      %reduce_sum3A_185 = vector.multi_reduction <add>, %reduce_sum3A_183, %reduce_sum3A_184 [1, 2] : vector<1x1x1xf32> to vector<1xf32>
      %reduce_sum3A_186 = vector.shape_cast %reduce_sum3A_185 : vector<1xf32> to vector<1x1x1xf32>
      %reduce_sum3A_187 = vector.extract %reduce_sum3A_186[0, 0, 0] : f32 from vector<1x1x1xf32>
      %add3A_188 = arith.addf %add3A_179, %reduce_sum3A_187 : f32
      %get3A_189 = arith.constant 0 : index
      %get3A_190 = arith.constant 0 : index
      %get3A_191 = vector.load %arg16[%get3A_189, %get3A_190] : memref<80x128xf32, #tpu.memory_space<vmem>>, vector<80x128xf32>
      %add3A_192 = vector.broadcast %add3A_188 : f32 to vector<80x128xf32>
      %add3A_193 = arith.addf %get3A_191, %add3A_192 : vector<80x128xf32>
      %add3A_194 = arith.addf %add3A_193, %select_n3A_145 : vector<80x128xf32>
      %jit3A_195 = arith.constant -1.000000e+30 : f32
      %broadcast_in_dim3A_196 = vector.broadcast %jit3A_195 : f32 to vector<80x128xf32>
      %select_n3A_197 = arith.select %and3A, %add3A_194, %broadcast_in_dim3A_196 : vector<80x128xi1>, vector<80x128xf32>
      %reduce_max3A_198 = vector.shape_cast %select_n3A_197 : vector<80x128xf32> to vector<1x80x128xf32>
      %reduce_max3A_199 = arith.constant dense<0xFF800000> : vector<1xf32>
      %reduce_max3A_200 = vector.multi_reduction <maximumf>, %reduce_max3A_198, %reduce_max3A_199 [1, 2] : vector<1x80x128xf32> to vector<1xf32>
      %reduce_max3A_201 = vector.shape_cast %reduce_max3A_200 : vector<1xf32> to vector<1x1x1xf32>
      %reduce_max3A_202 = vector.extract %reduce_max3A_201[0, 0, 0] : f32 from vector<1x1x1xf32>
      %sub3A_203 = vector.broadcast %reduce_max3A_202 : f32 to vector<80x128xf32>
      %sub3A_204 = arith.subf %select_n3A_197, %sub3A_203 : vector<80x128xf32>
      %exp3A = math.exp %sub3A_204 : vector<80x128xf32>
      %jit3A_205 = arith.constant 0.000000e+00 : f32
      %broadcast_in_dim3A_206 = vector.broadcast %jit3A_205 : f32 to vector<80x128xf32>
      %select_n3A_207 = arith.select %and3A, %exp3A, %broadcast_in_dim3A_206 : vector<80x128xi1>, vector<80x128xf32>
      %reduce_sum3A_208 = vector.shape_cast %select_n3A_207 : vector<80x128xf32> to vector<1x80x128xf32>
      %reduce_sum3A_209 = arith.constant dense<0.000000e+00> : vector<1xf32>
      %reduce_sum3A_210 = vector.multi_reduction <add>, %reduce_sum3A_208, %reduce_sum3A_209 [1, 2] : vector<1x80x128xf32> to vector<1xf32>
      %reduce_sum3A_211 = vector.shape_cast %reduce_sum3A_210 : vector<1xf32> to vector<1x1x1xf32>
      %reduce_sum3A_212 = vector.extract %reduce_sum3A_211[0, 0, 0] : f32 from vector<1x1x1xf32>
      %div3A = vector.broadcast %reduce_sum3A_212 : f32 to vector<80x128xf32>
      %div3A_213 = arith.divf %select_n3A_207, %div3A : vector<80x128xf32>
      %log3A = math.log %div3A_213 : vector<80x128xf32>
      %get3A_214 = arith.constant 0 : index
      %get3A_215 = arith.constant 0 : index
      %get3A_216 = vector.load %arg6[%get3A_214, %get3A_215] : memref<80x128xf32, #tpu.memory_space<vmem>>, vector<80x128xf32>
      %add3A_217 = arith.addf %log3A, %get3A_216 : vector<80x128xf32>
      %reduce_max3A_218 = vector.shape_cast %add3A_217 : vector<80x128xf32> to vector<1x80x128xf32>
      %reduce_max3A_219 = arith.constant dense<0xFF800000> : vector<1xf32>
      %reduce_max3A_220 = vector.multi_reduction <maximumf>, %reduce_max3A_218, %reduce_max3A_219 [1, 2] : vector<1x80x128xf32> to vector<1xf32>
      %reduce_max3A_221 = vector.shape_cast %reduce_max3A_220 : vector<1xf32> to vector<1x1x1xf32>
      %reduce_max3A_222 = vector.extract %reduce_max3A_221[0, 0, 0] : f32 from vector<1x1x1xf32>
      %eq3A_223 = vector.broadcast %reduce_max3A_222 : f32 to vector<80x128xf32>
      %eq3A_224 = arith.cmpf oeq, %add3A_217, %eq3A_223 : vector<80x128xf32>
      %jit3A_225 = arith.constant 1073741824 : i32
      %broadcast_in_dim3A_226 = vector.broadcast %jit3A_225 : i32 to vector<80x128xi32>
      %select_n3A_227 = arith.select %eq3A_224, %add3A_99, %broadcast_in_dim3A_226 : vector<80x128xi1>, vector<80x128xi32>
      %reduce_min3A = vector.shape_cast %select_n3A_227 : vector<80x128xi32> to vector<1x80x128xi32>
      %reduce_min3A_228 = arith.constant dense<2147483647> : vector<1xi32>
      %reduce_min3A_229 = vector.multi_reduction <minsi>, %reduce_min3A, %reduce_min3A_228 [1, 2] : vector<1x80x128xi32> to vector<1xi32>
      %reduce_min3A_230 = vector.shape_cast %reduce_min3A_229 : vector<1xi32> to vector<1x1x1xi32>
      %reduce_min3A_231 = vector.extract %reduce_min3A_230[0, 0, 0] : i32 from vector<1x1x1xi32>
      %eq3A_232 = vector.broadcast %reduce_min3A_231 : i32 to vector<80x128xi32>
      %eq3A_233 = arith.cmpi eq, %add3A_99, %eq3A_232 : vector<80x128xi32>
      %jit3A_234 = arith.constant 1.000000e+00 : f32
      %jit3A_235 = arith.constant 0.000000e+00 : f32
      %broadcast_in_dim3A_236 = vector.broadcast %jit3A_234 : f32 to vector<80x128xf32>
      %broadcast_in_dim3A_237 = vector.broadcast %jit3A_235 : f32 to vector<80x128xf32>
      %select_n3A_238 = arith.select %eq3A_233, %broadcast_in_dim3A_236, %broadcast_in_dim3A_237 : vector<80x128xi1>, vector<80x128xf32>
      %swap3A_239 = arith.constant 0 : index
      %swap3A_240 = arith.constant 0 : index
      %swap3A_241 = vector.load %arg14[%swap3A_239, %swap3A_240] : memref<80x128xf32, #tpu.memory_space<vmem>>, vector<80x128xf32>
      tpu.vector_store %arg14[%swap3A_239, %swap3A_240], %select_n3A_238 {strides = array<i32>} : memref<80x128xf32, #tpu.memory_space<vmem>>, vector<80x128xf32>,
      %jit3A_242 = arith.constant 0.000000e+00 : f32
      %broadcast_in_dim3A_243 = vector.broadcast %jit3A_242 : f32 to vector<80x128xf32>
      %select_n3A_244 = arith.select %and3A, %log3A, %broadcast_in_dim3A_243 : vector<80x128xi1>, vector<80x128xf32>
      %jit3A_245 = arith.constant 0.000000e+00 : f32
      %broadcast_in_dim3A_246 = vector.broadcast %jit3A_245 : f32 to vector<80x128xf32>
      %select_n3A_247 = arith.select %eq3A_233, %select_n3A_244, %broadcast_in_dim3A_246 : vector<80x128xi1>, vector<80x128xf32>
      %reduce_sum3A_248 = vector.shape_cast %select_n3A_247 : vector<80x128xf32> to vector<1x80x128xf32>
      %reduce_sum3A_249 = arith.constant dense<0.000000e+00> : vector<1xf32>
      %reduce_sum3A_250 = vector.multi_reduction <add>, %reduce_sum3A_248, %reduce_sum3A_249 [1, 2] : vector<1x80x128xf32> to vector<1xf32>
      %reduce_sum3A_251 = vector.shape_cast %reduce_sum3A_250 : vector<1xf32> to vector<1x1x1xf32>
      %reduce_sum3A_252 = vector.extract %reduce_sum3A_251[0, 0, 0] : f32 from vector<1x1x1xf32>
      %reshape3A_253 = vector.broadcast %reduce_sum3A_252 : f32 to vector<1x1xf32>
      %swap3A_254 = arith.constant 0 : index
      %swap3A_255 = arith.constant 0 : index
      %swap3A_256 = vector.load %arg15[%swap3A_254, %swap3A_255] : memref<1x1xf32, #tpu.memory_space<vmem>>, vector<1x1xf32>
      tpu.vector_store %arg15[%swap3A_254, %swap3A_255], %reshape3A_253 {strides = array<i32>} : memref<1x1xf32, #tpu.memory_space<vmem>>, vector<1x1xf32>,
    } else {
    }
    return
  }
  func.func @transform_0(%arg0: i32) -> (i32, i32, i32) {
    %c0_i32 = arith.constant 0 : i32
    %c0_i32_0 = arith.constant 0 : i32
    %c0_i32_1 = arith.constant 0 : i32
    return %c0_i32, %arg0, %c0_i32_0 : i32, i32, i32
  }
  func.func @transform_1(%arg0: i32) -> (i32, i32) {
    %c0_i32 = arith.constant 0 : i32
    %c0_i32_0 = arith.constant 0 : i32
    return %arg0, %c0_i32 : i32, i32
  }
  func.func @transform_2(%arg0: i32) -> (i32, i32, i32) {
    %c0_i32 = arith.constant 0 : i32
    %c0_i32_0 = arith.constant 0 : i32
    %c0_i32_1 = arith.constant 0 : i32
    %c0_i32_2 = arith.constant 0 : i32
    return %c0_i32, %c0_i32_0, %c0_i32_1 : i32, i32, i32
  }
  func.func @transform_3(%arg0: i32) -> (i32, i32) {
    %c0_i32 = arith.constant 0 : i32
    %c0_i32_0 = arith.constant 0 : i32
    %c0_i32_1 = arith.constant 0 : i32
    return %c0_i32, %c0_i32_0 : i32, i32
  }
  func.func @transform_4(%arg0: i32) -> (i32, i32) {
    %c0_i32 = arith.constant 0 : i32
    %c0_i32_0 = arith.constant 0 : i32
    %c0_i32_1 = arith.constant 0 : i32
    return %c0_i32, %c0_i32_0 : i32, i32
  }
  func.func @transform_5(%arg0: i32) -> (i32, i32) {
    %c0_i32 = arith.constant 0 : i32
    %c0_i32_0 = arith.constant 0 : i32
    %c0_i32_1 = arith.constant 0 : i32
    return %c0_i32, %c0_i32_0 : i32, i32
  }
  func.func @transform_6(%arg0: i32) -> (i32, i32) {
    %c0_i32 = arith.constant 0 : i32
    %c0_i32_0 = arith.constant 0 : i32
    %c0_i32_1 = arith.constant 0 : i32
    return %c0_i32, %c0_i32_0 : i32, i32
  }
  func.func @transform_7(%arg0: i32) -> (i32, i32) {
    %c0_i32 = arith.constant 0 : i32
    %c0_i32_0 = arith.constant 0 : i32
    %c0_i32_1 = arith.constant 0 : i32
    return %c0_i32, %c0_i32_0 : i32, i32
  }
  func.func @transform_8(%arg0: i32) -> (i32, i32) {
    %c0_i32 = arith.constant 0 : i32
    %c0_i32_0 = arith.constant 0 : i32
    %c0_i32_1 = arith.constant 0 : i32
    return %c0_i32, %c0_i32_0 : i32, i32
  }
  func.func @transform_9(%arg0: i32) -> (i32, i32) {
    %c0_i32 = arith.constant 0 : i32
    %c0_i32_0 = arith.constant 0 : i32
    %c0_i32_1 = arith.constant 0 : i32
    return %c0_i32, %c0_i32_0 : i32, i32
  }
  func.func @transform_10(%arg0: i32) -> (i32, i32) {
    %c0_i32 = arith.constant 0 : i32
    %c0_i32_0 = arith.constant 0 : i32
    %c0_i32_1 = arith.constant 0 : i32
    return %c0_i32, %c0_i32_0 : i32, i32
  }
  func.func @transform_11(%arg0: i32) -> (i32, i32) {
    %c0_i32 = arith.constant 0 : i32
    %c0_i32_0 = arith.constant 0 : i32
    %c0_i32_1 = arith.constant 0 : i32
    return %c0_i32, %c0_i32_0 : i32, i32
  }
  func.func @transform_12(%arg0: i32) -> (i32, i32) {
    %c0_i32 = arith.constant 0 : i32
    %c0_i32_0 = arith.constant 0 : i32
    %c0_i32_1 = arith.constant 0 : i32
    return %c0_i32, %c0_i32_0 : i32, i32
  }
  func.func @transform_13(%arg0: i32) -> (i32, i32) {
    %c0_i32 = arith.constant 0 : i32
    %c0_i32_0 = arith.constant 0 : i32
    %c0_i32_1 = arith.constant 0 : i32
    return %c0_i32, %c0_i32_0 : i32, i32
  }
  func.func @transform_14(%arg0: i32) -> (i32, i32) {
    %c0_i32 = arith.constant 0 : i32
    %c0_i32_0 = arith.constant 0 : i32
    %c0_i32_1 = arith.constant 0 : i32
    return %c0_i32, %c0_i32_0 : i32, i32
  }
}

</mosaic_0001>

<sc_bundles>
// kernel: kernel.11.cloned.1.call-start
scs
__scs_entry_jumppad:
0x0: {  	(pc) =	sbr.rel $0x88, $3  }
0x1: {  	(tag) =	ssettag $0x0;
	lr =	simm.s32 $0x1  }
0x2: {  	[smem:$0x3F98] =	sst lr;
	_ =	strace $0xD0000000  }
0x3: {  	_ = 	snop  }
0x4: {  	_ = 	snop  }
0x5: {  	_ = 	snop  }
0x6: {  	_ = 	snop  }
0x7: {  	_ = 	snop  }
__scs_overlays_trampoline_lowered:
0x8: {  	[smem:$0x3FA7] =	sst s0  }
0x9: {  	[smem:$0x3FA8] =	sst s1  }
0xa: {  	[smem:$0x3FA9] =	sst s2  }
0xb: {  	[smem:$0x3FAA] =	sst s3  }
0xc: {  	[smem:$0x3FAB] =	sst s4  }
0xd: {  	[smem:$0x3FAC] =	sst s5  }
0xe: {  	[smem:$0x3FAD] =	sst s6  }
0xf: {  	[smem:$0x3FAE] =	sst s7  }
0x10: {  	[smem:$0x3FAF] =	sst s8  }
0x11: {  	[smem:$0x3FB0] =	sst s9;
	s0 =	simm.s32 @!p0 $0x0  }
0x12: {  	s1 =	sld [smem:$0x3F96];
	s0 =	simm.s32 @p0 $0x1  }
0x13: {  	[smem:$0x3FB1] =	sst s0;
	s0 =	simm.s32 @!p1 $0x0  }
0x14: {  	s2 =	sld [smem:$0x3F95];
	s0 =	simm.s32 @p1 $0x1  }
0x15: {  	[smem:$0x3FB2] =	sst s0;
	s0 =	simm.s32 @!p2 $0x0  }
0x16: {  	s3 =	sld [smem:$0x3FDB];
	s0 =	simm.s32 @p2 $0x1  }
0x17: {  	s4 =	simm.s32 $0x1BF5;
	[smem:$0x3FB4] =	sst s0  }
0x18: {  	s0 =	sld [smem:$0x3F97];
	_ =	swait.ge [sflag:s4], $0x0  }
0x19: {  	s7 =	sld [smem:$0x3F98]  }
0x1a: {  	s8 =	sadd.s32 $0xFFFFE003, lr  }
0x1b: {  	s9 =	sadd.s32 $0xFFFFFEF7, lr;
	s5 =	simm.s32 $0xFFFFFFFF;
	p2 =	slt.u32 s8, $0xFFFFF086  }
0x1c: {  	p1 =	slt.u32 s9, $0xF7A;
	s5 =	simm.s32 @!p2 $0x0  }
0x1d: {  	s5 =	simm.s32 @p1 $0x1;
	p0 =	seq.s32 s7, s2  }
0x1e: {  	s7 =	smul.u32 @!p0 $0xF7A, s2;
	p2 =	seq.s32 @!p0 s5, $0x0  }
0x1f: {  	s9 =	smul.u32 $0xF7A, s1;
	s8 =	simm.s32 @!p0 $0x1BF5;
	p2 =	por !p2, p0  }
0x20: {  	[sflag:s8] =	ssyncset.s32 @!p0 $0xFFFFF086;
	s6 =	sadd.s32 @!p0 s3, s7;
	s7 =	simm.s32 @!p0 $0x108  }
0x21: {  	s3 =	sadd.s32 s3, s9;
	s6 =	sadd.s32 @!p0 $0x88, s6;
	s7 =	simm.s32 @p2 $0x1082  }
0x22: {  	[simem:s7], [sflag:s8] =	dma.local @!p0 [hbm:s6], $0xF7A  }
0x23: {  	s9 =	sor.u32 $0xD0000000, s2;
	s6 =	simm.s32 $0x108;
	_ =	swait.ge @!p0 [sflag:s8], $0x0  }
0x24: {  	s3 =	sadd.s32 $0x88, s3;
	s6 =	simm.s32 @!p1 $0x1082;
	[sflag:s4] =	ssyncset.s32 $0xFFFFF086  }
0x25: {  	[simem:s6], [sflag:s4] =	dma.local [hbm:s3], $0xF7A  }
0x26: {  	[smem:$0x3F98] =	sst s1;
	(tag) =	ssettag s2;
	_ =	strace s9  }
0x27: {  	s1 =	sld [smem:$0x3FA8]  }
0x28: {  	s2 =	sld [smem:$0x3FA9]  }
0x29: {  	s4 =	sld [smem:$0x3FAB]  }
0x2a: {  	p0 =	seq.s32 s5, $0x0;
	s5 =	sld [smem:$0x3FAC]  }
0x2b: {  	s6 =	sld [smem:$0x3FAD]  }
0x2c: {  	s7 =	sld [smem:$0x3FAE]  }
0x2d: {  	s3 =	simm.s32 $0x108;
	s8 =	sld [smem:$0x3FAF]  }
0x2e: {  	s3 =	simm.s32 @!p0 $0x1082;
	s9 =	sld [smem:$0x3FB0]  }
0x2f: {  	lr =	sadd.s32 s0, s3;
	s0 =	sld [smem:$0x3FA7]  }
0x30: {  	s3 =	sld [smem:$0x3FAA]  }
0x31: {  	[smem:$0x3FB3] =	sst s10  }
0x32: {  	s10 =	sld [smem:$0x3FB1];
	_ =	sdelay $0x3  }
0x33: {  	p0 =	seq.s32 s10, $0x1;
	s10 =	sld [smem:$0x3FB3];
	_ =	sdelay $0x3  }
0x34: {  	[smem:$0x3FB3] =	sst s10  }
0x35: {  	s10 =	sld [smem:$0x3FB2];
	_ =	sdelay $0x3  }
0x36: {  	p1 =	seq.s32 s10, $0x1;
	s10 =	sld [smem:$0x3FB3];
	_ =	sdelay $0x3  }
0x37: {  	[smem:$0x3FB3] =	sst s10  }
0x38: {  	s10 =	sld [smem:$0x3FB4]  }
0x39: {  	_ = 	snop;
	(pc) =	sbr.ind lr, $3  }
0x3a: {  	_ = 	snop  }
0x3b: {  	_ = 	snop  }
0x3c: {  	p2 =	seq.s32 s10, $0x1;
	s10 =	sld [smem:$0x3FB3]  }
0x3d: {  	_ =	shalt  }
0x3e: {  	_ =	shalt  }
0x3f: {  	_ =	shalt  }
0x40: {  	_ =	shalt  }
0x41: {  	_ =	shalt  }
0x42: {  	_ =	shalt  }
0x43: {  	_ =	shalt  }
0x44: {  	_ =	shalt  }
0x45: {  	_ =	shalt  }
0x46: {  	_ =	shalt  }
0x47: {  	_ =	shalt  }
0x48: {  	_ =	shalt  }
0x49: {  	_ =	shalt  }
0x4a: {  	_ =	shalt  }
0x4b: {  	_ =	shalt  }
0x4c: {  	_ =	shalt  }
0x4d: {  	_ =	shalt  }
0x4e: {  	_ =	shalt  }
0x4f: {  	_ =	shalt  }
0x50: {  	_ =	shalt  }
0x51: {  	_ =	shalt  }
0x52: {  	_ =	shalt  }
0x53: {  	_ =	shalt  }
0x54: {  	_ =	shalt  }
0x55: {  	_ =	shalt  }
0x56: {  	_ =	shalt  }
0x57: {  	_ =	shalt  }
0x58: {  	_ =	shalt  }
0x59: {  	_ =	shalt  }
0x5a: {  	_ =	shalt  }
0x5b: {  	_ =	shalt  }
0x5c: {  	_ =	shalt  }
0x5d: {  	_ =	shalt  }
0x5e: {  	_ =	shalt  }
0x5f: {  	_ =	shalt  }
0x60: {  	_ =	shalt  }
0x61: {  	_ =	shalt  }
0x62: {  	_ =	shalt  }
0x63: {  	_ =	shalt  }
0x64: {  	_ =	shalt  }
0x65: {  	_ =	shalt  }
0x66: {  	_ =	shalt  }
0x67: {  	_ =	shalt  }
0x68: {  	_ =	shalt  }
0x69: {  	_ =	shalt  }
0x6a: {  	_ =	shalt  }
0x6b: {  	_ =	shalt  }
0x6c: {  	_ =	shalt  }
0x6d: {  	_ =	shalt  }
0x6e: {  	_ =	shalt  }
0x6f: {  	_ =	shalt  }
0x70: {  	_ =	shalt  }
0x71: {  	_ =	shalt  }
0x72: {  	_ =	shalt  }
0x73: {  	_ =	shalt  }
0x74: {  	_ =	shalt  }
0x75: {  	_ =	shalt  }
0x76: {  	_ =	shalt  }
0x77: {  	_ =	shalt  }
0x78: {  	_ =	shalt  }
0x79: {  	_ =	shalt  }
0x7a: {  	_ =	shalt  }
0x7b: {  	_ =	shalt  }
0x7c: {  	_ =	shalt  }
0x7d: {  	_ =	shalt  }
0x7e: {  	_ =	shalt  }
0x7f: {  	_ =	shalt  }
0x80: {  	_ =	shalt  }
0x81: {  	_ =	shalt  }
0x82: {  	_ =	shalt  }
0x83: {  	_ =	shalt  }
0x84: {  	_ =	shalt  }
0x85: {  	_ =	shalt  }
0x86: {  	_ =	shalt  }
0x87: {  	_ =	shalt  }
.Lfunc_end0:
.L_simem_size_0:
called_computation.1_lowered:
.L_overlay_start_0:
0x88: {  	s2 =	sld [smem:$0x3FD9]  }
0x89: {  	s3 =	sld [smem:$0x3FFE];
	_ =	sdelay $0x1  }
0x8a: {  	s1 =	srdreg.scid  }
0x8b: {  	s0 =	sand.u32 $0x1, s1  }
0x8c: {  	s16 =	sshll.u32 s0, $0xA;
	s2 =	sadd.s32 s3, s2  }
0x8d: {  	s2 =	sadd.s32 s2, s16  }
0x8e: {  	[smem:$0x3FBF] =	sst s2  }
0x8f: {  	_ = 	snop  }
0x90: {  	(tm) =	ssettm $0x1  }
0x91: {  	s17 =	sld [smem:$0x3FFB];
	_ =	sdelay $0x3  }
0x92: {  	_ =	strace s17  }
0x93: {  	s2 =	sld [smem:$0x3FFC];
	_ =	sdelay $0x3  }
0x94: {  	_ =	strace s2  }
0x95: {  	s2 =	sld [smem:$0x3FFD];
	_ =	sdelay $0x3  }
0x96: {  	_ =	strace s2  }
0x97: {  	_ =	strace $0x8FFFFFFF  }
0x98: {  	s18 =	sld [smem:$0x3FDB];
	_ =	sdelay $0x1  }
0x99: {  	s19 =	simm.s32 $_scs_section_size  }
0x9a: {  	s4 =	simm.s32 $_size__tile_overlayer_lowered;
	s5 =	simm.s32 $_tile_overlayer_lowered  }
0x9b: {  	s22 =	simm.s32 $0x1BFF;
	s21 =	sshll.u32 s5, $0x1;
	s2 =	sadd.s32 s19, s18  }
0x9c: {  	s6 =	simm.s32 $0x0;
	s20 =	sshll.u32 s4, $0x1;
	s4 =	sadd.s32 s21, s2  }
0x9d: {  	[timem:s6], [sflag:s22] =	dma.local [hbm:s4], s20  }
0x9e: {  	_ =	swait.ge [sflag:s22], s20  }
0x9f: {  	s3 =	ssub.s32 $0x0, s20;
	[sflag:s22] =	ssyncset.done $0x0  }
0xa0: {  	[sflag:s22] =	ssyncadd.s32 s3;
	_ =	sdelay $0x1  }
0xa1: {  	s23 =	simm.s32 $0x1B8B  }
0xa2: {  	_ =	swait.ge [sflag:s23], $0x1  }
0xa3: {  	[sflag:s23] =	ssyncset.done $0x0  }
0xa4: {  	s25 =	simm.s32 $0x1B8E;
	s24 =	sld [smem:$0x3FFE];
	[sflag:s23] =	ssyncadd.s32 $0xFFFFFFFF  }
0xa5: {  	s26 =	simm.s32 $execute0_lowered;
	[smem:$0x3FD2] =	sst s25  }
0xa6: {  	s4 =	sshll.u32 s26, $0x1;
	_ =	strace $0x80000049;
	[dreg:$0x1] =	wrdreg $0xFFFFFFFF  }
0xa7: {  	s28 =	simm.s32 $_size_execute0_lowered;
	s2 =	sadd.s32 s2, s4;
	[dreg:$0x0] =	wrdreg $0x0  }
0xa8: {  	s4 =	sshll.u32 s28, $0x1;
	[dreg:$0x2] =	wrdreg s2  }
0xa9: {  	[dreg:$0x3] =	wrdreg s4  }
0xaa: {  	[dreg:$0x4] =	wrdreg $0xC0  }
0xab: {  	_ =	task [dreg:s6], $0x5FFFF  }
0xac: {  	[dreg:$0x1] =	wrdreg $0xFFFFFFFF  }
0xad: {  	[dreg:$0x0] =	wrdreg $0x60  }
0xae: {  	[dreg:$0x2] =	wrdreg s24  }
0xaf: {  	[dreg:$0x3] =	wrdreg $0x14A000  }
0xb0: {  	[dreg:$0x4] =	wrdreg $0x9  }
0xb1: {  	_ =	task.clear_ibuf [dreg:s6], $0x5FFFF;
	_ =	strace $0x90000049  }
0xb2: {  	s29 =	simm.s32 $0x9;
	_ =	strace $0x8000004B  }
0xb3: {  	_ =	swait.ge [sflag:s29], $0x1  }
0xb4: {  	[sflag:s29] =	ssyncadd.s32 $0xFFFFFFFF  }
0xb5: {  	_ =	strace $0x9000004B  }
0xb6: {  	_ =	sfence  }
0xb7: {  	s30 =	sld [smem:$0x0];
	_ =	sdelay $0x2  }
0xb8: {  	s31 =	sshll.u32 s1, $0xD;
	s1 =	sshrl.u32 s1, $0x2  }
0xb9: {  	s3 =	sand.u32 $0x4000, s31;
	s1 =	sadd.s32 s1, s30  }
0xba: {  	s0 =	sor.u32 s3, s0;
	s1 =	sshll.u32 s1, $0x11  }
0xbb: {  	s0 =	sor.u32 s1, s0  }
0xbc: {  	s0 =	sadd.s32 $0x8F2B, s0  }
0xbd: {  	[sflag:s0] =	ssyncadd.remote.s32 $0x1  }
0xbe: {  	_ =	sfence.sel $0xFFFF  }
0xbf: {  	[dreg:$0x0] =	wrdreg $0xFFFFFFFF;
	(pc) =	sbr.abs _section_cstart, $3  }
0xc0: {  	[dreg:$0x1] =	wrdreg $0xFFFFFFFF  }
0xc1: {  	_ =	task.clear_ibuf [dreg:s6], $0x2FFFF;
	_ =	strace $0x9FFFFFFF  }
0xc2: {  	(tm) =	ssettm $0x7FFFFFFF  }
0xc3: {  	_ =	shalt  }
tec
execute0_lowered:
.L_overlay_start_1:
0x0: {  	(tag) =	ssettag $0x1  }
0x1: {  	s0 =	rddreg [dreg:$0x0]  }
0x2: {  	s2 =	rddreg [dreg:$0x1];
	s1 =	simm.s32 $0x0  }
0x3: {  	s3 =	stileid.u32;
	s4 =	srdreg.scid;
	s12 =	simm.s32 $0x3  }
0x4: {  	s16 =	simm.s32 $0x7D;
	s17 =	simm.s32 $0x5000;
	s28 =	simm.s32 $0xEC40  }
0x5: {  	s29 =	simm.s32 $0x1;
	s30 =	simm.s32 $0x10B80;
	s31 =	simm.s32 $0x12AC0  }
0x6: {  	[smem:$0x7FF] =	sst s1;
	s18 =	smul.u32 $0x500, s3;
	s5 =	sadd.s32 $0xB7800, s0  }
0x7: {  	s6 =	sand.u32 $0x1, s4;
	s8 =	smul.u32 $0xA000, s3;
	s4 =	sadd.s32 $0x2400, s0  }
0x8: {  	s26 =	sshll.u32 s3, $0x6;
	_ =	strace $0x8000004A;
	s7 =	ssub.s32 $0x2, s6  }
0x9: {  	s6 =	smul.u32 $0x140000, s6;
	s14 =	sor.u32 $0x1C03, s26;
	s1 =	sadd.s32 s18, s0  }
0xa: {  	s9 =	sshrl.u32 s7, $0x1;
	s0 =	sadd.s32 $0x17800, s0;
	s20 =	sadd.s32 s8, s2  }
0xb: {  	s11 =	ssub.s32 s7, s9;
	s19 =	sadd.s32 $0x12800, s1;
	s1 =	sadd.s32 $0xD800, s1  }
0xc: {  	s21 =	sshrl.u32 s6, $0x3;
	s22 =	sadd.s32 s8, s6;
	[dreg:$0x3] =	wrdreg s19  }
0xd: {  	s6 =	sadd.s32 $0xA0000, s6;
	s15 =	sshrl.u32 s20, $0x3;
	[dreg:$0x4] =	wrdreg s1  }
0xe: {  	s7 =	sadd.s32 s5, s21;
	s9 =	sshrl.u32 s22, $0x3;
	s10 =	sshrl.u32 s6, $0x3  }
.Ltmp0:
0xf: {  	s6 =	sadd.s32 s8, s6;
	s25 =	smax.u32 s11, $0x1;
	(pc) =	sbr.rel .LBB2_1-.Ltmp0, $4  }
0x10: {  	s19 =	simm.s32 $0x6F40;
	s21 =	simm.s32 $0x8E80;
	s1 =	simm.s32 $0x0  }
0x11: {  	s23 =	sadd.s32 s0, s9;
	s24 =	sshrl.u32 s6, $0x3;
	[dreg:$0x7] =	wrdreg s25  }
0x12: {  	s9 =	sadd.s32 s5, s10;
	[dreg:$0x5] =	wrdreg s23;
	s0 =	sadd.s32 s0, s24  }
0x13: {  	s25 =	simm.s32 $0xCD00;
	[dreg:$0x6] =	wrdreg s0;
	s0 =	simm.s32 $0x2  }
.LBB2_7:
0x14: {  	_ =	swait.ge [sflag:s29], $0x1F40  }
0x15: {  	[sflag:s29] =	ssyncset.done $0x0  }
0x16: {  	[sflag:s29] =	ssyncadd.s32 $0xFFFFE0C0  }
0x17: {  	[spmem:s2] =	stream.indirect.scatter.add.f32 [tilespmem:s31], [sflag:$0x2], $0x40, s6, s16, $0xb8;
	[tilespmem:$0x1EA00] =	vst v63  }
0x18: {  	_ =	swait.ge [sflag:s0], $0x1F40  }
0x19: {  	[sflag:s0] =	ssyncset.done $0x0  }
0x1a: {  	[sflag:s0] =	ssyncadd.s32 $0xFFFFE0C0  }
0x1b: {  	_ =	swait.ge [sflag:s0], $0x1F40  }
0x1c: {  	[sflag:s0] =	ssyncset.done $0x0  }
0x1d: {  	[sflag:s0] =	ssyncadd.s32 $0xFFFFE0C0  }
0x1e: {  	_ =	swait.ge [sflag:s0], $0x1F40  }
0x1f: {  	[sflag:s0] =	ssyncset.done $0x0  }
0x20: {  	[sflag:s0] =	ssyncadd.s32 $0xFFFFE0C0  }
0x21: {  	[bflag:$0x0] =	sbarrier.arrive $0xFFFF  }
0x22: {  	s3 =	rddreg [dreg:$0x6]  }
0x23: {  	[hbm:s3], [sflag:s14] =	dma.local [spmem:s15], $0x1400  }
0x24: {  	_ =	swait.ge [sflag:s12], $0x1400  }
0x25: {  	s1 =	sadd.s32 $0x1, s1;
	s26 =	rddreg [dreg:$0x7]  }
0x26: {  	p0 =	sne.s32 s1, s26  }
.Ltmp1:
0x27: {  	_ = 	snop;
	(pc) =	sbr.rel @!p0 .LBB2_8-.Ltmp1, $3  }
0x28: {  	[sflag:s12] =	ssyncset.done $0x0  }
0x29: {  	[sflag:s12] =	ssyncadd.s32 $0xFFFFEC00  }
0x2a: {  	[bflag:$0x0] =	sbarrier.arrive $0xFFFF;
	_ =	sdelay $0x1  }
.LBB2_1:
0x2b: {  	s3 =	simm.s32 $0x0;
	s5 =	rddreg [dreg:$0x3]  }
0x2c: {  	[tilespmem:s3], [sflag:$0x3] =	stream.linear.gather [hbm4b:s5+s3], $0x2800, $0x38;
	[tilespmem:$0x1EA00] =	vst v63  }
0x2d: {  	_ =	swait.ge [sflag:s12], $0x2800  }
0x2e: {  	[sflag:s12] =	ssyncset.done $0x0  }
0x2f: {  	s6 =	simm.s32 $0x2800;
	s13 =	rddreg [dreg:$0x4];
	[sflag:s12] =	ssyncadd.s32 $0xFFFFD800  }
0x30: {  	[tilespmem:s6], [sflag:$0x3] =	stream.linear.gather [hbm4b:s13+s3], $0x2800, $0x38;
	[tilespmem:$0x1EA00] =	vst v63  }
0x31: {  	_ =	swait.ge [sflag:s12], $0x2800  }
0x32: {  	[sflag:s12] =	ssyncset.done $0x0  }
0x33: {  	[sflag:s12] =	ssyncadd.s32 $0xFFFFD800  }
0x34: {  	[spmem:s15], [sflag:s14] =	dma.local [hbm:s4], $0x1400  }
0x35: {  	_ =	swait.ge [sflag:s12], $0x1400  }
0x36: {  	[sflag:s12] =	ssyncset.done $0x0  }
0x37: {  	[sflag:s12] =	ssyncadd.s32 $0xFFFFEC00  }
0x38: {  	[bflag:$0x0] =	sbarrier.arrive $0xFFFF  }
0x39: {  	[tilespmem:s17], [sflag:$0x1] =	stream.indirect.gather [hbm4b:s7+s16], $0x40, s3, s16, $0xb8;
	[tilespmem:$0x1EA00] =	vst v63  }
0x3a: {  	s18 =	simm.s32 $0x80  }
0x3b: {  	[tilespmem:s19], [sflag:$0x1] =	stream.indirect.gather [hbm4b:s7+s16], $0x40, s18, s16, $0xb8;
	[tilespmem:$0x1EA00] =	vst v63  }
0x3c: {  	s20 =	simm.s32 $0x100  }
0x3d: {  	[tilespmem:s21], [sflag:$0x1] =	stream.indirect.gather [hbm4b:s7+s16], $0x40, s20, s16, $0xb8;
	[tilespmem:$0x1EA00] =	vst v63  }
0x3e: {  	s22 =	simm.s32 $0x180;
	s23 =	simm.s32 $0xADC0  }
0x3f: {  	[tilespmem:s23], [sflag:$0x1] =	stream.indirect.gather [hbm4b:s7+s16], $0x40, s22, s16, $0xb8;
	[tilespmem:$0x1EA00] =	vst v63  }
0x40: {  	s24 =	simm.s32 $0x200  }
0x41: {  	[tilespmem:s25], [sflag:$0x1] =	stream.indirect.gather [hbm4b:s7+s16], $0x40, s24, s16, $0xb8;
	[tilespmem:$0x1EA00] =	vst v63  }
0x42: {  	s26 =	simm.s32 $0x280;
	s13 =	simm.s32 $0x0  }
0x43: {  	[tilespmem:s28], [sflag:$0x1] =	stream.indirect.gather [hbm4b:s7+s16], $0x40, s26, s16, $0xb8;
	[tilespmem:$0x1EA00] =	vst v63  }
.LBB2_2:
0x44: {  	_ =	swait.ge [sflag:s29], $0x1F40  }
0x45: {  	s5 =	sshra.s32 s13, $0x2;
	[sflag:s29] =	ssyncset.done $0x0  }
0x46: {  	p0 =	seq.s32 s13, $0x0;
	s6 =	sadd.s32 $0x2800, s5;
	[sflag:s29] =	ssyncadd.s32 $0xFFFFE0C0  }
0x47: {  	[spmem:s2] =	stream.indirect.scatter.add.f32 [tilespmem:s17], [sflag:$0x2], $0x40, s6, s16, $0xb8;
	[tilespmem:$0x1EA00] =	vst v63  }
0x48: {  	s6 =	simm.s32 @!p0 $0x2  }
0x49: {  	_ =	swait.ge @!p0 [sflag:s6], $0x1F40  }
0x4a: {  	[sflag:s6] =	ssyncset.done @!p0 $0x0  }
0x4b: {  	s8 =	sadd.s32 $0x300, s5;
	[sflag:s6] =	ssyncadd.s32 @!p0 $0xFFFFE0C0  }
0x4c: {  	[tilespmem:s30], [sflag:$0x1] =	stream.indirect.gather [hbm4b:s7+s16], $0x40, s8, s16, $0xb8;
	[tilespmem:$0x1EA00] =	vst v63  }
0x4d: {  	_ =	swait.ge [sflag:s29], $0x1F40  }
0x4e: {  	[sflag:s29] =	ssyncset.done $0x0  }
0x4f: {  	s22 =	sadd.s32 $0x2880, s5;
	[sflag:s29] =	ssyncadd.s32 $0xFFFFE0C0  }
0x50: {  	[spmem:s2] =	stream.indirect.scatter.add.f32 [tilespmem:s19], [sflag:$0x2], $0x40, s22, s16, $0xb8;
	[tilespmem:$0x1EA00] =	vst v63  }
0x51: {  	_ =	swait.ge @!p0 [sflag:s6], $0x1F40  }
0x52: {  	[sflag:s6] =	ssyncset.done @!p0 $0x0  }
0x53: {  	s23 =	sadd.s32 $0x380, s5;
	[sflag:s6] =	ssyncadd.s32 @!p0 $0xFFFFE0C0  }
0x54: {  	[tilespmem:s31], [sflag:$0x1] =	stream.indirect.gather [hbm4b:s7+s16], $0x40, s23, s16, $0xb8;
	[tilespmem:$0x1EA00] =	vst v63  }
0x55: {  	_ =	swait.ge [sflag:s29], $0x1F40  }
0x56: {  	[sflag:s29] =	ssyncset.done $0x0  }
0x57: {  	s24 =	sadd.s32 $0x2900, s5;
	[sflag:s29] =	ssyncadd.s32 $0xFFFFE0C0  }
0x58: {  	[spmem:s2] =	stream.indirect.scatter.add.f32 [tilespmem:s21], [sflag:$0x2], $0x40, s24, s16, $0xb8;
	[tilespmem:$0x1EA00] =	vst v63  }
0x59: {  	_ =	swait.ge [sflag:s0], $0x1F40  }
0x5a: {  	p0 =	seq.s32 s13, $0x9000;
	[sflag:s0] =	ssyncset.done $0x0  }
0x5b: {  	s6 =	simm.s32 @p0 $0x1;
	[sflag:s0] =	ssyncadd.s32 $0xFFFFE0C0  }
0x5c: {  	_ =	swait.ge @p0 [sflag:s6], $0x1F40  }
0x5d: {  	s8 =	sshra.s32 @p0 s13, $0x2;
	s11 =	simm.s32 @p0 $0x7D;
	[sflag:s6] =	ssyncset.done @p0 $0x0  }
0x5e: {  	s18 =	simm.s32 @p0 $0xADC0;
	s10 =	sadd.s32 @p0 $0x2980, s8;
	[sflag:s6] =	ssyncadd.s32 @p0 $0xFFFFE0C0  }
0x5f: {  	[spmem:s2] =	stream.indirect.scatter.add.f32 @p0 [tilespmem:s18], [sflag:$0x2], $0x40, s10, s11, $0xb8;
	[tilespmem:$0x1EA00] =	vst v63  }
0x60: {  	s10 =	simm.s32 @p0 $0x2  }
0x61: {  	_ =	swait.ge @p0 [sflag:s10], $0x1F40  }
0x62: {  	s22 =	simm.s32 @!p0 $0x7D;
	s18 =	sshra.s32 @!p0 s13, $0x2;
	[sflag:s10] =	ssyncset.done @p0 $0x0  }
0x63: {  	s23 =	simm.s32 @!p0 $0x5000;
	s20 =	sadd.s32 @!p0 $0x400, s18;
	[sflag:s10] =	ssyncadd.s32 @p0 $0xFFFFE0C0  }
0x64: {  	[tilespmem:s23], [sflag:$0x1] =	stream.indirect.gather @!p0 [hbm4b:s7+s22], $0x40, s20, s22, $0xb8;
	[tilespmem:$0x1EA00] =	vst v63  }
0x65: {  	s20 =	simm.s32 @!p0 $0x1  }
0x66: {  	_ =	swait.ge @!p0 [sflag:s20], $0x1F40  }
0x67: {  	[sflag:s20] =	ssyncset.done @!p0 $0x0  }
0x68: {  	s24 =	simm.s32 @!p0 $0xADC0;
	s23 =	sadd.s32 @!p0 $0x2980, s18;
	[sflag:s20] =	ssyncadd.s32 @!p0 $0xFFFFE0C0  }
0x69: {  	[spmem:s2] =	stream.indirect.scatter.add.f32 @!p0 [tilespmem:s24], [sflag:$0x2], $0x40, s23, s22, $0xb8;
	[tilespmem:$0x1EA00] =	vst v63  }
0x6a: {  	s23 =	simm.s32 @!p0 $0x2  }
0x6b: {  	_ =	swait.ge @!p0 [sflag:s23], $0x1F40  }
0x6c: {  	[sflag:s23] =	ssyncset.done @!p0 $0x0  }
0x6d: {  	s3 =	simm.s32 @!p0 $0x6F40;
	s26 =	sadd.s32 @!p0 $0x480, s18;
	[sflag:s23] =	ssyncadd.s32 @!p0 $0xFFFFE0C0  }
0x6e: {  	[tilespmem:s3], [sflag:$0x1] =	stream.indirect.gather @!p0 [hbm4b:s7+s22], $0x40, s26, s22, $0xb8;
	[tilespmem:$0x1EA00] =	vst v63  }
0x6f: {  	_ =	swait.ge [sflag:s29], $0x1F40  }
0x70: {  	[sflag:s29] =	ssyncset.done $0x0  }
0x71: {  	s26 =	sadd.s32 $0x2A00, s5;
	[sflag:s29] =	ssyncadd.s32 $0xFFFFE0C0  }
0x72: {  	[spmem:s2] =	stream.indirect.scatter.add.f32 [tilespmem:s25], [sflag:$0x2], $0x40, s26, s16, $0xb8;
	[tilespmem:$0x1EA00] =	vst v63  }
0x73: {  	_ =	swait.ge [sflag:s0], $0x1F40  }
0x74: {  	[sflag:s0] =	ssyncset.done $0x0  }
0x75: {  	[sflag:s0] =	ssyncadd.s32 $0xFFFFE0C0  }
0x76: {  	_ =	swait.ge @p0 [sflag:s6], $0x1F40  }
0x77: {  	[sflag:s6] =	ssyncset.done @p0 $0x0  }
0x78: {  	s3 =	sadd.s32 @p0 $0x2A80, s8;
	[sflag:s6] =	ssyncadd.s32 @p0 $0xFFFFE0C0;
	s6 =	simm.s32 @p0 $0xEC40  }
0x79: {  	[spmem:s2] =	stream.indirect.scatter.add.f32 @p0 [tilespmem:s6], [sflag:$0x2], $0x40, s3, s11, $0xb8;
	[tilespmem:$0x1EA00] =	vst v63  }
0x7a: {  	_ =	swait.ge @p0 [sflag:s10], $0x1F40  }
0x7b: {  	[sflag:s10] =	ssyncset.done @p0 $0x0  }
0x7c: {  	s3 =	sadd.s32 @!p0 $0x500, s18;
	s6 =	simm.s32 @!p0 $0x8E80;
	[sflag:s10] =	ssyncadd.s32 @p0 $0xFFFFE0C0  }
0x7d: {  	[tilespmem:s6], [sflag:$0x1] =	stream.indirect.gather @!p0 [hbm4b:s7+s22], $0x40, s3, s22, $0xb8;
	[tilespmem:$0x1EA00] =	vst v63  }
0x7e: {  	_ =	swait.ge @!p0 [sflag:s20], $0x1F40  }
0x7f: {  	[sflag:s20] =	ssyncset.done @!p0 $0x0  }
0x80: {  	s3 =	sadd.s32 @!p0 $0x2A80, s18;
	s6 =	simm.s32 @!p0 $0xEC40;
	[sflag:s20] =	ssyncadd.s32 @!p0 $0xFFFFE0C0  }
0x81: {  	[spmem:s2] =	stream.indirect.scatter.add.f32 @!p0 [tilespmem:s6], [sflag:$0x2], $0x40, s3, s22, $0xb8;
	[tilespmem:$0x1EA00] =	vst v63  }
0x82: {  	_ =	swait.ge @!p0 [sflag:s23], $0x1F40  }
0x83: {  	[sflag:s23] =	ssyncset.done @!p0 $0x0  }
0x84: {  	s3 =	sadd.s32 @!p0 $0x580, s18;
	[sflag:s23] =	ssyncadd.s32 @!p0 $0xFFFFE0C0  }
0x85: {  	[tilespmem:s24], [sflag:$0x1] =	stream.indirect.gather @!p0 [hbm4b:s7+s22], $0x40, s3, s22, $0xb8;
	[tilespmem:$0x1EA00] =	vst v63  }
0x86: {  	_ =	swait.ge [sflag:s29], $0x1F40  }
0x87: {  	[sflag:s29] =	ssyncset.done $0x0  }
.Ltmp2:
0x88: {  	s26 =	sadd.s32 $0x2B00, s5;
	[sflag:s29] =	ssyncadd.s32 $0xFFFFE0C0;
	(pc) =	sbr.rel @p0 .LBB2_4-.Ltmp2, $4  }
0x89: {  	[spmem:s2] =	stream.indirect.scatter.add.f32 [tilespmem:s30], [sflag:$0x2], $0x40, s26, s16, $0xb8;
	[tilespmem:$0x1EA00] =	vst v63  }
0x8a: {  	_ =	swait.ge [sflag:s0], $0x1F40  }
0x8b: {  	[sflag:s0] =	ssyncset.done $0x0  }
0x8c: {  	s6 =	sadd.s32 $0x2B80, s5;
	[sflag:s0] =	ssyncadd.s32 $0xFFFFE0C0  }
0x8d: {  	s3 =	sadd.s32 $0x600, s5  }
0x8e: {  	[tilespmem:s25], [sflag:$0x1] =	stream.indirect.gather [hbm4b:s7+s16], $0x40, s3, s16, $0xb8;
	[tilespmem:$0x1EA00] =	vst v63  }
0x8f: {  	_ =	swait.ge [sflag:s29], $0x1F40  }
0x90: {  	[sflag:s29] =	ssyncset.done $0x0  }
0x91: {  	[sflag:s29] =	ssyncadd.s32 $0xFFFFE0C0  }
0x92: {  	[spmem:s2] =	stream.indirect.scatter.add.f32 [tilespmem:s31], [sflag:$0x2], $0x40, s6, s16, $0xb8;
	[tilespmem:$0x1EA00] =	vst v63  }
.Ltmp3:
0x93: {  	_ = 	snop;
	(pc) =	sbr.rel .LBB2_2-.Ltmp3, $4  }
0x94: {  	_ =	swait.ge [sflag:s0], $0x1F40  }
0x95: {  	[sflag:s0] =	ssyncset.done $0x0  }
0x96: {  	s26 =	sadd.s32 $0x680, s5;
	s13 =	sadd.s32 $0x1000, s13;
	[sflag:s0] =	ssyncadd.s32 $0xFFFFE0C0  }
0x97: {  	[tilespmem:s28], [sflag:$0x1] =	stream.indirect.gather [hbm4b:s7+s16], $0x40, s26, s16, $0xb8;
	[tilespmem:$0x1EA00] =	vst v63  }
.LBB2_4:
0x98: {  	_ =	swait.ge [sflag:s29], $0x1F40  }
0x99: {  	[sflag:s29] =	ssyncset.done $0x0  }
0x9a: {  	[sflag:s29] =	ssyncadd.s32 $0xFFFFE0C0  }
0x9b: {  	[spmem:s2] =	stream.indirect.scatter.add.f32 [tilespmem:s31], [sflag:$0x2], $0x40, s6, s16, $0xb8;
	[tilespmem:$0x1EA00] =	vst v63  }
0x9c: {  	_ =	swait.ge [sflag:s0], $0x1F40  }
0x9d: {  	[sflag:s0] =	ssyncset.done $0x0  }
0x9e: {  	[sflag:s0] =	ssyncadd.s32 $0xFFFFE0C0  }
0x9f: {  	_ =	swait.ge [sflag:s0], $0x1F40  }
0xa0: {  	[sflag:s0] =	ssyncset.done $0x0  }
0xa1: {  	[sflag:s0] =	ssyncadd.s32 $0xFFFFE0C0  }
0xa2: {  	_ =	swait.ge [sflag:s0], $0x1F40  }
0xa3: {  	[sflag:s0] =	ssyncset.done $0x0  }
0xa4: {  	[sflag:s0] =	ssyncadd.s32 $0xFFFFE0C0  }
0xa5: {  	[bflag:$0x0] =	sbarrier.arrive $0xFFFF  }
0xa6: {  	s3 =	rddreg [dreg:$0x5]  }
0xa7: {  	[hbm:s3], [sflag:s14] =	dma.local [spmem:s15], $0x1400  }
0xa8: {  	_ =	swait.ge [sflag:s12], $0x1400  }
0xa9: {  	[sflag:s12] =	ssyncset.done $0x0  }
0xaa: {  	[sflag:s12] =	ssyncadd.s32 $0xFFFFEC00  }
0xab: {  	[bflag:$0x0] =	sbarrier.arrive $0xFFFF  }
0xac: {  	[spmem:s15], [sflag:s14] =	dma.local [hbm:s4], $0x1400  }
0xad: {  	_ =	swait.ge [sflag:s12], $0x1400  }
0xae: {  	[sflag:s12] =	ssyncset.done $0x0  }
0xaf: {  	[sflag:s12] =	ssyncadd.s32 $0xFFFFEC00  }
0xb0: {  	s13 =	simm.s32 $0x0;
	[bflag:$0x0] =	sbarrier.arrive $0xFFFF  }
0xb1: {  	[tilespmem:s17], [sflag:$0x1] =	stream.indirect.gather [hbm4b:s9+s16], $0x40, s13, s16, $0xb8;
	[tilespmem:$0x1EA00] =	vst v63  }
0xb2: {  	s20 =	simm.s32 $0x80  }
0xb3: {  	[tilespmem:s19], [sflag:$0x1] =	stream.indirect.gather [hbm4b:s9+s16], $0x40, s20, s16, $0xb8;
	[tilespmem:$0x1EA00] =	vst v63  }
0xb4: {  	s22 =	simm.s32 $0x100  }
0xb5: {  	[tilespmem:s21], [sflag:$0x1] =	stream.indirect.gather [hbm4b:s9+s16], $0x40, s22, s16, $0xb8;
	[tilespmem:$0x1EA00] =	vst v63  }
0xb6: {  	s23 =	simm.s32 $0x180;
	s5 =	simm.s32 $0xADC0  }
0xb7: {  	[tilespmem:s5], [sflag:$0x1] =	stream.indirect.gather [hbm4b:s9+s16], $0x40, s23, s16, $0xb8;
	[tilespmem:$0x1EA00] =	vst v63  }
0xb8: {  	s24 =	simm.s32 $0x200  }
0xb9: {  	[tilespmem:s25], [sflag:$0x1] =	stream.indirect.gather [hbm4b:s9+s16], $0x40, s24, s16, $0xb8;
	[tilespmem:$0x1EA00] =	vst v63  }
0xba: {  	s26 =	simm.s32 $0x280  }
0xbb: {  	[tilespmem:s28], [sflag:$0x1] =	stream.indirect.gather [hbm4b:s9+s16], $0x40, s26, s16, $0xb8;
	[tilespmem:$0x1EA00] =	vst v63  }
.LBB2_5:
0xbc: {  	_ =	swait.ge [sflag:s29], $0x1F40  }
0xbd: {  	s5 =	sshra.s32 s13, $0x2;
	[sflag:s29] =	ssyncset.done $0x0  }
0xbe: {  	p0 =	seq.s32 s13, $0x0;
	s3 =	sadd.s32 $0x2800, s5;
	[sflag:s29] =	ssyncadd.s32 $0xFFFFE0C0  }
0xbf: {  	[spmem:s2] =	stream.indirect.scatter.add.f32 [tilespmem:s17], [sflag:$0x2], $0x40, s3, s16, $0xb8;
	[tilespmem:$0x1EA00] =	vst v63  }
0xc0: {  	s3 =	simm.s32 @!p0 $0x2  }
0xc1: {  	_ =	swait.ge @!p0 [sflag:s3], $0x1F40  }
0xc2: {  	[sflag:s3] =	ssyncset.done @!p0 $0x0  }
0xc3: {  	s6 =	sadd.s32 $0x300, s5;
	[sflag:s3] =	ssyncadd.s32 @!p0 $0xFFFFE0C0  }
0xc4: {  	[tilespmem:s30], [sflag:$0x1] =	stream.indirect.gather [hbm4b:s9+s16], $0x40, s6, s16, $0xb8;
	[tilespmem:$0x1EA00] =	vst v63  }
0xc5: {  	_ =	swait.ge [sflag:s29], $0x1F40  }
0xc6: {  	[sflag:s29] =	ssyncset.done $0x0  }
0xc7: {  	s22 =	sadd.s32 $0x2880, s5;
	[sflag:s29] =	ssyncadd.s32 $0xFFFFE0C0  }
0xc8: {  	[spmem:s2] =	stream.indirect.scatter.add.f32 [tilespmem:s19], [sflag:$0x2], $0x40, s22, s16, $0xb8;
	[tilespmem:$0x1EA00] =	vst v63  }
0xc9: {  	_ =	swait.ge @!p0 [sflag:s3], $0x1F40  }
0xca: {  	[sflag:s3] =	ssyncset.done @!p0 $0x0  }
0xcb: {  	s23 =	sadd.s32 $0x380, s5;
	[sflag:s3] =	ssyncadd.s32 @!p0 $0xFFFFE0C0  }
0xcc: {  	[tilespmem:s31], [sflag:$0x1] =	stream.indirect.gather [hbm4b:s9+s16], $0x40, s23, s16, $0xb8;
	[tilespmem:$0x1EA00] =	vst v63  }
0xcd: {  	_ =	swait.ge [sflag:s29], $0x1F40  }
0xce: {  	[sflag:s29] =	ssyncset.done $0x0  }
0xcf: {  	s24 =	sadd.s32 $0x2900, s5;
	[sflag:s29] =	ssyncadd.s32 $0xFFFFE0C0  }
0xd0: {  	[spmem:s2] =	stream.indirect.scatter.add.f32 [tilespmem:s21], [sflag:$0x2], $0x40, s24, s16, $0xb8;
	[tilespmem:$0x1EA00] =	vst v63  }
0xd1: {  	_ =	swait.ge [sflag:s0], $0x1F40  }
0xd2: {  	p0 =	seq.s32 s13, $0x9000;
	[sflag:s0] =	ssyncset.done $0x0  }
0xd3: {  	s3 =	simm.s32 @p0 $0x1;
	[sflag:s0] =	ssyncadd.s32 $0xFFFFE0C0  }
0xd4: {  	_ =	swait.ge @p0 [sflag:s3], $0x1F40  }
0xd5: {  	s6 =	sshra.s32 @p0 s13, $0x2;
	s10 =	simm.s32 @p0 $0x7D;
	[sflag:s3] =	ssyncset.done @p0 $0x0  }
0xd6: {  	s11 =	simm.s32 @p0 $0xADC0;
	s8 =	sadd.s32 @p0 $0x2980, s6;
	[sflag:s3] =	ssyncadd.s32 @p0 $0xFFFFE0C0  }
0xd7: {  	[spmem:s2] =	stream.indirect.scatter.add.f32 @p0 [tilespmem:s11], [sflag:$0x2], $0x40, s8, s10, $0xb8;
	[tilespmem:$0x1EA00] =	vst v63  }
0xd8: {  	s8 =	simm.s32 @p0 $0x2  }
0xd9: {  	_ =	swait.ge @p0 [sflag:s8], $0x1F40  }
0xda: {  	s20 =	simm.s32 @!p0 $0x7D;
	s11 =	sshra.s32 @!p0 s13, $0x2;
	[sflag:s8] =	ssyncset.done @p0 $0x0  }
0xdb: {  	s22 =	simm.s32 @!p0 $0x5000;
	s18 =	sadd.s32 @!p0 $0x400, s11;
	[sflag:s8] =	ssyncadd.s32 @p0 $0xFFFFE0C0  }
0xdc: {  	[tilespmem:s22], [sflag:$0x1] =	stream.indirect.gather @!p0 [hbm4b:s9+s20], $0x40, s18, s20, $0xb8;
	[tilespmem:$0x1EA00] =	vst v63  }
0xdd: {  	s18 =	simm.s32 @!p0 $0x1  }
0xde: {  	_ =	swait.ge @!p0 [sflag:s18], $0x1F40  }
0xdf: {  	[sflag:s18] =	ssyncset.done @!p0 $0x0  }
0xe0: {  	s23 =	simm.s32 @!p0 $0xADC0;
	s22 =	sadd.s32 @!p0 $0x2980, s11;
	[sflag:s18] =	ssyncadd.s32 @!p0 $0xFFFFE0C0  }
0xe1: {  	[spmem:s2] =	stream.indirect.scatter.add.f32 @!p0 [tilespmem:s23], [sflag:$0x2], $0x40, s22, s20, $0xb8;
	[tilespmem:$0x1EA00] =	vst v63  }
0xe2: {  	s22 =	simm.s32 @!p0 $0x2  }
0xe3: {  	_ =	swait.ge @!p0 [sflag:s22], $0x1F40  }
0xe4: {  	[sflag:s22] =	ssyncset.done @!p0 $0x0  }
0xe5: {  	s26 =	simm.s32 @!p0 $0x6F40;
	s24 =	sadd.s32 @!p0 $0x480, s11;
	[sflag:s22] =	ssyncadd.s32 @!p0 $0xFFFFE0C0  }
0xe6: {  	[tilespmem:s26], [sflag:$0x1] =	stream.indirect.gather @!p0 [hbm4b:s9+s20], $0x40, s24, s20, $0xb8;
	[tilespmem:$0x1EA00] =	vst v63  }
0xe7: {  	_ =	swait.ge [sflag:s29], $0x1F40  }
0xe8: {  	[sflag:s29] =	ssyncset.done $0x0  }
0xe9: {  	s26 =	sadd.s32 $0x2A00, s5;
	[sflag:s29] =	ssyncadd.s32 $0xFFFFE0C0  }
0xea: {  	[spmem:s2] =	stream.indirect.scatter.add.f32 [tilespmem:s25], [sflag:$0x2], $0x40, s26, s16, $0xb8;
	[tilespmem:$0x1EA00] =	vst v63  }
0xeb: {  	_ =	swait.ge [sflag:s0], $0x1F40  }
0xec: {  	[sflag:s0] =	ssyncset.done $0x0  }
0xed: {  	[sflag:s0] =	ssyncadd.s32 $0xFFFFE0C0  }
0xee: {  	_ =	swait.ge @p0 [sflag:s3], $0x1F40  }
0xef: {  	[sflag:s3] =	ssyncset.done @p0 $0x0  }
0xf0: {  	[sflag:s3] =	ssyncadd.s32 @p0 $0xFFFFE0C0;
	s3 =	sadd.s32 @p0 $0x2A80, s6;
	s6 =	simm.s32 @p0 $0xEC40  }
0xf1: {  	[spmem:s2] =	stream.indirect.scatter.add.f32 @p0 [tilespmem:s6], [sflag:$0x2], $0x40, s3, s10, $0xb8;
	[tilespmem:$0x1EA00] =	vst v63  }
0xf2: {  	_ =	swait.ge @p0 [sflag:s8], $0x1F40  }
0xf3: {  	[sflag:s8] =	ssyncset.done @p0 $0x0  }
0xf4: {  	s3 =	sadd.s32 @!p0 $0x500, s11;
	s6 =	simm.s32 @!p0 $0x8E80;
	[sflag:s8] =	ssyncadd.s32 @p0 $0xFFFFE0C0  }
0xf5: {  	[tilespmem:s6], [sflag:$0x1] =	stream.indirect.gather @!p0 [hbm4b:s9+s20], $0x40, s3, s20, $0xb8;
	[tilespmem:$0x1EA00] =	vst v63  }
0xf6: {  	_ =	swait.ge @!p0 [sflag:s18], $0x1F40  }
0xf7: {  	[sflag:s18] =	ssyncset.done @!p0 $0x0  }
0xf8: {  	s3 =	sadd.s32 @!p0 $0x2A80, s11;
	s6 =	simm.s32 @!p0 $0xEC40;
	[sflag:s18] =	ssyncadd.s32 @!p0 $0xFFFFE0C0  }
0xf9: {  	[spmem:s2] =	stream.indirect.scatter.add.f32 @!p0 [tilespmem:s6], [sflag:$0x2], $0x40, s3, s20, $0xb8;
	[tilespmem:$0x1EA00] =	vst v63  }
0xfa: {  	_ =	swait.ge @!p0 [sflag:s22], $0x1F40  }
0xfb: {  	[sflag:s22] =	ssyncset.done @!p0 $0x0  }
0xfc: {  	s3 =	sadd.s32 @!p0 $0x580, s11;
	[sflag:s22] =	ssyncadd.s32 @!p0 $0xFFFFE0C0  }
0xfd: {  	[tilespmem:s23], [sflag:$0x1] =	stream.indirect.gather @!p0 [hbm4b:s9+s20], $0x40, s3, s20, $0xb8;
	[tilespmem:$0x1EA00] =	vst v63  }
0xfe: {  	_ =	swait.ge [sflag:s29], $0x1F40  }
0xff: {  	[sflag:s29] =	ssyncset.done $0x0  }
.Ltmp4:
0x100: {  	s26 =	sadd.s32 $0x2B00, s5;
	[sflag:s29] =	ssyncadd.s32 $0xFFFFE0C0;
	(pc) =	sbr.rel @p0 .LBB2_7-.Ltmp4, $4  }
0x101: {  	[spmem:s2] =	stream.indirect.scatter.add.f32 [tilespmem:s30], [sflag:$0x2], $0x40, s26, s16, $0xb8;
	[tilespmem:$0x1EA00] =	vst v63  }
0x102: {  	_ =	swait.ge [sflag:s0], $0x1F40  }
0x103: {  	[sflag:s0] =	ssyncset.done $0x0  }
0x104: {  	s6 =	sadd.s32 $0x2B80, s5;
	[sflag:s0] =	ssyncadd.s32 $0xFFFFE0C0  }
0x105: {  	s3 =	sadd.s32 $0x600, s5  }
0x106: {  	[tilespmem:s25], [sflag:$0x1] =	stream.indirect.gather [hbm4b:s9+s16], $0x40, s3, s16, $0xb8;
	[tilespmem:$0x1EA00] =	vst v63  }
0x107: {  	_ =	swait.ge [sflag:s29], $0x1F40  }
0x108: {  	[sflag:s29] =	ssyncset.done $0x0  }
0x109: {  	[sflag:s29] =	ssyncadd.s32 $0xFFFFE0C0  }
0x10a: {  	[spmem:s2] =	stream.indirect.scatter.add.f32 [tilespmem:s31], [sflag:$0x2], $0x40, s6, s16, $0xb8;
	[tilespmem:$0x1EA00] =	vst v63  }
.Ltmp5:
0x10b: {  	_ = 	snop;
	(pc) =	sbr.rel .LBB2_5-.Ltmp5, $4  }
0x10c: {  	_ =	swait.ge [sflag:s0], $0x1F40  }
0x10d: {  	[sflag:s0] =	ssyncset.done $0x0  }
0x10e: {  	s26 =	sadd.s32 $0x680, s5;
	s13 =	sadd.s32 $0x1000, s13;
	[sflag:s0] =	ssyncadd.s32 $0xFFFFE0C0  }
0x10f: {  	[tilespmem:s28], [sflag:$0x1] =	stream.indirect.gather [hbm4b:s9+s16], $0x40, s26, s16, $0xb8;
	[tilespmem:$0x1EA00] =	vst v63  }
.LBB2_8:
0x110: {  	_ =	sfence.sel $0x180000  }
0x111: {  	[bflag:$0x0] =	sbarrier.arrive $0xFFFF  }
0x112: {  	_ =	strace $0x9000004A  }
0x113: {  	s0 =	stileid.u32;
	[bflag:$0x2] =	sbarrier.arrive $0xFFFF  }
0x114: {  	p0 =	sne.s32 s0, $0x0;
	s0 =	rddreg [dreg:$0x2]  }
0x115: {  	s0 =	sadd.s32 @!p0 $0x100000, s0  }
0x116: {  	[sflag:s0] =	ssyncadd.tile.s32 @!p0 $0x1;
	_ =	shalt  }
.Lfunc_end2:
_tile_overlayer_lowered:
.L_overlay_start_2:
0x117: {  	(tag) =	ssettag $0x2  }
0x118: {  	s0 =	rddreg [dreg:$0x0];
	s2 =	stileid.u32  }
0x119: {  	s1 =	rddreg [dreg:$0x1];
	p0 =	sne.s32 s2, $0x0  }
0x11a: {  	s3 =	rddreg [dreg:$0x2];
	[bflag:$0x3] =	sbarrier.arrive $0xFFFF;
	s2 =	simm.s32 @!p0 $0x1C03  }
0x11b: {  	[timem:s3], [sflag:s2] =	dma.local @!p0 [hbm:s0], s1  }
0x11c: {  	s0 =	simm.s32 @!p0 $0x3  }
0x11d: {  	_ =	swait.ge @!p0 [sflag:s0], s1  }
0x11e: {  	s1 =	ssub.s32 @!p0 $0x0, s1;
	[sflag:s0] =	ssyncset.done @!p0 $0x0  }
0x11f: {  	[sflag:s0] =	ssyncadd.s32 @!p0 s1  }
0x120: {  	[bflag:$0x3] =	sbarrier.arrive $0xFFFF  }
0x121: {  	_ =	shalt  }

// kernel: kernel.14.cloned.1.call-start
scs
__scs_entry_jumppad:
0x0: {  	(pc) =	sbr.rel $0x88, $3  }
0x1: {  	(tag) =	ssettag $0x0;
	lr =	simm.s32 $0x1  }
0x2: {  	[smem:$0x3F98] =	sst lr;
	_ =	strace $0xD0000000  }
0x3: {  	_ = 	snop  }
0x4: {  	_ = 	snop  }
0x5: {  	_ = 	snop  }
0x6: {  	_ = 	snop  }
0x7: {  	_ = 	snop  }
__scs_overlays_trampoline_lowered:
0x8: {  	[smem:$0x3FA7] =	sst s0  }
0x9: {  	[smem:$0x3FA8] =	sst s1  }
0xa: {  	[smem:$0x3FA9] =	sst s2  }
0xb: {  	[smem:$0x3FAA] =	sst s3  }
0xc: {  	[smem:$0x3FAB] =	sst s4  }
0xd: {  	[smem:$0x3FAC] =	sst s5  }
0xe: {  	[smem:$0x3FAD] =	sst s6  }
0xf: {  	[smem:$0x3FAE] =	sst s7  }
0x10: {  	[smem:$0x3FAF] =	sst s8  }
0x11: {  	[smem:$0x3FB0] =	sst s9;
	s0 =	simm.s32 @!p0 $0x0  }
0x12: {  	s1 =	sld [smem:$0x3F96];
	s0 =	simm.s32 @p0 $0x1  }
0x13: {  	[smem:$0x3FB1] =	sst s0;
	s0 =	simm.s32 @!p1 $0x0  }
0x14: {  	s2 =	sld [smem:$0x3F95];
	s0 =	simm.s32 @p1 $0x1  }
0x15: {  	[smem:$0x3FB2] =	sst s0;
	s0 =	simm.s32 @!p2 $0x0  }
0x16: {  	s3 =	sld [smem:$0x3FDB];
	s0 =	simm.s32 @p2 $0x1  }
0x17: {  	s4 =	simm.s32 $0x1BF5;
	[smem:$0x3FB4] =	sst s0  }
0x18: {  	s0 =	sld [smem:$0x3F97];
	_ =	swait.ge [sflag:s4], $0x0  }
0x19: {  	s7 =	sld [smem:$0x3F98]  }
0x1a: {  	s8 =	sadd.s32 $0xFFFFE003, lr  }
0x1b: {  	s9 =	sadd.s32 $0xFFFFFEF7, lr;
	s5 =	simm.s32 $0xFFFFFFFF;
	p2 =	slt.u32 s8, $0xFFFFF086  }
0x1c: {  	p1 =	slt.u32 s9, $0xF7A;
	s5 =	simm.s32 @!p2 $0x0  }
0x1d: {  	s5 =	simm.s32 @p1 $0x1;
	p0 =	seq.s32 s7, s2  }
0x1e: {  	s7 =	smul.u32 @!p0 $0xF7A, s2;
	p2 =	seq.s32 @!p0 s5, $0x0  }
0x1f: {  	s9 =	smul.u32 $0xF7A, s1;
	s8 =	simm.s32 @!p0 $0x1BF5;
	p2 =	por !p2, p0  }
0x20: {  	[sflag:s8] =	ssyncset.s32 @!p0 $0xFFFFF086;
	s6 =	sadd.s32 @!p0 s3, s7;
	s7 =	simm.s32 @!p0 $0x108  }
0x21: {  	s3 =	sadd.s32 s3, s9;
	s6 =	sadd.s32 @!p0 $0x88, s6;
	s7 =	simm.s32 @p2 $0x1082  }
0x22: {  	[simem:s7], [sflag:s8] =	dma.local @!p0 [hbm:s6], $0xF7A  }
0x23: {  	s9 =	sor.u32 $0xD0000000, s2;
	s6 =	simm.s32 $0x108;
	_ =	swait.ge @!p0 [sflag:s8], $0x0  }
0x24: {  	s3 =	sadd.s32 $0x88, s3;
	s6 =	simm.s32 @!p1 $0x1082;
	[sflag:s4] =	ssyncset.s32 $0xFFFFF086  }
0x25: {  	[simem:s6], [sflag:s4] =	dma.local [hbm:s3], $0xF7A  }
0x26: {  	[smem:$0x3F98] =	sst s1;
	(tag) =	ssettag s2;
	_ =	strace s9  }
0x27: {  	s1 =	sld [smem:$0x3FA8]  }
0x28: {  	s2 =	sld [smem:$0x3FA9]  }
0x29: {  	s4 =	sld [smem:$0x3FAB]  }
0x2a: {  	p0 =	seq.s32 s5, $0x0;
	s5 =	sld [smem:$0x3FAC]  }
0x2b: {  	s6 =	sld [smem:$0x3FAD]  }
0x2c: {  	s7 =	sld [smem:$0x3FAE]  }
0x2d: {  	s3 =	simm.s32 $0x108;
	s8 =	sld [smem:$0x3FAF]  }
0x2e: {  	s3 =	simm.s32 @!p0 $0x1082;
	s9 =	sld [smem:$0x3FB0]  }
0x2f: {  	lr =	sadd.s32 s0, s3;
	s0 =	sld [smem:$0x3FA7]  }
0x30: {  	s3 =	sld [smem:$0x3FAA]  }
0x31: {  	[smem:$0x3FB3] =	sst s10  }
0x32: {  	s10 =	sld [smem:$0x3FB1];
	_ =	sdelay $0x3  }
0x33: {  	p0 =	seq.s32 s10, $0x1;
	s10 =	sld [smem:$0x3FB3];
	_ =	sdelay $0x3  }
0x34: {  	[smem:$0x3FB3] =	sst s10  }
0x35: {  	s10 =	sld [smem:$0x3FB2];
	_ =	sdelay $0x3  }
0x36: {  	p1 =	seq.s32 s10, $0x1;
	s10 =	sld [smem:$0x3FB3];
	_ =	sdelay $0x3  }
0x37: {  	[smem:$0x3FB3] =	sst s10  }
0x38: {  	s10 =	sld [smem:$0x3FB4]  }
0x39: {  	_ = 	snop;
	(pc) =	sbr.ind lr, $3  }
0x3a: {  	_ = 	snop  }
0x3b: {  	_ = 	snop  }
0x3c: {  	p2 =	seq.s32 s10, $0x1;
	s10 =	sld [smem:$0x3FB3]  }
0x3d: {  	_ =	shalt  }
0x3e: {  	_ =	shalt  }
0x3f: {  	_ =	shalt  }
0x40: {  	_ =	shalt  }
0x41: {  	_ =	shalt  }
0x42: {  	_ =	shalt  }
0x43: {  	_ =	shalt  }
0x44: {  	_ =	shalt  }
0x45: {  	_ =	shalt  }
0x46: {  	_ =	shalt  }
0x47: {  	_ =	shalt  }
0x48: {  	_ =	shalt  }
0x49: {  	_ =	shalt  }
0x4a: {  	_ =	shalt  }
0x4b: {  	_ =	shalt  }
0x4c: {  	_ =	shalt  }
0x4d: {  	_ =	shalt  }
0x4e: {  	_ =	shalt  }
0x4f: {  	_ =	shalt  }
0x50: {  	_ =	shalt  }
0x51: {  	_ =	shalt  }
0x52: {  	_ =	shalt  }
0x53: {  	_ =	shalt  }
0x54: {  	_ =	shalt  }
0x55: {  	_ =	shalt  }
0x56: {  	_ =	shalt  }
0x57: {  	_ =	shalt  }
0x58: {  	_ =	shalt  }
0x59: {  	_ =	shalt  }
0x5a: {  	_ =	shalt  }
0x5b: {  	_ =	shalt  }
0x5c: {  	_ =	shalt  }
0x5d: {  	_ =	shalt  }
0x5e: {  	_ =	shalt  }
0x5f: {  	_ =	shalt  }
0x60: {  	_ =	shalt  }
0x61: {  	_ =	shalt  }
0x62: {  	_ =	shalt  }
0x63: {  	_ =	shalt  }
0x64: {  	_ =	shalt  }
0x65: {  	_ =	shalt  }
0x66: {  	_ =	shalt  }
0x67: {  	_ =	shalt  }
0x68: {  	_ =	shalt  }
0x69: {  	_ =	shalt  }
0x6a: {  	_ =	shalt  }
0x6b: {  	_ =	shalt  }
0x6c: {  	_ =	shalt  }
0x6d: {  	_ =	shalt  }
0x6e: {  	_ =	shalt  }
0x6f: {  	_ =	shalt  }
0x70: {  	_ =	shalt  }
0x71: {  	_ =	shalt  }
0x72: {  	_ =	shalt  }
0x73: {  	_ =	shalt  }
0x74: {  	_ =	shalt  }
0x75: {  	_ =	shalt  }
0x76: {  	_ =	shalt  }
0x77: {  	_ =	shalt  }
0x78: {  	_ =	shalt  }
0x79: {  	_ =	shalt  }
0x7a: {  	_ =	shalt  }
0x7b: {  	_ =	shalt  }
0x7c: {  	_ =	shalt  }
0x7d: {  	_ =	shalt  }
0x7e: {  	_ =	shalt  }
0x7f: {  	_ =	shalt  }
0x80: {  	_ =	shalt  }
0x81: {  	_ =	shalt  }
0x82: {  	_ =	shalt  }
0x83: {  	_ =	shalt  }
0x84: {  	_ =	shalt  }
0x85: {  	_ =	shalt  }
0x86: {  	_ =	shalt  }
0x87: {  	_ =	shalt  }
.Lfunc_end0:
.L_simem_size_0:
called_computation.2_lowered:
.L_overlay_start_0:
0x88: {  	s2 =	sld [smem:$0x3FD9]  }
0x89: {  	s3 =	sld [smem:$0x3FFE];
	_ =	sdelay $0x1  }
0x8a: {  	s1 =	srdreg.scid  }
0x8b: {  	s0 =	sand.u32 $0x1, s1  }
0x8c: {  	s16 =	sshll.u32 s0, $0xA;
	s2 =	sadd.s32 s3, s2  }
0x8d: {  	s2 =	sadd.s32 s2, s16  }
0x8e: {  	[smem:$0x3FBF] =	sst s2  }
0x8f: {  	_ = 	snop  }
0x90: {  	(tm) =	ssettm $0x1  }
0x91: {  	s17 =	sld [smem:$0x3FFB];
	_ =	sdelay $0x3  }
0x92: {  	_ =	strace s17  }
0x93: {  	s2 =	sld [smem:$0x3FFC];
	_ =	sdelay $0x3  }
0x94: {  	_ =	strace s2  }
0x95: {  	s2 =	sld [smem:$0x3FFD];
	_ =	sdelay $0x3  }
0x96: {  	_ =	strace s2  }
0x97: {  	_ =	strace $0x8FFFFFFF  }
0x98: {  	s18 =	sld [smem:$0x3FDB];
	_ =	sdelay $0x1  }
0x99: {  	s19 =	simm.s32 $_scs_section_size  }
0x9a: {  	s4 =	simm.s32 $_size__tile_overlayer_lowered;
	s5 =	simm.s32 $_tile_overlayer_lowered  }
0x9b: {  	s22 =	simm.s32 $0x1BFF;
	s21 =	sshll.u32 s5, $0x1;
	s2 =	sadd.s32 s19, s18  }
0x9c: {  	s6 =	simm.s32 $0x0;
	s20 =	sshll.u32 s4, $0x1;
	s4 =	sadd.s32 s21, s2  }
0x9d: {  	[timem:s6], [sflag:s22] =	dma.local [hbm:s4], s20  }
0x9e: {  	_ =	swait.ge [sflag:s22], s20  }
0x9f: {  	s3 =	ssub.s32 $0x0, s20;
	[sflag:s22] =	ssyncset.done $0x0  }
0xa0: {  	[sflag:s22] =	ssyncadd.s32 s3;
	_ =	sdelay $0x1  }
0xa1: {  	s23 =	simm.s32 $0x1B8B  }
0xa2: {  	_ =	swait.ge [sflag:s23], $0x1  }
0xa3: {  	[sflag:s23] =	ssyncset.done $0x0  }
0xa4: {  	s25 =	simm.s32 $0x1B8E;
	s24 =	sld [smem:$0x3FFE];
	[sflag:s23] =	ssyncadd.s32 $0xFFFFFFFF  }
0xa5: {  	s26 =	simm.s32 $execute0_lowered;
	[smem:$0x3FD2] =	sst s25  }
0xa6: {  	s4 =	sshll.u32 s26, $0x1;
	_ =	strace $0x8000004C;
	[dreg:$0x1] =	wrdreg $0xFFFFFFFF  }
0xa7: {  	s28 =	simm.s32 $_size_execute0_lowered;
	s2 =	sadd.s32 s2, s4;
	[dreg:$0x0] =	wrdreg $0x0  }
0xa8: {  	s4 =	sshll.u32 s28, $0x1;
	[dreg:$0x2] =	wrdreg s2  }
0xa9: {  	[dreg:$0x3] =	wrdreg s4  }
0xaa: {  	[dreg:$0x4] =	wrdreg $0xC0  }
0xab: {  	_ =	task [dreg:s6], $0x5FFFF  }
0xac: {  	[dreg:$0x1] =	wrdreg $0xFFFFFFFF  }
0xad: {  	[dreg:$0x0] =	wrdreg $0x60  }
0xae: {  	[dreg:$0x2] =	wrdreg s24  }
0xaf: {  	[dreg:$0x3] =	wrdreg $0x14A000  }
0xb0: {  	[dreg:$0x4] =	wrdreg $0x9  }
0xb1: {  	_ =	task.clear_ibuf [dreg:s6], $0x5FFFF;
	_ =	strace $0x9000004C  }
0xb2: {  	s29 =	simm.s32 $0x9;
	_ =	strace $0x8000004E  }
0xb3: {  	_ =	swait.ge [sflag:s29], $0x1  }
0xb4: {  	[sflag:s29] =	ssyncadd.s32 $0xFFFFFFFF  }
0xb5: {  	_ =	strace $0x9000004E  }
0xb6: {  	_ =	sfence  }
0xb7: {  	s30 =	sld [smem:$0x0];
	_ =	sdelay $0x2  }
0xb8: {  	s31 =	sshll.u32 s1, $0xD;
	s1 =	sshrl.u32 s1, $0x2  }
0xb9: {  	s3 =	sand.u32 $0x4000, s31;
	s1 =	sadd.s32 s1, s30  }
0xba: {  	s0 =	sor.u32 s3, s0;
	s1 =	sshll.u32 s1, $0x11  }
0xbb: {  	s0 =	sor.u32 s1, s0  }
0xbc: {  	s0 =	sadd.s32 $0x8F2B, s0  }
0xbd: {  	[sflag:s0] =	ssyncadd.remote.s32 $0x1  }
0xbe: {  	_ =	sfence.sel $0xFFFF  }
0xbf: {  	[dreg:$0x0] =	wrdreg $0xFFFFFFFF;
	(pc) =	sbr.abs _section_cstart, $3  }
0xc0: {  	[dreg:$0x1] =	wrdreg $0xFFFFFFFF  }
0xc1: {  	_ =	task.clear_ibuf [dreg:s6], $0x2FFFF;
	_ =	strace $0x9FFFFFFF  }
0xc2: {  	(tm) =	ssettm $0x7FFFFFFF  }
0xc3: {  	_ =	shalt  }
tec
execute0_lowered:
.L_overlay_start_1:
0x0: {  	(tag) =	ssettag $0x1  }
0x1: {  	s0 =	rddreg [dreg:$0x0]  }
0x2: {  	s2 =	rddreg [dreg:$0x1];
	s1 =	simm.s32 $0x0  }
0x3: {  	s3 =	stileid.u32;
	s4 =	srdreg.scid;
	s12 =	simm.s32 $0x3  }
0x4: {  	s16 =	simm.s32 $0x7D;
	s17 =	simm.s32 $0x5000;
	s28 =	simm.s32 $0xEC40  }
0x5: {  	s29 =	simm.s32 $0x1;
	s30 =	simm.s32 $0x10B80;
	s31 =	simm.s32 $0x12AC0  }
0x6: {  	[smem:$0x7FF] =	sst s1;
	s18 =	smul.u32 $0x500, s3;
	s5 =	sadd.s32 $0x17800, s0  }
0x7: {  	s6 =	sand.u32 $0x1, s4;
	s8 =	smul.u32 $0xA000, s3;
	s4 =	sadd.s32 $0x2400, s0  }
0x8: {  	s26 =	sshll.u32 s3, $0x6;
	_ =	strace $0x8000004D;
	s7 =	ssub.s32 $0x2, s6  }
0x9: {  	s6 =	smul.u32 $0x140000, s6;
	s14 =	sor.u32 $0x1C03, s26;
	s1 =	sadd.s32 s18, s0  }
0xa: {  	s9 =	sshrl.u32 s7, $0x1;
	s0 =	sadd.s32 $0x67800, s0;
	s20 =	sadd.s32 s8, s2  }
0xb: {  	s11 =	ssub.s32 s7, s9;
	s19 =	sadd.s32 $0x12800, s1;
	s1 =	sadd.s32 $0xD800, s1  }
0xc: {  	s21 =	sshrl.u32 s6, $0x3;
	s22 =	sadd.s32 s8, s6;
	[dreg:$0x3] =	wrdreg s19  }
0xd: {  	s6 =	sadd.s32 $0xA0000, s6;
	s15 =	sshrl.u32 s20, $0x3;
	[dreg:$0x4] =	wrdreg s1  }
0xe: {  	s7 =	sadd.s32 s5, s21;
	s9 =	sshrl.u32 s22, $0x3;
	s10 =	sshrl.u32 s6, $0x3  }
.Ltmp0:
0xf: {  	s6 =	sadd.s32 s8, s6;
	s25 =	smax.u32 s11, $0x1;
	(pc) =	sbr.rel .LBB2_1-.Ltmp0, $4  }
0x10: {  	s19 =	simm.s32 $0x6F40;
	s21 =	simm.s32 $0x8E80;
	s1 =	simm.s32 $0x0  }
0x11: {  	s23 =	sadd.s32 s0, s9;
	s24 =	sshrl.u32 s6, $0x3;
	[dreg:$0x7] =	wrdreg s25  }
0x12: {  	s9 =	sadd.s32 s5, s10;
	[dreg:$0x5] =	wrdreg s23;
	s0 =	sadd.s32 s0, s24  }
0x13: {  	s25 =	simm.s32 $0xCD00;
	[dreg:$0x6] =	wrdreg s0;
	s0 =	simm.s32 $0x2  }
.LBB2_7:
0x14: {  	_ =	swait.ge [sflag:s29], $0x1F40  }
0x15: {  	[sflag:s29] =	ssyncset.done $0x0  }
0x16: {  	[sflag:s29] =	ssyncadd.s32 $0xFFFFE0C0  }
0x17: {  	[spmem:s2] =	stream.indirect.scatter.add.f32 [tilespmem:s31], [sflag:$0x2], $0x40, s6, s16, $0xb8;
	[tilespmem:$0x1EA00] =	vst v63  }
0x18: {  	_ =	swait.ge [sflag:s0], $0x1F40  }
0x19: {  	[sflag:s0] =	ssyncset.done $0x0  }
0x1a: {  	[sflag:s0] =	ssyncadd.s32 $0xFFFFE0C0  }
0x1b: {  	_ =	swait.ge [sflag:s0], $0x1F40  }
0x1c: {  	[sflag:s0] =	ssyncset.done $0x0  }
0x1d: {  	[sflag:s0] =	ssyncadd.s32 $0xFFFFE0C0  }
0x1e: {  	_ =	swait.ge [sflag:s0], $0x1F40  }
0x1f: {  	[sflag:s0] =	ssyncset.done $0x0  }
0x20: {  	[sflag:s0] =	ssyncadd.s32 $0xFFFFE0C0  }
0x21: {  	[bflag:$0x0] =	sbarrier.arrive $0xFFFF  }
0x22: {  	s3 =	rddreg [dreg:$0x6]  }
0x23: {  	[hbm:s3], [sflag:s14] =	dma.local [spmem:s15], $0x1400  }
0x24: {  	_ =	swait.ge [sflag:s12], $0x1400  }
0x25: {  	s1 =	sadd.s32 $0x1, s1;
	s26 =	rddreg [dreg:$0x7]  }
0x26: {  	p0 =	sne.s32 s1, s26  }
.Ltmp1:
0x27: {  	_ = 	snop;
	(pc) =	sbr.rel @!p0 .LBB2_8-.Ltmp1, $3  }
0x28: {  	[sflag:s12] =	ssyncset.done $0x0  }
0x29: {  	[sflag:s12] =	ssyncadd.s32 $0xFFFFEC00  }
0x2a: {  	[bflag:$0x0] =	sbarrier.arrive $0xFFFF;
	_ =	sdelay $0x1  }
.LBB2_1:
0x2b: {  	s3 =	simm.s32 $0x0;
	s5 =	rddreg [dreg:$0x3]  }
0x2c: {  	[tilespmem:s3], [sflag:$0x3] =	stream.linear.gather [hbm4b:s5+s3], $0x2800, $0x38;
	[tilespmem:$0x1EA00] =	vst v63  }
0x2d: {  	_ =	swait.ge [sflag:s12], $0x2800  }
0x2e: {  	[sflag:s12] =	ssyncset.done $0x0  }
0x2f: {  	s6 =	simm.s32 $0x2800;
	s13 =	rddreg [dreg:$0x4];
	[sflag:s12] =	ssyncadd.s32 $0xFFFFD800  }
0x30: {  	[tilespmem:s6], [sflag:$0x3] =	stream.linear.gather [hbm4b:s13+s3], $0x2800, $0x38;
	[tilespmem:$0x1EA00] =	vst v63  }
0x31: {  	_ =	swait.ge [sflag:s12], $0x2800  }
0x32: {  	[sflag:s12] =	ssyncset.done $0x0  }
0x33: {  	[sflag:s12] =	ssyncadd.s32 $0xFFFFD800  }
0x34: {  	[spmem:s15], [sflag:s14] =	dma.local [hbm:s4], $0x1400  }
0x35: {  	_ =	swait.ge [sflag:s12], $0x1400  }
0x36: {  	[sflag:s12] =	ssyncset.done $0x0  }
0x37: {  	[sflag:s12] =	ssyncadd.s32 $0xFFFFEC00  }
0x38: {  	[bflag:$0x0] =	sbarrier.arrive $0xFFFF  }
0x39: {  	[tilespmem:s17], [sflag:$0x1] =	stream.indirect.gather [hbm4b:s7+s16], $0x40, s3, s16, $0xb8;
	[tilespmem:$0x1EA00] =	vst v63  }
0x3a: {  	s18 =	simm.s32 $0x80  }
0x3b: {  	[tilespmem:s19], [sflag:$0x1] =	stream.indirect.gather [hbm4b:s7+s16], $0x40, s18, s16, $0xb8;
	[tilespmem:$0x1EA00] =	vst v63  }
0x3c: {  	s20 =	simm.s32 $0x100  }
0x3d: {  	[tilespmem:s21], [sflag:$0x1] =	stream.indirect.gather [hbm4b:s7+s16], $0x40, s20, s16, $0xb8;
	[tilespmem:$0x1EA00] =	vst v63  }
0x3e: {  	s22 =	simm.s32 $0x180;
	s23 =	simm.s32 $0xADC0  }
0x3f: {  	[tilespmem:s23], [sflag:$0x1] =	stream.indirect.gather [hbm4b:s7+s16], $0x40, s22, s16, $0xb8;
	[tilespmem:$0x1EA00] =	vst v63  }
0x40: {  	s24 =	simm.s32 $0x200  }
0x41: {  	[tilespmem:s25], [sflag:$0x1] =	stream.indirect.gather [hbm4b:s7+s16], $0x40, s24, s16, $0xb8;
	[tilespmem:$0x1EA00] =	vst v63  }
0x42: {  	s26 =	simm.s32 $0x280;
	s13 =	simm.s32 $0x0  }
0x43: {  	[tilespmem:s28], [sflag:$0x1] =	stream.indirect.gather [hbm4b:s7+s16], $0x40, s26, s16, $0xb8;
	[tilespmem:$0x1EA00] =	vst v63  }
.LBB2_2:
0x44: {  	_ =	swait.ge [sflag:s29], $0x1F40  }
0x45: {  	s5 =	sshra.s32 s13, $0x2;
	[sflag:s29] =	ssyncset.done $0x0  }
0x46: {  	p0 =	seq.s32 s13, $0x0;
	s6 =	sadd.s32 $0x2800, s5;
	[sflag:s29] =	ssyncadd.s32 $0xFFFFE0C0  }
0x47: {  	[spmem:s2] =	stream.indirect.scatter.add.f32 [tilespmem:s17], [sflag:$0x2], $0x40, s6, s16, $0xb8;
	[tilespmem:$0x1EA00] =	vst v63  }
0x48: {  	s6 =	simm.s32 @!p0 $0x2  }
0x49: {  	_ =	swait.ge @!p0 [sflag:s6], $0x1F40  }
0x4a: {  	[sflag:s6] =	ssyncset.done @!p0 $0x0  }
0x4b: {  	s8 =	sadd.s32 $0x300, s5;
	[sflag:s6] =	ssyncadd.s32 @!p0 $0xFFFFE0C0  }
0x4c: {  	[tilespmem:s30], [sflag:$0x1] =	stream.indirect.gather [hbm4b:s7+s16], $0x40, s8, s16, $0xb8;
	[tilespmem:$0x1EA00] =	vst v63  }
0x4d: {  	_ =	swait.ge [sflag:s29], $0x1F40  }
0x4e: {  	[sflag:s29] =	ssyncset.done $0x0  }
0x4f: {  	s22 =	sadd.s32 $0x2880, s5;
	[sflag:s29] =	ssyncadd.s32 $0xFFFFE0C0  }
0x50: {  	[spmem:s2] =	stream.indirect.scatter.add.f32 [tilespmem:s19], [sflag:$0x2], $0x40, s22, s16, $0xb8;
	[tilespmem:$0x1EA00] =	vst v63  }
0x51: {  	_ =	swait.ge @!p0 [sflag:s6], $0x1F40  }
0x52: {  	[sflag:s6] =	ssyncset.done @!p0 $0x0  }
0x53: {  	s23 =	sadd.s32 $0x380, s5;
	[sflag:s6] =	ssyncadd.s32 @!p0 $0xFFFFE0C0  }
0x54: {  	[tilespmem:s31], [sflag:$0x1] =	stream.indirect.gather [hbm4b:s7+s16], $0x40, s23, s16, $0xb8;
	[tilespmem:$0x1EA00] =	vst v63  }
0x55: {  	_ =	swait.ge [sflag:s29], $0x1F40  }
0x56: {  	[sflag:s29] =	ssyncset.done $0x0  }
0x57: {  	s24 =	sadd.s32 $0x2900, s5;
	[sflag:s29] =	ssyncadd.s32 $0xFFFFE0C0  }
0x58: {  	[spmem:s2] =	stream.indirect.scatter.add.f32 [tilespmem:s21], [sflag:$0x2], $0x40, s24, s16, $0xb8;
	[tilespmem:$0x1EA00] =	vst v63  }
0x59: {  	_ =	swait.ge [sflag:s0], $0x1F40  }
0x5a: {  	p0 =	seq.s32 s13, $0x9000;
	[sflag:s0] =	ssyncset.done $0x0  }
0x5b: {  	s6 =	simm.s32 @p0 $0x1;
	[sflag:s0] =	ssyncadd.s32 $0xFFFFE0C0  }
0x5c: {  	_ =	swait.ge @p0 [sflag:s6], $0x1F40  }
0x5d: {  	s8 =	sshra.s32 @p0 s13, $0x2;
	s11 =	simm.s32 @p0 $0x7D;
	[sflag:s6] =	ssyncset.done @p0 $0x0  }
0x5e: {  	s18 =	simm.s32 @p0 $0xADC0;
	s10 =	sadd.s32 @p0 $0x2980, s8;
	[sflag:s6] =	ssyncadd.s32 @p0 $0xFFFFE0C0  }
0x5f: {  	[spmem:s2] =	stream.indirect.scatter.add.f32 @p0 [tilespmem:s18], [sflag:$0x2], $0x40, s10, s11, $0xb8;
	[tilespmem:$0x1EA00] =	vst v63  }
0x60: {  	s10 =	simm.s32 @p0 $0x2  }
0x61: {  	_ =	swait.ge @p0 [sflag:s10], $0x1F40  }
0x62: {  	s22 =	simm.s32 @!p0 $0x7D;
	s18 =	sshra.s32 @!p0 s13, $0x2;
	[sflag:s10] =	ssyncset.done @p0 $0x0  }
0x63: {  	s23 =	simm.s32 @!p0 $0x5000;
	s20 =	sadd.s32 @!p0 $0x400, s18;
	[sflag:s10] =	ssyncadd.s32 @p0 $0xFFFFE0C0  }
0x64: {  	[tilespmem:s23], [sflag:$0x1] =	stream.indirect.gather @!p0 [hbm4b:s7+s22], $0x40, s20, s22, $0xb8;
	[tilespmem:$0x1EA00] =	vst v63  }
0x65: {  	s20 =	simm.s32 @!p0 $0x1  }
0x66: {  	_ =	swait.ge @!p0 [sflag:s20], $0x1F40  }
0x67: {  	[sflag:s20] =	ssyncset.done @!p0 $0x0  }
0x68: {  	s24 =	simm.s32 @!p0 $0xADC0;
	s23 =	sadd.s32 @!p0 $0x2980, s18;
	[sflag:s20] =	ssyncadd.s32 @!p0 $0xFFFFE0C0  }
0x69: {  	[spmem:s2] =	stream.indirect.scatter.add.f32 @!p0 [tilespmem:s24], [sflag:$0x2], $0x40, s23, s22, $0xb8;
	[tilespmem:$0x1EA00] =	vst v63  }
0x6a: {  	s23 =	simm.s32 @!p0 $0x2  }
0x6b: {  	_ =	swait.ge @!p0 [sflag:s23], $0x1F40  }
0x6c: {  	[sflag:s23] =	ssyncset.done @!p0 $0x0  }
0x6d: {  	s3 =	simm.s32 @!p0 $0x6F40;
	s26 =	sadd.s32 @!p0 $0x480, s18;
	[sflag:s23] =	ssyncadd.s32 @!p0 $0xFFFFE0C0  }
0x6e: {  	[tilespmem:s3], [sflag:$0x1] =	stream.indirect.gather @!p0 [hbm4b:s7+s22], $0x40, s26, s22, $0xb8;
	[tilespmem:$0x1EA00] =	vst v63  }
0x6f: {  	_ =	swait.ge [sflag:s29], $0x1F40  }
0x70: {  	[sflag:s29] =	ssyncset.done $0x0  }
0x71: {  	s26 =	sadd.s32 $0x2A00, s5;
	[sflag:s29] =	ssyncadd.s32 $0xFFFFE0C0  }
0x72: {  	[spmem:s2] =	stream.indirect.scatter.add.f32 [tilespmem:s25], [sflag:$0x2], $0x40, s26, s16, $0xb8;
	[tilespmem:$0x1EA00] =	vst v63  }
0x73: {  	_ =	swait.ge [sflag:s0], $0x1F40  }
0x74: {  	[sflag:s0] =	ssyncset.done $0x0  }
0x75: {  	[sflag:s0] =	ssyncadd.s32 $0xFFFFE0C0  }
0x76: {  	_ =	swait.ge @p0 [sflag:s6], $0x1F40  }
0x77: {  	[sflag:s6] =	ssyncset.done @p0 $0x0  }
0x78: {  	s3 =	sadd.s32 @p0 $0x2A80, s8;
	[sflag:s6] =	ssyncadd.s32 @p0 $0xFFFFE0C0;
	s6 =	simm.s32 @p0 $0xEC40  }
0x79: {  	[spmem:s2] =	stream.indirect.scatter.add.f32 @p0 [tilespmem:s6], [sflag:$0x2], $0x40, s3, s11, $0xb8;
	[tilespmem:$0x1EA00] =	vst v63  }
0x7a: {  	_ =	swait.ge @p0 [sflag:s10], $0x1F40  }
0x7b: {  	[sflag:s10] =	ssyncset.done @p0 $0x0  }
0x7c: {  	s3 =	sadd.s32 @!p0 $0x500, s18;
	s6 =	simm.s32 @!p0 $0x8E80;
	[sflag:s10] =	ssyncadd.s32 @p0 $0xFFFFE0C0  }
0x7d: {  	[tilespmem:s6], [sflag:$0x1] =	stream.indirect.gather @!p0 [hbm4b:s7+s22], $0x40, s3, s22, $0xb8;
	[tilespmem:$0x1EA00] =	vst v63  }
0x7e: {  	_ =	swait.ge @!p0 [sflag:s20], $0x1F40  }
0x7f: {  	[sflag:s20] =	ssyncset.done @!p0 $0x0  }
0x80: {  	s3 =	sadd.s32 @!p0 $0x2A80, s18;
	s6 =	simm.s32 @!p0 $0xEC40;
	[sflag:s20] =	ssyncadd.s32 @!p0 $0xFFFFE0C0  }
0x81: {  	[spmem:s2] =	stream.indirect.scatter.add.f32 @!p0 [tilespmem:s6], [sflag:$0x2], $0x40, s3, s22, $0xb8;
	[tilespmem:$0x1EA00] =	vst v63  }
0x82: {  	_ =	swait.ge @!p0 [sflag:s23], $0x1F40  }
0x83: {  	[sflag:s23] =	ssyncset.done @!p0 $0x0  }
0x84: {  	s3 =	sadd.s32 @!p0 $0x580, s18;
	[sflag:s23] =	ssyncadd.s32 @!p0 $0xFFFFE0C0  }
0x85: {  	[tilespmem:s24], [sflag:$0x1] =	stream.indirect.gather @!p0 [hbm4b:s7+s22], $0x40, s3, s22, $0xb8;
	[tilespmem:$0x1EA00] =	vst v63  }
0x86: {  	_ =	swait.ge [sflag:s29], $0x1F40  }
0x87: {  	[sflag:s29] =	ssyncset.done $0x0  }
.Ltmp2:
0x88: {  	s26 =	sadd.s32 $0x2B00, s5;
	[sflag:s29] =	ssyncadd.s32 $0xFFFFE0C0;
	(pc) =	sbr.rel @p0 .LBB2_4-.Ltmp2, $4  }
0x89: {  	[spmem:s2] =	stream.indirect.scatter.add.f32 [tilespmem:s30], [sflag:$0x2], $0x40, s26, s16, $0xb8;
	[tilespmem:$0x1EA00] =	vst v63  }
0x8a: {  	_ =	swait.ge [sflag:s0], $0x1F40  }
0x8b: {  	[sflag:s0] =	ssyncset.done $0x0  }
0x8c: {  	s6 =	sadd.s32 $0x2B80, s5;
	[sflag:s0] =	ssyncadd.s32 $0xFFFFE0C0  }
0x8d: {  	s3 =	sadd.s32 $0x600, s5  }
0x8e: {  	[tilespmem:s25], [sflag:$0x1] =	stream.indirect.gather [hbm4b:s7+s16], $0x40, s3, s16, $0xb8;
	[tilespmem:$0x1EA00] =	vst v63  }
0x8f: {  	_ =	swait.ge [sflag:s29], $0x1F40  }
0x90: {  	[sflag:s29] =	ssyncset.done $0x0  }
0x91: {  	[sflag:s29] =	ssyncadd.s32 $0xFFFFE0C0  }
0x92: {  	[spmem:s2] =	stream.indirect.scatter.add.f32 [tilespmem:s31], [sflag:$0x2], $0x40, s6, s16, $0xb8;
	[tilespmem:$0x1EA00] =	vst v63  }
.Ltmp3:
0x93: {  	_ = 	snop;
	(pc) =	sbr.rel .LBB2_2-.Ltmp3, $4  }
0x94: {  	_ =	swait.ge [sflag:s0], $0x1F40  }
0x95: {  	[sflag:s0] =	ssyncset.done $0x0  }
0x96: {  	s26 =	sadd.s32 $0x680, s5;
	s13 =	sadd.s32 $0x1000, s13;
	[sflag:s0] =	ssyncadd.s32 $0xFFFFE0C0  }
0x97: {  	[tilespmem:s28], [sflag:$0x1] =	stream.indirect.gather [hbm4b:s7+s16], $0x40, s26, s16, $0xb8;
	[tilespmem:$0x1EA00] =	vst v63  }
.LBB2_4:
0x98: {  	_ =	swait.ge [sflag:s29], $0x1F40  }
0x99: {  	[sflag:s29] =	ssyncset.done $0x0  }
0x9a: {  	[sflag:s29] =	ssyncadd.s32 $0xFFFFE0C0  }
0x9b: {  	[spmem:s2] =	stream.indirect.scatter.add.f32 [tilespmem:s31], [sflag:$0x2], $0x40, s6, s16, $0xb8;
	[tilespmem:$0x1EA00] =	vst v63  }
0x9c: {  	_ =	swait.ge [sflag:s0], $0x1F40  }
0x9d: {  	[sflag:s0] =	ssyncset.done $0x0  }
0x9e: {  	[sflag:s0] =	ssyncadd.s32 $0xFFFFE0C0  }
0x9f: {  	_ =	swait.ge [sflag:s0], $0x1F40  }
0xa0: {  	[sflag:s0] =	ssyncset.done $0x0  }
0xa1: {  	[sflag:s0] =	ssyncadd.s32 $0xFFFFE0C0  }
0xa2: {  	_ =	swait.ge [sflag:s0], $0x1F40  }
0xa3: {  	[sflag:s0] =	ssyncset.done $0x0  }
0xa4: {  	[sflag:s0] =	ssyncadd.s32 $0xFFFFE0C0  }
0xa5: {  	[bflag:$0x0] =	sbarrier.arrive $0xFFFF  }
0xa6: {  	s3 =	rddreg [dreg:$0x5]  }
0xa7: {  	[hbm:s3], [sflag:s14] =	dma.local [spmem:s15], $0x1400  }
0xa8: {  	_ =	swait.ge [sflag:s12], $0x1400  }
0xa9: {  	[sflag:s12] =	ssyncset.done $0x0  }
0xaa: {  	[sflag:s12] =	ssyncadd.s32 $0xFFFFEC00  }
0xab: {  	[bflag:$0x0] =	sbarrier.arrive $0xFFFF  }
0xac: {  	[spmem:s15], [sflag:s14] =	dma.local [hbm:s4], $0x1400  }
0xad: {  	_ =	swait.ge [sflag:s12], $0x1400  }
0xae: {  	[sflag:s12] =	ssyncset.done $0x0  }
0xaf: {  	[sflag:s12] =	ssyncadd.s32 $0xFFFFEC00  }
0xb0: {  	s13 =	simm.s32 $0x0;
	[bflag:$0x0] =	sbarrier.arrive $0xFFFF  }
0xb1: {  	[tilespmem:s17], [sflag:$0x1] =	stream.indirect.gather [hbm4b:s9+s16], $0x40, s13, s16, $0xb8;
	[tilespmem:$0x1EA00] =	vst v63  }
0xb2: {  	s20 =	simm.s32 $0x80  }
0xb3: {  	[tilespmem:s19], [sflag:$0x1] =	stream.indirect.gather [hbm4b:s9+s16], $0x40, s20, s16, $0xb8;
	[tilespmem:$0x1EA00] =	vst v63  }
0xb4: {  	s22 =	simm.s32 $0x100  }
0xb5: {  	[tilespmem:s21], [sflag:$0x1] =	stream.indirect.gather [hbm4b:s9+s16], $0x40, s22, s16, $0xb8;
	[tilespmem:$0x1EA00] =	vst v63  }
0xb6: {  	s23 =	simm.s32 $0x180;
	s5 =	simm.s32 $0xADC0  }
0xb7: {  	[tilespmem:s5], [sflag:$0x1] =	stream.indirect.gather [hbm4b:s9+s16], $0x40, s23, s16, $0xb8;
	[tilespmem:$0x1EA00] =	vst v63  }
0xb8: {  	s24 =	simm.s32 $0x200  }
0xb9: {  	[tilespmem:s25], [sflag:$0x1] =	stream.indirect.gather [hbm4b:s9+s16], $0x40, s24, s16, $0xb8;
	[tilespmem:$0x1EA00] =	vst v63  }
0xba: {  	s26 =	simm.s32 $0x280  }
0xbb: {  	[tilespmem:s28], [sflag:$0x1] =	stream.indirect.gather [hbm4b:s9+s16], $0x40, s26, s16, $0xb8;
	[tilespmem:$0x1EA00] =	vst v63  }
.LBB2_5:
0xbc: {  	_ =	swait.ge [sflag:s29], $0x1F40  }
0xbd: {  	s5 =	sshra.s32 s13, $0x2;
	[sflag:s29] =	ssyncset.done $0x0  }
0xbe: {  	p0 =	seq.s32 s13, $0x0;
	s3 =	sadd.s32 $0x2800, s5;
	[sflag:s29] =	ssyncadd.s32 $0xFFFFE0C0  }
0xbf: {  	[spmem:s2] =	stream.indirect.scatter.add.f32 [tilespmem:s17], [sflag:$0x2], $0x40, s3, s16, $0xb8;
	[tilespmem:$0x1EA00] =	vst v63  }
0xc0: {  	s3 =	simm.s32 @!p0 $0x2  }
0xc1: {  	_ =	swait.ge @!p0 [sflag:s3], $0x1F40  }
0xc2: {  	[sflag:s3] =	ssyncset.done @!p0 $0x0  }
0xc3: {  	s6 =	sadd.s32 $0x300, s5;
	[sflag:s3] =	ssyncadd.s32 @!p0 $0xFFFFE0C0  }
0xc4: {  	[tilespmem:s30], [sflag:$0x1] =	stream.indirect.gather [hbm4b:s9+s16], $0x40, s6, s16, $0xb8;
	[tilespmem:$0x1EA00] =	vst v63  }
0xc5: {  	_ =	swait.ge [sflag:s29], $0x1F40  }
0xc6: {  	[sflag:s29] =	ssyncset.done $0x0  }
0xc7: {  	s22 =	sadd.s32 $0x2880, s5;
	[sflag:s29] =	ssyncadd.s32 $0xFFFFE0C0  }
0xc8: {  	[spmem:s2] =	stream.indirect.scatter.add.f32 [tilespmem:s19], [sflag:$0x2], $0x40, s22, s16, $0xb8;
	[tilespmem:$0x1EA00] =	vst v63  }
0xc9: {  	_ =	swait.ge @!p0 [sflag:s3], $0x1F40  }
0xca: {  	[sflag:s3] =	ssyncset.done @!p0 $0x0  }
0xcb: {  	s23 =	sadd.s32 $0x380, s5;
	[sflag:s3] =	ssyncadd.s32 @!p0 $0xFFFFE0C0  }
0xcc: {  	[tilespmem:s31], [sflag:$0x1] =	stream.indirect.gather [hbm4b:s9+s16], $0x40, s23, s16, $0xb8;
	[tilespmem:$0x1EA00] =	vst v63  }
0xcd: {  	_ =	swait.ge [sflag:s29], $0x1F40  }
0xce: {  	[sflag:s29] =	ssyncset.done $0x0  }
0xcf: {  	s24 =	sadd.s32 $0x2900, s5;
	[sflag:s29] =	ssyncadd.s32 $0xFFFFE0C0  }
0xd0: {  	[spmem:s2] =	stream.indirect.scatter.add.f32 [tilespmem:s21], [sflag:$0x2], $0x40, s24, s16, $0xb8;
	[tilespmem:$0x1EA00] =	vst v63  }
0xd1: {  	_ =	swait.ge [sflag:s0], $0x1F40  }
0xd2: {  	p0 =	seq.s32 s13, $0x9000;
	[sflag:s0] =	ssyncset.done $0x0  }
0xd3: {  	s3 =	simm.s32 @p0 $0x1;
	[sflag:s0] =	ssyncadd.s32 $0xFFFFE0C0  }
0xd4: {  	_ =	swait.ge @p0 [sflag:s3], $0x1F40  }
0xd5: {  	s6 =	sshra.s32 @p0 s13, $0x2;
	s10 =	simm.s32 @p0 $0x7D;
	[sflag:s3] =	ssyncset.done @p0 $0x0  }
0xd6: {  	s11 =	simm.s32 @p0 $0xADC0;
	s8 =	sadd.s32 @p0 $0x2980, s6;
	[sflag:s3] =	ssyncadd.s32 @p0 $0xFFFFE0C0  }
0xd7: {  	[spmem:s2] =	stream.indirect.scatter.add.f32 @p0 [tilespmem:s11], [sflag:$0x2], $0x40, s8, s10, $0xb8;
	[tilespmem:$0x1EA00] =	vst v63  }
0xd8: {  	s8 =	simm.s32 @p0 $0x2  }
0xd9: {  	_ =	swait.ge @p0 [sflag:s8], $0x1F40  }
0xda: {  	s20 =	simm.s32 @!p0 $0x7D;
	s11 =	sshra.s32 @!p0 s13, $0x2;
	[sflag:s8] =	ssyncset.done @p0 $0x0  }
0xdb: {  	s22 =	simm.s32 @!p0 $0x5000;
	s18 =	sadd.s32 @!p0 $0x400, s11;
	[sflag:s8] =	ssyncadd.s32 @p0 $0xFFFFE0C0  }
0xdc: {  	[tilespmem:s22], [sflag:$0x1] =	stream.indirect.gather @!p0 [hbm4b:s9+s20], $0x40, s18, s20, $0xb8;
	[tilespmem:$0x1EA00] =	vst v63  }
0xdd: {  	s18 =	simm.s32 @!p0 $0x1  }
0xde: {  	_ =	swait.ge @!p0 [sflag:s18], $0x1F40  }
0xdf: {  	[sflag:s18] =	ssyncset.done @!p0 $0x0  }
0xe0: {  	s23 =	simm.s32 @!p0 $0xADC0;
	s22 =	sadd.s32 @!p0 $0x2980, s11;
	[sflag:s18] =	ssyncadd.s32 @!p0 $0xFFFFE0C0  }
0xe1: {  	[spmem:s2] =	stream.indirect.scatter.add.f32 @!p0 [tilespmem:s23], [sflag:$0x2], $0x40, s22, s20, $0xb8;
	[tilespmem:$0x1EA00] =	vst v63  }
0xe2: {  	s22 =	simm.s32 @!p0 $0x2  }
0xe3: {  	_ =	swait.ge @!p0 [sflag:s22], $0x1F40  }
0xe4: {  	[sflag:s22] =	ssyncset.done @!p0 $0x0  }
0xe5: {  	s26 =	simm.s32 @!p0 $0x6F40;
	s24 =	sadd.s32 @!p0 $0x480, s11;
	[sflag:s22] =	ssyncadd.s32 @!p0 $0xFFFFE0C0  }
0xe6: {  	[tilespmem:s26], [sflag:$0x1] =	stream.indirect.gather @!p0 [hbm4b:s9+s20], $0x40, s24, s20, $0xb8;
	[tilespmem:$0x1EA00] =	vst v63  }
0xe7: {  	_ =	swait.ge [sflag:s29], $0x1F40  }
0xe8: {  	[sflag:s29] =	ssyncset.done $0x0  }
0xe9: {  	s26 =	sadd.s32 $0x2A00, s5;
	[sflag:s29] =	ssyncadd.s32 $0xFFFFE0C0  }
0xea: {  	[spmem:s2] =	stream.indirect.scatter.add.f32 [tilespmem:s25], [sflag:$0x2], $0x40, s26, s16, $0xb8;
	[tilespmem:$0x1EA00] =	vst v63  }
0xeb: {  	_ =	swait.ge [sflag:s0], $0x1F40  }
0xec: {  	[sflag:s0] =	ssyncset.done $0x0  }
0xed: {  	[sflag:s0] =	ssyncadd.s32 $0xFFFFE0C0  }
0xee: {  	_ =	swait.ge @p0 [sflag:s3], $0x1F40  }
0xef: {  	[sflag:s3] =	ssyncset.done @p0 $0x0  }
0xf0: {  	[sflag:s3] =	ssyncadd.s32 @p0 $0xFFFFE0C0;
	s3 =	sadd.s32 @p0 $0x2A80, s6;
	s6 =	simm.s32 @p0 $0xEC40  }
0xf1: {  	[spmem:s2] =	stream.indirect.scatter.add.f32 @p0 [tilespmem:s6], [sflag:$0x2], $0x40, s3, s10, $0xb8;
	[tilespmem:$0x1EA00] =	vst v63  }
0xf2: {  	_ =	swait.ge @p0 [sflag:s8], $0x1F40  }
0xf3: {  	[sflag:s8] =	ssyncset.done @p0 $0x0  }
0xf4: {  	s3 =	sadd.s32 @!p0 $0x500, s11;
	s6 =	simm.s32 @!p0 $0x8E80;
	[sflag:s8] =	ssyncadd.s32 @p0 $0xFFFFE0C0  }
0xf5: {  	[tilespmem:s6], [sflag:$0x1] =	stream.indirect.gather @!p0 [hbm4b:s9+s20], $0x40, s3, s20, $0xb8;
	[tilespmem:$0x1EA00] =	vst v63  }
0xf6: {  	_ =	swait.ge @!p0 [sflag:s18], $0x1F40  }
0xf7: {  	[sflag:s18] =	ssyncset.done @!p0 $0x0  }
0xf8: {  	s3 =	sadd.s32 @!p0 $0x2A80, s11;
	s6 =	simm.s32 @!p0 $0xEC40;
	[sflag:s18] =	ssyncadd.s32 @!p0 $0xFFFFE0C0  }
0xf9: {  	[spmem:s2] =	stream.indirect.scatter.add.f32 @!p0 [tilespmem:s6], [sflag:$0x2], $0x40, s3, s20, $0xb8;
	[tilespmem:$0x1EA00] =	vst v63  }
0xfa: {  	_ =	swait.ge @!p0 [sflag:s22], $0x1F40  }
0xfb: {  	[sflag:s22] =	ssyncset.done @!p0 $0x0  }
0xfc: {  	s3 =	sadd.s32 @!p0 $0x580, s11;
	[sflag:s22] =	ssyncadd.s32 @!p0 $0xFFFFE0C0  }
0xfd: {  	[tilespmem:s23], [sflag:$0x1] =	stream.indirect.gather @!p0 [hbm4b:s9+s20], $0x40, s3, s20, $0xb8;
	[tilespmem:$0x1EA00] =	vst v63  }
0xfe: {  	_ =	swait.ge [sflag:s29], $0x1F40  }
0xff: {  	[sflag:s29] =	ssyncset.done $0x0  }
.Ltmp4:
0x100: {  	s26 =	sadd.s32 $0x2B00, s5;
	[sflag:s29] =	ssyncadd.s32 $0xFFFFE0C0;
	(pc) =	sbr.rel @p0 .LBB2_7-.Ltmp4, $4  }
0x101: {  	[spmem:s2] =	stream.indirect.scatter.add.f32 [tilespmem:s30], [sflag:$0x2], $0x40, s26, s16, $0xb8;
	[tilespmem:$0x1EA00] =	vst v63  }
0x102: {  	_ =	swait.ge [sflag:s0], $0x1F40  }
0x103: {  	[sflag:s0] =	ssyncset.done $0x0  }
0x104: {  	s6 =	sadd.s32 $0x2B80, s5;
	[sflag:s0] =	ssyncadd.s32 $0xFFFFE0C0  }
0x105: {  	s3 =	sadd.s32 $0x600, s5  }
0x106: {  	[tilespmem:s25], [sflag:$0x1] =	stream.indirect.gather [hbm4b:s9+s16], $0x40, s3, s16, $0xb8;
	[tilespmem:$0x1EA00] =	vst v63  }
0x107: {  	_ =	swait.ge [sflag:s29], $0x1F40  }
0x108: {  	[sflag:s29] =	ssyncset.done $0x0  }
0x109: {  	[sflag:s29] =	ssyncadd.s32 $0xFFFFE0C0  }
0x10a: {  	[spmem:s2] =	stream.indirect.scatter.add.f32 [tilespmem:s31], [sflag:$0x2], $0x40, s6, s16, $0xb8;
	[tilespmem:$0x1EA00] =	vst v63  }
.Ltmp5:
0x10b: {  	_ = 	snop;
	(pc) =	sbr.rel .LBB2_5-.Ltmp5, $4  }
0x10c: {  	_ =	swait.ge [sflag:s0], $0x1F40  }
0x10d: {  	[sflag:s0] =	ssyncset.done $0x0  }
0x10e: {  	s26 =	sadd.s32 $0x680, s5;
	s13 =	sadd.s32 $0x1000, s13;
	[sflag:s0] =	ssyncadd.s32 $0xFFFFE0C0  }
0x10f: {  	[tilespmem:s28], [sflag:$0x1] =	stream.indirect.gather [hbm4b:s9+s16], $0x40, s26, s16, $0xb8;
	[tilespmem:$0x1EA00] =	vst v63  }
.LBB2_8:
0x110: {  	_ =	sfence.sel $0x180000  }
0x111: {  	[bflag:$0x0] =	sbarrier.arrive $0xFFFF  }
0x112: {  	_ =	strace $0x9000004D  }
0x113: {  	s0 =	stileid.u32;
	[bflag:$0x2] =	sbarrier.arrive $0xFFFF  }
0x114: {  	p0 =	sne.s32 s0, $0x0;
	s0 =	rddreg [dreg:$0x2]  }
0x115: {  	s0 =	sadd.s32 @!p0 $0x100000, s0  }
0x116: {  	[sflag:s0] =	ssyncadd.tile.s32 @!p0 $0x1;
	_ =	shalt  }
.Lfunc_end2:
_tile_overlayer_lowered:
.L_overlay_start_2:
0x117: {  	(tag) =	ssettag $0x2  }
0x118: {  	s0 =	rddreg [dreg:$0x0];
	s2 =	stileid.u32  }
0x119: {  	s1 =	rddreg [dreg:$0x1];
	p0 =	sne.s32 s2, $0x0  }
0x11a: {  	s3 =	rddreg [dreg:$0x2];
	[bflag:$0x3] =	sbarrier.arrive $0xFFFF;
	s2 =	simm.s32 @!p0 $0x1C03  }
0x11b: {  	[timem:s3], [sflag:s2] =	dma.local @!p0 [hbm:s0], s1  }
0x11c: {  	s0 =	simm.s32 @!p0 $0x3  }
0x11d: {  	_ =	swait.ge @!p0 [sflag:s0], s1  }
0x11e: {  	s1 =	ssub.s32 @!p0 $0x0, s1;
	[sflag:s0] =	ssyncset.done @!p0 $0x0  }
0x11f: {  	[sflag:s0] =	ssyncadd.s32 @!p0 s1  }
0x120: {  	[bflag:$0x3] =	sbarrier.arrive $0xFFFF  }
0x121: {  	_ =	shalt  }

// kernel: kernel.8.cloned.1.call-start
scs
__scs_entry_jumppad:
0x0: {  	(pc) =	sbr.rel $0x88, $3  }
0x1: {  	(tag) =	ssettag $0x0;
	lr =	simm.s32 $0x1  }
0x2: {  	[smem:$0x3F98] =	sst lr;
	_ =	strace $0xD0000000  }
0x3: {  	_ = 	snop  }
0x4: {  	_ = 	snop  }
0x5: {  	_ = 	snop  }
0x6: {  	_ = 	snop  }
0x7: {  	_ = 	snop  }
__scs_overlays_trampoline_lowered:
0x8: {  	[smem:$0x3FA7] =	sst s0  }
0x9: {  	[smem:$0x3FA8] =	sst s1  }
0xa: {  	[smem:$0x3FA9] =	sst s2  }
0xb: {  	[smem:$0x3FAA] =	sst s3  }
0xc: {  	[smem:$0x3FAB] =	sst s4  }
0xd: {  	[smem:$0x3FAC] =	sst s5  }
0xe: {  	[smem:$0x3FAD] =	sst s6  }
0xf: {  	[smem:$0x3FAE] =	sst s7  }
0x10: {  	[smem:$0x3FAF] =	sst s8  }
0x11: {  	[smem:$0x3FB0] =	sst s9;
	s0 =	simm.s32 @!p0 $0x0  }
0x12: {  	s1 =	sld [smem:$0x3F96];
	s0 =	simm.s32 @p0 $0x1  }
0x13: {  	[smem:$0x3FB1] =	sst s0;
	s0 =	simm.s32 @!p1 $0x0  }
0x14: {  	s2 =	sld [smem:$0x3F95];
	s0 =	simm.s32 @p1 $0x1  }
0x15: {  	[smem:$0x3FB2] =	sst s0;
	s0 =	simm.s32 @!p2 $0x0  }
0x16: {  	s3 =	sld [smem:$0x3FDB];
	s0 =	simm.s32 @p2 $0x1  }
0x17: {  	s4 =	simm.s32 $0x1BF5;
	[smem:$0x3FB4] =	sst s0  }
0x18: {  	s0 =	sld [smem:$0x3F97];
	_ =	swait.ge [sflag:s4], $0x0  }
0x19: {  	s7 =	sld [smem:$0x3F98]  }
0x1a: {  	s8 =	sadd.s32 $0xFFFFE003, lr  }
0x1b: {  	s9 =	sadd.s32 $0xFFFFFEF7, lr;
	s5 =	simm.s32 $0xFFFFFFFF;
	p2 =	slt.u32 s8, $0xFFFFF086  }
0x1c: {  	p1 =	slt.u32 s9, $0xF7A;
	s5 =	simm.s32 @!p2 $0x0  }
0x1d: {  	s5 =	simm.s32 @p1 $0x1;
	p0 =	seq.s32 s7, s2  }
0x1e: {  	s7 =	smul.u32 @!p0 $0xF7A, s2;
	p2 =	seq.s32 @!p0 s5, $0x0  }
0x1f: {  	s9 =	smul.u32 $0xF7A, s1;
	s8 =	simm.s32 @!p0 $0x1BF5;
	p2 =	por !p2, p0  }
0x20: {  	[sflag:s8] =	ssyncset.s32 @!p0 $0xFFFFF086;
	s6 =	sadd.s32 @!p0 s3, s7;
	s7 =	simm.s32 @!p0 $0x108  }
0x21: {  	s3 =	sadd.s32 s3, s9;
	s6 =	sadd.s32 @!p0 $0x88, s6;
	s7 =	simm.s32 @p2 $0x1082  }
0x22: {  	[simem:s7], [sflag:s8] =	dma.local @!p0 [hbm:s6], $0xF7A  }
0x23: {  	s9 =	sor.u32 $0xD0000000, s2;
	s6 =	simm.s32 $0x108;
	_ =	swait.ge @!p0 [sflag:s8], $0x0  }
0x24: {  	s3 =	sadd.s32 $0x88, s3;
	s6 =	simm.s32 @!p1 $0x1082;
	[sflag:s4] =	ssyncset.s32 $0xFFFFF086  }
0x25: {  	[simem:s6], [sflag:s4] =	dma.local [hbm:s3], $0xF7A  }
0x26: {  	[smem:$0x3F98] =	sst s1;
	(tag) =	ssettag s2;
	_ =	strace s9  }
0x27: {  	s1 =	sld [smem:$0x3FA8]  }
0x28: {  	s2 =	sld [smem:$0x3FA9]  }
0x29: {  	s4 =	sld [smem:$0x3FAB]  }
0x2a: {  	p0 =	seq.s32 s5, $0x0;
	s5 =	sld [smem:$0x3FAC]  }
0x2b: {  	s6 =	sld [smem:$0x3FAD]  }
0x2c: {  	s7 =	sld [smem:$0x3FAE]  }
0x2d: {  	s3 =	simm.s32 $0x108;
	s8 =	sld [smem:$0x3FAF]  }
0x2e: {  	s3 =	simm.s32 @!p0 $0x1082;
	s9 =	sld [smem:$0x3FB0]  }
0x2f: {  	lr =	sadd.s32 s0, s3;
	s0 =	sld [smem:$0x3FA7]  }
0x30: {  	s3 =	sld [smem:$0x3FAA]  }
0x31: {  	[smem:$0x3FB3] =	sst s10  }
0x32: {  	s10 =	sld [smem:$0x3FB1];
	_ =	sdelay $0x3  }
0x33: {  	p0 =	seq.s32 s10, $0x1;
	s10 =	sld [smem:$0x3FB3];
	_ =	sdelay $0x3  }
0x34: {  	[smem:$0x3FB3] =	sst s10  }
0x35: {  	s10 =	sld [smem:$0x3FB2];
	_ =	sdelay $0x3  }
0x36: {  	p1 =	seq.s32 s10, $0x1;
	s10 =	sld [smem:$0x3FB3];
	_ =	sdelay $0x3  }
0x37: {  	[smem:$0x3FB3] =	sst s10  }
0x38: {  	s10 =	sld [smem:$0x3FB4]  }
0x39: {  	_ = 	snop;
	(pc) =	sbr.ind lr, $3  }
0x3a: {  	_ = 	snop  }
0x3b: {  	_ = 	snop  }
0x3c: {  	p2 =	seq.s32 s10, $0x1;
	s10 =	sld [smem:$0x3FB3]  }
0x3d: {  	_ =	shalt  }
0x3e: {  	_ =	shalt  }
0x3f: {  	_ =	shalt  }
0x40: {  	_ =	shalt  }
0x41: {  	_ =	shalt  }
0x42: {  	_ =	shalt  }
0x43: {  	_ =	shalt  }
0x44: {  	_ =	shalt  }
0x45: {  	_ =	shalt  }
0x46: {  	_ =	shalt  }
0x47: {  	_ =	shalt  }
0x48: {  	_ =	shalt  }
0x49: {  	_ =	shalt  }
0x4a: {  	_ =	shalt  }
0x4b: {  	_ =	shalt  }
0x4c: {  	_ =	shalt  }
0x4d: {  	_ =	shalt  }
0x4e: {  	_ =	shalt  }
0x4f: {  	_ =	shalt  }
0x50: {  	_ =	shalt  }
0x51: {  	_ =	shalt  }
0x52: {  	_ =	shalt  }
0x53: {  	_ =	shalt  }
0x54: {  	_ =	shalt  }
0x55: {  	_ =	shalt  }
0x56: {  	_ =	shalt  }
0x57: {  	_ =	shalt  }
0x58: {  	_ =	shalt  }
0x59: {  	_ =	shalt  }
0x5a: {  	_ =	shalt  }
0x5b: {  	_ =	shalt  }
0x5c: {  	_ =	shalt  }
0x5d: {  	_ =	shalt  }
0x5e: {  	_ =	shalt  }
0x5f: {  	_ =	shalt  }
0x60: {  	_ =	shalt  }
0x61: {  	_ =	shalt  }
0x62: {  	_ =	shalt  }
0x63: {  	_ =	shalt  }
0x64: {  	_ =	shalt  }
0x65: {  	_ =	shalt  }
0x66: {  	_ =	shalt  }
0x67: {  	_ =	shalt  }
0x68: {  	_ =	shalt  }
0x69: {  	_ =	shalt  }
0x6a: {  	_ =	shalt  }
0x6b: {  	_ =	shalt  }
0x6c: {  	_ =	shalt  }
0x6d: {  	_ =	shalt  }
0x6e: {  	_ =	shalt  }
0x6f: {  	_ =	shalt  }
0x70: {  	_ =	shalt  }
0x71: {  	_ =	shalt  }
0x72: {  	_ =	shalt  }
0x73: {  	_ =	shalt  }
0x74: {  	_ =	shalt  }
0x75: {  	_ =	shalt  }
0x76: {  	_ =	shalt  }
0x77: {  	_ =	shalt  }
0x78: {  	_ =	shalt  }
0x79: {  	_ =	shalt  }
0x7a: {  	_ =	shalt  }
0x7b: {  	_ =	shalt  }
0x7c: {  	_ =	shalt  }
0x7d: {  	_ =	shalt  }
0x7e: {  	_ =	shalt  }
0x7f: {  	_ =	shalt  }
0x80: {  	_ =	shalt  }
0x81: {  	_ =	shalt  }
0x82: {  	_ =	shalt  }
0x83: {  	_ =	shalt  }
0x84: {  	_ =	shalt  }
0x85: {  	_ =	shalt  }
0x86: {  	_ =	shalt  }
0x87: {  	_ =	shalt  }
.Lfunc_end0:
.L_simem_size_0:
called_computation_lowered:
.L_overlay_start_0:
0x88: {  	s2 =	sld [smem:$0x3FD9]  }
0x89: {  	s3 =	sld [smem:$0x3FFE];
	_ =	sdelay $0x1  }
0x8a: {  	s1 =	srdreg.scid  }
0x8b: {  	s0 =	sand.u32 $0x1, s1  }
0x8c: {  	s14 =	sshll.u32 s0, $0xA;
	s2 =	sadd.s32 s3, s2  }
0x8d: {  	s2 =	sadd.s32 s2, s14  }
0x8e: {  	[smem:$0x3FBF] =	sst s2  }
0x8f: {  	_ = 	snop  }
0x90: {  	s2 =	sld [smem:$0x3FD0];
	_ =	sdelay $0x2  }
0x91: {  	s15 =	simm.s32 $0xA;
	s4 =	simm.s32 $0x10  }
0x92: {  	[smem:s4], [sflag:s15] =	dma.local [hbm:s2], $0x1  }
0x93: {  	_ =	swait.eq [sflag:s15], $0x1  }
0x94: {  	[sflag:s15] =	ssyncset.done $0x0  }
0x95: {  	s16 =	sld [smem:$0x10];
	[sflag:s15] =	ssyncadd.s32 $0xFFFFFFFF  }
0x96: {  	s17 =	sld [smem:$0x11];
	(tm) =	ssettm $0x1  }
0x97: {  	s18 =	sld [smem:$0x3FFB];
	_ =	sdelay $0x3  }
0x98: {  	_ =	strace s18  }
0x99: {  	s4 =	sld [smem:$0x3FFC];
	_ =	sdelay $0x3  }
0x9a: {  	_ =	strace s4  }
0x9b: {  	s4 =	sld [smem:$0x3FFD];
	_ =	sdelay $0x3  }
0x9c: {  	_ =	strace s4  }
0x9d: {  	_ =	strace $0x8FFFFFFF  }
0x9e: {  	s19 =	sld [smem:$0x3FDB];
	_ =	sdelay $0x1  }
0x9f: {  	s5 =	simm.s32 $_scs_section_size  }
0xa0: {  	s6 =	simm.s32 $_size__tile_overlayer_lowered;
	s7 =	simm.s32 $_tile_overlayer_lowered  }
0xa1: {  	s22 =	simm.s32 $0x1BFF;
	s21 =	sshll.u32 s7, $0x1;
	s4 =	sadd.s32 s5, s19  }
0xa2: {  	s8 =	simm.s32 $0x0;
	s20 =	sshll.u32 s6, $0x1;
	s6 =	sadd.s32 s21, s4  }
0xa3: {  	[timem:s8], [sflag:s22] =	dma.local [hbm:s6], s20  }
0xa4: {  	_ =	swait.ge [sflag:s22], s20  }
0xa5: {  	s5 =	ssub.s32 $0x0, s20;
	[sflag:s22] =	ssyncset.done $0x0  }
0xa6: {  	[sflag:s22] =	ssyncadd.s32 s5;
	_ =	sdelay $0x1  }
0xa7: {  	s23 =	simm.s32 $0x1B8B  }
0xa8: {  	_ =	swait.ge [sflag:s23], $0x1  }
0xa9: {  	[sflag:s23] =	ssyncset.done $0x0  }
0xaa: {  	s25 =	simm.s32 $0x1B8E;
	s24 =	sld [smem:$0x3FFE];
	[sflag:s23] =	ssyncadd.s32 $0xFFFFFFFF  }
0xab: {  	s26 =	simm.s32 $execute0_lowered;
	[smem:$0x3FD2] =	sst s25  }
0xac: {  	s6 =	sshll.u32 s26, $0x1;
	_ =	strace $0x80000046;
	[dreg:$0x1] =	wrdreg $0xFFFFFFFF  }
0xad: {  	s28 =	simm.s32 $_size_execute0_lowered;
	s4 =	sadd.s32 s4, s6;
	[dreg:$0x0] =	wrdreg $0x0  }
0xae: {  	s6 =	sshll.u32 s28, $0x1;
	[dreg:$0x2] =	wrdreg s4  }
0xaf: {  	[dreg:$0x3] =	wrdreg s6  }
0xb0: {  	[dreg:$0x4] =	wrdreg $0xC0  }
0xb1: {  	_ =	task [dreg:s8], $0x5FFFF  }
0xb2: {  	[dreg:$0x1] =	wrdreg $0xFFFFFFFF  }
0xb3: {  	[dreg:$0x0] =	wrdreg $0x60  }
0xb4: {  	[dreg:$0x2] =	wrdreg s24  }
0xb5: {  	[dreg:$0x3] =	wrdreg s17  }
0xb6: {  	[dreg:$0x4] =	wrdreg s16  }
0xb7: {  	[dreg:$0x5] =	wrdreg $0x78300  }
0xb8: {  	[dreg:$0x6] =	wrdreg $0x7AB00  }
0xb9: {  	[dreg:$0x7] =	wrdreg $0x9  }
0xba: {  	_ =	task.clear_ibuf [dreg:s8], $0x8FFFF;
	_ =	strace $0x90000046  }
0xbb: {  	s29 =	simm.s32 $0x9;
	_ =	strace $0x80000048  }
0xbc: {  	_ =	swait.ge [sflag:s29], $0x1  }
0xbd: {  	[sflag:s29] =	ssyncadd.s32 $0xFFFFFFFF  }
0xbe: {  	_ =	strace $0x90000048  }
0xbf: {  	_ =	sfence  }
0xc0: {  	s30 =	sld [smem:$0x0];
	_ =	sdelay $0x2  }
0xc1: {  	s31 =	sshll.u32 s1, $0xD;
	s1 =	sshrl.u32 s1, $0x2  }
0xc2: {  	s3 =	sand.u32 $0x4000, s31;
	s1 =	sadd.s32 s1, s30  }
0xc3: {  	s0 =	sor.u32 s3, s0;
	s1 =	sshll.u32 s1, $0x11  }
0xc4: {  	s0 =	sor.u32 s1, s0  }
0xc5: {  	s0 =	sadd.s32 $0x8F2B, s0  }
0xc6: {  	[sflag:s0] =	ssyncadd.remote.s32 $0x1  }
0xc7: {  	_ =	sfence.sel $0xFFFF  }
0xc8: {  	[dreg:$0x0] =	wrdreg $0xFFFFFFFF;
	(pc) =	sbr.abs _section_cstart, $3  }
0xc9: {  	[dreg:$0x1] =	wrdreg $0xFFFFFFFF  }
0xca: {  	_ =	task.clear_ibuf [dreg:s8], $0x2FFFF;
	_ =	strace $0x9FFFFFFF  }
0xcb: {  	(tm) =	ssettm $0x7FFFFFFF  }
tec
execute0_lowered:
.L_overlay_start_1:
0x0: {  	(tag) =	ssettag $0x1  }
0x1: {  	s0 =	rddreg [dreg:$0x0]  }
0x2: {  	s4 =	rddreg [dreg:$0x3]  }
0x3: {  	s5 =	rddreg [dreg:$0x4];
	s11 =	stileid.u32;
	s6 =	simm.s32 $0x0  }
0x4: {  	s3 =	srdreg.scid;
	s19 =	simm.s32 $0x75B0;
	s20 =	simm.s32 $0x3  }
0x5: {  	s21 =	simm.s32 $0x7530;
	s22 =	simm.s32 $0x50;
	s31 =	smul.u32 $0x2710, s11  }
0x6: {  	s29 =	simm.s32 $0x2;
	[smem:$0x7FF] =	sst s6;
	s1 =	smul.u32 $0x280, s11  }
0x7: {  	s3 =	sand.u32 $0x1, s3;
	s9 =	sadd.s32 $0xC600, s0;
	s12 =	sadd.s32 $0xD200, s0  }
0x8: {  	s11 =	sshll.u32 s11, $0x1;
	_ =	strace $0x80000047;
	s10 =	ssub.s32 $0x2, s3  }
0x9: {  	[dreg:$0x6] =	wrdreg s12;
	p0 =	seq.s32 s3, $0x0;
	s2 =	sshrl.u32 s31, $0x3  }
0xa: {  	s8 =	sshrl.u32 s1, $0x3;
	s25 =	sshrl.u32 s10, $0x1;
	s13 =	sadd.s32 s1, s5  }
0xb: {  	s2 =	sadd.s32 s2, s0;
	s7 =	sadd.s32 s8, s0;
	s0 =	sadd.s32 s11, s0  }
.Ltmp0:
0xc: {  	s10 =	ssub.s32 s10, s25;
	s26 =	sadd.s32 $0x2400, s2;
	(pc) =	sbr.rel .LBB2_1-.Ltmp0, $4  }
0xd: {  	s11 =	sadd.s32 s1, s4;
	s28 =	sadd.s32 $0xD000, s0;
	[dreg:$0x7] =	wrdreg s26  }
0xe: {  	s25 =	simm.s32 $0x1;
	s0 =	sadd.s32 $0xCE00, s0;
	[dreg:$0x8] =	wrdreg s28  }
0xf: {  	s12 =	sadd.s32 $0x7400, s2;
	s30 =	sadd.s32 $0xC800, s7;
	[dreg:$0x9] =	wrdreg s0  }
0x10: {  	v0 =	vimm.f32 $0.0e+00;
	v1 =	vlaneseq.u32;
	s18 =	smax.u32 s10, $0x1;
	[dreg:$0xa] =	wrdreg s30;
	s0 =	simm.s32 $0x0  }
.LBB2_7:
0x11: {  	[sflag:s25] =	ssyncadd.s32 $0xFFFFFFB0  }
0x12: {  	_ =	swait.ge [sflag:s25], $0x50  }
0x13: {  	[sflag:s25] =	ssyncset.done $0x0  }
0x14: {  	[sflag:s25] =	ssyncadd.s32 $0xFFFFFFB0  }
0x15: {  	_ =	swait.ge [sflag:s25], $0x50  }
0x16: {  	[sflag:s25] =	ssyncset.done $0x0  }
0x17: {  	[sflag:s25] =	ssyncadd.s32 $0xFFFFFFB0  }
0x18: {  	_ =	swait.ge [sflag:s25], $0x50  }
0x19: {  	[sflag:s25] =	ssyncset.done $0x0  }
0x1a: {  	[sflag:s25] =	ssyncadd.s32 $0xFFFFFFB0  }
0x1b: {  	_ =	swait.ge [sflag:s25], $0x50  }
0x1c: {  	[sflag:s25] =	ssyncset.done $0x0  }
0x1d: {  	[sflag:s25] =	ssyncadd.s32 $0xFFFFFFB0  }
0x1e: {  	[bflag:$0x0] =	sbarrier.arrive $0xFFFF  }
0x1f: {  	s2 =	smov.u32 s11;
	s1 =	rddreg [dreg:$0x2]  }
.LBB2_8:
0x20: {  	[tilespmem:s19], [sflag:$0x3] =	stream.linear.gather [spmem:s2], $0x280, $0x38;
	[tilespmem:$0x7D30] =	vst v63  }
0x21: {  	s0 =	sadd.s32 $0x1, s0;
	_ =	swait.ge [sflag:s20], $0x280  }
0x22: {  	p1 =	sne.s32 s0, s18;
	[sflag:s20] =	ssyncset.done $0x0  }
.Ltmp1:
0x23: {  	s1 =	sadd.s32 s1, s8;
	[sflag:s20] =	ssyncadd.s32 $0xFFFFFD80;
	(pc) =	sbr.rel @!p1 .LBB2_9-.Ltmp1, $4  }
0x24: {  	[hbm4b:s1+s6] =	stream.linear.scatter [tilespmem:s19], [sflag:$0x3], $0x280, $0x38;
	[tilespmem:$0x7D30] =	vst v63  }
0x25: {  	_ =	swait.ge [sflag:s20], $0x280  }
0x26: {  	[sflag:s20] =	ssyncset.done $0x0  }
0x27: {  	[sflag:s20] =	ssyncadd.s32 $0xFFFFFD80  }
.LBB2_1:
0x28: {  	[tilespmem:$0x75B0] =	vst v0  }
0x29: {  	[tilespmem:$0x75C0] =	vst v0  }
0x2a: {  	[tilespmem:$0x75D0] =	vst v0  }
0x2b: {  	[tilespmem:$0x75E0] =	vst v0  }
0x2c: {  	[tilespmem:$0x75F0] =	vst v0  }
0x2d: {  	[tilespmem:$0x7600] =	vst v0  }
0x2e: {  	[tilespmem:$0x7610] =	vst v0  }
0x2f: {  	[tilespmem:$0x7620] =	vst v0  }
0x30: {  	[tilespmem:$0x7630] =	vst v0  }
0x31: {  	[tilespmem:$0x7640] =	vst v0  }
0x32: {  	[tilespmem:$0x7650] =	vst v0  }
0x33: {  	[tilespmem:$0x7660] =	vst v0  }
0x34: {  	[tilespmem:$0x7670] =	vst v0  }
0x35: {  	[tilespmem:$0x7680] =	vst v0  }
0x36: {  	[tilespmem:$0x7690] =	vst v0  }
0x37: {  	[tilespmem:$0x76A0] =	vst v0  }
0x38: {  	[tilespmem:$0x76B0] =	vst v0  }
0x39: {  	[tilespmem:$0x76C0] =	vst v0  }
0x3a: {  	[tilespmem:$0x76D0] =	vst v0  }
0x3b: {  	[tilespmem:$0x76E0] =	vst v0  }
0x3c: {  	[tilespmem:$0x76F0] =	vst v0  }
0x3d: {  	[tilespmem:$0x7700] =	vst v0  }
0x3e: {  	[tilespmem:$0x7710] =	vst v0  }
0x3f: {  	[tilespmem:$0x7720] =	vst v0  }
0x40: {  	[tilespmem:$0x7730] =	vst v0  }
0x41: {  	[tilespmem:$0x7740] =	vst v0  }
0x42: {  	[tilespmem:$0x7750] =	vst v0  }
0x43: {  	[tilespmem:$0x7760] =	vst v0  }
0x44: {  	[tilespmem:$0x7770] =	vst v0  }
0x45: {  	[tilespmem:$0x7780] =	vst v0  }
0x46: {  	[tilespmem:$0x7790] =	vst v0  }
0x47: {  	[tilespmem:$0x77A0] =	vst v0  }
0x48: {  	[tilespmem:$0x77B0] =	vst v0  }
0x49: {  	[tilespmem:$0x77C0] =	vst v0  }
0x4a: {  	[tilespmem:$0x77D0] =	vst v0  }
0x4b: {  	[tilespmem:$0x77E0] =	vst v0  }
0x4c: {  	[tilespmem:$0x77F0] =	vst v0  }
0x4d: {  	[tilespmem:$0x7800] =	vst v0  }
0x4e: {  	[tilespmem:$0x7810] =	vst v0  }
0x4f: {  	[tilespmem:$0x7820] =	vst v0  }
0x50: {  	[spmem:s11] =	stream.linear.scatter [tilespmem:s19], [sflag:$0x3], $0x280, $0x38;
	[tilespmem:$0x7D30] =	vst v63  }
0x51: {  	_ =	swait.ge [sflag:s20], $0x280  }
0x52: {  	[sflag:s20] =	ssyncset.done $0x0  }
0x53: {  	[sflag:s20] =	ssyncadd.s32 $0xFFFFFD80  }
0x54: {  	[tilespmem:s6], [sflag:$0x3] =	stream.linear.gather [hbm4b:s12+s6], $0x2710, $0x38;
	[tilespmem:$0x7D30] =	vst v63  }
0x55: {  	_ =	swait.ge [sflag:s20], $0x2710  }
0x56: {  	[sflag:s20] =	ssyncset.done $0x0  }
.Ltmp2:
0x57: {  	[sflag:s20] =	ssyncadd.s32 $0xFFFFD8F0;
	(pc) =	sbr.rel @!p0 .LBB2_2-.Ltmp2, $4  }
0x58: {  	[tilespmem:s21], [sflag:$0x3] =	stream.linear.gather [hbm4b:s9+s6], $0x50, $0x38;
	[tilespmem:$0x7D30] =	vst v63  }
0x59: {  	_ =	swait.ge [sflag:s20], $0x50  }
0x5a: {  	[sflag:s20] =	ssyncset.done $0x0  }
0x5b: {  	[sflag:s20] =	ssyncadd.s32 $0xFFFFFFB0  }
0x5c: {  	[bflag:$0x0] =	sbarrier.arrive $0xFFFF  }
0x5d: {  	[spmem:s4] =	stream.indirect.scatter.add.f32 [tilespmem:s21], [sflag:$0x1], $0x1, s6, s22, $0xb8;
	[tilespmem:$0x7D30] =	vst v63  }
0x5e: {  	_ = 	snop  }
0x5f: {  	[spmem:s4] =	stream.indirect.scatter.add.f32 [tilespmem:s21], [sflag:$0x1], $0x1, s22, s22, $0xb8;
	[tilespmem:$0x7D30] =	vst v63  }
0x60: {  	s1 =	simm.s32 $0xA0  }
0x61: {  	[spmem:s4] =	stream.indirect.scatter.add.f32 [tilespmem:s21], [sflag:$0x1], $0x1, s1, s22, $0xb8;
	[tilespmem:$0x7D30] =	vst v63  }
0x62: {  	s28 =	simm.s32 $0xF0  }
0x63: {  	[spmem:s4] =	stream.indirect.scatter.add.f32 [tilespmem:s21], [sflag:$0x1], $0x1, s28, s22, $0xb8;
	[tilespmem:$0x7D30] =	vst v63  }
0x64: {  	s30 =	simm.s32 $0x140  }
0x65: {  	[spmem:s4] =	stream.indirect.scatter.add.f32 [tilespmem:s21], [sflag:$0x1], $0x1, s30, s22, $0xb8;
	[tilespmem:$0x7D30] =	vst v63  }
0x66: {  	_ =	swait.ge [sflag:s25], $0x50  }
0x67: {  	s1 =	simm.s32 $0x640;
	[sflag:s25] =	ssyncset.done $0x0  }
.LBB2_6:
0x68: {  	s2 =	sshra.s32 s1, $0x2;
	[sflag:s25] =	ssyncadd.s32 $0xFFFFFFB0;
	p1 =	sne.s32 s1, $0x9B00  }
0x69: {  	[spmem:s4] =	stream.indirect.scatter.add.f32 [tilespmem:s21], [sflag:$0x1], $0x1, s2, s22, $0xb8;
	[tilespmem:$0x7D30] =	vst v63  }
.Ltmp3:
0x6a: {  	_ = 	snop;
	(pc) =	sbr.rel @p1 .LBB2_6-.Ltmp3, $4  }
0x6b: {  	_ = 	snop  }
0x6c: {  	s1 =	sadd.s32 $0x140, s1  }
0x6d: {  	_ =	swait.ge [sflag:s25], $0x50  }
0x6e: {  	[sflag:s25] =	ssyncset.done $0x0  }
.Ltmp4:
0x6f: {  	_ = 	snop;
	(pc) =	sbr.rel .LBB2_7-.Ltmp4, $1  }
0x70: {  	_ =	sdelay $0x3  }
.LBB2_2:
0x71: {  	[spmem:s13] =	stream.linear.scatter [tilespmem:s19], [sflag:$0x3], $0x280, $0x38;
	[tilespmem:$0x7D30] =	vst v63  }
0x72: {  	_ =	swait.ge [sflag:s20], $0x280  }
0x73: {  	s28 =	simm.s32 $0x0;
	[sflag:s20] =	ssyncset.done $0x0  }
0x74: {  	s2 =	simm.s32 $0x2710;
	s1 =	rddreg [dreg:$0x7];
	[sflag:s20] =	ssyncadd.s32 $0xFFFFFD80  }
0x75: {  	[tilespmem:s2], [sflag:$0x3] =	stream.linear.gather [hbm4b:s1+s28], $0x2710, $0x38;
	[tilespmem:$0x7D30] =	vst v63  }
0x76: {  	_ =	swait.ge [sflag:s20], $0x2710  }
0x77: {  	[sflag:s20] =	ssyncset.done $0x0  }
0x78: {  	[sflag:s20] =	ssyncadd.s32 $0xFFFFD8F0  }
0x79: {  	s26 =	simm.s32 $0x7580;
	s24 =	rddreg [dreg:$0x1]  }
0x7a: {  	[tilespmem:s26], [sflag:$0x3] =	stream.linear.gather [hbm4b:s24+s28], $0x10, $0x38;
	[tilespmem:$0x7D30] =	vst v63  }
0x7b: {  	_ =	swait.ge [sflag:s20], $0x10  }
0x7c: {  	[sflag:s20] =	ssyncset.done $0x0  }
0x7d: {  	[sflag:s20] =	ssyncadd.s32 $0xFFFFFFF0  }
0x7e: {  	[bflag:$0x0] =	sbarrier.arrive $0xFFFF  }
0x7f: {  	s24 =	simm.s32 $0x0;
	v6 =	vld [tilespmem:$0x7580]  }
0x80: {  	v4 =	vld [tilespmem:s24+$0x10]  }
0x81: {  	v3 =	vld [tilespmem:s24+$0x20]  }
0x82: {  	v9 =	vld [tilespmem:s24+$0x2720]  }
0x83: {  	v12 =	vld [tilespmem:s24+$0x2730]  }
0x84: {  	s30 =	simm.s32 $0x140;
	v11 =	vld [tilespmem:s24+$0x2740]  }
0x85: {  	s23 =	sadd.s32 $0x10, s31;
	s3 =	sadd.s32 $0x20, s31;
	s7 =	smov.u32 s31;
	v10 =	vld [tilespmem:s24+$0x2750]  }
0x86: {  	v7 =	vimm.s32 $0xFFFFFFFF;
	v8 =	vor.u32 s31, v1;
	v5 =	vimm.s32 $0xFFFFFFFF;
	s2 =	sadd.s32 $0x30, s31;
	s1 =	sadd.s32 $0x40, s31;
	s26 =	simm.s32 $0x0;
	v2 =	vld [tilespmem:s24+$0x40]  }
.LBB2_3:
0x87: {  	s28 =	sadd.s32 $0x1, s28  }
0x88: {  	v13 =	vld [tilespmem:s24+$0x2710];
	s7 =	sadd.s32 $0x50, s7;
	s10 =	smov.u32 s30;
	s30 =	sadd.s32 $0x140, s30  }
0x89: {  	vm4 =	vgt.s32 v8, v7;
	vm0 =	vlt.s32 v3, $0x270F;
	s15 =	sadd.s32 $0x10, s7;
	s16 =	sadd.s32 $0x20, s7;
	p1 =	sne.s32 s30, $0x9C40;
	v14 =	vld [tilespmem:s24+$0x0];
	vm2 =	veq.s32 v12, v6  }
0x8a: {  	s17 =	sadd.s32 $0x30, s7;
	s14 =	sadd.s32 $0x40, s7;
	v12 =	vor.u32 s23, v1;
	vm0 =	vmand vm0, vm2;
	v15 =	vld [tilespmem:s24+$0x30];
	vm1 =	veq.s32 v11, v6;
	s23 =	smov.u32 s15  }
0x8b: {  	vm3 =	veq.s32 v9, v6;
	v9 =	vsel vm0, $0x3F800000, v0;
	vm0 =	veq.s32 v10, v6  }
0x8c: {  	vm5 =	vlt.s32 v4, $0x270F;
	vm6 =	vlt.s32 v2, $0x270F  }
0x8d: {  	vm5 =	vmand vm5, vm3;
	vm7 =	veq.s32 v13, v6;
	[tilespmem:s24+$0x4E40] =	vst v9;
	vm6 =	vmand vm6, vm0  }
0x8e: {  	s15 =	sadd.s32 $0x2710, s24;
	v10 =	vor.u32 s3, v1;
	s3 =	smov.u32 s16;
	v9 =	vsel vm5, $0x3F800000, v0;
	vm8 =	vlt.s32 v14, $0x270F  }
0x8f: {  	vm4 =	vmand vm4, vm7;
	[tilespmem:s24+$0x4E30] =	vst v9;
	vm5 =	vlt.s32 v15, $0x270F;
	v9 =	vsel vm6, $0x3F800000, v0  }
0x90: {  	vm6 =	vmand vm8, vm7;
	v7 =	vsel vm4, v8, v7;
	vm5 =	vmand vm5, vm1;
	[tilespmem:s24+$0x4E60] =	vst v9  }
0x91: {  	vm7 =	vgt.s32 v12, v7;
	v9 =	vor.u32 s2, v1;
	s2 =	smov.u32 s17;
	v8 =	vsel vm5, $0x3F800000, v0  }
0x92: {  	v5 =	vsel vm4, v14, v5;
	v11 =	vsel vm6, $0x3F800000, v0;
	vm3 =	vmand vm3, vm7;
	[tilespmem:s24+$0x4E50] =	vst v8  }
0x93: {  	p2 =	slt.u32 s26, $0x4;
	s26 =	smov.u32 s28;
	v7 =	vsel vm3, v12, v7;
	v4 =	vsel vm3, v4, v5;
	[tilespmem:s24+$0x4E20] =	vst v11  }
0x94: {  	vm3 =	vgt.s32 v10, v7;
	[spmem:s4] =	stream.indirect.scatter.add.f32 [tilespmem:s21], [sflag:$0x1], $0x1, s15, s22, $0xb8;
	[tilespmem:$0x7D30] =	vst v63  }
0x95: {  	s16 =	simm.s32 @!p2 $0x1;
	s15 =	sadd.s32 $0x4E20, s24;
	vm2 =	vmand vm2, vm3  }
0x96: {  	v5 =	vsel vm2, v10, v7;
	v3 =	vsel vm2, v3, v4;
	[spmem:s5] =	stream.indirect.scatter.add.f32 [tilespmem:s15], [sflag:$0x2], $0x1, s24, s22, $0xb8;
	[tilespmem:$0x7D30] =	vst v63  }
0x97: {  	s24 =	sshra.s32 s10, $0x2;
	vm2 =	vgt.s32 v9, v5;
	_ =	swait.ge @!p2 [sflag:s16], $0x50  }
0x98: {  	v4 =	vor.u32 s1, v1;
	s1 =	smov.u32 s14;
	s10 =	simm.s32 @!p2 $0x2;
	vm1 =	vmand vm1, vm2;
	[sflag:s16] =	ssyncset.done @!p2 $0x0  }
0x99: {  	v8 =	vor.u32 s7, v1;
	v5 =	vsel vm1, v9, v5;
	v3 =	vsel vm1, v15, v3;
	[sflag:s16] =	ssyncadd.s32 @!p2 $0xFFFFFFB0  }
0x9a: {  	vm1 =	vgt.s32 v4, v5;
	_ =	swait.ge @!p2 [sflag:s10], $0x50  }
0x9b: {  	vm0 =	vmand vm0, vm1;
	[sflag:s10] =	ssyncset.done @!p2 $0x0  }
0x9c: {  	v7 =	vsel vm0, v4, v5;
	v5 =	vsel vm0, v2, v3;
	[sflag:s10] =	ssyncadd.s32 @!p2 $0xFFFFFFB0  }
0x9d: {  	v4 =	vld [tilespmem:s24+$0x10]  }
0x9e: {  	v3 =	vld [tilespmem:s24+$0x20]  }
.Ltmp5:
0x9f: {  	v9 =	vld [tilespmem:s24+$0x2720];
	(pc) =	sbr.rel @p1 .LBB2_3-.Ltmp5, $4  }
0xa0: {  	v12 =	vld [tilespmem:s24+$0x2730]  }
0xa1: {  	v11 =	vld [tilespmem:s24+$0x2740]  }
0xa2: {  	v10 =	vld [tilespmem:s24+$0x2750]  }
0xa3: {  	v2 =	vld [tilespmem:s24+$0x40]  }
0xa4: {  	v13 =	vld [tilespmem:s24+$0x2710]  }
0xa5: {  	v14 =	vld [tilespmem:s24+$0x30]  }
0xa6: {  	v15 =	vld [tilespmem:s24+$0x0];
	vm3 =	veq.s32 v9, v6;
	vm5 =	vlt.s32 v4, $0x270F  }
0xa7: {  	vm0 =	vlt.s32 v3, $0x270F;
	vm2 =	veq.s32 v12, v6;
	vm5 =	vmand vm5, vm3  }
0xa8: {  	vm0 =	vmand vm0, vm2;
	vm1 =	veq.s32 v11, v6;
	v53 =	vsel vm5, $0x3F800000, v0  }
0xa9: {  	v52 =	vsel vm0, $0x3F800000, v0;
	vm0 =	veq.s32 v10, v6;
	vm6 =	vlt.s32 v2, $0x270F  }
0xaa: {  	[tilespmem:s24+$0x4E30] =	vst v53;
	vm4 =	veq.s32 v13, v6;
	vm6 =	vmand vm6, vm0;
	vm9 =	vlt.s32 v14, $0x270F  }
0xab: {  	[tilespmem:s24+$0x4E40] =	vst v52;
	vm7 =	vlt.s32 v15, $0x270F;
	v54 =	vsel vm6, $0x3F800000, v0;
	vm5 =	vmand vm9, vm1  }
0xac: {  	vm10 =	vmand vm7, vm4;
	[tilespmem:s24+$0x4E60] =	vst v54;
	v55 =	vsel vm5, $0x3F800000, v0  }
0xad: {  	v56 =	vsel vm10, $0x3F800000, v0;
	[tilespmem:s24+$0x4E50] =	vst v55  }
0xae: {  	s7 =	sadd.s32 $0x2710, s24;
	p1 =	slt.u32 s26, $0x4;
	[tilespmem:s24+$0x4E20] =	vst v56  }
0xaf: {  	[spmem:s4] =	stream.indirect.scatter.add.f32 [tilespmem:s21], [sflag:$0x1], $0x1, s7, s22, $0xb8;
	[tilespmem:$0x7D30] =	vst v63  }
0xb0: {  	s17 =	sadd.s32 $0x4E20, s24;
	s7 =	simm.s32 @!p1 $0x1  }
0xb1: {  	[spmem:s5] =	stream.indirect.scatter.add.f32 [tilespmem:s17], [sflag:$0x2], $0x1, s24, s22, $0xb8;
	[tilespmem:$0x7D30] =	vst v63  }
0xb2: {  	_ =	swait.ge @!p1 [sflag:s7], $0x50  }
0xb3: {  	[sflag:s7] =	ssyncset.done @!p1 $0x0  }
0xb4: {  	s10 =	simm.s32 @!p1 $0x2;
	[sflag:s7] =	ssyncadd.s32 @!p1 $0xFFFFFFB0  }
0xb5: {  	_ =	swait.ge @!p1 [sflag:s10], $0x50  }
0xb6: {  	[sflag:s10] =	ssyncset.done @!p1 $0x0  }
0xb7: {  	[sflag:s10] =	ssyncadd.s32 @!p1 $0xFFFFFFB0  }
0xb8: {  	_ =	swait.ge [sflag:s25], $0x50  }
0xb9: {  	[sflag:s25] =	ssyncset.done $0x0  }
0xba: {  	[sflag:s25] =	ssyncadd.s32 $0xFFFFFFB0  }
0xbb: {  	_ =	swait.ge [sflag:s29], $0x50  }
0xbc: {  	[sflag:s29] =	ssyncset.done $0x0  }
0xbd: {  	[sflag:s29] =	ssyncadd.s32 $0xFFFFFFB0  }
0xbe: {  	_ =	swait.ge [sflag:s25], $0x50  }
0xbf: {  	[sflag:s25] =	ssyncset.done $0x0  }
0xc0: {  	[sflag:s25] =	ssyncadd.s32 $0xFFFFFFB0  }
0xc1: {  	vm11 =	vgt.s32 v8, v7;
	_ =	swait.ge [sflag:s29], $0x50  }
0xc2: {  	vm4 =	vmand vm11, vm4;
	[sflag:s29] =	ssyncset.done $0x0  }
0xc3: {  	v57 =	vor.u32 s23, v1;
	v58 =	vsel vm4, v8, v7;
	[sflag:s29] =	ssyncadd.s32 $0xFFFFFFB0  }
0xc4: {  	vm12 =	vgt.s32 v57, v58;
	_ =	swait.ge [sflag:s25], $0x50  }
0xc5: {  	vm3 =	vmand vm3, vm12;
	[sflag:s25] =	ssyncset.done $0x0  }
0xc6: {  	v59 =	vor.u32 s3, v1;
	v6 =	vsel vm3, v57, v58;
	[sflag:s25] =	ssyncadd.s32 $0xFFFFFFB0  }
0xc7: {  	vm13 =	vgt.s32 v59, v6;
	_ =	swait.ge [sflag:s29], $0x50  }
0xc8: {  	vm2 =	vmand vm2, vm13;
	[sflag:s29] =	ssyncset.done $0x0  }
0xc9: {  	v60 =	vor.u32 s2, v1;
	v6 =	vsel vm2, v59, v6;
	[sflag:s29] =	ssyncadd.s32 $0xFFFFFFB0  }
0xca: {  	vm14 =	vgt.s32 v60, v6;
	_ =	swait.ge [sflag:s25], $0x50  }
0xcb: {  	vm1 =	vmand vm1, vm14;
	[sflag:s25] =	ssyncset.done $0x0  }
0xcc: {  	v61 =	vor.u32 s1, v1;
	v5 =	vsel vm4, v15, v5;
	v6 =	vsel vm1, v60, v6;
	[sflag:s25] =	ssyncadd.s32 $0xFFFFFFB0  }
0xcd: {  	v62 =	vsel vm3, v4, v5;
	vm15 =	vgt.s32 v61, v6;
	_ =	swait.ge [sflag:s29], $0x50  }
0xce: {  	v3 =	vsel vm2, v3, v62;
	vm0 =	vmand vm0, vm15;
	[sflag:s29] =	ssyncset.done $0x0  }
0xcf: {  	v3 =	vsel vm1, v14, v3;
	v63 =	vsel vm0, v61, v6;
	[sflag:s29] =	ssyncadd.s32 $0xFFFFFFB0  }
0xd0: {  	v2 =	vsel vm0, v2, v3;
	[tilespmem:$0x7590] =	vst v63  }
0xd1: {  	s24 =	simm.s32 $0x7590;
	s23 =	rddreg [dreg:$0x8];
	[tilespmem:$0x75A0] =	vst v2  }
0xd2: {  	[hbm4b:s23+s6] =	stream.linear.scatter [tilespmem:s24], [sflag:$0x3], $0x10, $0x38;
	[tilespmem:$0x7D30] =	vst v63  }
0xd3: {  	_ =	swait.ge [sflag:s20], $0x10  }
0xd4: {  	[sflag:s20] =	ssyncset.done $0x0  }
0xd5: {  	s28 =	simm.s32 $0x75A0;
	s26 =	rddreg [dreg:$0x9];
	[sflag:s20] =	ssyncadd.s32 $0xFFFFFFF0  }
0xd6: {  	[hbm4b:s26+s6] =	stream.linear.scatter [tilespmem:s28], [sflag:$0x3], $0x10, $0x38;
	[tilespmem:$0x7D30] =	vst v63  }
0xd7: {  	_ =	swait.ge [sflag:s20], $0x10  }
0xd8: {  	[sflag:s20] =	ssyncset.done $0x0  }
0xd9: {  	[sflag:s20] =	ssyncadd.s32 $0xFFFFFFF0  }
0xda: {  	[bflag:$0x0] =	sbarrier.arrive $0xFFFF  }
0xdb: {  	[tilespmem:s19], [sflag:$0x3] =	stream.linear.gather [spmem:s11], $0x280, $0x38;
	[tilespmem:$0x7D30] =	vst v63  }
0xdc: {  	_ =	swait.ge [sflag:s20], $0x280  }
0xdd: {  	[sflag:s20] =	ssyncset.done $0x0  }
.Ltmp6:
0xde: {  	s30 =	rddreg [dreg:$0xa];
	[sflag:s20] =	ssyncadd.s32 $0xFFFFFD80;
	(pc) =	sbr.rel .LBB2_8-.Ltmp6, $4  }
0xdf: {  	[hbm4b:s30+s6] =	stream.linear.scatter [tilespmem:s19], [sflag:$0x3], $0x280, $0x38;
	[tilespmem:$0x7D30] =	vst v63  }
0xe0: {  	_ =	swait.ge [sflag:s20], $0x280  }
0xe1: {  	[sflag:s20] =	ssyncset.done $0x0  }
0xe2: {  	s2 =	smov.u32 s13;
	s1 =	rddreg [dreg:$0x6];
	[sflag:s20] =	ssyncadd.s32 $0xFFFFFD80  }
.LBB2_9:
0xe3: {  	_ =	sfence.sel $0x180000  }
0xe4: {  	[bflag:$0x0] =	sbarrier.arrive $0xFFFF  }
0xe5: {  	_ =	strace $0x90000047  }
0xe6: {  	s0 =	stileid.u32;
	[bflag:$0x2] =	sbarrier.arrive $0xFFFF  }
0xe7: {  	p0 =	sne.s32 s0, $0x0;
	s0 =	rddreg [dreg:$0x5]  }
0xe8: {  	s0 =	sadd.s32 @!p0 $0x100000, s0  }
0xe9: {  	[sflag:s0] =	ssyncadd.tile.s32 @!p0 $0x1;
	_ =	shalt  }
.Lfunc_end2:
_tile_overlayer_lowered:
.L_overlay_start_2:
0xea: {  	(tag) =	ssettag $0x2  }
0xeb: {  	s0 =	rddreg [dreg:$0x0];
	s2 =	stileid.u32  }
0xec: {  	s1 =	rddreg [dreg:$0x1];
	p0 =	sne.s32 s2, $0x0  }
0xed: {  	s3 =	rddreg [dreg:$0x2];
	[bflag:$0x3] =	sbarrier.arrive $0xFFFF;
	s2 =	simm.s32 @!p0 $0x1C03  }
0xee: {  	[timem:s3], [sflag:s2] =	dma.local @!p0 [hbm:s0], s1  }
0xef: {  	s0 =	simm.s32 @!p0 $0x3  }
0xf0: {  	_ =	swait.ge @!p0 [sflag:s0], s1  }
0xf1: {  	s1 =	ssub.s32 @!p0 $0x0, s1;
	[sflag:s0] =	ssyncset.done @!p0 $0x0  }
0xf2: {  	[sflag:s0] =	ssyncadd.s32 @!p0 s1  }
0xf3: {  	[bflag:$0x3] =	sbarrier.arrive $0xFFFF  }
0xf4: {  	_ =	shalt  }

</sc_bundles>
